<compile_context>
chip_gen: v7x
topology: tpu7x:2x2x1
jax: 0.10.2.dev20260603
libtpu: 0.0.44.dev20260713+nightly
codegen_flags: <defaults>
</compile_context>

<pallas_src>
import functools

import jax
import jax.numpy as jnp
from jax import lax
from jax.experimental import pallas as pl
from jax.experimental.pallas import tpu as pltpu
from jax.experimental.pallas import tpu_sc as plsc

N_NODES = 10000
D = 128
N_PAD = 10240
CK = 128
DEGW = 16
NC = 2
NS = 16
ROWS_PER_TILE = N_PAD // NS
RB = 128


def _sc_degrees(edges):
    e = edges.shape[1]
    ipt = e // NS
    chunk = 2048
    n_chunks = ipt // chunk
    assert n_chunks * chunk == ipt and n_chunks % 2 == 0

    mesh = plsc.VectorSubcoreMesh(
        core_axis_name="c", subcore_axis_name="s", num_cores=NC, num_subcores=NS)

    @functools.partial(
        pl.kernel,
        out_type=jax.ShapeDtypeStruct((NC, N_PAD), jnp.float32),
        mesh=mesh,
        compiler_params=pltpu.CompilerParams(needs_layout_passes=False),
        scratch_types=[
            pltpu.VMEM_SHARED((NS, N_PAD), jnp.float32),
            pltpu.VMEM((N_PAD,), jnp.float32),
            pltpu.VMEM((2, chunk), jnp.int32),
            pltpu.VMEM((NS, ROWS_PER_TILE), jnp.float32),
            pltpu.VMEM((ROWS_PER_TILE,), jnp.float32),
            pltpu.SemaphoreType.DMA,
            pltpu.SemaphoreType.DMA,
        ],
    )
    def k(edges_hbm, out_hbm, hists, hist, idxb, red_buf, res, sem0, sem1):
        c = lax.axis_index("c")
        t = lax.axis_index("s")

        def z(i, carry):
            hist[pl.ds(i * 16, 16)] = jnp.zeros((16,), jnp.float32)
            return carry

        lax.fori_loop(0, N_PAD // 16, z, 0)

        e0 = t * ipt

        def _chunk(g):
            return edges_hbm.at[c, pl.ds(e0 + g * chunk, chunk)]

        pltpu.async_copy(_chunk(0), idxb.at[0], sem0)
        pltpu.async_copy(_chunk(1), idxb.at[1], sem1)
        ones = jnp.ones((16,), jnp.float32)

        def consume(parity):
            def body(v, carry):
                iv = idxb[parity, pl.ds(v * 16, 16)]
                plsc.addupdate_scatter(hist, [iv], ones)
                return carry

            lax.fori_loop(0, chunk // 16, body, 0)

        def pairg(q, carry):
            g0 = 2 * q
            pltpu.make_async_copy(_chunk(0), idxb.at[0], sem0).wait()
            consume(0)

            @pl.when(g0 + 2 < n_chunks)
            def _():
                pltpu.async_copy(_chunk(g0 + 2), idxb.at[0], sem0)

            pltpu.make_async_copy(_chunk(0), idxb.at[1], sem1).wait()
            consume(1)

            @pl.when(g0 + 3 < n_chunks)
            def _():
                pltpu.async_copy(_chunk(g0 + 3), idxb.at[1], sem1)

            return carry

        lax.fori_loop(0, n_chunks // 2, pairg, 0)

        pltpu.sync_copy(hist, hists.at[t])
        plsc.subcore_barrier()

        r0 = t * ROWS_PER_TILE
        pltpu.sync_copy(hists.at[:, pl.ds(r0, ROWS_PER_TILE)], red_buf)

        def red(v, carry):
            s = jnp.zeros((16,), jnp.float32)
            for kk in range(NS):
                s = s + red_buf[kk, pl.ds(v * 16, 16)]
            res[pl.ds(v * 16, 16)] = s
            return carry

        lax.fori_loop(0, ROWS_PER_TILE // 16, red, 0)
        pltpu.sync_copy(res, out_hbm.at[c, pl.ds(r0, ROWS_PER_TILE)])

    return k(edges)


def _sc_spmm(h, edges):
    e = edges.shape[1]
    cpc = e // CK // NC
    cpt = cpc // NS
    assert cpt * NS == cpc and cpt % 8 == 0

    mesh = plsc.VectorSubcoreMesh(
        core_axis_name="c", subcore_axis_name="s", num_cores=NC, num_subcores=NS)

    @functools.partial(
        pl.kernel,
        out_type=jax.ShapeDtypeStruct((NC, N_PAD, D), jnp.float32),
        mesh=mesh,
        scratch_types=[
            pltpu.VMEM_SHARED((N_PAD, D), jnp.float32),
            pltpu.VMEM((CK,), jnp.int32),
            pltpu.VMEM((CK,), jnp.int32),
            pltpu.VMEM((CK,), jnp.int32),
            pltpu.VMEM((CK,), jnp.int32),
            pltpu.VMEM((CK,), jnp.int32),
            pltpu.VMEM((CK,), jnp.int32),
            pltpu.VMEM((CK,), jnp.int32),
            pltpu.VMEM((CK,), jnp.int32),
            pltpu.VMEM((CK, D), jnp.float32),
            pltpu.VMEM((CK, D), jnp.float32),
            pltpu.SemaphoreType.DMA,
            pltpu.SemaphoreType.DMA,
            pltpu.SemaphoreType.DMA,
            pltpu.SemaphoreType.DMA,
        ],
    )
    def k(h_hbm, edges_hbm, out_hbm, acc, sidx_a0, didx_a0, sidx_a1, didx_a1,
          sidx_b0, didx_b0, sidx_b1, didx_b1, rows0, rows1,
          sem_ia, sem_ib, sem_g0, sem_g1):
        c = lax.axis_index("c")
        t = lax.axis_index("s")

        def fz(i, carry):
            rows0[i // (D // 16), pl.ds((i % (D // 16)) * 16, 16)] = jnp.zeros(
                (16,), jnp.float32)
            return carry

        lax.fori_loop(0, CK * (D // 16), fz, 0)
        r0 = t * ROWS_PER_TILE
        for kk in range(ROWS_PER_TILE // RB):
            pltpu.async_copy(rows0, acc.at[pl.ds(r0 + kk * RB, RB)], sem_g0)
        for kk in range(ROWS_PER_TILE // RB):
            pltpu.make_async_copy(rows0, acc.at[pl.ds(r0, RB)], sem_g0).wait()
        plsc.subcore_barrier()

        e0 = (c * cpc + t * cpt) * CK

        def _src(j):
            return edges_hbm.at[0, pl.ds(e0 + j * CK, CK)]

        def _dst(j):
            return edges_hbm.at[1, pl.ds(e0 + j * CK, CK)]

        def _gather(sidx, rows, sem):
            pltpu.async_copy(h_hbm.at[sidx], rows, sem)

        def _wait_g(rows, sem):
            pltpu.make_async_copy(h_hbm.at[sidx_a0], rows, sem).wait()

        def _scat(rows, didx):
            pltpu.sync_copy(rows, acc.at[didx], add=True)

        def _load(j, sidx, didx, sem):
            pltpu.async_copy(_src(j), sidx, sem)
            pltpu.async_copy(_dst(j), didx, sem)

        def _drain4(sem):
            for _ in range(4):
                pltpu.make_async_copy(_src(0), sidx_a0, sem).wait()

        pltpu.sync_copy(_src(0), sidx_a0)
        pltpu.sync_copy(_dst(0), didx_a0)
        pltpu.sync_copy(_src(1), sidx_a1)
        pltpu.sync_copy(_dst(1), didx_a1)
        pltpu.sync_copy(_src(2), sidx_b0)
        pltpu.sync_copy(_dst(2), didx_b0)
        pltpu.sync_copy(_src(3), sidx_b1)
        pltpu.sync_copy(_dst(3), didx_b1)
        _gather(sidx_a0, rows0, sem_g0)
        _gather(sidx_a1, rows1, sem_g1)

        def body(b, carry):
            j0 = 8 * b
            more = j0 + 8 < cpt

            _wait_g(rows0, sem_g0)
            _scat(rows0, didx_a0)
            _gather(sidx_b0, rows0, sem_g0)
            _load(j0 + 4, sidx_a0, didx_a0, sem_ia)

            _wait_g(rows1, sem_g1)
            _scat(rows1, didx_a1)
            _gather(sidx_b1, rows1, sem_g1)
            _load(j0 + 5, sidx_a1, didx_a1, sem_ia)

            _wait_g(rows0, sem_g0)
            _scat(rows0, didx_b0)
            _drain4(sem_ia)
            _gather(sidx_a0, rows0, sem_g0)
            _load(j0 + 6, sidx_b0, didx_b0, sem_ib)

            _wait_g(rows1, sem_g1)
            _scat(rows1, didx_b1)
            _gather(sidx_a1, rows1, sem_g1)
            _load(j0 + 7, sidx_b1, didx_b1, sem_ib)

            _wait_g(rows0, sem_g0)
            _scat(rows0, didx_a0)

            @pl.when(more)
            def _():
                _load(j0 + 8, sidx_a0, didx_a0, sem_ia)

            _drain4(sem_ib)
            _gather(sidx_b0, rows0, sem_g0)

            _wait_g(rows1, sem_g1)
            _scat(rows1, didx_a1)

            @pl.when(more)
            def _():
                _load(j0 + 9, sidx_a1, didx_a1, sem_ia)

            _gather(sidx_b1, rows1, sem_g1)

            _wait_g(rows0, sem_g0)
            _scat(rows0, didx_b0)

            @pl.when(more)
            def _():
                _load(j0 + 10, sidx_b0, didx_b0, sem_ib)

            _wait_g(rows1, sem_g1)
            _scat(rows1, didx_b1)

            @pl.when(more)
            def _():
                _load(j0 + 11, sidx_b1, didx_b1, sem_ib)
                _drain4(sem_ia)
                _gather(sidx_a0, rows0, sem_g0)
                _gather(sidx_a1, rows1, sem_g1)
                _drain4(sem_ib)

            return carry

        lax.fori_loop(0, cpt // 8, body, 0)
        plsc.subcore_barrier()

        pltpu.sync_copy(acc.at[pl.ds(r0, ROWS_PER_TILE)],
                        out_hbm.at[c, pl.ds(r0, ROWS_PER_TILE)])

    return k(h, edges)


def _scale_body(x_ref, d_ref, o_ref):
    s = lax.rsqrt(jnp.maximum(d_ref[...], 1.0))
    o_ref[...] = x_ref[...] * s


def _tc_scale(x, deg):
    br = 1024
    return pl.pallas_call(
        _scale_body,
        grid=(N_PAD // br,),
        in_specs=[
            pl.BlockSpec((br, D), lambda i: (i, 0)),
            pl.BlockSpec((br, 1), lambda i: (i, 0)),
        ],
        out_specs=pl.BlockSpec((br, D), lambda i: (i, 0)),
        out_shape=jax.ShapeDtypeStruct((N_PAD, D), jnp.float32),
    )(x, deg)


def _layer_body(p_ref, di_ref, do_ref, w_ref, b_ref, o_ref, *, final):
    p = p_ref[...]
    agg = (p[0] + p[1]) * lax.rsqrt(jnp.maximum(di_ref[...], 1.0))
    y = jnp.dot(agg, w_ref[...], preferred_element_type=jnp.float32) + b_ref[...]
    y = jnp.maximum(y, 0.0)
    if not final:
        y = y * lax.rsqrt(jnp.maximum(do_ref[...], 1.0))
    o_ref[...] = y


def _tc_layer(parts, deg_in, deg_out, w, b, final):
    br = 1024
    return pl.pallas_call(
        functools.partial(_layer_body, final=final),
        grid=(N_PAD // br,),
        in_specs=[
            pl.BlockSpec((NC, br, D), lambda i: (0, i, 0)),
            pl.BlockSpec((br, 1), lambda i: (i, 0)),
            pl.BlockSpec((br, 1), lambda i: (i, 0)),
            pl.BlockSpec((D, D), lambda i: (0, 0)),
            pl.BlockSpec((1, D), lambda i: (0, 0)),
        ],
        out_specs=pl.BlockSpec((br, D), lambda i: (i, 0)),
        out_shape=jax.ShapeDtypeStruct((N_PAD, D), jnp.float32),
    )(parts, deg_in, deg_out, w, b)


def kernel(x0, edge_index, W1, b1, W2, b2):
    e32 = edge_index.astype(jnp.int32)
    n_edges = e32.shape[1]
    grain = NC * NS * CK * 8
    e_pad = (-n_edges) % grain
    if e_pad:
        pad_rows = N_NODES + (jnp.arange(e_pad, dtype=jnp.int32)
                              % (N_PAD - N_NODES))
        pad = jnp.stack([pad_rows, pad_rows])
        e32 = jnp.concatenate([e32, pad], axis=1)
    x0p = jnp.pad(x0, ((0, N_PAD - N_NODES), (0, 0)))
    degs = _sc_degrees(e32)
    dout = degs[0][:, None]
    din = degs[1][:, None]
    h0 = _tc_scale(x0p, dout)
    parts1 = _sc_spmm(h0, e32)
    h1 = _tc_layer(parts1, din, dout, W1, b1.reshape(1, D), final=False)
    parts2 = _sc_spmm(h1, e32)
    x2 = _tc_layer(parts2, din, dout, W2, b2.reshape(1, D), final=True)
    return x2[:N_NODES]

# --- scband reference (transcript-rebuilt; emitter-appended) ---
"""Pipeline reference for scband-gcn-5153960755743 (READ-ONLY COPY).

The authoritative reference and input builder live on the scoring server;
editing this copy changes nothing except your own understanding.
"""

import jax, jax.numpy as jnp
import numpy as np

N_NODES = 10000
D = 128
N_EDGES = 320000


def setup_inputs(seed: int = 0) -> dict:
    key = jax.random.key(seed)
    k1, k2, k3, k4, k5, k6 = jax.random.split(key, 6)
    x0 = jax.random.normal(k1, (N_NODES, D), dtype=jnp.float32)
    edge_index = jax.random.randint(k2, (2, N_EDGES), 0, N_NODES, dtype=jnp.int64)
    # GraphConv weights (glorot-ish init) and biases for conv1 and conv2
    W1 = jax.random.normal(k3, (D, D), dtype=jnp.float32) * (1.0 / np.sqrt(D))
    b1 = jnp.zeros((D,), dtype=jnp.float32)
    W2 = jax.random.normal(k4, (D, D), dtype=jnp.float32) * (1.0 / np.sqrt(D))
    b2 = jnp.zeros((D,), dtype=jnp.float32)
    return {"x0": x0, "edge_index": edge_index, "W1": W1, "b1": b1, "W2": W2, "b2": b2}


def _graph_conv(x, src, dst, W, b, n_nodes):
    # DGL GraphConv with norm='both':
    #   h_src = x * out_deg(src)^{-1/2}; aggregate sum over edges to dst;
    #   agg = agg * in_deg(dst)^{-1/2}; out = agg @ W + b
    ones = jnp.ones(src.shape, dtype=x.dtype)
    deg_out = jnp.clip(jax.ops.segment_sum(ones, src, num_segments=n_nodes), 1.0, None)
    deg_in = jnp.clip(jax.ops.segment_sum(ones, dst, num_segments=n_nodes), 1.0, None)
    h = x * (deg_out ** -0.5)[:, None]
    msgs = jnp.take(h, src, axis=0)
    agg = jax.ops.segment_sum(msgs, dst, num_segments=n_nodes)
    agg = agg * (deg_in ** -0.5)[:, None]
    return agg @ W + b


def reference(x0, edge_index, W1, b1, W2, b2):
    src = edge_index[0]
    dst = edge_index[1]
    x1 = jax.nn.relu(_graph_conv(x0, src, dst, W1, b1, N_NODES))
    x2 = jax.nn.relu(_graph_conv(x1, src, dst, W2, b2, N_NODES))
    return x2

if __name__ == "__main__":
    import jax
    _d = setup_inputs()
    print(jax.jit(kernel)(*tuple(_d.values())))

</pallas_src>

<mosaic_0001>
#map = affine_map<(d0, d1) -> (0, 0)>
module attributes {stable_mosaic.version = 14 : i64} {
  func.func @k(%arg0: i32, %arg1: i32, %arg2: memref<2x327680xi32, #tpu.memory_space<hbm>>, %arg3: memref<2x10240xf32, #tpu.memory_space<hbm>>, %arg4: memref<16x10240xf32, #tpu.memory_space<vmem_shared>>, %arg5: memref<10240xf32, #tpu.memory_space<vmem>>, %arg6: memref<2x2048xi32, #tpu.memory_space<vmem>>, %arg7: memref<16x640xf32, #tpu.memory_space<vmem>>, %arg8: memref<640xf32, #tpu.memory_space<vmem>>, %arg9: memref<!tpu.dma_semaphore, #tpu.memory_space<semaphore_mem>>, %arg10: memref<!tpu.dma_semaphore, #tpu.memory_space<semaphore_mem>>) attributes {dimension_semantics = [#tpu.dimension_semantics<core_parallel>, #tpu.dimension_semantics<subcore_parallel>], iteration_bounds = array<i64: 2, 16>, scalar_prefetch = 0 : i64, scratch_operands = 7 : i64, tpu.core_type = #tpu.core_type<sc_vector_subcore>, window_params = [{transform_indices = #map}, {transform_indices = #map}]} {
    %scan3A = arith.constant 0 : i32
    %scan3A_0 = arith.constant 0 : i32
    %scan3A_1 = arith.constant 640 : i32
    %scan3A_2 = arith.addi %scan3A_0, %scan3A_1 : i32
    %scan3A_3 = arith.constant 1 : i32
    scf.for %scan3A_45 = %scan3A_0 to %scan3A_2 step %scan3A_3  : i32 {
      %broadcast_in_dim3A_46 = arith.constant 0.000000e+00 : f32
      %broadcast_in_dim3A_47 = vector.broadcast %broadcast_in_dim3A_46 : f32 to vector<16xf32>
      %mul3A_48 = arith.constant 16 : i32
      %mul3A_49 = arith.muli %scan3A_45, %mul3A_48 : i32
      %swap3A = arith.index_cast %mul3A_49 : i32 to index
      %swap3A_50 = tpu.vector_load %arg5[%swap3A] {strides = array<i32>} : memref<10240xf32, #tpu.memory_space<vmem>>, vector<16xf32>,
      tpu.vector_store %arg5[%swap3A], %broadcast_in_dim3A_47 {strides = array<i32>} : memref<10240xf32, #tpu.memory_space<vmem>>, vector<16xf32>,
    }
    %scan3A_4 = arith.constant 640 : i32
    %mul3A = arith.constant 20480 : i32
    %mul3A_5 = arith.muli %arg1, %mul3A : i32
    %add3A = arith.constant 0 : i32
    %add3A_6 = arith.addi %mul3A_5, %add3A : i32
    %dma_start3A = arith.constant 0 : i32
    %dma_start3A_7 = arith.constant 0 : i32
    %dma_start3A_8 = tpu.memref_slice %arg6[%dma_start3A, %dma_start3A_7] : memref<2x2048xi32, #tpu.memory_space<vmem>> -> memref<1x2048xi32, #tpu.memory_space<vmem>>
    %dma_start3A_9 = tpu.memref_squeeze %dma_start3A_8 : memref<1x2048xi32, #tpu.memory_space<vmem>> -> memref<2048xi32, #tpu.memory_space<vmem>>
    %dma_start3A_10 = tpu.memref_slice %arg2[%arg0, %add3A_6] : memref<2x327680xi32, #tpu.memory_space<hbm>> -> memref<1x2048xi32, #tpu.memory_space<hbm>>
    %dma_start3A_11 = tpu.memref_squeeze %dma_start3A_10 : memref<1x2048xi32, #tpu.memory_space<hbm>> -> memref<2048xi32, #tpu.memory_space<hbm>>
    %dma_start3A_12 = arith.constant 0 : i32
    %dma_start3A_13 = tpu.memref_slice %arg6[%dma_start3A, %dma_start3A_12] : memref<2x2048xi32, #tpu.memory_space<vmem>> -> memref<1x2048xi32, #tpu.memory_space<vmem>>
    %dma_start3A_14 = tpu.memref_squeeze %dma_start3A_13 : memref<1x2048xi32, #tpu.memory_space<vmem>> -> memref<2048xi32, #tpu.memory_space<vmem>>
    %dma_start3A_15 = tpu.memref_slice %arg2[%arg0, %add3A_6] : memref<2x327680xi32, #tpu.memory_space<hbm>> -> memref<1x2048xi32, #tpu.memory_space<hbm>>
    %dma_start3A_16 = tpu.memref_squeeze %dma_start3A_15 : memref<1x2048xi32, #tpu.memory_space<hbm>> -> memref<2048xi32, #tpu.memory_space<hbm>>
    tpu.enqueue_dma source(%dma_start3A_16 : memref<2048xi32, #tpu.memory_space<hbm>>) target(%dma_start3A_14 : memref<2048xi32, #tpu.memory_space<vmem>>) target_semaphore(%arg9 : memref<!tpu.dma_semaphore, #tpu.memory_space<semaphore_mem>>)
    %add3A_17 = arith.constant 2048 : i32
    %add3A_18 = arith.addi %mul3A_5, %add3A_17 : i32
    %dma_start3A_19 = arith.constant 1 : i32
    %dma_start3A_20 = arith.constant 0 : i32
    %dma_start3A_21 = tpu.memref_slice %arg6[%dma_start3A_19, %dma_start3A_20] : memref<2x2048xi32, #tpu.memory_space<vmem>> -> memref<1x2048xi32, #tpu.memory_space<vmem>>
    %dma_start3A_22 = tpu.memref_squeeze %dma_start3A_21 : memref<1x2048xi32, #tpu.memory_space<vmem>> -> memref<2048xi32, #tpu.memory_space<vmem>>
    %dma_start3A_23 = tpu.memref_slice %arg2[%arg0, %add3A_18] : memref<2x327680xi32, #tpu.memory_space<hbm>> -> memref<1x2048xi32, #tpu.memory_space<hbm>>
    %dma_start3A_24 = tpu.memref_squeeze %dma_start3A_23 : memref<1x2048xi32, #tpu.memory_space<hbm>> -> memref<2048xi32, #tpu.memory_space<hbm>>
    %dma_start3A_25 = arith.constant 0 : i32
    %dma_start3A_26 = tpu.memref_slice %arg6[%dma_start3A_19, %dma_start3A_25] : memref<2x2048xi32, #tpu.memory_space<vmem>> -> memref<1x2048xi32, #tpu.memory_space<vmem>>
    %dma_start3A_27 = tpu.memref_squeeze %dma_start3A_26 : memref<1x2048xi32, #tpu.memory_space<vmem>> -> memref<2048xi32, #tpu.memory_space<vmem>>
    %dma_start3A_28 = tpu.memref_slice %arg2[%arg0, %add3A_18] : memref<2x327680xi32, #tpu.memory_space<hbm>> -> memref<1x2048xi32, #tpu.memory_space<hbm>>
    %dma_start3A_29 = tpu.memref_squeeze %dma_start3A_28 : memref<1x2048xi32, #tpu.memory_space<hbm>> -> memref<2048xi32, #tpu.memory_space<hbm>>
    tpu.enqueue_dma source(%dma_start3A_29 : memref<2048xi32, #tpu.memory_space<hbm>>) target(%dma_start3A_27 : memref<2048xi32, #tpu.memory_space<vmem>>) target_semaphore(%arg10 : memref<!tpu.dma_semaphore, #tpu.memory_space<semaphore_mem>>)
    %broadcast_in_dim3A = arith.constant 1.000000e+00 : f32
    %broadcast_in_dim3A_30 = vector.broadcast %broadcast_in_dim3A : f32 to vector<16xf32>
    %scan3A_31 = arith.constant 0 : i32
    %scan3A_32 = arith.constant 0 : i32
    %scan3A_33 = arith.constant 5 : i32
    %scan3A_34 = arith.addi %scan3A_32, %scan3A_33 : i32
    %scan3A_35 = arith.constant 1 : i32
    scf.for %scan3A_45 = %scan3A_32 to %scan3A_34 step %scan3A_35  : i32 {
      %mul3A_46 = arith.constant 2 : i32
      %mul3A_47 = arith.muli %mul3A_46, %scan3A_45 : i32
      %add3A_48 = arith.constant 0 : i32
      %add3A_49 = arith.addi %mul3A_5, %add3A_48 : i32
      %dma_wait3A = arith.constant 0 : i32
      %dma_wait3A_50 = arith.constant 0 : i32
      %dma_wait3A_51 = tpu.memref_slice %arg6[%dma_wait3A, %dma_wait3A_50] : memref<2x2048xi32, #tpu.memory_space<vmem>> -> memref<1x2048xi32, #tpu.memory_space<vmem>>
      %dma_wait3A_52 = tpu.memref_squeeze %dma_wait3A_51 : memref<1x2048xi32, #tpu.memory_space<vmem>> -> memref<2048xi32, #tpu.memory_space<vmem>>
      %dma_wait3A_53 = tpu.memref_slice %arg2[%arg0, %add3A_49] : memref<2x327680xi32, #tpu.memory_space<hbm>> -> memref<1x2048xi32, #tpu.memory_space<hbm>>
      %dma_wait3A_54 = tpu.memref_squeeze %dma_wait3A_53 : memref<1x2048xi32, #tpu.memory_space<hbm>> -> memref<2048xi32, #tpu.memory_space<hbm>>
      %dma_wait3A_55 = arith.constant 0 : i32
      %dma_wait3A_56 = tpu.memref_slice %arg6[%dma_wait3A, %dma_wait3A_55] : memref<2x2048xi32, #tpu.memory_space<vmem>> -> memref<1x2048xi32, #tpu.memory_space<vmem>>
      %dma_wait3A_57 = tpu.memref_squeeze %dma_wait3A_56 : memref<1x2048xi32, #tpu.memory_space<vmem>> -> memref<2048xi32, #tpu.memory_space<vmem>>
      %dma_wait3A_58 = tpu.memref_slice %arg2[%arg0, %add3A_49] : memref<2x327680xi32, #tpu.memory_space<hbm>> -> memref<1x2048xi32, #tpu.memory_space<hbm>>
      %dma_wait3A_59 = tpu.memref_squeeze %dma_wait3A_58 : memref<1x2048xi32, #tpu.memory_space<hbm>> -> memref<2048xi32, #tpu.memory_space<hbm>>
      tpu.wait_dma2 semaphore(%arg9 : memref<!tpu.dma_semaphore, #tpu.memory_space<semaphore_mem>>) src(%dma_wait3A_59 : memref<2048xi32, #tpu.memory_space<hbm>>) dst(%dma_wait3A_57 : memref<2048xi32, #tpu.memory_space<vmem>>)
      %scan3A_60 = arith.constant 0 : i32
      %scan3A_61 = arith.constant 0 : i32
      %scan3A_62 = arith.constant 128 : i32
      %scan3A_63 = arith.addi %scan3A_61, %scan3A_62 : i32
      %scan3A_64 = arith.constant 1 : i32
      scf.for %scan3A_96 = %scan3A_61 to %scan3A_63 step %scan3A_64  : i32 {
        %mul3A_97 = arith.constant 16 : i32
        %mul3A_98 = arith.muli %scan3A_96, %mul3A_97 : i32
        %get3A = arith.constant 0 : i32
        %get3A_99 = arith.index_cast %get3A : i32 to index
        %get3A_100 = arith.index_cast %mul3A_98 : i32 to index
        %get3A_101 = tpu.vector_load %arg6[%get3A_99, %get3A_100] {strides = array<i32>} : memref<2x2048xi32, #tpu.memory_space<vmem>>, vector<16xi32>,
        tpu.vector_store_idx %arg5[%get3A_101], %broadcast_in_dim3A_30 {add = true} : memref<10240xf32, #tpu.memory_space<vmem>>[vector<16xi32>], vector<16xf32>,
      }
      %scan3A_65 = arith.constant 128 : i32
      %add3A_66 = arith.constant 2 : i32
      %add3A_67 = arith.addi %mul3A_47, %add3A_66 : i32
      %lt3A = arith.constant 10 : i32
      %lt3A_68 = arith.cmpi slt, %add3A_67, %lt3A : i32
      %convert_element_type3A = arith.extui %lt3A_68 : i1 to i32
      %cond3A = arith.constant 0 : i32
      %cond3A_69 = arith.cmpi ne, %convert_element_type3A, %cond3A : i32
      scf.if %cond3A_69 {
        %add3A_96 = arith.constant 2 : i32
        %add3A_97 = arith.addi %mul3A_47, %add3A_96 : i32
        %mul3A_98 = arith.constant 2048 : i32
        %mul3A_99 = arith.muli %add3A_97, %mul3A_98 : i32
        %add3A_100 = arith.addi %mul3A_5, %mul3A_99 : i32
        %dma_start3A_101 = arith.constant 0 : i32
        %dma_start3A_102 = arith.constant 0 : i32
        %dma_start3A_103 = tpu.memref_slice %arg6[%dma_start3A_101, %dma_start3A_102] : memref<2x2048xi32, #tpu.memory_space<vmem>> -> memref<1x2048xi32, #tpu.memory_space<vmem>>
        %dma_start3A_104 = tpu.memref_squeeze %dma_start3A_103 : memref<1x2048xi32, #tpu.memory_space<vmem>> -> memref<2048xi32, #tpu.memory_space<vmem>>
        %dma_start3A_105 = tpu.memref_slice %arg2[%arg0, %add3A_100] : memref<2x327680xi32, #tpu.memory_space<hbm>> -> memref<1x2048xi32, #tpu.memory_space<hbm>>
        %dma_start3A_106 = tpu.memref_squeeze %dma_start3A_105 : memref<1x2048xi32, #tpu.memory_space<hbm>> -> memref<2048xi32, #tpu.memory_space<hbm>>
        %dma_start3A_107 = arith.constant 0 : i32
        %dma_start3A_108 = tpu.memref_slice %arg6[%dma_start3A_101, %dma_start3A_107] : memref<2x2048xi32, #tpu.memory_space<vmem>> -> memref<1x2048xi32, #tpu.memory_space<vmem>>
        %dma_start3A_109 = tpu.memref_squeeze %dma_start3A_108 : memref<1x2048xi32, #tpu.memory_space<vmem>> -> memref<2048xi32, #tpu.memory_space<vmem>>
        %dma_start3A_110 = tpu.memref_slice %arg2[%arg0, %add3A_100] : memref<2x327680xi32, #tpu.memory_space<hbm>> -> memref<1x2048xi32, #tpu.memory_space<hbm>>
        %dma_start3A_111 = tpu.memref_squeeze %dma_start3A_110 : memref<1x2048xi32, #tpu.memory_space<hbm>> -> memref<2048xi32, #tpu.memory_space<hbm>>
        tpu.enqueue_dma source(%dma_start3A_111 : memref<2048xi32, #tpu.memory_space<hbm>>) target(%dma_start3A_109 : memref<2048xi32, #tpu.memory_space<vmem>>) target_semaphore(%arg9 : memref<!tpu.dma_semaphore, #tpu.memory_space<semaphore_mem>>)
      } else {
      }
      %add3A_70 = arith.constant 0 : i32
      %add3A_71 = arith.addi %mul3A_5, %add3A_70 : i32
      %dma_wait3A_72 = arith.constant 1 : i32
      %dma_wait3A_73 = arith.constant 0 : i32
      %dma_wait3A_74 = tpu.memref_slice %arg6[%dma_wait3A_72, %dma_wait3A_73] : memref<2x2048xi32, #tpu.memory_space<vmem>> -> memref<1x2048xi32, #tpu.memory_space<vmem>>
      %dma_wait3A_75 = tpu.memref_squeeze %dma_wait3A_74 : memref<1x2048xi32, #tpu.memory_space<vmem>> -> memref<2048xi32, #tpu.memory_space<vmem>>
      %dma_wait3A_76 = tpu.memref_slice %arg2[%arg0, %add3A_71] : memref<2x327680xi32, #tpu.memory_space<hbm>> -> memref<1x2048xi32, #tpu.memory_space<hbm>>
      %dma_wait3A_77 = tpu.memref_squeeze %dma_wait3A_76 : memref<1x2048xi32, #tpu.memory_space<hbm>> -> memref<2048xi32, #tpu.memory_space<hbm>>
      %dma_wait3A_78 = arith.constant 0 : i32
      %dma_wait3A_79 = tpu.memref_slice %arg6[%dma_wait3A_72, %dma_wait3A_78] : memref<2x2048xi32, #tpu.memory_space<vmem>> -> memref<1x2048xi32, #tpu.memory_space<vmem>>
      %dma_wait3A_80 = tpu.memref_squeeze %dma_wait3A_79 : memref<1x2048xi32, #tpu.memory_space<vmem>> -> memref<2048xi32, #tpu.memory_space<vmem>>
      %dma_wait3A_81 = tpu.memref_slice %arg2[%arg0, %add3A_71] : memref<2x327680xi32, #tpu.memory_space<hbm>> -> memref<1x2048xi32, #tpu.memory_space<hbm>>
      %dma_wait3A_82 = tpu.memref_squeeze %dma_wait3A_81 : memref<1x2048xi32, #tpu.memory_space<hbm>> -> memref<2048xi32, #tpu.memory_space<hbm>>
      tpu.wait_dma2 semaphore(%arg10 : memref<!tpu.dma_semaphore, #tpu.memory_space<semaphore_mem>>) src(%dma_wait3A_82 : memref<2048xi32, #tpu.memory_space<hbm>>) dst(%dma_wait3A_80 : memref<2048xi32, #tpu.memory_space<vmem>>)
      %scan3A_83 = arith.constant 0 : i32
      %scan3A_84 = arith.constant 0 : i32
      %scan3A_85 = arith.constant 128 : i32
      %scan3A_86 = arith.addi %scan3A_84, %scan3A_85 : i32
      %scan3A_87 = arith.constant 1 : i32
      scf.for %scan3A_96 = %scan3A_84 to %scan3A_86 step %scan3A_87  : i32 {
        %mul3A_97 = arith.constant 16 : i32
        %mul3A_98 = arith.muli %scan3A_96, %mul3A_97 : i32
        %get3A = arith.constant 1 : i32
        %get3A_99 = arith.index_cast %get3A : i32 to index
        %get3A_100 = arith.index_cast %mul3A_98 : i32 to index
        %get3A_101 = tpu.vector_load %arg6[%get3A_99, %get3A_100] {strides = array<i32>} : memref<2x2048xi32, #tpu.memory_space<vmem>>, vector<16xi32>,
        tpu.vector_store_idx %arg5[%get3A_101], %broadcast_in_dim3A_30 {add = true} : memref<10240xf32, #tpu.memory_space<vmem>>[vector<16xi32>], vector<16xf32>,
      }
      %scan3A_88 = arith.constant 128 : i32
      %add3A_89 = arith.constant 3 : i32
      %add3A_90 = arith.addi %mul3A_47, %add3A_89 : i32
      %lt3A_91 = arith.constant 10 : i32
      %lt3A_92 = arith.cmpi slt, %add3A_90, %lt3A_91 : i32
      %convert_element_type3A_93 = arith.extui %lt3A_92 : i1 to i32
      %cond3A_94 = arith.constant 0 : i32
      %cond3A_95 = arith.cmpi ne, %convert_element_type3A_93, %cond3A_94 : i32
      scf.if %cond3A_95 {
        %add3A_96 = arith.constant 3 : i32
        %add3A_97 = arith.addi %mul3A_47, %add3A_96 : i32
        %mul3A_98 = arith.constant 2048 : i32
        %mul3A_99 = arith.muli %add3A_97, %mul3A_98 : i32
        %add3A_100 = arith.addi %mul3A_5, %mul3A_99 : i32
        %dma_start3A_101 = arith.constant 1 : i32
        %dma_start3A_102 = arith.constant 0 : i32
        %dma_start3A_103 = tpu.memref_slice %arg6[%dma_start3A_101, %dma_start3A_102] : memref<2x2048xi32, #tpu.memory_space<vmem>> -> memref<1x2048xi32, #tpu.memory_space<vmem>>
        %dma_start3A_104 = tpu.memref_squeeze %dma_start3A_103 : memref<1x2048xi32, #tpu.memory_space<vmem>> -> memref<2048xi32, #tpu.memory_space<vmem>>
        %dma_start3A_105 = tpu.memref_slice %arg2[%arg0, %add3A_100] : memref<2x327680xi32, #tpu.memory_space<hbm>> -> memref<1x2048xi32, #tpu.memory_space<hbm>>
        %dma_start3A_106 = tpu.memref_squeeze %dma_start3A_105 : memref<1x2048xi32, #tpu.memory_space<hbm>> -> memref<2048xi32, #tpu.memory_space<hbm>>
        %dma_start3A_107 = arith.constant 0 : i32
        %dma_start3A_108 = tpu.memref_slice %arg6[%dma_start3A_101, %dma_start3A_107] : memref<2x2048xi32, #tpu.memory_space<vmem>> -> memref<1x2048xi32, #tpu.memory_space<vmem>>
        %dma_start3A_109 = tpu.memref_squeeze %dma_start3A_108 : memref<1x2048xi32, #tpu.memory_space<vmem>> -> memref<2048xi32, #tpu.memory_space<vmem>>
        %dma_start3A_110 = tpu.memref_slice %arg2[%arg0, %add3A_100] : memref<2x327680xi32, #tpu.memory_space<hbm>> -> memref<1x2048xi32, #tpu.memory_space<hbm>>
        %dma_start3A_111 = tpu.memref_squeeze %dma_start3A_110 : memref<1x2048xi32, #tpu.memory_space<hbm>> -> memref<2048xi32, #tpu.memory_space<hbm>>
        tpu.enqueue_dma source(%dma_start3A_111 : memref<2048xi32, #tpu.memory_space<hbm>>) target(%dma_start3A_109 : memref<2048xi32, #tpu.memory_space<vmem>>) target_semaphore(%arg10 : memref<!tpu.dma_semaphore, #tpu.memory_space<semaphore_mem>>)
      } else {
      }
    }
    %scan3A_36 = arith.constant 5 : i32
    "tpu.region"() ({
      %run_scoped3A = tpu.sem_alloc : memref<!tpu.dma_semaphore, #tpu.memory_space<semaphore_mem>>
      %dma_start3A_45 = arith.constant 0 : i32
      %dma_start3A_46 = tpu.memref_slice %arg4[%arg1, %dma_start3A_45] : memref<16x10240xf32, #tpu.memory_space<vmem_shared>> -> memref<1x10240xf32, #tpu.memory_space<vmem_shared>>
      %dma_start3A_47 = tpu.memref_squeeze %dma_start3A_46 : memref<1x10240xf32, #tpu.memory_space<vmem_shared>> -> memref<10240xf32, #tpu.memory_space<vmem_shared>>
      %dma_start3A_48 = arith.constant 0 : i32
      %dma_start3A_49 = tpu.memref_slice %arg4[%arg1, %dma_start3A_48] : memref<16x10240xf32, #tpu.memory_space<vmem_shared>> -> memref<1x10240xf32, #tpu.memory_space<vmem_shared>>
      %dma_start3A_50 = tpu.memref_squeeze %dma_start3A_49 : memref<1x10240xf32, #tpu.memory_space<vmem_shared>> -> memref<10240xf32, #tpu.memory_space<vmem_shared>>
      tpu.enqueue_dma source(%arg5 : memref<10240xf32, #tpu.memory_space<vmem>>) target(%dma_start3A_50 : memref<10240xf32, #tpu.memory_space<vmem_shared>>) target_semaphore(%run_scoped3A : memref<!tpu.dma_semaphore, #tpu.memory_space<semaphore_mem>>)
      %dma_wait3A = arith.constant 0 : i32
      %dma_wait3A_51 = tpu.memref_slice %arg4[%arg1, %dma_wait3A] : memref<16x10240xf32, #tpu.memory_space<vmem_shared>> -> memref<1x10240xf32, #tpu.memory_space<vmem_shared>>
      %dma_wait3A_52 = tpu.memref_squeeze %dma_wait3A_51 : memref<1x10240xf32, #tpu.memory_space<vmem_shared>> -> memref<10240xf32, #tpu.memory_space<vmem_shared>>
      %dma_wait3A_53 = arith.constant 0 : i32
      %dma_wait3A_54 = tpu.memref_slice %arg4[%arg1, %dma_wait3A_53] : memref<16x10240xf32, #tpu.memory_space<vmem_shared>> -> memref<1x10240xf32, #tpu.memory_space<vmem_shared>>
      %dma_wait3A_55 = tpu.memref_squeeze %dma_wait3A_54 : memref<1x10240xf32, #tpu.memory_space<vmem_shared>> -> memref<10240xf32, #tpu.memory_space<vmem_shared>>
      tpu.wait_dma2 semaphore(%run_scoped3A : memref<!tpu.dma_semaphore, #tpu.memory_space<semaphore_mem>>) src(%arg5 : memref<10240xf32, #tpu.memory_space<vmem>>) dst(%dma_wait3A_55 : memref<10240xf32, #tpu.memory_space<vmem_shared>>)
      tpu.yield
    }) : () -> ()
    %barrier3A = arith.constant 0 : index
    tpu.barrier barrier_id(%barrier3A)
    %mul3A_37 = arith.constant 640 : i32
    %mul3A_38 = arith.muli %arg1, %mul3A_37 : i32
    "tpu.region"() ({
      %run_scoped3A = tpu.sem_alloc : memref<!tpu.dma_semaphore, #tpu.memory_space<semaphore_mem>>
      %dma_start3A_45 = arith.constant 0 : i32
      %dma_start3A_46 = tpu.memref_slice %arg4[%dma_start3A_45, %mul3A_38] : memref<16x10240xf32, #tpu.memory_space<vmem_shared>> -> memref<16x640xf32, #tpu.memory_space<vmem_shared>>
      %dma_start3A_47 = arith.constant 0 : i32
      %dma_start3A_48 = tpu.memref_slice %arg4[%dma_start3A_47, %mul3A_38] : memref<16x10240xf32, #tpu.memory_space<vmem_shared>> -> memref<16x640xf32, #tpu.memory_space<vmem_shared>>
      tpu.enqueue_dma source(%dma_start3A_48 : memref<16x640xf32, #tpu.memory_space<vmem_shared>>) target(%arg7 : memref<16x640xf32, #tpu.memory_space<vmem>>) target_semaphore(%run_scoped3A : memref<!tpu.dma_semaphore, #tpu.memory_space<semaphore_mem>>)
      %dma_wait3A = arith.constant 0 : i32
      %dma_wait3A_49 = tpu.memref_slice %arg4[%dma_wait3A, %mul3A_38] : memref<16x10240xf32, #tpu.memory_space<vmem_shared>> -> memref<16x640xf32, #tpu.memory_space<vmem_shared>>
      %dma_wait3A_50 = arith.constant 0 : i32
      %dma_wait3A_51 = tpu.memref_slice %arg4[%dma_wait3A_50, %mul3A_38] : memref<16x10240xf32, #tpu.memory_space<vmem_shared>> -> memref<16x640xf32, #tpu.memory_space<vmem_shared>>
      tpu.wait_dma2 semaphore(%run_scoped3A : memref<!tpu.dma_semaphore, #tpu.memory_space<semaphore_mem>>) src(%dma_wait3A_51 : memref<16x640xf32, #tpu.memory_space<vmem_shared>>) dst(%arg7 : memref<16x640xf32, #tpu.memory_space<vmem>>)
      tpu.yield
    }) : () -> ()
    %scan3A_39 = arith.constant 0 : i32
    %scan3A_40 = arith.constant 0 : i32
    %scan3A_41 = arith.constant 40 : i32
    %scan3A_42 = arith.addi %scan3A_40, %scan3A_41 : i32
    %scan3A_43 = arith.constant 1 : i32
    scf.for %scan3A_45 = %scan3A_40 to %scan3A_42 step %scan3A_43  : i32 {
      %broadcast_in_dim3A_46 = arith.constant 0.000000e+00 : f32
      %broadcast_in_dim3A_47 = vector.broadcast %broadcast_in_dim3A_46 : f32 to vector<16xf32>
      %mul3A_48 = arith.constant 16 : i32
      %mul3A_49 = arith.muli %scan3A_45, %mul3A_48 : i32
      %get3A = arith.constant 0 : i32
      %get3A_50 = arith.index_cast %get3A : i32 to index
      %get3A_51 = arith.index_cast %mul3A_49 : i32 to index
      %get3A_52 = tpu.vector_load %arg7[%get3A_50, %get3A_51] {strides = array<i32>} : memref<16x640xf32, #tpu.memory_space<vmem>>, vector<16xf32>,
      %add3A_53 = arith.addf %broadcast_in_dim3A_47, %get3A_52 : vector<16xf32>
      %mul3A_54 = arith.constant 16 : i32
      %mul3A_55 = arith.muli %scan3A_45, %mul3A_54 : i32
      %get3A_56 = arith.constant 1 : i32
      %get3A_57 = arith.index_cast %get3A_56 : i32 to index
      %get3A_58 = arith.index_cast %mul3A_55 : i32 to index
      %get3A_59 = tpu.vector_load %arg7[%get3A_57, %get3A_58] {strides = array<i32>} : memref<16x640xf32, #tpu.memory_space<vmem>>, vector<16xf32>,
      %add3A_60 = arith.addf %add3A_53, %get3A_59 : vector<16xf32>
      %mul3A_61 = arith.constant 16 : i32
      %mul3A_62 = arith.muli %scan3A_45, %mul3A_61 : i32
      %get3A_63 = arith.constant 2 : i32
      %get3A_64 = arith.index_cast %get3A_63 : i32 to index
      %get3A_65 = arith.index_cast %mul3A_62 : i32 to index
      %get3A_66 = tpu.vector_load %arg7[%get3A_64, %get3A_65] {strides = array<i32>} : memref<16x640xf32, #tpu.memory_space<vmem>>, vector<16xf32>,
      %add3A_67 = arith.addf %add3A_60, %get3A_66 : vector<16xf32>
      %mul3A_68 = arith.constant 16 : i32
      %mul3A_69 = arith.muli %scan3A_45, %mul3A_68 : i32
      %get3A_70 = arith.constant 3 : i32
      %get3A_71 = arith.index_cast %get3A_70 : i32 to index
      %get3A_72 = arith.index_cast %mul3A_69 : i32 to index
      %get3A_73 = tpu.vector_load %arg7[%get3A_71, %get3A_72] {strides = array<i32>} : memref<16x640xf32, #tpu.memory_space<vmem>>, vector<16xf32>,
      %add3A_74 = arith.addf %add3A_67, %get3A_73 : vector<16xf32>
      %mul3A_75 = arith.constant 16 : i32
      %mul3A_76 = arith.muli %scan3A_45, %mul3A_75 : i32
      %get3A_77 = arith.constant 4 : i32
      %get3A_78 = arith.index_cast %get3A_77 : i32 to index
      %get3A_79 = arith.index_cast %mul3A_76 : i32 to index
      %get3A_80 = tpu.vector_load %arg7[%get3A_78, %get3A_79] {strides = array<i32>} : memref<16x640xf32, #tpu.memory_space<vmem>>, vector<16xf32>,
      %add3A_81 = arith.addf %add3A_74, %get3A_80 : vector<16xf32>
      %mul3A_82 = arith.constant 16 : i32
      %mul3A_83 = arith.muli %scan3A_45, %mul3A_82 : i32
      %get3A_84 = arith.constant 5 : i32
      %get3A_85 = arith.index_cast %get3A_84 : i32 to index
      %get3A_86 = arith.index_cast %mul3A_83 : i32 to index
      %get3A_87 = tpu.vector_load %arg7[%get3A_85, %get3A_86] {strides = array<i32>} : memref<16x640xf32, #tpu.memory_space<vmem>>, vector<16xf32>,
      %add3A_88 = arith.addf %add3A_81, %get3A_87 : vector<16xf32>
      %mul3A_89 = arith.constant 16 : i32
      %mul3A_90 = arith.muli %scan3A_45, %mul3A_89 : i32
      %get3A_91 = arith.constant 6 : i32
      %get3A_92 = arith.index_cast %get3A_91 : i32 to index
      %get3A_93 = arith.index_cast %mul3A_90 : i32 to index
      %get3A_94 = tpu.vector_load %arg7[%get3A_92, %get3A_93] {strides = array<i32>} : memref<16x640xf32, #tpu.memory_space<vmem>>, vector<16xf32>,
      %add3A_95 = arith.addf %add3A_88, %get3A_94 : vector<16xf32>
      %mul3A_96 = arith.constant 16 : i32
      %mul3A_97 = arith.muli %scan3A_45, %mul3A_96 : i32
      %get3A_98 = arith.constant 7 : i32
      %get3A_99 = arith.index_cast %get3A_98 : i32 to index
      %get3A_100 = arith.index_cast %mul3A_97 : i32 to index
      %get3A_101 = tpu.vector_load %arg7[%get3A_99, %get3A_100] {strides = array<i32>} : memref<16x640xf32, #tpu.memory_space<vmem>>, vector<16xf32>,
      %add3A_102 = arith.addf %add3A_95, %get3A_101 : vector<16xf32>
      %mul3A_103 = arith.constant 16 : i32
      %mul3A_104 = arith.muli %scan3A_45, %mul3A_103 : i32
      %get3A_105 = arith.constant 8 : i32
      %get3A_106 = arith.index_cast %get3A_105 : i32 to index
      %get3A_107 = arith.index_cast %mul3A_104 : i32 to index
      %get3A_108 = tpu.vector_load %arg7[%get3A_106, %get3A_107] {strides = array<i32>} : memref<16x640xf32, #tpu.memory_space<vmem>>, vector<16xf32>,
      %add3A_109 = arith.addf %add3A_102, %get3A_108 : vector<16xf32>
      %mul3A_110 = arith.constant 16 : i32
      %mul3A_111 = arith.muli %scan3A_45, %mul3A_110 : i32
      %get3A_112 = arith.constant 9 : i32
      %get3A_113 = arith.index_cast %get3A_112 : i32 to index
      %get3A_114 = arith.index_cast %mul3A_111 : i32 to index
      %get3A_115 = tpu.vector_load %arg7[%get3A_113, %get3A_114] {strides = array<i32>} : memref<16x640xf32, #tpu.memory_space<vmem>>, vector<16xf32>,
      %add3A_116 = arith.addf %add3A_109, %get3A_115 : vector<16xf32>
      %mul3A_117 = arith.constant 16 : i32
      %mul3A_118 = arith.muli %scan3A_45, %mul3A_117 : i32
      %get3A_119 = arith.constant 10 : i32
      %get3A_120 = arith.index_cast %get3A_119 : i32 to index
      %get3A_121 = arith.index_cast %mul3A_118 : i32 to index
      %get3A_122 = tpu.vector_load %arg7[%get3A_120, %get3A_121] {strides = array<i32>} : memref<16x640xf32, #tpu.memory_space<vmem>>, vector<16xf32>,
      %add3A_123 = arith.addf %add3A_116, %get3A_122 : vector<16xf32>
      %mul3A_124 = arith.constant 16 : i32
      %mul3A_125 = arith.muli %scan3A_45, %mul3A_124 : i32
      %get3A_126 = arith.constant 11 : i32
      %get3A_127 = arith.index_cast %get3A_126 : i32 to index
      %get3A_128 = arith.index_cast %mul3A_125 : i32 to index
      %get3A_129 = tpu.vector_load %arg7[%get3A_127, %get3A_128] {strides = array<i32>} : memref<16x640xf32, #tpu.memory_space<vmem>>, vector<16xf32>,
      %add3A_130 = arith.addf %add3A_123, %get3A_129 : vector<16xf32>
      %mul3A_131 = arith.constant 16 : i32
      %mul3A_132 = arith.muli %scan3A_45, %mul3A_131 : i32
      %get3A_133 = arith.constant 12 : i32
      %get3A_134 = arith.index_cast %get3A_133 : i32 to index
      %get3A_135 = arith.index_cast %mul3A_132 : i32 to index
      %get3A_136 = tpu.vector_load %arg7[%get3A_134, %get3A_135] {strides = array<i32>} : memref<16x640xf32, #tpu.memory_space<vmem>>, vector<16xf32>,
      %add3A_137 = arith.addf %add3A_130, %get3A_136 : vector<16xf32>
      %mul3A_138 = arith.constant 16 : i32
      %mul3A_139 = arith.muli %scan3A_45, %mul3A_138 : i32
      %get3A_140 = arith.constant 13 : i32
      %get3A_141 = arith.index_cast %get3A_140 : i32 to index
      %get3A_142 = arith.index_cast %mul3A_139 : i32 to index
      %get3A_143 = tpu.vector_load %arg7[%get3A_141, %get3A_142] {strides = array<i32>} : memref<16x640xf32, #tpu.memory_space<vmem>>, vector<16xf32>,
      %add3A_144 = arith.addf %add3A_137, %get3A_143 : vector<16xf32>
      %mul3A_145 = arith.constant 16 : i32
      %mul3A_146 = arith.muli %scan3A_45, %mul3A_145 : i32
      %get3A_147 = arith.constant 14 : i32
      %get3A_148 = arith.index_cast %get3A_147 : i32 to index
      %get3A_149 = arith.index_cast %mul3A_146 : i32 to index
      %get3A_150 = tpu.vector_load %arg7[%get3A_148, %get3A_149] {strides = array<i32>} : memref<16x640xf32, #tpu.memory_space<vmem>>, vector<16xf32>,
      %add3A_151 = arith.addf %add3A_144, %get3A_150 : vector<16xf32>
      %mul3A_152 = arith.constant 16 : i32
      %mul3A_153 = arith.muli %scan3A_45, %mul3A_152 : i32
      %get3A_154 = arith.constant 15 : i32
      %get3A_155 = arith.index_cast %get3A_154 : i32 to index
      %get3A_156 = arith.index_cast %mul3A_153 : i32 to index
      %get3A_157 = tpu.vector_load %arg7[%get3A_155, %get3A_156] {strides = array<i32>} : memref<16x640xf32, #tpu.memory_space<vmem>>, vector<16xf32>,
      %add3A_158 = arith.addf %add3A_151, %get3A_157 : vector<16xf32>
      %mul3A_159 = arith.constant 16 : i32
      %mul3A_160 = arith.muli %scan3A_45, %mul3A_159 : i32
      %swap3A = arith.index_cast %mul3A_160 : i32 to index
      %swap3A_161 = tpu.vector_load %arg8[%swap3A] {strides = array<i32>} : memref<640xf32, #tpu.memory_space<vmem>>, vector<16xf32>,
      tpu.vector_store %arg8[%swap3A], %add3A_158 {strides = array<i32>} : memref<640xf32, #tpu.memory_space<vmem>>, vector<16xf32>,
    }
    %scan3A_44 = arith.constant 40 : i32
    "tpu.region"() ({
      %run_scoped3A = tpu.sem_alloc : memref<!tpu.dma_semaphore, #tpu.memory_space<semaphore_mem>>
      %dma_start3A_45 = tpu.memref_slice %arg3[%arg0, %mul3A_38] : memref<2x10240xf32, #tpu.memory_space<hbm>> -> memref<1x640xf32, #tpu.memory_space<hbm>>
      %dma_start3A_46 = tpu.memref_squeeze %dma_start3A_45 : memref<1x640xf32, #tpu.memory_space<hbm>> -> memref<640xf32, #tpu.memory_space<hbm>>
      %dma_start3A_47 = tpu.memref_slice %arg3[%arg0, %mul3A_38] : memref<2x10240xf32, #tpu.memory_space<hbm>> -> memref<1x640xf32, #tpu.memory_space<hbm>>
      %dma_start3A_48 = tpu.memref_squeeze %dma_start3A_47 : memref<1x640xf32, #tpu.memory_space<hbm>> -> memref<640xf32, #tpu.memory_space<hbm>>
      tpu.enqueue_dma source(%arg8 : memref<640xf32, #tpu.memory_space<vmem>>) target(%dma_start3A_48 : memref<640xf32, #tpu.memory_space<hbm>>) target_semaphore(%run_scoped3A : memref<!tpu.dma_semaphore, #tpu.memory_space<semaphore_mem>>)
      %dma_wait3A = tpu.memref_slice %arg3[%arg0, %mul3A_38] : memref<2x10240xf32, #tpu.memory_space<hbm>> -> memref<1x640xf32, #tpu.memory_space<hbm>>
      %dma_wait3A_49 = tpu.memref_squeeze %dma_wait3A : memref<1x640xf32, #tpu.memory_space<hbm>> -> memref<640xf32, #tpu.memory_space<hbm>>
      %dma_wait3A_50 = tpu.memref_slice %arg3[%arg0, %mul3A_38] : memref<2x10240xf32, #tpu.memory_space<hbm>> -> memref<1x640xf32, #tpu.memory_space<hbm>>
      %dma_wait3A_51 = tpu.memref_squeeze %dma_wait3A_50 : memref<1x640xf32, #tpu.memory_space<hbm>> -> memref<640xf32, #tpu.memory_space<hbm>>
      tpu.wait_dma2 semaphore(%run_scoped3A : memref<!tpu.dma_semaphore, #tpu.memory_space<semaphore_mem>>) src(%arg8 : memref<640xf32, #tpu.memory_space<vmem>>) dst(%dma_wait3A_51 : memref<640xf32, #tpu.memory_space<hbm>>)
      tpu.yield
    }) : () -> ()
    return
  }
}

#map = affine_map<(d0, d1) -> (0, 0)>
#map1 = affine_map<(d0, d1) -> (0, 0, 0)>
module attributes {stable_mosaic.version = 14 : i64} {
  func.func @k(%arg0: i32, %arg1: i32, %arg2: memref<10240x128xf32, #tpu.memory_space<hbm>>, %arg3: memref<2x327680xi32, #tpu.memory_space<hbm>>, %arg4: memref<2x10240x128xf32, #tpu.memory_space<hbm>>, %arg5: memref<10240x128xf32, #tpu.memory_space<vmem_shared>>, %arg6: memref<128xi32, #tpu.memory_space<vmem>>, %arg7: memref<128xi32, #tpu.memory_space<vmem>>, %arg8: memref<128xi32, #tpu.memory_space<vmem>>, %arg9: memref<128xi32, #tpu.memory_space<vmem>>, %arg10: memref<128xi32, #tpu.memory_space<vmem>>, %arg11: memref<128xi32, #tpu.memory_space<vmem>>, %arg12: memref<128xi32, #tpu.memory_space<vmem>>, %arg13: memref<128xi32, #tpu.memory_space<vmem>>, %arg14: memref<128x128xf32, #tpu.memory_space<vmem>>, %arg15: memref<128x128xf32, #tpu.memory_space<vmem>>, %arg16: memref<!tpu.dma_semaphore, #tpu.memory_space<semaphore_mem>>, %arg17: memref<!tpu.dma_semaphore, #tpu.memory_space<semaphore_mem>>, %arg18: memref<!tpu.dma_semaphore, #tpu.memory_space<semaphore_mem>>, %arg19: memref<!tpu.dma_semaphore, #tpu.memory_space<semaphore_mem>>) attributes {dimension_semantics = [#tpu.dimension_semantics<core_parallel>, #tpu.dimension_semantics<subcore_parallel>], iteration_bounds = array<i64: 2, 16>, scalar_prefetch = 0 : i64, scratch_operands = 15 : i64, tpu.core_type = #tpu.core_type<sc_vector_subcore>, window_params = [{transform_indices = #map}, {transform_indices = #map}, {transform_indices = #map1}]} {
    %scan3A = arith.constant 0 : i32
    %scan3A_0 = arith.constant 0 : i32
    %scan3A_1 = arith.constant 1024 : i32
    %scan3A_2 = arith.addi %scan3A_0, %scan3A_1 : i32
    %scan3A_3 = arith.constant 1 : i32
    scf.for %scan3A_96 = %scan3A_0 to %scan3A_2 step %scan3A_3  : i32 {
      %broadcast_in_dim3A = arith.constant 0.000000e+00 : f32
      %broadcast_in_dim3A_97 = vector.broadcast %broadcast_in_dim3A : f32 to vector<16xf32>
      %jit3A = arith.constant 8 : i32
      %div3A = arith.divsi %scan3A_96, %jit3A : i32
      %sign3A = arith.constant 0 : i32
      %sign3A_98 = arith.cmpi sgt, %scan3A_96, %sign3A : i32
      %sign3A_99 = arith.extui %sign3A_98 : i1 to i32
      %sign3A_100 = arith.constant 0 : i32
      %sign3A_101 = arith.cmpi slt, %scan3A_96, %sign3A_100 : i32
      %sign3A_102 = arith.extui %sign3A_101 : i1 to i32
      %sign3A_103 = arith.subi %sign3A_99, %sign3A_102 : i32
      %sign3A_104 = arith.constant 0 : i32
      %sign3A_105 = arith.cmpi sgt, %jit3A, %sign3A_104 : i32
      %sign3A_106 = arith.extui %sign3A_105 : i1 to i32
      %sign3A_107 = arith.constant 0 : i32
      %sign3A_108 = arith.cmpi slt, %jit3A, %sign3A_107 : i32
      %sign3A_109 = arith.extui %sign3A_108 : i1 to i32
      %sign3A_110 = arith.subi %sign3A_106, %sign3A_109 : i32
      %ne3A = arith.cmpi ne, %sign3A_103, %sign3A_110 : i32
      %rem3A = arith.remsi %scan3A_96, %jit3A : i32
      %ne3A_111 = arith.constant 0 : i32
      %ne3A_112 = arith.cmpi ne, %rem3A, %ne3A_111 : i32
      %and3A = arith.andi %ne3A, %ne3A_112 : i1
      %sub3A = arith.constant 1 : i32
      %sub3A_113 = arith.subi %div3A, %sub3A : i32
      %select_n3A = arith.select %and3A, %sub3A_113, %div3A : i32
      %jit3A_114 = arith.constant 8 : i32
      %eq3A = arith.constant 0 : i32
      %eq3A_115 = arith.cmpi eq, %jit3A_114, %eq3A : i32
      %jit3A_116 = arith.constant 1 : i32
      %select_n3A_117 = arith.select %eq3A_115, %jit3A_116, %jit3A_114 : i32
      %rem3A_118 = arith.remsi %scan3A_96, %select_n3A_117 : i32
      %ne3A_119 = arith.constant 0 : i32
      %ne3A_120 = arith.cmpi ne, %rem3A_118, %ne3A_119 : i32
      %lt3A = arith.constant 0 : i32
      %lt3A_121 = arith.cmpi slt, %rem3A_118, %lt3A : i32
      %lt3A_122 = arith.constant 0 : i32
      %lt3A_123 = arith.cmpi slt, %select_n3A_117, %lt3A_122 : i32
      %ne3A_124 = arith.xori %lt3A_121, %lt3A_123 : i1
      %and3A_125 = arith.andi %ne3A_124, %ne3A_120 : i1
      %add3A_126 = arith.addi %rem3A_118, %select_n3A_117 : i32
      %select_n3A_127 = arith.select %and3A_125, %add3A_126, %rem3A_118 : i32
      %mul3A_128 = arith.constant 16 : i32
      %mul3A_129 = arith.muli %select_n3A_127, %mul3A_128 : i32
      %swap3A = arith.index_cast %select_n3A : i32 to index
      %swap3A_130 = arith.index_cast %mul3A_129 : i32 to index
      %swap3A_131 = tpu.vector_load %arg14[%swap3A, %swap3A_130] {strides = array<i32>} : memref<128x128xf32, #tpu.memory_space<vmem>>, vector<1x16xf32>,
      %swap3A_132 = vector.shape_cast %swap3A_131 : vector<1x16xf32> to vector<16xf32>
      %swap3A_133 = vector.shape_cast %broadcast_in_dim3A_97 : vector<16xf32> to vector<1x16xf32>
      tpu.vector_store %arg14[%swap3A, %swap3A_130], %swap3A_133 {strides = array<i32>} : memref<128x128xf32, #tpu.memory_space<vmem>>, vector<1x16xf32>,
    }
    %scan3A_4 = arith.constant 1024 : i32
    %mul3A = arith.constant 640 : i32
    %mul3A_5 = arith.muli %arg1, %mul3A : i32
    %add3A = arith.constant 0 : i32
    %add3A_6 = arith.addi %mul3A_5, %add3A : i32
    %dma_start3A = arith.constant 0 : i32
    %dma_start3A_7 = tpu.memref_slice %arg5[%add3A_6, %dma_start3A] : memref<10240x128xf32, #tpu.memory_space<vmem_shared>> -> memref<128x128xf32, #tpu.memory_space<vmem_shared>>
    %dma_start3A_8 = arith.constant 0 : i32
    %dma_start3A_9 = tpu.memref_slice %arg5[%add3A_6, %dma_start3A_8] : memref<10240x128xf32, #tpu.memory_space<vmem_shared>> -> memref<128x128xf32, #tpu.memory_space<vmem_shared>>
    tpu.enqueue_dma source(%arg14 : memref<128x128xf32, #tpu.memory_space<vmem>>) target(%dma_start3A_9 : memref<128x128xf32, #tpu.memory_space<vmem_shared>>) target_semaphore(%arg18 : memref<!tpu.dma_semaphore, #tpu.memory_space<semaphore_mem>>)
    %add3A_10 = arith.constant 128 : i32
    %add3A_11 = arith.addi %mul3A_5, %add3A_10 : i32
    %dma_start3A_12 = arith.constant 0 : i32
    %dma_start3A_13 = tpu.memref_slice %arg5[%add3A_11, %dma_start3A_12] : memref<10240x128xf32, #tpu.memory_space<vmem_shared>> -> memref<128x128xf32, #tpu.memory_space<vmem_shared>>
    %dma_start3A_14 = arith.constant 0 : i32
    %dma_start3A_15 = tpu.memref_slice %arg5[%add3A_11, %dma_start3A_14] : memref<10240x128xf32, #tpu.memory_space<vmem_shared>> -> memref<128x128xf32, #tpu.memory_space<vmem_shared>>
    tpu.enqueue_dma source(%arg14 : memref<128x128xf32, #tpu.memory_space<vmem>>) target(%dma_start3A_15 : memref<128x128xf32, #tpu.memory_space<vmem_shared>>) target_semaphore(%arg18 : memref<!tpu.dma_semaphore, #tpu.memory_space<semaphore_mem>>)
    %add3A_16 = arith.constant 256 : i32
    %add3A_17 = arith.addi %mul3A_5, %add3A_16 : i32
    %dma_start3A_18 = arith.constant 0 : i32
    %dma_start3A_19 = tpu.memref_slice %arg5[%add3A_17, %dma_start3A_18] : memref<10240x128xf32, #tpu.memory_space<vmem_shared>> -> memref<128x128xf32, #tpu.memory_space<vmem_shared>>
    %dma_start3A_20 = arith.constant 0 : i32
    %dma_start3A_21 = tpu.memref_slice %arg5[%add3A_17, %dma_start3A_20] : memref<10240x128xf32, #tpu.memory_space<vmem_shared>> -> memref<128x128xf32, #tpu.memory_space<vmem_shared>>
    tpu.enqueue_dma source(%arg14 : memref<128x128xf32, #tpu.memory_space<vmem>>) target(%dma_start3A_21 : memref<128x128xf32, #tpu.memory_space<vmem_shared>>) target_semaphore(%arg18 : memref<!tpu.dma_semaphore, #tpu.memory_space<semaphore_mem>>)
    %add3A_22 = arith.constant 384 : i32
    %add3A_23 = arith.addi %mul3A_5, %add3A_22 : i32
    %dma_start3A_24 = arith.constant 0 : i32
    %dma_start3A_25 = tpu.memref_slice %arg5[%add3A_23, %dma_start3A_24] : memref<10240x128xf32, #tpu.memory_space<vmem_shared>> -> memref<128x128xf32, #tpu.memory_space<vmem_shared>>
    %dma_start3A_26 = arith.constant 0 : i32
    %dma_start3A_27 = tpu.memref_slice %arg5[%add3A_23, %dma_start3A_26] : memref<10240x128xf32, #tpu.memory_space<vmem_shared>> -> memref<128x128xf32, #tpu.memory_space<vmem_shared>>
    tpu.enqueue_dma source(%arg14 : memref<128x128xf32, #tpu.memory_space<vmem>>) target(%dma_start3A_27 : memref<128x128xf32, #tpu.memory_space<vmem_shared>>) target_semaphore(%arg18 : memref<!tpu.dma_semaphore, #tpu.memory_space<semaphore_mem>>)
    %add3A_28 = arith.constant 512 : i32
    %add3A_29 = arith.addi %mul3A_5, %add3A_28 : i32
    %dma_start3A_30 = arith.constant 0 : i32
    %dma_start3A_31 = tpu.memref_slice %arg5[%add3A_29, %dma_start3A_30] : memref<10240x128xf32, #tpu.memory_space<vmem_shared>> -> memref<128x128xf32, #tpu.memory_space<vmem_shared>>
    %dma_start3A_32 = arith.constant 0 : i32
    %dma_start3A_33 = tpu.memref_slice %arg5[%add3A_29, %dma_start3A_32] : memref<10240x128xf32, #tpu.memory_space<vmem_shared>> -> memref<128x128xf32, #tpu.memory_space<vmem_shared>>
    tpu.enqueue_dma source(%arg14 : memref<128x128xf32, #tpu.memory_space<vmem>>) target(%dma_start3A_33 : memref<128x128xf32, #tpu.memory_space<vmem_shared>>) target_semaphore(%arg18 : memref<!tpu.dma_semaphore, #tpu.memory_space<semaphore_mem>>)
    %dma_wait3A = arith.constant 0 : i32
    %dma_wait3A_34 = tpu.memref_slice %arg5[%mul3A_5, %dma_wait3A] : memref<10240x128xf32, #tpu.memory_space<vmem_shared>> -> memref<128x128xf32, #tpu.memory_space<vmem_shared>>
    %dma_wait3A_35 = arith.constant 0 : i32
    %dma_wait3A_36 = tpu.memref_slice %arg5[%mul3A_5, %dma_wait3A_35] : memref<10240x128xf32, #tpu.memory_space<vmem_shared>> -> memref<128x128xf32, #tpu.memory_space<vmem_shared>>
    tpu.wait_dma2 semaphore(%arg18 : memref<!tpu.dma_semaphore, #tpu.memory_space<semaphore_mem>>) src(%arg14 : memref<128x128xf32, #tpu.memory_space<vmem>>) dst(%dma_wait3A_36 : memref<128x128xf32, #tpu.memory_space<vmem_shared>>)
    %dma_wait3A_37 = arith.constant 0 : i32
    %dma_wait3A_38 = tpu.memref_slice %arg5[%mul3A_5, %dma_wait3A_37] : memref<10240x128xf32, #tpu.memory_space<vmem_shared>> -> memref<128x128xf32, #tpu.memory_space<vmem_shared>>
    %dma_wait3A_39 = arith.constant 0 : i32
    %dma_wait3A_40 = tpu.memref_slice %arg5[%mul3A_5, %dma_wait3A_39] : memref<10240x128xf32, #tpu.memory_space<vmem_shared>> -> memref<128x128xf32, #tpu.memory_space<vmem_shared>>
    tpu.wait_dma2 semaphore(%arg18 : memref<!tpu.dma_semaphore, #tpu.memory_space<semaphore_mem>>) src(%arg14 : memref<128x128xf32, #tpu.memory_space<vmem>>) dst(%dma_wait3A_40 : memref<128x128xf32, #tpu.memory_space<vmem_shared>>)
    %dma_wait3A_41 = arith.constant 0 : i32
    %dma_wait3A_42 = tpu.memref_slice %arg5[%mul3A_5, %dma_wait3A_41] : memref<10240x128xf32, #tpu.memory_space<vmem_shared>> -> memref<128x128xf32, #tpu.memory_space<vmem_shared>>
    %dma_wait3A_43 = arith.constant 0 : i32
    %dma_wait3A_44 = tpu.memref_slice %arg5[%mul3A_5, %dma_wait3A_43] : memref<10240x128xf32, #tpu.memory_space<vmem_shared>> -> memref<128x128xf32, #tpu.memory_space<vmem_shared>>
    tpu.wait_dma2 semaphore(%arg18 : memref<!tpu.dma_semaphore, #tpu.memory_space<semaphore_mem>>) src(%arg14 : memref<128x128xf32, #tpu.memory_space<vmem>>) dst(%dma_wait3A_44 : memref<128x128xf32, #tpu.memory_space<vmem_shared>>)
    %dma_wait3A_45 = arith.constant 0 : i32
    %dma_wait3A_46 = tpu.memref_slice %arg5[%mul3A_5, %dma_wait3A_45] : memref<10240x128xf32, #tpu.memory_space<vmem_shared>> -> memref<128x128xf32, #tpu.memory_space<vmem_shared>>
    %dma_wait3A_47 = arith.constant 0 : i32
    %dma_wait3A_48 = tpu.memref_slice %arg5[%mul3A_5, %dma_wait3A_47] : memref<10240x128xf32, #tpu.memory_space<vmem_shared>> -> memref<128x128xf32, #tpu.memory_space<vmem_shared>>
    tpu.wait_dma2 semaphore(%arg18 : memref<!tpu.dma_semaphore, #tpu.memory_space<semaphore_mem>>) src(%arg14 : memref<128x128xf32, #tpu.memory_space<vmem>>) dst(%dma_wait3A_48 : memref<128x128xf32, #tpu.memory_space<vmem_shared>>)
    %dma_wait3A_49 = arith.constant 0 : i32
    %dma_wait3A_50 = tpu.memref_slice %arg5[%mul3A_5, %dma_wait3A_49] : memref<10240x128xf32, #tpu.memory_space<vmem_shared>> -> memref<128x128xf32, #tpu.memory_space<vmem_shared>>
    %dma_wait3A_51 = arith.constant 0 : i32
    %dma_wait3A_52 = tpu.memref_slice %arg5[%mul3A_5, %dma_wait3A_51] : memref<10240x128xf32, #tpu.memory_space<vmem_shared>> -> memref<128x128xf32, #tpu.memory_space<vmem_shared>>
    tpu.wait_dma2 semaphore(%arg18 : memref<!tpu.dma_semaphore, #tpu.memory_space<semaphore_mem>>) src(%arg14 : memref<128x128xf32, #tpu.memory_space<vmem>>) dst(%dma_wait3A_52 : memref<128x128xf32, #tpu.memory_space<vmem_shared>>)
    %barrier3A = arith.constant 0 : index
    tpu.barrier barrier_id(%barrier3A)
    %mul3A_53 = arith.constant 1280 : i32
    %mul3A_54 = arith.muli %arg0, %mul3A_53 : i32
    %mul3A_55 = arith.constant 80 : i32
    %mul3A_56 = arith.muli %arg1, %mul3A_55 : i32
    %add3A_57 = arith.addi %mul3A_54, %mul3A_56 : i32
    %mul3A_58 = arith.constant 128 : i32
    %mul3A_59 = arith.muli %add3A_57, %mul3A_58 : i32
    %add3A_60 = arith.constant 0 : i32
    %add3A_61 = arith.addi %mul3A_59, %add3A_60 : i32
    %run_scoped3A = arith.constant 0 : i32
    "tpu.region"() ({
      %run_scoped3A_96 = tpu.sem_alloc : memref<!tpu.dma_semaphore, #tpu.memory_space<semaphore_mem>>
      %dma_start3A_97 = tpu.memref_slice %arg3[%run_scoped3A, %add3A_61] : memref<2x327680xi32, #tpu.memory_space<hbm>> -> memref<1x128xi32, #tpu.memory_space<hbm>>
      %dma_start3A_98 = tpu.memref_squeeze %dma_start3A_97 : memref<1x128xi32, #tpu.memory_space<hbm>> -> memref<128xi32, #tpu.memory_space<hbm>>
      %dma_start3A_99 = tpu.memref_slice %arg3[%run_scoped3A, %add3A_61] : memref<2x327680xi32, #tpu.memory_space<hbm>> -> memref<1x128xi32, #tpu.memory_space<hbm>>
      %dma_start3A_100 = tpu.memref_squeeze %dma_start3A_99 : memref<1x128xi32, #tpu.memory_space<hbm>> -> memref<128xi32, #tpu.memory_space<hbm>>
      tpu.enqueue_dma source(%dma_start3A_100 : memref<128xi32, #tpu.memory_space<hbm>>) target(%arg6 : memref<128xi32, #tpu.memory_space<vmem>>) target_semaphore(%run_scoped3A_96 : memref<!tpu.dma_semaphore, #tpu.memory_space<semaphore_mem>>)
      %dma_wait3A_101 = tpu.memref_slice %arg3[%run_scoped3A, %add3A_61] : memref<2x327680xi32, #tpu.memory_space<hbm>> -> memref<1x128xi32, #tpu.memory_space<hbm>>
      %dma_wait3A_102 = tpu.memref_squeeze %dma_wait3A_101 : memref<1x128xi32, #tpu.memory_space<hbm>> -> memref<128xi32, #tpu.memory_space<hbm>>
      %dma_wait3A_103 = tpu.memref_slice %arg3[%run_scoped3A, %add3A_61] : memref<2x327680xi32, #tpu.memory_space<hbm>> -> memref<1x128xi32, #tpu.memory_space<hbm>>
      %dma_wait3A_104 = tpu.memref_squeeze %dma_wait3A_103 : memref<1x128xi32, #tpu.memory_space<hbm>> -> memref<128xi32, #tpu.memory_space<hbm>>
      tpu.wait_dma2 semaphore(%run_scoped3A_96 : memref<!tpu.dma_semaphore, #tpu.memory_space<semaphore_mem>>) src(%dma_wait3A_104 : memref<128xi32, #tpu.memory_space<hbm>>) dst(%arg6 : memref<128xi32, #tpu.memory_space<vmem>>)
      tpu.yield
    }) : () -> ()
    %add3A_62 = arith.constant 0 : i32
    %add3A_63 = arith.addi %mul3A_59, %add3A_62 : i32
    %run_scoped3A_64 = arith.constant 1 : i32
    "tpu.region"() ({
      %run_scoped3A_96 = tpu.sem_alloc : memref<!tpu.dma_semaphore, #tpu.memory_space<semaphore_mem>>
      %dma_start3A_97 = tpu.memref_slice %arg3[%run_scoped3A_64, %add3A_63] : memref<2x327680xi32, #tpu.memory_space<hbm>> -> memref<1x128xi32, #tpu.memory_space<hbm>>
      %dma_start3A_98 = tpu.memref_squeeze %dma_start3A_97 : memref<1x128xi32, #tpu.memory_space<hbm>> -> memref<128xi32, #tpu.memory_space<hbm>>
      %dma_start3A_99 = tpu.memref_slice %arg3[%run_scoped3A_64, %add3A_63] : memref<2x327680xi32, #tpu.memory_space<hbm>> -> memref<1x128xi32, #tpu.memory_space<hbm>>
      %dma_start3A_100 = tpu.memref_squeeze %dma_start3A_99 : memref<1x128xi32, #tpu.memory_space<hbm>> -> memref<128xi32, #tpu.memory_space<hbm>>
      tpu.enqueue_dma source(%dma_start3A_100 : memref<128xi32, #tpu.memory_space<hbm>>) target(%arg7 : memref<128xi32, #tpu.memory_space<vmem>>) target_semaphore(%run_scoped3A_96 : memref<!tpu.dma_semaphore, #tpu.memory_space<semaphore_mem>>)
      %dma_wait3A_101 = tpu.memref_slice %arg3[%run_scoped3A_64, %add3A_63] : memref<2x327680xi32, #tpu.memory_space<hbm>> -> memref<1x128xi32, #tpu.memory_space<hbm>>
      %dma_wait3A_102 = tpu.memref_squeeze %dma_wait3A_101 : memref<1x128xi32, #tpu.memory_space<hbm>> -> memref<128xi32, #tpu.memory_space<hbm>>
      %dma_wait3A_103 = tpu.memref_slice %arg3[%run_scoped3A_64, %add3A_63] : memref<2x327680xi32, #tpu.memory_space<hbm>> -> memref<1x128xi32, #tpu.memory_space<hbm>>
      %dma_wait3A_104 = tpu.memref_squeeze %dma_wait3A_103 : memref<1x128xi32, #tpu.memory_space<hbm>> -> memref<128xi32, #tpu.memory_space<hbm>>
      tpu.wait_dma2 semaphore(%run_scoped3A_96 : memref<!tpu.dma_semaphore, #tpu.memory_space<semaphore_mem>>) src(%dma_wait3A_104 : memref<128xi32, #tpu.memory_space<hbm>>) dst(%arg7 : memref<128xi32, #tpu.memory_space<vmem>>)
      tpu.yield
    }) : () -> ()
    %add3A_65 = arith.constant 128 : i32
    %add3A_66 = arith.addi %mul3A_59, %add3A_65 : i32
    %run_scoped3A_67 = arith.constant 0 : i32
    "tpu.region"() ({
      %run_scoped3A_96 = tpu.sem_alloc : memref<!tpu.dma_semaphore, #tpu.memory_space<semaphore_mem>>
      %dma_start3A_97 = tpu.memref_slice %arg3[%run_scoped3A_67, %add3A_66] : memref<2x327680xi32, #tpu.memory_space<hbm>> -> memref<1x128xi32, #tpu.memory_space<hbm>>
      %dma_start3A_98 = tpu.memref_squeeze %dma_start3A_97 : memref<1x128xi32, #tpu.memory_space<hbm>> -> memref<128xi32, #tpu.memory_space<hbm>>
      %dma_start3A_99 = tpu.memref_slice %arg3[%run_scoped3A_67, %add3A_66] : memref<2x327680xi32, #tpu.memory_space<hbm>> -> memref<1x128xi32, #tpu.memory_space<hbm>>
      %dma_start3A_100 = tpu.memref_squeeze %dma_start3A_99 : memref<1x128xi32, #tpu.memory_space<hbm>> -> memref<128xi32, #tpu.memory_space<hbm>>
      tpu.enqueue_dma source(%dma_start3A_100 : memref<128xi32, #tpu.memory_space<hbm>>) target(%arg8 : memref<128xi32, #tpu.memory_space<vmem>>) target_semaphore(%run_scoped3A_96 : memref<!tpu.dma_semaphore, #tpu.memory_space<semaphore_mem>>)
      %dma_wait3A_101 = tpu.memref_slice %arg3[%run_scoped3A_67, %add3A_66] : memref<2x327680xi32, #tpu.memory_space<hbm>> -> memref<1x128xi32, #tpu.memory_space<hbm>>
      %dma_wait3A_102 = tpu.memref_squeeze %dma_wait3A_101 : memref<1x128xi32, #tpu.memory_space<hbm>> -> memref<128xi32, #tpu.memory_space<hbm>>
      %dma_wait3A_103 = tpu.memref_slice %arg3[%run_scoped3A_67, %add3A_66] : memref<2x327680xi32, #tpu.memory_space<hbm>> -> memref<1x128xi32, #tpu.memory_space<hbm>>
      %dma_wait3A_104 = tpu.memref_squeeze %dma_wait3A_103 : memref<1x128xi32, #tpu.memory_space<hbm>> -> memref<128xi32, #tpu.memory_space<hbm>>
      tpu.wait_dma2 semaphore(%run_scoped3A_96 : memref<!tpu.dma_semaphore, #tpu.memory_space<semaphore_mem>>) src(%dma_wait3A_104 : memref<128xi32, #tpu.memory_space<hbm>>) dst(%arg8 : memref<128xi32, #tpu.memory_space<vmem>>)
      tpu.yield
    }) : () -> ()
    %add3A_68 = arith.constant 128 : i32
    %add3A_69 = arith.addi %mul3A_59, %add3A_68 : i32
    %run_scoped3A_70 = arith.constant 1 : i32
    "tpu.region"() ({
      %run_scoped3A_96 = tpu.sem_alloc : memref<!tpu.dma_semaphore, #tpu.memory_space<semaphore_mem>>
      %dma_start3A_97 = tpu.memref_slice %arg3[%run_scoped3A_70, %add3A_69] : memref<2x327680xi32, #tpu.memory_space<hbm>> -> memref<1x128xi32, #tpu.memory_space<hbm>>
      %dma_start3A_98 = tpu.memref_squeeze %dma_start3A_97 : memref<1x128xi32, #tpu.memory_space<hbm>> -> memref<128xi32, #tpu.memory_space<hbm>>
      %dma_start3A_99 = tpu.memref_slice %arg3[%run_scoped3A_70, %add3A_69] : memref<2x327680xi32, #tpu.memory_space<hbm>> -> memref<1x128xi32, #tpu.memory_space<hbm>>
      %dma_start3A_100 = tpu.memref_squeeze %dma_start3A_99 : memref<1x128xi32, #tpu.memory_space<hbm>> -> memref<128xi32, #tpu.memory_space<hbm>>
      tpu.enqueue_dma source(%dma_start3A_100 : memref<128xi32, #tpu.memory_space<hbm>>) target(%arg9 : memref<128xi32, #tpu.memory_space<vmem>>) target_semaphore(%run_scoped3A_96 : memref<!tpu.dma_semaphore, #tpu.memory_space<semaphore_mem>>)
      %dma_wait3A_101 = tpu.memref_slice %arg3[%run_scoped3A_70, %add3A_69] : memref<2x327680xi32, #tpu.memory_space<hbm>> -> memref<1x128xi32, #tpu.memory_space<hbm>>
      %dma_wait3A_102 = tpu.memref_squeeze %dma_wait3A_101 : memref<1x128xi32, #tpu.memory_space<hbm>> -> memref<128xi32, #tpu.memory_space<hbm>>
      %dma_wait3A_103 = tpu.memref_slice %arg3[%run_scoped3A_70, %add3A_69] : memref<2x327680xi32, #tpu.memory_space<hbm>> -> memref<1x128xi32, #tpu.memory_space<hbm>>
      %dma_wait3A_104 = tpu.memref_squeeze %dma_wait3A_103 : memref<1x128xi32, #tpu.memory_space<hbm>> -> memref<128xi32, #tpu.memory_space<hbm>>
      tpu.wait_dma2 semaphore(%run_scoped3A_96 : memref<!tpu.dma_semaphore, #tpu.memory_space<semaphore_mem>>) src(%dma_wait3A_104 : memref<128xi32, #tpu.memory_space<hbm>>) dst(%arg9 : memref<128xi32, #tpu.memory_space<vmem>>)
      tpu.yield
    }) : () -> ()
    %add3A_71 = arith.constant 256 : i32
    %add3A_72 = arith.addi %mul3A_59, %add3A_71 : i32
    %run_scoped3A_73 = arith.constant 0 : i32
    "tpu.region"() ({
      %run_scoped3A_96 = tpu.sem_alloc : memref<!tpu.dma_semaphore, #tpu.memory_space<semaphore_mem>>
      %dma_start3A_97 = tpu.memref_slice %arg3[%run_scoped3A_73, %add3A_72] : memref<2x327680xi32, #tpu.memory_space<hbm>> -> memref<1x128xi32, #tpu.memory_space<hbm>>
      %dma_start3A_98 = tpu.memref_squeeze %dma_start3A_97 : memref<1x128xi32, #tpu.memory_space<hbm>> -> memref<128xi32, #tpu.memory_space<hbm>>
      %dma_start3A_99 = tpu.memref_slice %arg3[%run_scoped3A_73, %add3A_72] : memref<2x327680xi32, #tpu.memory_space<hbm>> -> memref<1x128xi32, #tpu.memory_space<hbm>>
      %dma_start3A_100 = tpu.memref_squeeze %dma_start3A_99 : memref<1x128xi32, #tpu.memory_space<hbm>> -> memref<128xi32, #tpu.memory_space<hbm>>
      tpu.enqueue_dma source(%dma_start3A_100 : memref<128xi32, #tpu.memory_space<hbm>>) target(%arg10 : memref<128xi32, #tpu.memory_space<vmem>>) target_semaphore(%run_scoped3A_96 : memref<!tpu.dma_semaphore, #tpu.memory_space<semaphore_mem>>)
      %dma_wait3A_101 = tpu.memref_slice %arg3[%run_scoped3A_73, %add3A_72] : memref<2x327680xi32, #tpu.memory_space<hbm>> -> memref<1x128xi32, #tpu.memory_space<hbm>>
      %dma_wait3A_102 = tpu.memref_squeeze %dma_wait3A_101 : memref<1x128xi32, #tpu.memory_space<hbm>> -> memref<128xi32, #tpu.memory_space<hbm>>
      %dma_wait3A_103 = tpu.memref_slice %arg3[%run_scoped3A_73, %add3A_72] : memref<2x327680xi32, #tpu.memory_space<hbm>> -> memref<1x128xi32, #tpu.memory_space<hbm>>
      %dma_wait3A_104 = tpu.memref_squeeze %dma_wait3A_103 : memref<1x128xi32, #tpu.memory_space<hbm>> -> memref<128xi32, #tpu.memory_space<hbm>>
      tpu.wait_dma2 semaphore(%run_scoped3A_96 : memref<!tpu.dma_semaphore, #tpu.memory_space<semaphore_mem>>) src(%dma_wait3A_104 : memref<128xi32, #tpu.memory_space<hbm>>) dst(%arg10 : memref<128xi32, #tpu.memory_space<vmem>>)
      tpu.yield
    }) : () -> ()
    %add3A_74 = arith.constant 256 : i32
    %add3A_75 = arith.addi %mul3A_59, %add3A_74 : i32
    %run_scoped3A_76 = arith.constant 1 : i32
    "tpu.region"() ({
      %run_scoped3A_96 = tpu.sem_alloc : memref<!tpu.dma_semaphore, #tpu.memory_space<semaphore_mem>>
      %dma_start3A_97 = tpu.memref_slice %arg3[%run_scoped3A_76, %add3A_75] : memref<2x327680xi32, #tpu.memory_space<hbm>> -> memref<1x128xi32, #tpu.memory_space<hbm>>
      %dma_start3A_98 = tpu.memref_squeeze %dma_start3A_97 : memref<1x128xi32, #tpu.memory_space<hbm>> -> memref<128xi32, #tpu.memory_space<hbm>>
      %dma_start3A_99 = tpu.memref_slice %arg3[%run_scoped3A_76, %add3A_75] : memref<2x327680xi32, #tpu.memory_space<hbm>> -> memref<1x128xi32, #tpu.memory_space<hbm>>
      %dma_start3A_100 = tpu.memref_squeeze %dma_start3A_99 : memref<1x128xi32, #tpu.memory_space<hbm>> -> memref<128xi32, #tpu.memory_space<hbm>>
      tpu.enqueue_dma source(%dma_start3A_100 : memref<128xi32, #tpu.memory_space<hbm>>) target(%arg11 : memref<128xi32, #tpu.memory_space<vmem>>) target_semaphore(%run_scoped3A_96 : memref<!tpu.dma_semaphore, #tpu.memory_space<semaphore_mem>>)
      %dma_wait3A_101 = tpu.memref_slice %arg3[%run_scoped3A_76, %add3A_75] : memref<2x327680xi32, #tpu.memory_space<hbm>> -> memref<1x128xi32, #tpu.memory_space<hbm>>
      %dma_wait3A_102 = tpu.memref_squeeze %dma_wait3A_101 : memref<1x128xi32, #tpu.memory_space<hbm>> -> memref<128xi32, #tpu.memory_space<hbm>>
      %dma_wait3A_103 = tpu.memref_slice %arg3[%run_scoped3A_76, %add3A_75] : memref<2x327680xi32, #tpu.memory_space<hbm>> -> memref<1x128xi32, #tpu.memory_space<hbm>>
      %dma_wait3A_104 = tpu.memref_squeeze %dma_wait3A_103 : memref<1x128xi32, #tpu.memory_space<hbm>> -> memref<128xi32, #tpu.memory_space<hbm>>
      tpu.wait_dma2 semaphore(%run_scoped3A_96 : memref<!tpu.dma_semaphore, #tpu.memory_space<semaphore_mem>>) src(%dma_wait3A_104 : memref<128xi32, #tpu.memory_space<hbm>>) dst(%arg11 : memref<128xi32, #tpu.memory_space<vmem>>)
      tpu.yield
    }) : () -> ()
    %add3A_77 = arith.constant 384 : i32
    %add3A_78 = arith.addi %mul3A_59, %add3A_77 : i32
    %run_scoped3A_79 = arith.constant 0 : i32
    "tpu.region"() ({
      %run_scoped3A_96 = tpu.sem_alloc : memref<!tpu.dma_semaphore, #tpu.memory_space<semaphore_mem>>
      %dma_start3A_97 = tpu.memref_slice %arg3[%run_scoped3A_79, %add3A_78] : memref<2x327680xi32, #tpu.memory_space<hbm>> -> memref<1x128xi32, #tpu.memory_space<hbm>>
      %dma_start3A_98 = tpu.memref_squeeze %dma_start3A_97 : memref<1x128xi32, #tpu.memory_space<hbm>> -> memref<128xi32, #tpu.memory_space<hbm>>
      %dma_start3A_99 = tpu.memref_slice %arg3[%run_scoped3A_79, %add3A_78] : memref<2x327680xi32, #tpu.memory_space<hbm>> -> memref<1x128xi32, #tpu.memory_space<hbm>>
      %dma_start3A_100 = tpu.memref_squeeze %dma_start3A_99 : memref<1x128xi32, #tpu.memory_space<hbm>> -> memref<128xi32, #tpu.memory_space<hbm>>
      tpu.enqueue_dma source(%dma_start3A_100 : memref<128xi32, #tpu.memory_space<hbm>>) target(%arg12 : memref<128xi32, #tpu.memory_space<vmem>>) target_semaphore(%run_scoped3A_96 : memref<!tpu.dma_semaphore, #tpu.memory_space<semaphore_mem>>)
      %dma_wait3A_101 = tpu.memref_slice %arg3[%run_scoped3A_79, %add3A_78] : memref<2x327680xi32, #tpu.memory_space<hbm>> -> memref<1x128xi32, #tpu.memory_space<hbm>>
      %dma_wait3A_102 = tpu.memref_squeeze %dma_wait3A_101 : memref<1x128xi32, #tpu.memory_space<hbm>> -> memref<128xi32, #tpu.memory_space<hbm>>
      %dma_wait3A_103 = tpu.memref_slice %arg3[%run_scoped3A_79, %add3A_78] : memref<2x327680xi32, #tpu.memory_space<hbm>> -> memref<1x128xi32, #tpu.memory_space<hbm>>
      %dma_wait3A_104 = tpu.memref_squeeze %dma_wait3A_103 : memref<1x128xi32, #tpu.memory_space<hbm>> -> memref<128xi32, #tpu.memory_space<hbm>>
      tpu.wait_dma2 semaphore(%run_scoped3A_96 : memref<!tpu.dma_semaphore, #tpu.memory_space<semaphore_mem>>) src(%dma_wait3A_104 : memref<128xi32, #tpu.memory_space<hbm>>) dst(%arg12 : memref<128xi32, #tpu.memory_space<vmem>>)
      tpu.yield
    }) : () -> ()
    %add3A_80 = arith.constant 384 : i32
    %add3A_81 = arith.addi %mul3A_59, %add3A_80 : i32
    %run_scoped3A_82 = arith.constant 1 : i32
    "tpu.region"() ({
      %run_scoped3A_96 = tpu.sem_alloc : memref<!tpu.dma_semaphore, #tpu.memory_space<semaphore_mem>>
      %dma_start3A_97 = tpu.memref_slice %arg3[%run_scoped3A_82, %add3A_81] : memref<2x327680xi32, #tpu.memory_space<hbm>> -> memref<1x128xi32, #tpu.memory_space<hbm>>
      %dma_start3A_98 = tpu.memref_squeeze %dma_start3A_97 : memref<1x128xi32, #tpu.memory_space<hbm>> -> memref<128xi32, #tpu.memory_space<hbm>>
      %dma_start3A_99 = tpu.memref_slice %arg3[%run_scoped3A_82, %add3A_81] : memref<2x327680xi32, #tpu.memory_space<hbm>> -> memref<1x128xi32, #tpu.memory_space<hbm>>
      %dma_start3A_100 = tpu.memref_squeeze %dma_start3A_99 : memref<1x128xi32, #tpu.memory_space<hbm>> -> memref<128xi32, #tpu.memory_space<hbm>>
      tpu.enqueue_dma source(%dma_start3A_100 : memref<128xi32, #tpu.memory_space<hbm>>) target(%arg13 : memref<128xi32, #tpu.memory_space<vmem>>) target_semaphore(%run_scoped3A_96 : memref<!tpu.dma_semaphore, #tpu.memory_space<semaphore_mem>>)
      %dma_wait3A_101 = tpu.memref_slice %arg3[%run_scoped3A_82, %add3A_81] : memref<2x327680xi32, #tpu.memory_space<hbm>> -> memref<1x128xi32, #tpu.memory_space<hbm>>
      %dma_wait3A_102 = tpu.memref_squeeze %dma_wait3A_101 : memref<1x128xi32, #tpu.memory_space<hbm>> -> memref<128xi32, #tpu.memory_space<hbm>>
      %dma_wait3A_103 = tpu.memref_slice %arg3[%run_scoped3A_82, %add3A_81] : memref<2x327680xi32, #tpu.memory_space<hbm>> -> memref<1x128xi32, #tpu.memory_space<hbm>>
      %dma_wait3A_104 = tpu.memref_squeeze %dma_wait3A_103 : memref<1x128xi32, #tpu.memory_space<hbm>> -> memref<128xi32, #tpu.memory_space<hbm>>
      tpu.wait_dma2 semaphore(%run_scoped3A_96 : memref<!tpu.dma_semaphore, #tpu.memory_space<semaphore_mem>>) src(%dma_wait3A_104 : memref<128xi32, #tpu.memory_space<hbm>>) dst(%arg13 : memref<128xi32, #tpu.memory_space<vmem>>)
      tpu.yield
    }) : () -> ()
    %dma_start3A_83 = arith.constant 0 : i32
    %dma_start3A_84 = arith.constant 0 : i32
    %dma_start3A_85 = tpu.memref_slice %arg2[%dma_start3A_83, %dma_start3A_84] : memref<10240x128xf32, #tpu.memory_space<hbm>> -> memref<10240x128xf32, #tpu.memory_space<hbm>>
    tpu.enqueue_indirect_dma source(%dma_start3A_85 : memref<10240x128xf32, #tpu.memory_space<hbm>>) target(%arg14 : memref<128x128xf32, #tpu.memory_space<vmem>>) offsets(%arg6 : memref<128xi32, #tpu.memory_space<vmem>>) semaphore(%arg18 : memref<!tpu.dma_semaphore, #tpu.memory_space<semaphore_mem>>)
    %dma_start3A_86 = arith.constant 0 : i32
    %dma_start3A_87 = arith.constant 0 : i32
    %dma_start3A_88 = tpu.memref_slice %arg2[%dma_start3A_86, %dma_start3A_87] : memref<10240x128xf32, #tpu.memory_space<hbm>> -> memref<10240x128xf32, #tpu.memory_space<hbm>>
    tpu.enqueue_indirect_dma source(%dma_start3A_88 : memref<10240x128xf32, #tpu.memory_space<hbm>>) target(%arg15 : memref<128x128xf32, #tpu.memory_space<vmem>>) offsets(%arg8 : memref<128xi32, #tpu.memory_space<vmem>>) semaphore(%arg19 : memref<!tpu.dma_semaphore, #tpu.memory_space<semaphore_mem>>)
    %scan3A_89 = arith.constant 0 : i32
    %scan3A_90 = arith.constant 0 : i32
    %scan3A_91 = arith.constant 10 : i32
    %scan3A_92 = arith.addi %scan3A_90, %scan3A_91 : i32
    %scan3A_93 = arith.constant 1 : i32
    scf.for %scan3A_96 = %scan3A_90 to %scan3A_92 step %scan3A_93  : i32 {
      %mul3A_97 = arith.constant 8 : i32
      %mul3A_98 = arith.muli %mul3A_97, %scan3A_96 : i32
      %add3A_99 = arith.constant 8 : i32
      %add3A_100 = arith.addi %mul3A_98, %add3A_99 : i32
      %lt3A = arith.constant 80 : i32
      %lt3A_101 = arith.cmpi slt, %add3A_100, %lt3A : i32
      %dma_wait3A_102 = arith.constant 0 : i32
      %dma_wait3A_103 = arith.constant 0 : i32
      %dma_wait3A_104 = tpu.memref_slice %arg2[%dma_wait3A_102, %dma_wait3A_103] : memref<10240x128xf32, #tpu.memory_space<hbm>> -> memref<10240x128xf32, #tpu.memory_space<hbm>>
      tpu.wait_indirect_dma semaphore(%arg18 : memref<!tpu.dma_semaphore, #tpu.memory_space<semaphore_mem>>) src(%dma_wait3A_104 : memref<10240x128xf32, #tpu.memory_space<hbm>>) dst(%arg14 : memref<128x128xf32, #tpu.memory_space<vmem>>)
      "tpu.region"() ({
        %run_scoped3A_282 = tpu.sem_alloc : memref<!tpu.dma_semaphore, #tpu.memory_space<semaphore_mem>>
        %dma_start3A_283 = arith.constant 0 : i32
        %dma_start3A_284 = arith.constant 0 : i32
        %dma_start3A_285 = tpu.memref_slice %arg5[%dma_start3A_283, %dma_start3A_284] : memref<10240x128xf32, #tpu.memory_space<vmem_shared>> -> memref<10240x128xf32, #tpu.memory_space<vmem_shared>>
        tpu.enqueue_indirect_dma source(%arg14 : memref<128x128xf32, #tpu.memory_space<vmem>>) target(%dma_start3A_285 : memref<10240x128xf32, #tpu.memory_space<vmem_shared>>) offsets(%arg7 : memref<128xi32, #tpu.memory_space<vmem>>) semaphore(%run_scoped3A_282 : memref<!tpu.dma_semaphore, #tpu.memory_space<semaphore_mem>>) {add = true}
        %dma_wait3A_286 = arith.constant 0 : i32
        %dma_wait3A_287 = arith.constant 0 : i32
        %dma_wait3A_288 = tpu.memref_slice %arg5[%dma_wait3A_286, %dma_wait3A_287] : memref<10240x128xf32, #tpu.memory_space<vmem_shared>> -> memref<10240x128xf32, #tpu.memory_space<vmem_shared>>
        tpu.wait_indirect_dma semaphore(%run_scoped3A_282 : memref<!tpu.dma_semaphore, #tpu.memory_space<semaphore_mem>>) src(%arg14 : memref<128x128xf32, #tpu.memory_space<vmem>>) dst(%dma_wait3A_288 : memref<10240x128xf32, #tpu.memory_space<vmem_shared>>)
        tpu.yield
      }) : () -> ()
      %dma_start3A_105 = arith.constant 0 : i32
      %dma_start3A_106 = arith.constant 0 : i32
      %dma_start3A_107 = tpu.memref_slice %arg2[%dma_start3A_105, %dma_start3A_106] : memref<10240x128xf32, #tpu.memory_space<hbm>> -> memref<10240x128xf32, #tpu.memory_space<hbm>>
      tpu.enqueue_indirect_dma source(%dma_start3A_107 : memref<10240x128xf32, #tpu.memory_space<hbm>>) target(%arg14 : memref<128x128xf32, #tpu.memory_space<vmem>>) offsets(%arg10 : memref<128xi32, #tpu.memory_space<vmem>>) semaphore(%arg18 : memref<!tpu.dma_semaphore, #tpu.memory_space<semaphore_mem>>)
      %add3A_108 = arith.constant 4 : i32
      %add3A_109 = arith.addi %mul3A_98, %add3A_108 : i32
      %mul3A_110 = arith.constant 128 : i32
      %mul3A_111 = arith.muli %add3A_109, %mul3A_110 : i32
      %add3A_112 = arith.addi %mul3A_59, %mul3A_111 : i32
      %dma_start3A_113 = arith.constant 0 : i32
      %dma_start3A_114 = tpu.memref_slice %arg3[%dma_start3A_113, %add3A_112] : memref<2x327680xi32, #tpu.memory_space<hbm>> -> memref<1x128xi32, #tpu.memory_space<hbm>>
      %dma_start3A_115 = tpu.memref_squeeze %dma_start3A_114 : memref<1x128xi32, #tpu.memory_space<hbm>> -> memref<128xi32, #tpu.memory_space<hbm>>
      %dma_start3A_116 = tpu.memref_slice %arg3[%dma_start3A_113, %add3A_112] : memref<2x327680xi32, #tpu.memory_space<hbm>> -> memref<1x128xi32, #tpu.memory_space<hbm>>
      %dma_start3A_117 = tpu.memref_squeeze %dma_start3A_116 : memref<1x128xi32, #tpu.memory_space<hbm>> -> memref<128xi32, #tpu.memory_space<hbm>>
      tpu.enqueue_dma source(%dma_start3A_117 : memref<128xi32, #tpu.memory_space<hbm>>) target(%arg6 : memref<128xi32, #tpu.memory_space<vmem>>) target_semaphore(%arg16 : memref<!tpu.dma_semaphore, #tpu.memory_space<semaphore_mem>>)
      %mul3A_118 = arith.constant 128 : i32
      %mul3A_119 = arith.muli %add3A_109, %mul3A_118 : i32
      %add3A_120 = arith.addi %mul3A_59, %mul3A_119 : i32
      %dma_start3A_121 = arith.constant 1 : i32
      %dma_start3A_122 = tpu.memref_slice %arg3[%dma_start3A_121, %add3A_120] : memref<2x327680xi32, #tpu.memory_space<hbm>> -> memref<1x128xi32, #tpu.memory_space<hbm>>
      %dma_start3A_123 = tpu.memref_squeeze %dma_start3A_122 : memref<1x128xi32, #tpu.memory_space<hbm>> -> memref<128xi32, #tpu.memory_space<hbm>>
      %dma_start3A_124 = tpu.memref_slice %arg3[%dma_start3A_121, %add3A_120] : memref<2x327680xi32, #tpu.memory_space<hbm>> -> memref<1x128xi32, #tpu.memory_space<hbm>>
      %dma_start3A_125 = tpu.memref_squeeze %dma_start3A_124 : memref<1x128xi32, #tpu.memory_space<hbm>> -> memref<128xi32, #tpu.memory_space<hbm>>
      tpu.enqueue_dma source(%dma_start3A_125 : memref<128xi32, #tpu.memory_space<hbm>>) target(%arg7 : memref<128xi32, #tpu.memory_space<vmem>>) target_semaphore(%arg16 : memref<!tpu.dma_semaphore, #tpu.memory_space<semaphore_mem>>)
      %dma_wait3A_126 = arith.constant 0 : i32
      %dma_wait3A_127 = arith.constant 0 : i32
      %dma_wait3A_128 = tpu.memref_slice %arg2[%dma_wait3A_126, %dma_wait3A_127] : memref<10240x128xf32, #tpu.memory_space<hbm>> -> memref<10240x128xf32, #tpu.memory_space<hbm>>
      tpu.wait_indirect_dma semaphore(%arg19 : memref<!tpu.dma_semaphore, #tpu.memory_space<semaphore_mem>>) src(%dma_wait3A_128 : memref<10240x128xf32, #tpu.memory_space<hbm>>) dst(%arg15 : memref<128x128xf32, #tpu.memory_space<vmem>>)
      "tpu.region"() ({
        %run_scoped3A_282 = tpu.sem_alloc : memref<!tpu.dma_semaphore, #tpu.memory_space<semaphore_mem>>
        %dma_start3A_283 = arith.constant 0 : i32
        %dma_start3A_284 = arith.constant 0 : i32
        %dma_start3A_285 = tpu.memref_slice %arg5[%dma_start3A_283, %dma_start3A_284] : memref<10240x128xf32, #tpu.memory_space<vmem_shared>> -> memref<10240x128xf32, #tpu.memory_space<vmem_shared>>
        tpu.enqueue_indirect_dma source(%arg15 : memref<128x128xf32, #tpu.memory_space<vmem>>) target(%dma_start3A_285 : memref<10240x128xf32, #tpu.memory_space<vmem_shared>>) offsets(%arg9 : memref<128xi32, #tpu.memory_space<vmem>>) semaphore(%run_scoped3A_282 : memref<!tpu.dma_semaphore, #tpu.memory_space<semaphore_mem>>) {add = true}
        %dma_wait3A_286 = arith.constant 0 : i32
        %dma_wait3A_287 = arith.constant 0 : i32
        %dma_wait3A_288 = tpu.memref_slice %arg5[%dma_wait3A_286, %dma_wait3A_287] : memref<10240x128xf32, #tpu.memory_space<vmem_shared>> -> memref<10240x128xf32, #tpu.memory_space<vmem_shared>>
        tpu.wait_indirect_dma semaphore(%run_scoped3A_282 : memref<!tpu.dma_semaphore, #tpu.memory_space<semaphore_mem>>) src(%arg15 : memref<128x128xf32, #tpu.memory_space<vmem>>) dst(%dma_wait3A_288 : memref<10240x128xf32, #tpu.memory_space<vmem_shared>>)
        tpu.yield
      }) : () -> ()
      %dma_start3A_129 = arith.constant 0 : i32
      %dma_start3A_130 = arith.constant 0 : i32
      %dma_start3A_131 = tpu.memref_slice %arg2[%dma_start3A_129, %dma_start3A_130] : memref<10240x128xf32, #tpu.memory_space<hbm>> -> memref<10240x128xf32, #tpu.memory_space<hbm>>
      tpu.enqueue_indirect_dma source(%dma_start3A_131 : memref<10240x128xf32, #tpu.memory_space<hbm>>) target(%arg15 : memref<128x128xf32, #tpu.memory_space<vmem>>) offsets(%arg12 : memref<128xi32, #tpu.memory_space<vmem>>) semaphore(%arg19 : memref<!tpu.dma_semaphore, #tpu.memory_space<semaphore_mem>>)
      %add3A_132 = arith.constant 5 : i32
      %add3A_133 = arith.addi %mul3A_98, %add3A_132 : i32
      %mul3A_134 = arith.constant 128 : i32
      %mul3A_135 = arith.muli %add3A_133, %mul3A_134 : i32
      %add3A_136 = arith.addi %mul3A_59, %mul3A_135 : i32
      %dma_start3A_137 = arith.constant 0 : i32
      %dma_start3A_138 = tpu.memref_slice %arg3[%dma_start3A_137, %add3A_136] : memref<2x327680xi32, #tpu.memory_space<hbm>> -> memref<1x128xi32, #tpu.memory_space<hbm>>
      %dma_start3A_139 = tpu.memref_squeeze %dma_start3A_138 : memref<1x128xi32, #tpu.memory_space<hbm>> -> memref<128xi32, #tpu.memory_space<hbm>>
      %dma_start3A_140 = tpu.memref_slice %arg3[%dma_start3A_137, %add3A_136] : memref<2x327680xi32, #tpu.memory_space<hbm>> -> memref<1x128xi32, #tpu.memory_space<hbm>>
      %dma_start3A_141 = tpu.memref_squeeze %dma_start3A_140 : memref<1x128xi32, #tpu.memory_space<hbm>> -> memref<128xi32, #tpu.memory_space<hbm>>
      tpu.enqueue_dma source(%dma_start3A_141 : memref<128xi32, #tpu.memory_space<hbm>>) target(%arg8 : memref<128xi32, #tpu.memory_space<vmem>>) target_semaphore(%arg16 : memref<!tpu.dma_semaphore, #tpu.memory_space<semaphore_mem>>)
      %mul3A_142 = arith.constant 128 : i32
      %mul3A_143 = arith.muli %add3A_133, %mul3A_142 : i32
      %add3A_144 = arith.addi %mul3A_59, %mul3A_143 : i32
      %dma_start3A_145 = arith.constant 1 : i32
      %dma_start3A_146 = tpu.memref_slice %arg3[%dma_start3A_145, %add3A_144] : memref<2x327680xi32, #tpu.memory_space<hbm>> -> memref<1x128xi32, #tpu.memory_space<hbm>>
      %dma_start3A_147 = tpu.memref_squeeze %dma_start3A_146 : memref<1x128xi32, #tpu.memory_space<hbm>> -> memref<128xi32, #tpu.memory_space<hbm>>
      %dma_start3A_148 = tpu.memref_slice %arg3[%dma_start3A_145, %add3A_144] : memref<2x327680xi32, #tpu.memory_space<hbm>> -> memref<1x128xi32, #tpu.memory_space<hbm>>
      %dma_start3A_149 = tpu.memref_squeeze %dma_start3A_148 : memref<1x128xi32, #tpu.memory_space<hbm>> -> memref<128xi32, #tpu.memory_space<hbm>>
      tpu.enqueue_dma source(%dma_start3A_149 : memref<128xi32, #tpu.memory_space<hbm>>) target(%arg9 : memref<128xi32, #tpu.memory_space<vmem>>) target_semaphore(%arg16 : memref<!tpu.dma_semaphore, #tpu.memory_space<semaphore_mem>>)
      %dma_wait3A_150 = arith.constant 0 : i32
      %dma_wait3A_151 = arith.constant 0 : i32
      %dma_wait3A_152 = tpu.memref_slice %arg2[%dma_wait3A_150, %dma_wait3A_151] : memref<10240x128xf32, #tpu.memory_space<hbm>> -> memref<10240x128xf32, #tpu.memory_space<hbm>>
      tpu.wait_indirect_dma semaphore(%arg18 : memref<!tpu.dma_semaphore, #tpu.memory_space<semaphore_mem>>) src(%dma_wait3A_152 : memref<10240x128xf32, #tpu.memory_space<hbm>>) dst(%arg14 : memref<128x128xf32, #tpu.memory_space<vmem>>)
      "tpu.region"() ({
        %run_scoped3A_282 = tpu.sem_alloc : memref<!tpu.dma_semaphore, #tpu.memory_space<semaphore_mem>>
        %dma_start3A_283 = arith.constant 0 : i32
        %dma_start3A_284 = arith.constant 0 : i32
        %dma_start3A_285 = tpu.memref_slice %arg5[%dma_start3A_283, %dma_start3A_284] : memref<10240x128xf32, #tpu.memory_space<vmem_shared>> -> memref<10240x128xf32, #tpu.memory_space<vmem_shared>>
        tpu.enqueue_indirect_dma source(%arg14 : memref<128x128xf32, #tpu.memory_space<vmem>>) target(%dma_start3A_285 : memref<10240x128xf32, #tpu.memory_space<vmem_shared>>) offsets(%arg11 : memref<128xi32, #tpu.memory_space<vmem>>) semaphore(%run_scoped3A_282 : memref<!tpu.dma_semaphore, #tpu.memory_space<semaphore_mem>>) {add = true}
        %dma_wait3A_286 = arith.constant 0 : i32
        %dma_wait3A_287 = arith.constant 0 : i32
        %dma_wait3A_288 = tpu.memref_slice %arg5[%dma_wait3A_286, %dma_wait3A_287] : memref<10240x128xf32, #tpu.memory_space<vmem_shared>> -> memref<10240x128xf32, #tpu.memory_space<vmem_shared>>
        tpu.wait_indirect_dma semaphore(%run_scoped3A_282 : memref<!tpu.dma_semaphore, #tpu.memory_space<semaphore_mem>>) src(%arg14 : memref<128x128xf32, #tpu.memory_space<vmem>>) dst(%dma_wait3A_288 : memref<10240x128xf32, #tpu.memory_space<vmem_shared>>)
        tpu.yield
      }) : () -> ()
      %add3A_153 = arith.constant 0 : i32
      %add3A_154 = arith.addi %mul3A_59, %add3A_153 : i32
      %dma_wait3A_155 = arith.constant 0 : i32
      %dma_wait3A_156 = tpu.memref_slice %arg3[%dma_wait3A_155, %add3A_154] : memref<2x327680xi32, #tpu.memory_space<hbm>> -> memref<1x128xi32, #tpu.memory_space<hbm>>
      %dma_wait3A_157 = tpu.memref_squeeze %dma_wait3A_156 : memref<1x128xi32, #tpu.memory_space<hbm>> -> memref<128xi32, #tpu.memory_space<hbm>>
      %dma_wait3A_158 = tpu.memref_slice %arg3[%dma_wait3A_155, %add3A_154] : memref<2x327680xi32, #tpu.memory_space<hbm>> -> memref<1x128xi32, #tpu.memory_space<hbm>>
      %dma_wait3A_159 = tpu.memref_squeeze %dma_wait3A_158 : memref<1x128xi32, #tpu.memory_space<hbm>> -> memref<128xi32, #tpu.memory_space<hbm>>
      tpu.wait_dma2 semaphore(%arg16 : memref<!tpu.dma_semaphore, #tpu.memory_space<semaphore_mem>>) src(%dma_wait3A_159 : memref<128xi32, #tpu.memory_space<hbm>>) dst(%arg6 : memref<128xi32, #tpu.memory_space<vmem>>)
      %add3A_160 = arith.constant 0 : i32
      %add3A_161 = arith.addi %mul3A_59, %add3A_160 : i32
      %dma_wait3A_162 = arith.constant 0 : i32
      %dma_wait3A_163 = tpu.memref_slice %arg3[%dma_wait3A_162, %add3A_161] : memref<2x327680xi32, #tpu.memory_space<hbm>> -> memref<1x128xi32, #tpu.memory_space<hbm>>
      %dma_wait3A_164 = tpu.memref_squeeze %dma_wait3A_163 : memref<1x128xi32, #tpu.memory_space<hbm>> -> memref<128xi32, #tpu.memory_space<hbm>>
      %dma_wait3A_165 = tpu.memref_slice %arg3[%dma_wait3A_162, %add3A_161] : memref<2x327680xi32, #tpu.memory_space<hbm>> -> memref<1x128xi32, #tpu.memory_space<hbm>>
      %dma_wait3A_166 = tpu.memref_squeeze %dma_wait3A_165 : memref<1x128xi32, #tpu.memory_space<hbm>> -> memref<128xi32, #tpu.memory_space<hbm>>
      tpu.wait_dma2 semaphore(%arg16 : memref<!tpu.dma_semaphore, #tpu.memory_space<semaphore_mem>>) src(%dma_wait3A_166 : memref<128xi32, #tpu.memory_space<hbm>>) dst(%arg6 : memref<128xi32, #tpu.memory_space<vmem>>)
      %add3A_167 = arith.constant 0 : i32
      %add3A_168 = arith.addi %mul3A_59, %add3A_167 : i32
      %dma_wait3A_169 = arith.constant 0 : i32
      %dma_wait3A_170 = tpu.memref_slice %arg3[%dma_wait3A_169, %add3A_168] : memref<2x327680xi32, #tpu.memory_space<hbm>> -> memref<1x128xi32, #tpu.memory_space<hbm>>
      %dma_wait3A_171 = tpu.memref_squeeze %dma_wait3A_170 : memref<1x128xi32, #tpu.memory_space<hbm>> -> memref<128xi32, #tpu.memory_space<hbm>>
      %dma_wait3A_172 = tpu.memref_slice %arg3[%dma_wait3A_169, %add3A_168] : memref<2x327680xi32, #tpu.memory_space<hbm>> -> memref<1x128xi32, #tpu.memory_space<hbm>>
      %dma_wait3A_173 = tpu.memref_squeeze %dma_wait3A_172 : memref<1x128xi32, #tpu.memory_space<hbm>> -> memref<128xi32, #tpu.memory_space<hbm>>
      tpu.wait_dma2 semaphore(%arg16 : memref<!tpu.dma_semaphore, #tpu.memory_space<semaphore_mem>>) src(%dma_wait3A_173 : memref<128xi32, #tpu.memory_space<hbm>>) dst(%arg6 : memref<128xi32, #tpu.memory_space<vmem>>)
      %add3A_174 = arith.constant 0 : i32
      %add3A_175 = arith.addi %mul3A_59, %add3A_174 : i32
      %dma_wait3A_176 = arith.constant 0 : i32
      %dma_wait3A_177 = tpu.memref_slice %arg3[%dma_wait3A_176, %add3A_175] : memref<2x327680xi32, #tpu.memory_space<hbm>> -> memref<1x128xi32, #tpu.memory_space<hbm>>
      %dma_wait3A_178 = tpu.memref_squeeze %dma_wait3A_177 : memref<1x128xi32, #tpu.memory_space<hbm>> -> memref<128xi32, #tpu.memory_space<hbm>>
      %dma_wait3A_179 = tpu.memref_slice %arg3[%dma_wait3A_176, %add3A_175] : memref<2x327680xi32, #tpu.memory_space<hbm>> -> memref<1x128xi32, #tpu.memory_space<hbm>>
      %dma_wait3A_180 = tpu.memref_squeeze %dma_wait3A_179 : memref<1x128xi32, #tpu.memory_space<hbm>> -> memref<128xi32, #tpu.memory_space<hbm>>
      tpu.wait_dma2 semaphore(%arg16 : memref<!tpu.dma_semaphore, #tpu.memory_space<semaphore_mem>>) src(%dma_wait3A_180 : memref<128xi32, #tpu.memory_space<hbm>>) dst(%arg6 : memref<128xi32, #tpu.memory_space<vmem>>)
      %dma_start3A_181 = arith.constant 0 : i32
      %dma_start3A_182 = arith.constant 0 : i32
      %dma_start3A_183 = tpu.memref_slice %arg2[%dma_start3A_181, %dma_start3A_182] : memref<10240x128xf32, #tpu.memory_space<hbm>> -> memref<10240x128xf32, #tpu.memory_space<hbm>>
      tpu.enqueue_indirect_dma source(%dma_start3A_183 : memref<10240x128xf32, #tpu.memory_space<hbm>>) target(%arg14 : memref<128x128xf32, #tpu.memory_space<vmem>>) offsets(%arg6 : memref<128xi32, #tpu.memory_space<vmem>>) semaphore(%arg18 : memref<!tpu.dma_semaphore, #tpu.memory_space<semaphore_mem>>)
      %add3A_184 = arith.constant 6 : i32
      %add3A_185 = arith.addi %mul3A_98, %add3A_184 : i32
      %mul3A_186 = arith.constant 128 : i32
      %mul3A_187 = arith.muli %add3A_185, %mul3A_186 : i32
      %add3A_188 = arith.addi %mul3A_59, %mul3A_187 : i32
      %dma_start3A_189 = arith.constant 0 : i32
      %dma_start3A_190 = tpu.memref_slice %arg3[%dma_start3A_189, %add3A_188] : memref<2x327680xi32, #tpu.memory_space<hbm>> -> memref<1x128xi32, #tpu.memory_space<hbm>>
      %dma_start3A_191 = tpu.memref_squeeze %dma_start3A_190 : memref<1x128xi32, #tpu.memory_space<hbm>> -> memref<128xi32, #tpu.memory_space<hbm>>
      %dma_start3A_192 = tpu.memref_slice %arg3[%dma_start3A_189, %add3A_188] : memref<2x327680xi32, #tpu.memory_space<hbm>> -> memref<1x128xi32, #tpu.memory_space<hbm>>
      %dma_start3A_193 = tpu.memref_squeeze %dma_start3A_192 : memref<1x128xi32, #tpu.memory_space<hbm>> -> memref<128xi32, #tpu.memory_space<hbm>>
      tpu.enqueue_dma source(%dma_start3A_193 : memref<128xi32, #tpu.memory_space<hbm>>) target(%arg10 : memref<128xi32, #tpu.memory_space<vmem>>) target_semaphore(%arg17 : memref<!tpu.dma_semaphore, #tpu.memory_space<semaphore_mem>>)
      %mul3A_194 = arith.constant 128 : i32
      %mul3A_195 = arith.muli %add3A_185, %mul3A_194 : i32
      %add3A_196 = arith.addi %mul3A_59, %mul3A_195 : i32
      %dma_start3A_197 = arith.constant 1 : i32
      %dma_start3A_198 = tpu.memref_slice %arg3[%dma_start3A_197, %add3A_196] : memref<2x327680xi32, #tpu.memory_space<hbm>> -> memref<1x128xi32, #tpu.memory_space<hbm>>
      %dma_start3A_199 = tpu.memref_squeeze %dma_start3A_198 : memref<1x128xi32, #tpu.memory_space<hbm>> -> memref<128xi32, #tpu.memory_space<hbm>>
      %dma_start3A_200 = tpu.memref_slice %arg3[%dma_start3A_197, %add3A_196] : memref<2x327680xi32, #tpu.memory_space<hbm>> -> memref<1x128xi32, #tpu.memory_space<hbm>>
      %dma_start3A_201 = tpu.memref_squeeze %dma_start3A_200 : memref<1x128xi32, #tpu.memory_space<hbm>> -> memref<128xi32, #tpu.memory_space<hbm>>
      tpu.enqueue_dma source(%dma_start3A_201 : memref<128xi32, #tpu.memory_space<hbm>>) target(%arg11 : memref<128xi32, #tpu.memory_space<vmem>>) target_semaphore(%arg17 : memref<!tpu.dma_semaphore, #tpu.memory_space<semaphore_mem>>)
      %dma_wait3A_202 = arith.constant 0 : i32
      %dma_wait3A_203 = arith.constant 0 : i32
      %dma_wait3A_204 = tpu.memref_slice %arg2[%dma_wait3A_202, %dma_wait3A_203] : memref<10240x128xf32, #tpu.memory_space<hbm>> -> memref<10240x128xf32, #tpu.memory_space<hbm>>
      tpu.wait_indirect_dma semaphore(%arg19 : memref<!tpu.dma_semaphore, #tpu.memory_space<semaphore_mem>>) src(%dma_wait3A_204 : memref<10240x128xf32, #tpu.memory_space<hbm>>) dst(%arg15 : memref<128x128xf32, #tpu.memory_space<vmem>>)
      "tpu.region"() ({
        %run_scoped3A_282 = tpu.sem_alloc : memref<!tpu.dma_semaphore, #tpu.memory_space<semaphore_mem>>
        %dma_start3A_283 = arith.constant 0 : i32
        %dma_start3A_284 = arith.constant 0 : i32
        %dma_start3A_285 = tpu.memref_slice %arg5[%dma_start3A_283, %dma_start3A_284] : memref<10240x128xf32, #tpu.memory_space<vmem_shared>> -> memref<10240x128xf32, #tpu.memory_space<vmem_shared>>
        tpu.enqueue_indirect_dma source(%arg15 : memref<128x128xf32, #tpu.memory_space<vmem>>) target(%dma_start3A_285 : memref<10240x128xf32, #tpu.memory_space<vmem_shared>>) offsets(%arg13 : memref<128xi32, #tpu.memory_space<vmem>>) semaphore(%run_scoped3A_282 : memref<!tpu.dma_semaphore, #tpu.memory_space<semaphore_mem>>) {add = true}
        %dma_wait3A_286 = arith.constant 0 : i32
        %dma_wait3A_287 = arith.constant 0 : i32
        %dma_wait3A_288 = tpu.memref_slice %arg5[%dma_wait3A_286, %dma_wait3A_287] : memref<10240x128xf32, #tpu.memory_space<vmem_shared>> -> memref<10240x128xf32, #tpu.memory_space<vmem_shared>>
        tpu.wait_indirect_dma semaphore(%run_scoped3A_282 : memref<!tpu.dma_semaphore, #tpu.memory_space<semaphore_mem>>) src(%arg15 : memref<128x128xf32, #tpu.memory_space<vmem>>) dst(%dma_wait3A_288 : memref<10240x128xf32, #tpu.memory_space<vmem_shared>>)
        tpu.yield
      }) : () -> ()
      %dma_start3A_205 = arith.constant 0 : i32
      %dma_start3A_206 = arith.constant 0 : i32
      %dma_start3A_207 = tpu.memref_slice %arg2[%dma_start3A_205, %dma_start3A_206] : memref<10240x128xf32, #tpu.memory_space<hbm>> -> memref<10240x128xf32, #tpu.memory_space<hbm>>
      tpu.enqueue_indirect_dma source(%dma_start3A_207 : memref<10240x128xf32, #tpu.memory_space<hbm>>) target(%arg15 : memref<128x128xf32, #tpu.memory_space<vmem>>) offsets(%arg8 : memref<128xi32, #tpu.memory_space<vmem>>) semaphore(%arg19 : memref<!tpu.dma_semaphore, #tpu.memory_space<semaphore_mem>>)
      %add3A_208 = arith.constant 7 : i32
      %add3A_209 = arith.addi %mul3A_98, %add3A_208 : i32
      %mul3A_210 = arith.constant 128 : i32
      %mul3A_211 = arith.muli %add3A_209, %mul3A_210 : i32
      %add3A_212 = arith.addi %mul3A_59, %mul3A_211 : i32
      %dma_start3A_213 = arith.constant 0 : i32
      %dma_start3A_214 = tpu.memref_slice %arg3[%dma_start3A_213, %add3A_212] : memref<2x327680xi32, #tpu.memory_space<hbm>> -> memref<1x128xi32, #tpu.memory_space<hbm>>
      %dma_start3A_215 = tpu.memref_squeeze %dma_start3A_214 : memref<1x128xi32, #tpu.memory_space<hbm>> -> memref<128xi32, #tpu.memory_space<hbm>>
      %dma_start3A_216 = tpu.memref_slice %arg3[%dma_start3A_213, %add3A_212] : memref<2x327680xi32, #tpu.memory_space<hbm>> -> memref<1x128xi32, #tpu.memory_space<hbm>>
      %dma_start3A_217 = tpu.memref_squeeze %dma_start3A_216 : memref<1x128xi32, #tpu.memory_space<hbm>> -> memref<128xi32, #tpu.memory_space<hbm>>
      tpu.enqueue_dma source(%dma_start3A_217 : memref<128xi32, #tpu.memory_space<hbm>>) target(%arg12 : memref<128xi32, #tpu.memory_space<vmem>>) target_semaphore(%arg17 : memref<!tpu.dma_semaphore, #tpu.memory_space<semaphore_mem>>)
      %mul3A_218 = arith.constant 128 : i32
      %mul3A_219 = arith.muli %add3A_209, %mul3A_218 : i32
      %add3A_220 = arith.addi %mul3A_59, %mul3A_219 : i32
      %dma_start3A_221 = arith.constant 1 : i32
      %dma_start3A_222 = tpu.memref_slice %arg3[%dma_start3A_221, %add3A_220] : memref<2x327680xi32, #tpu.memory_space<hbm>> -> memref<1x128xi32, #tpu.memory_space<hbm>>
      %dma_start3A_223 = tpu.memref_squeeze %dma_start3A_222 : memref<1x128xi32, #tpu.memory_space<hbm>> -> memref<128xi32, #tpu.memory_space<hbm>>
      %dma_start3A_224 = tpu.memref_slice %arg3[%dma_start3A_221, %add3A_220] : memref<2x327680xi32, #tpu.memory_space<hbm>> -> memref<1x128xi32, #tpu.memory_space<hbm>>
      %dma_start3A_225 = tpu.memref_squeeze %dma_start3A_224 : memref<1x128xi32, #tpu.memory_space<hbm>> -> memref<128xi32, #tpu.memory_space<hbm>>
      tpu.enqueue_dma source(%dma_start3A_225 : memref<128xi32, #tpu.memory_space<hbm>>) target(%arg13 : memref<128xi32, #tpu.memory_space<vmem>>) target_semaphore(%arg17 : memref<!tpu.dma_semaphore, #tpu.memory_space<semaphore_mem>>)
      %dma_wait3A_226 = arith.constant 0 : i32
      %dma_wait3A_227 = arith.constant 0 : i32
      %dma_wait3A_228 = tpu.memref_slice %arg2[%dma_wait3A_226, %dma_wait3A_227] : memref<10240x128xf32, #tpu.memory_space<hbm>> -> memref<10240x128xf32, #tpu.memory_space<hbm>>
      tpu.wait_indirect_dma semaphore(%arg18 : memref<!tpu.dma_semaphore, #tpu.memory_space<semaphore_mem>>) src(%dma_wait3A_228 : memref<10240x128xf32, #tpu.memory_space<hbm>>) dst(%arg14 : memref<128x128xf32, #tpu.memory_space<vmem>>)
      "tpu.region"() ({
        %run_scoped3A_282 = tpu.sem_alloc : memref<!tpu.dma_semaphore, #tpu.memory_space<semaphore_mem>>
        %dma_start3A_283 = arith.constant 0 : i32
        %dma_start3A_284 = arith.constant 0 : i32
        %dma_start3A_285 = tpu.memref_slice %arg5[%dma_start3A_283, %dma_start3A_284] : memref<10240x128xf32, #tpu.memory_space<vmem_shared>> -> memref<10240x128xf32, #tpu.memory_space<vmem_shared>>
        tpu.enqueue_indirect_dma source(%arg14 : memref<128x128xf32, #tpu.memory_space<vmem>>) target(%dma_start3A_285 : memref<10240x128xf32, #tpu.memory_space<vmem_shared>>) offsets(%arg7 : memref<128xi32, #tpu.memory_space<vmem>>) semaphore(%run_scoped3A_282 : memref<!tpu.dma_semaphore, #tpu.memory_space<semaphore_mem>>) {add = true}
        %dma_wait3A_286 = arith.constant 0 : i32
        %dma_wait3A_287 = arith.constant 0 : i32
        %dma_wait3A_288 = tpu.memref_slice %arg5[%dma_wait3A_286, %dma_wait3A_287] : memref<10240x128xf32, #tpu.memory_space<vmem_shared>> -> memref<10240x128xf32, #tpu.memory_space<vmem_shared>>
        tpu.wait_indirect_dma semaphore(%run_scoped3A_282 : memref<!tpu.dma_semaphore, #tpu.memory_space<semaphore_mem>>) src(%arg14 : memref<128x128xf32, #tpu.memory_space<vmem>>) dst(%dma_wait3A_288 : memref<10240x128xf32, #tpu.memory_space<vmem_shared>>)
        tpu.yield
      }) : () -> ()
      %convert_element_type3A = arith.extui %lt3A_101 : i1 to i32
      %cond3A = arith.constant 0 : i32
      %cond3A_229 = arith.cmpi ne, %convert_element_type3A, %cond3A : i32
      scf.if %cond3A_229 {
        %add3A_282 = arith.constant 8 : i32
        %add3A_283 = arith.addi %mul3A_98, %add3A_282 : i32
        %mul3A_284 = arith.constant 128 : i32
        %mul3A_285 = arith.muli %add3A_283, %mul3A_284 : i32
        %add3A_286 = arith.addi %mul3A_59, %mul3A_285 : i32
        %dma_start3A_287 = arith.constant 0 : i32
        %dma_start3A_288 = tpu.memref_slice %arg3[%dma_start3A_287, %add3A_286] : memref<2x327680xi32, #tpu.memory_space<hbm>> -> memref<1x128xi32, #tpu.memory_space<hbm>>
        %dma_start3A_289 = tpu.memref_squeeze %dma_start3A_288 : memref<1x128xi32, #tpu.memory_space<hbm>> -> memref<128xi32, #tpu.memory_space<hbm>>
        %dma_start3A_290 = tpu.memref_slice %arg3[%dma_start3A_287, %add3A_286] : memref<2x327680xi32, #tpu.memory_space<hbm>> -> memref<1x128xi32, #tpu.memory_space<hbm>>
        %dma_start3A_291 = tpu.memref_squeeze %dma_start3A_290 : memref<1x128xi32, #tpu.memory_space<hbm>> -> memref<128xi32, #tpu.memory_space<hbm>>
        tpu.enqueue_dma source(%dma_start3A_291 : memref<128xi32, #tpu.memory_space<hbm>>) target(%arg6 : memref<128xi32, #tpu.memory_space<vmem>>) target_semaphore(%arg16 : memref<!tpu.dma_semaphore, #tpu.memory_space<semaphore_mem>>)
        %mul3A_292 = arith.constant 128 : i32
        %mul3A_293 = arith.muli %add3A_283, %mul3A_292 : i32
        %add3A_294 = arith.addi %mul3A_59, %mul3A_293 : i32
        %dma_start3A_295 = arith.constant 1 : i32
        %dma_start3A_296 = tpu.memref_slice %arg3[%dma_start3A_295, %add3A_294] : memref<2x327680xi32, #tpu.memory_space<hbm>> -> memref<1x128xi32, #tpu.memory_space<hbm>>
        %dma_start3A_297 = tpu.memref_squeeze %dma_start3A_296 : memref<1x128xi32, #tpu.memory_space<hbm>> -> memref<128xi32, #tpu.memory_space<hbm>>
        %dma_start3A_298 = tpu.memref_slice %arg3[%dma_start3A_295, %add3A_294] : memref<2x327680xi32, #tpu.memory_space<hbm>> -> memref<1x128xi32, #tpu.memory_space<hbm>>
        %dma_start3A_299 = tpu.memref_squeeze %dma_start3A_298 : memref<1x128xi32, #tpu.memory_space<hbm>> -> memref<128xi32, #tpu.memory_space<hbm>>
        tpu.enqueue_dma source(%dma_start3A_299 : memref<128xi32, #tpu.memory_space<hbm>>) target(%arg7 : memref<128xi32, #tpu.memory_space<vmem>>) target_semaphore(%arg16 : memref<!tpu.dma_semaphore, #tpu.memory_space<semaphore_mem>>)
      } else {
      }
      %add3A_230 = arith.constant 0 : i32
      %add3A_231 = arith.addi %mul3A_59, %add3A_230 : i32
      %dma_wait3A_232 = arith.constant 0 : i32
      %dma_wait3A_233 = tpu.memref_slice %arg3[%dma_wait3A_232, %add3A_231] : memref<2x327680xi32, #tpu.memory_space<hbm>> -> memref<1x128xi32, #tpu.memory_space<hbm>>
      %dma_wait3A_234 = tpu.memref_squeeze %dma_wait3A_233 : memref<1x128xi32, #tpu.memory_space<hbm>> -> memref<128xi32, #tpu.memory_space<hbm>>
      %dma_wait3A_235 = tpu.memref_slice %arg3[%dma_wait3A_232, %add3A_231] : memref<2x327680xi32, #tpu.memory_space<hbm>> -> memref<1x128xi32, #tpu.memory_space<hbm>>
      %dma_wait3A_236 = tpu.memref_squeeze %dma_wait3A_235 : memref<1x128xi32, #tpu.memory_space<hbm>> -> memref<128xi32, #tpu.memory_space<hbm>>
      tpu.wait_dma2 semaphore(%arg17 : memref<!tpu.dma_semaphore, #tpu.memory_space<semaphore_mem>>) src(%dma_wait3A_236 : memref<128xi32, #tpu.memory_space<hbm>>) dst(%arg6 : memref<128xi32, #tpu.memory_space<vmem>>)
      %add3A_237 = arith.constant 0 : i32
      %add3A_238 = arith.addi %mul3A_59, %add3A_237 : i32
      %dma_wait3A_239 = arith.constant 0 : i32
      %dma_wait3A_240 = tpu.memref_slice %arg3[%dma_wait3A_239, %add3A_238] : memref<2x327680xi32, #tpu.memory_space<hbm>> -> memref<1x128xi32, #tpu.memory_space<hbm>>
      %dma_wait3A_241 = tpu.memref_squeeze %dma_wait3A_240 : memref<1x128xi32, #tpu.memory_space<hbm>> -> memref<128xi32, #tpu.memory_space<hbm>>
      %dma_wait3A_242 = tpu.memref_slice %arg3[%dma_wait3A_239, %add3A_238] : memref<2x327680xi32, #tpu.memory_space<hbm>> -> memref<1x128xi32, #tpu.memory_space<hbm>>
      %dma_wait3A_243 = tpu.memref_squeeze %dma_wait3A_242 : memref<1x128xi32, #tpu.memory_space<hbm>> -> memref<128xi32, #tpu.memory_space<hbm>>
      tpu.wait_dma2 semaphore(%arg17 : memref<!tpu.dma_semaphore, #tpu.memory_space<semaphore_mem>>) src(%dma_wait3A_243 : memref<128xi32, #tpu.memory_space<hbm>>) dst(%arg6 : memref<128xi32, #tpu.memory_space<vmem>>)
      %add3A_244 = arith.constant 0 : i32
      %add3A_245 = arith.addi %mul3A_59, %add3A_244 : i32
      %dma_wait3A_246 = arith.constant 0 : i32
      %dma_wait3A_247 = tpu.memref_slice %arg3[%dma_wait3A_246, %add3A_245] : memref<2x327680xi32, #tpu.memory_space<hbm>> -> memref<1x128xi32, #tpu.memory_space<hbm>>
      %dma_wait3A_248 = tpu.memref_squeeze %dma_wait3A_247 : memref<1x128xi32, #tpu.memory_space<hbm>> -> memref<128xi32, #tpu.memory_space<hbm>>
      %dma_wait3A_249 = tpu.memref_slice %arg3[%dma_wait3A_246, %add3A_245] : memref<2x327680xi32, #tpu.memory_space<hbm>> -> memref<1x128xi32, #tpu.memory_space<hbm>>
      %dma_wait3A_250 = tpu.memref_squeeze %dma_wait3A_249 : memref<1x128xi32, #tpu.memory_space<hbm>> -> memref<128xi32, #tpu.memory_space<hbm>>
      tpu.wait_dma2 semaphore(%arg17 : memref<!tpu.dma_semaphore, #tpu.memory_space<semaphore_mem>>) src(%dma_wait3A_250 : memref<128xi32, #tpu.memory_space<hbm>>) dst(%arg6 : memref<128xi32, #tpu.memory_space<vmem>>)
      %add3A_251 = arith.constant 0 : i32
      %add3A_252 = arith.addi %mul3A_59, %add3A_251 : i32
      %dma_wait3A_253 = arith.constant 0 : i32
      %dma_wait3A_254 = tpu.memref_slice %arg3[%dma_wait3A_253, %add3A_252] : memref<2x327680xi32, #tpu.memory_space<hbm>> -> memref<1x128xi32, #tpu.memory_space<hbm>>
      %dma_wait3A_255 = tpu.memref_squeeze %dma_wait3A_254 : memref<1x128xi32, #tpu.memory_space<hbm>> -> memref<128xi32, #tpu.memory_space<hbm>>
      %dma_wait3A_256 = tpu.memref_slice %arg3[%dma_wait3A_253, %add3A_252] : memref<2x327680xi32, #tpu.memory_space<hbm>> -> memref<1x128xi32, #tpu.memory_space<hbm>>
      %dma_wait3A_257 = tpu.memref_squeeze %dma_wait3A_256 : memref<1x128xi32, #tpu.memory_space<hbm>> -> memref<128xi32, #tpu.memory_space<hbm>>
      tpu.wait_dma2 semaphore(%arg17 : memref<!tpu.dma_semaphore, #tpu.memory_space<semaphore_mem>>) src(%dma_wait3A_257 : memref<128xi32, #tpu.memory_space<hbm>>) dst(%arg6 : memref<128xi32, #tpu.memory_space<vmem>>)
      %dma_start3A_258 = arith.constant 0 : i32
      %dma_start3A_259 = arith.constant 0 : i32
      %dma_start3A_260 = tpu.memref_slice %arg2[%dma_start3A_258, %dma_start3A_259] : memref<10240x128xf32, #tpu.memory_space<hbm>> -> memref<10240x128xf32, #tpu.memory_space<hbm>>
      tpu.enqueue_indirect_dma source(%dma_start3A_260 : memref<10240x128xf32, #tpu.memory_space<hbm>>) target(%arg14 : memref<128x128xf32, #tpu.memory_space<vmem>>) offsets(%arg10 : memref<128xi32, #tpu.memory_space<vmem>>) semaphore(%arg18 : memref<!tpu.dma_semaphore, #tpu.memory_space<semaphore_mem>>)
      %dma_wait3A_261 = arith.constant 0 : i32
      %dma_wait3A_262 = arith.constant 0 : i32
      %dma_wait3A_263 = tpu.memref_slice %arg2[%dma_wait3A_261, %dma_wait3A_262] : memref<10240x128xf32, #tpu.memory_space<hbm>> -> memref<10240x128xf32, #tpu.memory_space<hbm>>
      tpu.wait_indirect_dma semaphore(%arg19 : memref<!tpu.dma_semaphore, #tpu.memory_space<semaphore_mem>>) src(%dma_wait3A_263 : memref<10240x128xf32, #tpu.memory_space<hbm>>) dst(%arg15 : memref<128x128xf32, #tpu.memory_space<vmem>>)
      "tpu.region"() ({
        %run_scoped3A_282 = tpu.sem_alloc : memref<!tpu.dma_semaphore, #tpu.memory_space<semaphore_mem>>
        %dma_start3A_283 = arith.constant 0 : i32
        %dma_start3A_284 = arith.constant 0 : i32
        %dma_start3A_285 = tpu.memref_slice %arg5[%dma_start3A_283, %dma_start3A_284] : memref<10240x128xf32, #tpu.memory_space<vmem_shared>> -> memref<10240x128xf32, #tpu.memory_space<vmem_shared>>
        tpu.enqueue_indirect_dma source(%arg15 : memref<128x128xf32, #tpu.memory_space<vmem>>) target(%dma_start3A_285 : memref<10240x128xf32, #tpu.memory_space<vmem_shared>>) offsets(%arg9 : memref<128xi32, #tpu.memory_space<vmem>>) semaphore(%run_scoped3A_282 : memref<!tpu.dma_semaphore, #tpu.memory_space<semaphore_mem>>) {add = true}
        %dma_wait3A_286 = arith.constant 0 : i32
        %dma_wait3A_287 = arith.constant 0 : i32
        %dma_wait3A_288 = tpu.memref_slice %arg5[%dma_wait3A_286, %dma_wait3A_287] : memref<10240x128xf32, #tpu.memory_space<vmem_shared>> -> memref<10240x128xf32, #tpu.memory_space<vmem_shared>>
        tpu.wait_indirect_dma semaphore(%run_scoped3A_282 : memref<!tpu.dma_semaphore, #tpu.memory_space<semaphore_mem>>) src(%arg15 : memref<128x128xf32, #tpu.memory_space<vmem>>) dst(%dma_wait3A_288 : memref<10240x128xf32, #tpu.memory_space<vmem_shared>>)
        tpu.yield
      }) : () -> ()
      %convert_element_type3A_264 = arith.extui %lt3A_101 : i1 to i32
      %cond3A_265 = arith.constant 0 : i32
      %cond3A_266 = arith.cmpi ne, %convert_element_type3A_264, %cond3A_265 : i32
      scf.if %cond3A_266 {
        %add3A_282 = arith.constant 9 : i32
        %add3A_283 = arith.addi %mul3A_98, %add3A_282 : i32
        %mul3A_284 = arith.constant 128 : i32
        %mul3A_285 = arith.muli %add3A_283, %mul3A_284 : i32
        %add3A_286 = arith.addi %mul3A_59, %mul3A_285 : i32
        %dma_start3A_287 = arith.constant 0 : i32
        %dma_start3A_288 = tpu.memref_slice %arg3[%dma_start3A_287, %add3A_286] : memref<2x327680xi32, #tpu.memory_space<hbm>> -> memref<1x128xi32, #tpu.memory_space<hbm>>
        %dma_start3A_289 = tpu.memref_squeeze %dma_start3A_288 : memref<1x128xi32, #tpu.memory_space<hbm>> -> memref<128xi32, #tpu.memory_space<hbm>>
        %dma_start3A_290 = tpu.memref_slice %arg3[%dma_start3A_287, %add3A_286] : memref<2x327680xi32, #tpu.memory_space<hbm>> -> memref<1x128xi32, #tpu.memory_space<hbm>>
        %dma_start3A_291 = tpu.memref_squeeze %dma_start3A_290 : memref<1x128xi32, #tpu.memory_space<hbm>> -> memref<128xi32, #tpu.memory_space<hbm>>
        tpu.enqueue_dma source(%dma_start3A_291 : memref<128xi32, #tpu.memory_space<hbm>>) target(%arg8 : memref<128xi32, #tpu.memory_space<vmem>>) target_semaphore(%arg16 : memref<!tpu.dma_semaphore, #tpu.memory_space<semaphore_mem>>)
        %mul3A_292 = arith.constant 128 : i32
        %mul3A_293 = arith.muli %add3A_283, %mul3A_292 : i32
        %add3A_294 = arith.addi %mul3A_59, %mul3A_293 : i32
        %dma_start3A_295 = arith.constant 1 : i32
        %dma_start3A_296 = tpu.memref_slice %arg3[%dma_start3A_295, %add3A_294] : memref<2x327680xi32, #tpu.memory_space<hbm>> -> memref<1x128xi32, #tpu.memory_space<hbm>>
        %dma_start3A_297 = tpu.memref_squeeze %dma_start3A_296 : memref<1x128xi32, #tpu.memory_space<hbm>> -> memref<128xi32, #tpu.memory_space<hbm>>
        %dma_start3A_298 = tpu.memref_slice %arg3[%dma_start3A_295, %add3A_294] : memref<2x327680xi32, #tpu.memory_space<hbm>> -> memref<1x128xi32, #tpu.memory_space<hbm>>
        %dma_start3A_299 = tpu.memref_squeeze %dma_start3A_298 : memref<1x128xi32, #tpu.memory_space<hbm>> -> memref<128xi32, #tpu.memory_space<hbm>>
        tpu.enqueue_dma source(%dma_start3A_299 : memref<128xi32, #tpu.memory_space<hbm>>) target(%arg9 : memref<128xi32, #tpu.memory_space<vmem>>) target_semaphore(%arg16 : memref<!tpu.dma_semaphore, #tpu.memory_space<semaphore_mem>>)
      } else {
      }
      %dma_start3A_267 = arith.constant 0 : i32
      %dma_start3A_268 = arith.constant 0 : i32
      %dma_start3A_269 = tpu.memref_slice %arg2[%dma_start3A_267, %dma_start3A_268] : memref<10240x128xf32, #tpu.memory_space<hbm>> -> memref<10240x128xf32, #tpu.memory_space<hbm>>
      tpu.enqueue_indirect_dma source(%dma_start3A_269 : memref<10240x128xf32, #tpu.memory_space<hbm>>) target(%arg15 : memref<128x128xf32, #tpu.memory_space<vmem>>) offsets(%arg12 : memref<128xi32, #tpu.memory_space<vmem>>) semaphore(%arg19 : memref<!tpu.dma_semaphore, #tpu.memory_space<semaphore_mem>>)
      %dma_wait3A_270 = arith.constant 0 : i32
      %dma_wait3A_271 = arith.constant 0 : i32
      %dma_wait3A_272 = tpu.memref_slice %arg2[%dma_wait3A_270, %dma_wait3A_271] : memref<10240x128xf32, #tpu.memory_space<hbm>> -> memref<10240x128xf32, #tpu.memory_space<hbm>>
      tpu.wait_indirect_dma semaphore(%arg18 : memref<!tpu.dma_semaphore, #tpu.memory_space<semaphore_mem>>) src(%dma_wait3A_272 : memref<10240x128xf32, #tpu.memory_space<hbm>>) dst(%arg14 : memref<128x128xf32, #tpu.memory_space<vmem>>)
      "tpu.region"() ({
        %run_scoped3A_282 = tpu.sem_alloc : memref<!tpu.dma_semaphore, #tpu.memory_space<semaphore_mem>>
        %dma_start3A_283 = arith.constant 0 : i32
        %dma_start3A_284 = arith.constant 0 : i32
        %dma_start3A_285 = tpu.memref_slice %arg5[%dma_start3A_283, %dma_start3A_284] : memref<10240x128xf32, #tpu.memory_space<vmem_shared>> -> memref<10240x128xf32, #tpu.memory_space<vmem_shared>>
        tpu.enqueue_indirect_dma source(%arg14 : memref<128x128xf32, #tpu.memory_space<vmem>>) target(%dma_start3A_285 : memref<10240x128xf32, #tpu.memory_space<vmem_shared>>) offsets(%arg11 : memref<128xi32, #tpu.memory_space<vmem>>) semaphore(%run_scoped3A_282 : memref<!tpu.dma_semaphore, #tpu.memory_space<semaphore_mem>>) {add = true}
        %dma_wait3A_286 = arith.constant 0 : i32
        %dma_wait3A_287 = arith.constant 0 : i32
        %dma_wait3A_288 = tpu.memref_slice %arg5[%dma_wait3A_286, %dma_wait3A_287] : memref<10240x128xf32, #tpu.memory_space<vmem_shared>> -> memref<10240x128xf32, #tpu.memory_space<vmem_shared>>
        tpu.wait_indirect_dma semaphore(%run_scoped3A_282 : memref<!tpu.dma_semaphore, #tpu.memory_space<semaphore_mem>>) src(%arg14 : memref<128x128xf32, #tpu.memory_space<vmem>>) dst(%dma_wait3A_288 : memref<10240x128xf32, #tpu.memory_space<vmem_shared>>)
        tpu.yield
      }) : () -> ()
      %convert_element_type3A_273 = arith.extui %lt3A_101 : i1 to i32
      %cond3A_274 = arith.constant 0 : i32
      %cond3A_275 = arith.cmpi ne, %convert_element_type3A_273, %cond3A_274 : i32
      scf.if %cond3A_275 {
        %add3A_282 = arith.constant 10 : i32
        %add3A_283 = arith.addi %mul3A_98, %add3A_282 : i32
        %mul3A_284 = arith.constant 128 : i32
        %mul3A_285 = arith.muli %add3A_283, %mul3A_284 : i32
        %add3A_286 = arith.addi %mul3A_59, %mul3A_285 : i32
        %dma_start3A_287 = arith.constant 0 : i32
        %dma_start3A_288 = tpu.memref_slice %arg3[%dma_start3A_287, %add3A_286] : memref<2x327680xi32, #tpu.memory_space<hbm>> -> memref<1x128xi32, #tpu.memory_space<hbm>>
        %dma_start3A_289 = tpu.memref_squeeze %dma_start3A_288 : memref<1x128xi32, #tpu.memory_space<hbm>> -> memref<128xi32, #tpu.memory_space<hbm>>
        %dma_start3A_290 = tpu.memref_slice %arg3[%dma_start3A_287, %add3A_286] : memref<2x327680xi32, #tpu.memory_space<hbm>> -> memref<1x128xi32, #tpu.memory_space<hbm>>
        %dma_start3A_291 = tpu.memref_squeeze %dma_start3A_290 : memref<1x128xi32, #tpu.memory_space<hbm>> -> memref<128xi32, #tpu.memory_space<hbm>>
        tpu.enqueue_dma source(%dma_start3A_291 : memref<128xi32, #tpu.memory_space<hbm>>) target(%arg10 : memref<128xi32, #tpu.memory_space<vmem>>) target_semaphore(%arg17 : memref<!tpu.dma_semaphore, #tpu.memory_space<semaphore_mem>>)
        %mul3A_292 = arith.constant 128 : i32
        %mul3A_293 = arith.muli %add3A_283, %mul3A_292 : i32
        %add3A_294 = arith.addi %mul3A_59, %mul3A_293 : i32
        %dma_start3A_295 = arith.constant 1 : i32
        %dma_start3A_296 = tpu.memref_slice %arg3[%dma_start3A_295, %add3A_294] : memref<2x327680xi32, #tpu.memory_space<hbm>> -> memref<1x128xi32, #tpu.memory_space<hbm>>
        %dma_start3A_297 = tpu.memref_squeeze %dma_start3A_296 : memref<1x128xi32, #tpu.memory_space<hbm>> -> memref<128xi32, #tpu.memory_space<hbm>>
        %dma_start3A_298 = tpu.memref_slice %arg3[%dma_start3A_295, %add3A_294] : memref<2x327680xi32, #tpu.memory_space<hbm>> -> memref<1x128xi32, #tpu.memory_space<hbm>>
        %dma_start3A_299 = tpu.memref_squeeze %dma_start3A_298 : memref<1x128xi32, #tpu.memory_space<hbm>> -> memref<128xi32, #tpu.memory_space<hbm>>
        tpu.enqueue_dma source(%dma_start3A_299 : memref<128xi32, #tpu.memory_space<hbm>>) target(%arg11 : memref<128xi32, #tpu.memory_space<vmem>>) target_semaphore(%arg17 : memref<!tpu.dma_semaphore, #tpu.memory_space<semaphore_mem>>)
      } else {
      }
      %dma_wait3A_276 = arith.constant 0 : i32
      %dma_wait3A_277 = arith.constant 0 : i32
      %dma_wait3A_278 = tpu.memref_slice %arg2[%dma_wait3A_276, %dma_wait3A_277] : memref<10240x128xf32, #tpu.memory_space<hbm>> -> memref<10240x128xf32, #tpu.memory_space<hbm>>
      tpu.wait_indirect_dma semaphore(%arg19 : memref<!tpu.dma_semaphore, #tpu.memory_space<semaphore_mem>>) src(%dma_wait3A_278 : memref<10240x128xf32, #tpu.memory_space<hbm>>) dst(%arg15 : memref<128x128xf32, #tpu.memory_space<vmem>>)
      "tpu.region"() ({
        %run_scoped3A_282 = tpu.sem_alloc : memref<!tpu.dma_semaphore, #tpu.memory_space<semaphore_mem>>
        %dma_start3A_283 = arith.constant 0 : i32
        %dma_start3A_284 = arith.constant 0 : i32
        %dma_start3A_285 = tpu.memref_slice %arg5[%dma_start3A_283, %dma_start3A_284] : memref<10240x128xf32, #tpu.memory_space<vmem_shared>> -> memref<10240x128xf32, #tpu.memory_space<vmem_shared>>
        tpu.enqueue_indirect_dma source(%arg15 : memref<128x128xf32, #tpu.memory_space<vmem>>) target(%dma_start3A_285 : memref<10240x128xf32, #tpu.memory_space<vmem_shared>>) offsets(%arg13 : memref<128xi32, #tpu.memory_space<vmem>>) semaphore(%run_scoped3A_282 : memref<!tpu.dma_semaphore, #tpu.memory_space<semaphore_mem>>) {add = true}
        %dma_wait3A_286 = arith.constant 0 : i32
        %dma_wait3A_287 = arith.constant 0 : i32
        %dma_wait3A_288 = tpu.memref_slice %arg5[%dma_wait3A_286, %dma_wait3A_287] : memref<10240x128xf32, #tpu.memory_space<vmem_shared>> -> memref<10240x128xf32, #tpu.memory_space<vmem_shared>>
        tpu.wait_indirect_dma semaphore(%run_scoped3A_282 : memref<!tpu.dma_semaphore, #tpu.memory_space<semaphore_mem>>) src(%arg15 : memref<128x128xf32, #tpu.memory_space<vmem>>) dst(%dma_wait3A_288 : memref<10240x128xf32, #tpu.memory_space<vmem_shared>>)
        tpu.yield
      }) : () -> ()
      %convert_element_type3A_279 = arith.extui %lt3A_101 : i1 to i32
      %cond3A_280 = arith.constant 0 : i32
      %cond3A_281 = arith.cmpi ne, %convert_element_type3A_279, %cond3A_280 : i32
      scf.if %cond3A_281 {
        %add3A_282 = arith.constant 11 : i32
        %add3A_283 = arith.addi %mul3A_98, %add3A_282 : i32
        %mul3A_284 = arith.constant 128 : i32
        %mul3A_285 = arith.muli %add3A_283, %mul3A_284 : i32
        %add3A_286 = arith.addi %mul3A_59, %mul3A_285 : i32
        %dma_start3A_287 = arith.constant 0 : i32
        %dma_start3A_288 = tpu.memref_slice %arg3[%dma_start3A_287, %add3A_286] : memref<2x327680xi32, #tpu.memory_space<hbm>> -> memref<1x128xi32, #tpu.memory_space<hbm>>
        %dma_start3A_289 = tpu.memref_squeeze %dma_start3A_288 : memref<1x128xi32, #tpu.memory_space<hbm>> -> memref<128xi32, #tpu.memory_space<hbm>>
        %dma_start3A_290 = tpu.memref_slice %arg3[%dma_start3A_287, %add3A_286] : memref<2x327680xi32, #tpu.memory_space<hbm>> -> memref<1x128xi32, #tpu.memory_space<hbm>>
        %dma_start3A_291 = tpu.memref_squeeze %dma_start3A_290 : memref<1x128xi32, #tpu.memory_space<hbm>> -> memref<128xi32, #tpu.memory_space<hbm>>
        tpu.enqueue_dma source(%dma_start3A_291 : memref<128xi32, #tpu.memory_space<hbm>>) target(%arg12 : memref<128xi32, #tpu.memory_space<vmem>>) target_semaphore(%arg17 : memref<!tpu.dma_semaphore, #tpu.memory_space<semaphore_mem>>)
        %mul3A_292 = arith.constant 128 : i32
        %mul3A_293 = arith.muli %add3A_283, %mul3A_292 : i32
        %add3A_294 = arith.addi %mul3A_59, %mul3A_293 : i32
        %dma_start3A_295 = arith.constant 1 : i32
        %dma_start3A_296 = tpu.memref_slice %arg3[%dma_start3A_295, %add3A_294] : memref<2x327680xi32, #tpu.memory_space<hbm>> -> memref<1x128xi32, #tpu.memory_space<hbm>>
        %dma_start3A_297 = tpu.memref_squeeze %dma_start3A_296 : memref<1x128xi32, #tpu.memory_space<hbm>> -> memref<128xi32, #tpu.memory_space<hbm>>
        %dma_start3A_298 = tpu.memref_slice %arg3[%dma_start3A_295, %add3A_294] : memref<2x327680xi32, #tpu.memory_space<hbm>> -> memref<1x128xi32, #tpu.memory_space<hbm>>
        %dma_start3A_299 = tpu.memref_squeeze %dma_start3A_298 : memref<1x128xi32, #tpu.memory_space<hbm>> -> memref<128xi32, #tpu.memory_space<hbm>>
        tpu.enqueue_dma source(%dma_start3A_299 : memref<128xi32, #tpu.memory_space<hbm>>) target(%arg13 : memref<128xi32, #tpu.memory_space<vmem>>) target_semaphore(%arg17 : memref<!tpu.dma_semaphore, #tpu.memory_space<semaphore_mem>>)
        %add3A_300 = arith.constant 0 : i32
        %add3A_301 = arith.addi %mul3A_59, %add3A_300 : i32
        %dma_wait3A_302 = arith.constant 0 : i32
        %dma_wait3A_303 = tpu.memref_slice %arg3[%dma_wait3A_302, %add3A_301] : memref<2x327680xi32, #tpu.memory_space<hbm>> -> memref<1x128xi32, #tpu.memory_space<hbm>>
        %dma_wait3A_304 = tpu.memref_squeeze %dma_wait3A_303 : memref<1x128xi32, #tpu.memory_space<hbm>> -> memref<128xi32, #tpu.memory_space<hbm>>
        %dma_wait3A_305 = tpu.memref_slice %arg3[%dma_wait3A_302, %add3A_301] : memref<2x327680xi32, #tpu.memory_space<hbm>> -> memref<1x128xi32, #tpu.memory_space<hbm>>
        %dma_wait3A_306 = tpu.memref_squeeze %dma_wait3A_305 : memref<1x128xi32, #tpu.memory_space<hbm>> -> memref<128xi32, #tpu.memory_space<hbm>>
        tpu.wait_dma2 semaphore(%arg16 : memref<!tpu.dma_semaphore, #tpu.memory_space<semaphore_mem>>) src(%dma_wait3A_306 : memref<128xi32, #tpu.memory_space<hbm>>) dst(%arg6 : memref<128xi32, #tpu.memory_space<vmem>>)
        %add3A_307 = arith.constant 0 : i32
        %add3A_308 = arith.addi %mul3A_59, %add3A_307 : i32
        %dma_wait3A_309 = arith.constant 0 : i32
        %dma_wait3A_310 = tpu.memref_slice %arg3[%dma_wait3A_309, %add3A_308] : memref<2x327680xi32, #tpu.memory_space<hbm>> -> memref<1x128xi32, #tpu.memory_space<hbm>>
        %dma_wait3A_311 = tpu.memref_squeeze %dma_wait3A_310 : memref<1x128xi32, #tpu.memory_space<hbm>> -> memref<128xi32, #tpu.memory_space<hbm>>
        %dma_wait3A_312 = tpu.memref_slice %arg3[%dma_wait3A_309, %add3A_308] : memref<2x327680xi32, #tpu.memory_space<hbm>> -> memref<1x128xi32, #tpu.memory_space<hbm>>
        %dma_wait3A_313 = tpu.memref_squeeze %dma_wait3A_312 : memref<1x128xi32, #tpu.memory_space<hbm>> -> memref<128xi32, #tpu.memory_space<hbm>>
        tpu.wait_dma2 semaphore(%arg16 : memref<!tpu.dma_semaphore, #tpu.memory_space<semaphore_mem>>) src(%dma_wait3A_313 : memref<128xi32, #tpu.memory_space<hbm>>) dst(%arg6 : memref<128xi32, #tpu.memory_space<vmem>>)
        %add3A_314 = arith.constant 0 : i32
        %add3A_315 = arith.addi %mul3A_59, %add3A_314 : i32
        %dma_wait3A_316 = arith.constant 0 : i32
        %dma_wait3A_317 = tpu.memref_slice %arg3[%dma_wait3A_316, %add3A_315] : memref<2x327680xi32, #tpu.memory_space<hbm>> -> memref<1x128xi32, #tpu.memory_space<hbm>>
        %dma_wait3A_318 = tpu.memref_squeeze %dma_wait3A_317 : memref<1x128xi32, #tpu.memory_space<hbm>> -> memref<128xi32, #tpu.memory_space<hbm>>
        %dma_wait3A_319 = tpu.memref_slice %arg3[%dma_wait3A_316, %add3A_315] : memref<2x327680xi32, #tpu.memory_space<hbm>> -> memref<1x128xi32, #tpu.memory_space<hbm>>
        %dma_wait3A_320 = tpu.memref_squeeze %dma_wait3A_319 : memref<1x128xi32, #tpu.memory_space<hbm>> -> memref<128xi32, #tpu.memory_space<hbm>>
        tpu.wait_dma2 semaphore(%arg16 : memref<!tpu.dma_semaphore, #tpu.memory_space<semaphore_mem>>) src(%dma_wait3A_320 : memref<128xi32, #tpu.memory_space<hbm>>) dst(%arg6 : memref<128xi32, #tpu.memory_space<vmem>>)
        %add3A_321 = arith.constant 0 : i32
        %add3A_322 = arith.addi %mul3A_59, %add3A_321 : i32
        %dma_wait3A_323 = arith.constant 0 : i32
        %dma_wait3A_324 = tpu.memref_slice %arg3[%dma_wait3A_323, %add3A_322] : memref<2x327680xi32, #tpu.memory_space<hbm>> -> memref<1x128xi32, #tpu.memory_space<hbm>>
        %dma_wait3A_325 = tpu.memref_squeeze %dma_wait3A_324 : memref<1x128xi32, #tpu.memory_space<hbm>> -> memref<128xi32, #tpu.memory_space<hbm>>
        %dma_wait3A_326 = tpu.memref_slice %arg3[%dma_wait3A_323, %add3A_322] : memref<2x327680xi32, #tpu.memory_space<hbm>> -> memref<1x128xi32, #tpu.memory_space<hbm>>
        %dma_wait3A_327 = tpu.memref_squeeze %dma_wait3A_326 : memref<1x128xi32, #tpu.memory_space<hbm>> -> memref<128xi32, #tpu.memory_space<hbm>>
        tpu.wait_dma2 semaphore(%arg16 : memref<!tpu.dma_semaphore, #tpu.memory_space<semaphore_mem>>) src(%dma_wait3A_327 : memref<128xi32, #tpu.memory_space<hbm>>) dst(%arg6 : memref<128xi32, #tpu.memory_space<vmem>>)
        %dma_start3A_328 = arith.constant 0 : i32
        %dma_start3A_329 = arith.constant 0 : i32
        %dma_start3A_330 = tpu.memref_slice %arg2[%dma_start3A_328, %dma_start3A_329] : memref<10240x128xf32, #tpu.memory_space<hbm>> -> memref<10240x128xf32, #tpu.memory_space<hbm>>
        tpu.enqueue_indirect_dma source(%dma_start3A_330 : memref<10240x128xf32, #tpu.memory_space<hbm>>) target(%arg14 : memref<128x128xf32, #tpu.memory_space<vmem>>) offsets(%arg6 : memref<128xi32, #tpu.memory_space<vmem>>) semaphore(%arg18 : memref<!tpu.dma_semaphore, #tpu.memory_space<semaphore_mem>>)
        %dma_start3A_331 = arith.constant 0 : i32
        %dma_start3A_332 = arith.constant 0 : i32
        %dma_start3A_333 = tpu.memref_slice %arg2[%dma_start3A_331, %dma_start3A_332] : memref<10240x128xf32, #tpu.memory_space<hbm>> -> memref<10240x128xf32, #tpu.memory_space<hbm>>
        tpu.enqueue_indirect_dma source(%dma_start3A_333 : memref<10240x128xf32, #tpu.memory_space<hbm>>) target(%arg15 : memref<128x128xf32, #tpu.memory_space<vmem>>) offsets(%arg8 : memref<128xi32, #tpu.memory_space<vmem>>) semaphore(%arg19 : memref<!tpu.dma_semaphore, #tpu.memory_space<semaphore_mem>>)
        %add3A_334 = arith.constant 0 : i32
        %add3A_335 = arith.addi %mul3A_59, %add3A_334 : i32
        %dma_wait3A_336 = arith.constant 0 : i32
        %dma_wait3A_337 = tpu.memref_slice %arg3[%dma_wait3A_336, %add3A_335] : memref<2x327680xi32, #tpu.memory_space<hbm>> -> memref<1x128xi32, #tpu.memory_space<hbm>>
        %dma_wait3A_338 = tpu.memref_squeeze %dma_wait3A_337 : memref<1x128xi32, #tpu.memory_space<hbm>> -> memref<128xi32, #tpu.memory_space<hbm>>
        %dma_wait3A_339 = tpu.memref_slice %arg3[%dma_wait3A_336, %add3A_335] : memref<2x327680xi32, #tpu.memory_space<hbm>> -> memref<1x128xi32, #tpu.memory_space<hbm>>
        %dma_wait3A_340 = tpu.memref_squeeze %dma_wait3A_339 : memref<1x128xi32, #tpu.memory_space<hbm>> -> memref<128xi32, #tpu.memory_space<hbm>>
        tpu.wait_dma2 semaphore(%arg17 : memref<!tpu.dma_semaphore, #tpu.memory_space<semaphore_mem>>) src(%dma_wait3A_340 : memref<128xi32, #tpu.memory_space<hbm>>) dst(%arg6 : memref<128xi32, #tpu.memory_space<vmem>>)
        %add3A_341 = arith.constant 0 : i32
        %add3A_342 = arith.addi %mul3A_59, %add3A_341 : i32
        %dma_wait3A_343 = arith.constant 0 : i32
        %dma_wait3A_344 = tpu.memref_slice %arg3[%dma_wait3A_343, %add3A_342] : memref<2x327680xi32, #tpu.memory_space<hbm>> -> memref<1x128xi32, #tpu.memory_space<hbm>>
        %dma_wait3A_345 = tpu.memref_squeeze %dma_wait3A_344 : memref<1x128xi32, #tpu.memory_space<hbm>> -> memref<128xi32, #tpu.memory_space<hbm>>
        %dma_wait3A_346 = tpu.memref_slice %arg3[%dma_wait3A_343, %add3A_342] : memref<2x327680xi32, #tpu.memory_space<hbm>> -> memref<1x128xi32, #tpu.memory_space<hbm>>
        %dma_wait3A_347 = tpu.memref_squeeze %dma_wait3A_346 : memref<1x128xi32, #tpu.memory_space<hbm>> -> memref<128xi32, #tpu.memory_space<hbm>>
        tpu.wait_dma2 semaphore(%arg17 : memref<!tpu.dma_semaphore, #tpu.memory_space<semaphore_mem>>) src(%dma_wait3A_347 : memref<128xi32, #tpu.memory_space<hbm>>) dst(%arg6 : memref<128xi32, #tpu.memory_space<vmem>>)
        %add3A_348 = arith.constant 0 : i32
        %add3A_349 = arith.addi %mul3A_59, %add3A_348 : i32
        %dma_wait3A_350 = arith.constant 0 : i32
        %dma_wait3A_351 = tpu.memref_slice %arg3[%dma_wait3A_350, %add3A_349] : memref<2x327680xi32, #tpu.memory_space<hbm>> -> memref<1x128xi32, #tpu.memory_space<hbm>>
        %dma_wait3A_352 = tpu.memref_squeeze %dma_wait3A_351 : memref<1x128xi32, #tpu.memory_space<hbm>> -> memref<128xi32, #tpu.memory_space<hbm>>
        %dma_wait3A_353 = tpu.memref_slice %arg3[%dma_wait3A_350, %add3A_349] : memref<2x327680xi32, #tpu.memory_space<hbm>> -> memref<1x128xi32, #tpu.memory_space<hbm>>
        %dma_wait3A_354 = tpu.memref_squeeze %dma_wait3A_353 : memref<1x128xi32, #tpu.memory_space<hbm>> -> memref<128xi32, #tpu.memory_space<hbm>>
        tpu.wait_dma2 semaphore(%arg17 : memref<!tpu.dma_semaphore, #tpu.memory_space<semaphore_mem>>) src(%dma_wait3A_354 : memref<128xi32, #tpu.memory_space<hbm>>) dst(%arg6 : memref<128xi32, #tpu.memory_space<vmem>>)
        %add3A_355 = arith.constant 0 : i32
        %add3A_356 = arith.addi %mul3A_59, %add3A_355 : i32
        %dma_wait3A_357 = arith.constant 0 : i32
        %dma_wait3A_358 = tpu.memref_slice %arg3[%dma_wait3A_357, %add3A_356] : memref<2x327680xi32, #tpu.memory_space<hbm>> -> memref<1x128xi32, #tpu.memory_space<hbm>>
        %dma_wait3A_359 = tpu.memref_squeeze %dma_wait3A_358 : memref<1x128xi32, #tpu.memory_space<hbm>> -> memref<128xi32, #tpu.memory_space<hbm>>
        %dma_wait3A_360 = tpu.memref_slice %arg3[%dma_wait3A_357, %add3A_356] : memref<2x327680xi32, #tpu.memory_space<hbm>> -> memref<1x128xi32, #tpu.memory_space<hbm>>
        %dma_wait3A_361 = tpu.memref_squeeze %dma_wait3A_360 : memref<1x128xi32, #tpu.memory_space<hbm>> -> memref<128xi32, #tpu.memory_space<hbm>>
        tpu.wait_dma2 semaphore(%arg17 : memref<!tpu.dma_semaphore, #tpu.memory_space<semaphore_mem>>) src(%dma_wait3A_361 : memref<128xi32, #tpu.memory_space<hbm>>) dst(%arg6 : memref<128xi32, #tpu.memory_space<vmem>>)
      } else {
      }
    }
    %scan3A_94 = arith.constant 10 : i32
    %barrier3A_95 = arith.constant 0 : index
    tpu.barrier barrier_id(%barrier3A_95)
    "tpu.region"() ({
      %run_scoped3A_96 = tpu.sem_alloc : memref<!tpu.dma_semaphore, #tpu.memory_space<semaphore_mem>>
      %dma_start3A_97 = arith.constant 0 : i32
      %dma_start3A_98 = tpu.memref_slice %arg4[%arg0, %mul3A_5, %dma_start3A_97] : memref<2x10240x128xf32, #tpu.memory_space<hbm>> -> memref<1x640x128xf32, #tpu.memory_space<hbm>>
      %dma_start3A_99 = tpu.memref_squeeze %dma_start3A_98 : memref<1x640x128xf32, #tpu.memory_space<hbm>> -> memref<640x128xf32, #tpu.memory_space<hbm>>
      %dma_start3A_100 = arith.constant 0 : i32
      %dma_start3A_101 = tpu.memref_slice %arg5[%mul3A_5, %dma_start3A_100] : memref<10240x128xf32, #tpu.memory_space<vmem_shared>> -> memref<640x128xf32, #tpu.memory_space<vmem_shared>>
      tpu.enqueue_dma source(%dma_start3A_101 : memref<640x128xf32, #tpu.memory_space<vmem_shared>>) target(%dma_start3A_99 : memref<640x128xf32, #tpu.memory_space<hbm>>) target_semaphore(%run_scoped3A_96 : memref<!tpu.dma_semaphore, #tpu.memory_space<semaphore_mem>>)
      %dma_wait3A_102 = arith.constant 0 : i32
      %dma_wait3A_103 = tpu.memref_slice %arg4[%arg0, %mul3A_5, %dma_wait3A_102] : memref<2x10240x128xf32, #tpu.memory_space<hbm>> -> memref<1x640x128xf32, #tpu.memory_space<hbm>>
      %dma_wait3A_104 = tpu.memref_squeeze %dma_wait3A_103 : memref<1x640x128xf32, #tpu.memory_space<hbm>> -> memref<640x128xf32, #tpu.memory_space<hbm>>
      %dma_wait3A_105 = arith.constant 0 : i32
      %dma_wait3A_106 = tpu.memref_slice %arg5[%mul3A_5, %dma_wait3A_105] : memref<10240x128xf32, #tpu.memory_space<vmem_shared>> -> memref<640x128xf32, #tpu.memory_space<vmem_shared>>
      tpu.wait_dma2 semaphore(%run_scoped3A_96 : memref<!tpu.dma_semaphore, #tpu.memory_space<semaphore_mem>>) src(%dma_wait3A_106 : memref<640x128xf32, #tpu.memory_space<vmem_shared>>) dst(%dma_wait3A_104 : memref<640x128xf32, #tpu.memory_space<hbm>>)
      tpu.yield
    }) : () -> ()
    return
  }
}

#map = affine_map<(d0, d1) -> (0, 0)>
#map1 = affine_map<(d0, d1) -> (0, 0, 0)>
module attributes {stable_mosaic.version = 14 : i64} {
  func.func @k(%arg0: i32, %arg1: i32, %arg2: memref<10240x128xf32, #tpu.memory_space<hbm>>, %arg3: memref<2x327680xi32, #tpu.memory_space<hbm>>, %arg4: memref<2x10240x128xf32, #tpu.memory_space<hbm>>, %arg5: memref<10240x128xf32, #tpu.memory_space<vmem_shared>>, %arg6: memref<128xi32, #tpu.memory_space<vmem>>, %arg7: memref<128xi32, #tpu.memory_space<vmem>>, %arg8: memref<128xi32, #tpu.memory_space<vmem>>, %arg9: memref<128xi32, #tpu.memory_space<vmem>>, %arg10: memref<128xi32, #tpu.memory_space<vmem>>, %arg11: memref<128xi32, #tpu.memory_space<vmem>>, %arg12: memref<128xi32, #tpu.memory_space<vmem>>, %arg13: memref<128xi32, #tpu.memory_space<vmem>>, %arg14: memref<128x128xf32, #tpu.memory_space<vmem>>, %arg15: memref<128x128xf32, #tpu.memory_space<vmem>>, %arg16: memref<!tpu.dma_semaphore, #tpu.memory_space<semaphore_mem>>, %arg17: memref<!tpu.dma_semaphore, #tpu.memory_space<semaphore_mem>>, %arg18: memref<!tpu.dma_semaphore, #tpu.memory_space<semaphore_mem>>, %arg19: memref<!tpu.dma_semaphore, #tpu.memory_space<semaphore_mem>>) attributes {dimension_semantics = [#tpu.dimension_semantics<core_parallel>, #tpu.dimension_semantics<subcore_parallel>], iteration_bounds = array<i64: 2, 16>, scalar_prefetch = 0 : i64, scratch_operands = 15 : i64, tpu.core_type = #tpu.core_type<sc_vector_subcore>, window_params = [{transform_indices = #map}, {transform_indices = #map}, {transform_indices = #map1}]} {
    %scan3A = arith.constant 0 : i32
    %scan3A_0 = arith.constant 0 : i32
    %scan3A_1 = arith.constant 1024 : i32
    %scan3A_2 = arith.addi %scan3A_0, %scan3A_1 : i32
    %scan3A_3 = arith.constant 1 : i32
    scf.for %scan3A_96 = %scan3A_0 to %scan3A_2 step %scan3A_3  : i32 {
      %broadcast_in_dim3A = arith.constant 0.000000e+00 : f32
      %broadcast_in_dim3A_97 = vector.broadcast %broadcast_in_dim3A : f32 to vector<16xf32>
      %jit3A = arith.constant 8 : i32
      %div3A = arith.divsi %scan3A_96, %jit3A : i32
      %sign3A = arith.constant 0 : i32
      %sign3A_98 = arith.cmpi sgt, %scan3A_96, %sign3A : i32
      %sign3A_99 = arith.extui %sign3A_98 : i1 to i32
      %sign3A_100 = arith.constant 0 : i32
      %sign3A_101 = arith.cmpi slt, %scan3A_96, %sign3A_100 : i32
      %sign3A_102 = arith.extui %sign3A_101 : i1 to i32
      %sign3A_103 = arith.subi %sign3A_99, %sign3A_102 : i32
      %sign3A_104 = arith.constant 0 : i32
      %sign3A_105 = arith.cmpi sgt, %jit3A, %sign3A_104 : i32
      %sign3A_106 = arith.extui %sign3A_105 : i1 to i32
      %sign3A_107 = arith.constant 0 : i32
      %sign3A_108 = arith.cmpi slt, %jit3A, %sign3A_107 : i32
      %sign3A_109 = arith.extui %sign3A_108 : i1 to i32
      %sign3A_110 = arith.subi %sign3A_106, %sign3A_109 : i32
      %ne3A = arith.cmpi ne, %sign3A_103, %sign3A_110 : i32
      %rem3A = arith.remsi %scan3A_96, %jit3A : i32
      %ne3A_111 = arith.constant 0 : i32
      %ne3A_112 = arith.cmpi ne, %rem3A, %ne3A_111 : i32
      %and3A = arith.andi %ne3A, %ne3A_112 : i1
      %sub3A = arith.constant 1 : i32
      %sub3A_113 = arith.subi %div3A, %sub3A : i32
      %select_n3A = arith.select %and3A, %sub3A_113, %div3A : i32
      %jit3A_114 = arith.constant 8 : i32
      %eq3A = arith.constant 0 : i32
      %eq3A_115 = arith.cmpi eq, %jit3A_114, %eq3A : i32
      %jit3A_116 = arith.constant 1 : i32
      %select_n3A_117 = arith.select %eq3A_115, %jit3A_116, %jit3A_114 : i32
      %rem3A_118 = arith.remsi %scan3A_96, %select_n3A_117 : i32
      %ne3A_119 = arith.constant 0 : i32
      %ne3A_120 = arith.cmpi ne, %rem3A_118, %ne3A_119 : i32
      %lt3A = arith.constant 0 : i32
      %lt3A_121 = arith.cmpi slt, %rem3A_118, %lt3A : i32
      %lt3A_122 = arith.constant 0 : i32
      %lt3A_123 = arith.cmpi slt, %select_n3A_117, %lt3A_122 : i32
      %ne3A_124 = arith.xori %lt3A_121, %lt3A_123 : i1
      %and3A_125 = arith.andi %ne3A_124, %ne3A_120 : i1
      %add3A_126 = arith.addi %rem3A_118, %select_n3A_117 : i32
      %select_n3A_127 = arith.select %and3A_125, %add3A_126, %rem3A_118 : i32
      %mul3A_128 = arith.constant 16 : i32
      %mul3A_129 = arith.muli %select_n3A_127, %mul3A_128 : i32
      %swap3A = arith.index_cast %select_n3A : i32 to index
      %swap3A_130 = arith.index_cast %mul3A_129 : i32 to index
      %swap3A_131 = tpu.vector_load %arg14[%swap3A, %swap3A_130] {strides = array<i32>} : memref<128x128xf32, #tpu.memory_space<vmem>>, vector<1x16xf32>,
      %swap3A_132 = vector.shape_cast %swap3A_131 : vector<1x16xf32> to vector<16xf32>
      %swap3A_133 = vector.shape_cast %broadcast_in_dim3A_97 : vector<16xf32> to vector<1x16xf32>
      tpu.vector_store %arg14[%swap3A, %swap3A_130], %swap3A_133 {strides = array<i32>} : memref<128x128xf32, #tpu.memory_space<vmem>>, vector<1x16xf32>,
    }
    %scan3A_4 = arith.constant 1024 : i32
    %mul3A = arith.constant 640 : i32
    %mul3A_5 = arith.muli %arg1, %mul3A : i32
    %add3A = arith.constant 0 : i32
    %add3A_6 = arith.addi %mul3A_5, %add3A : i32
    %dma_start3A = arith.constant 0 : i32
    %dma_start3A_7 = tpu.memref_slice %arg5[%add3A_6, %dma_start3A] : memref<10240x128xf32, #tpu.memory_space<vmem_shared>> -> memref<128x128xf32, #tpu.memory_space<vmem_shared>>
    %dma_start3A_8 = arith.constant 0 : i32
    %dma_start3A_9 = tpu.memref_slice %arg5[%add3A_6, %dma_start3A_8] : memref<10240x128xf32, #tpu.memory_space<vmem_shared>> -> memref<128x128xf32, #tpu.memory_space<vmem_shared>>
    tpu.enqueue_dma source(%arg14 : memref<128x128xf32, #tpu.memory_space<vmem>>) target(%dma_start3A_9 : memref<128x128xf32, #tpu.memory_space<vmem_shared>>) target_semaphore(%arg18 : memref<!tpu.dma_semaphore, #tpu.memory_space<semaphore_mem>>)
    %add3A_10 = arith.constant 128 : i32
    %add3A_11 = arith.addi %mul3A_5, %add3A_10 : i32
    %dma_start3A_12 = arith.constant 0 : i32
    %dma_start3A_13 = tpu.memref_slice %arg5[%add3A_11, %dma_start3A_12] : memref<10240x128xf32, #tpu.memory_space<vmem_shared>> -> memref<128x128xf32, #tpu.memory_space<vmem_shared>>
    %dma_start3A_14 = arith.constant 0 : i32
    %dma_start3A_15 = tpu.memref_slice %arg5[%add3A_11, %dma_start3A_14] : memref<10240x128xf32, #tpu.memory_space<vmem_shared>> -> memref<128x128xf32, #tpu.memory_space<vmem_shared>>
    tpu.enqueue_dma source(%arg14 : memref<128x128xf32, #tpu.memory_space<vmem>>) target(%dma_start3A_15 : memref<128x128xf32, #tpu.memory_space<vmem_shared>>) target_semaphore(%arg18 : memref<!tpu.dma_semaphore, #tpu.memory_space<semaphore_mem>>)
    %add3A_16 = arith.constant 256 : i32
    %add3A_17 = arith.addi %mul3A_5, %add3A_16 : i32
    %dma_start3A_18 = arith.constant 0 : i32
    %dma_start3A_19 = tpu.memref_slice %arg5[%add3A_17, %dma_start3A_18] : memref<10240x128xf32, #tpu.memory_space<vmem_shared>> -> memref<128x128xf32, #tpu.memory_space<vmem_shared>>
    %dma_start3A_20 = arith.constant 0 : i32
    %dma_start3A_21 = tpu.memref_slice %arg5[%add3A_17, %dma_start3A_20] : memref<10240x128xf32, #tpu.memory_space<vmem_shared>> -> memref<128x128xf32, #tpu.memory_space<vmem_shared>>
    tpu.enqueue_dma source(%arg14 : memref<128x128xf32, #tpu.memory_space<vmem>>) target(%dma_start3A_21 : memref<128x128xf32, #tpu.memory_space<vmem_shared>>) target_semaphore(%arg18 : memref<!tpu.dma_semaphore, #tpu.memory_space<semaphore_mem>>)
    %add3A_22 = arith.constant 384 : i32
    %add3A_23 = arith.addi %mul3A_5, %add3A_22 : i32
    %dma_start3A_24 = arith.constant 0 : i32
    %dma_start3A_25 = tpu.memref_slice %arg5[%add3A_23, %dma_start3A_24] : memref<10240x128xf32, #tpu.memory_space<vmem_shared>> -> memref<128x128xf32, #tpu.memory_space<vmem_shared>>
    %dma_start3A_26 = arith.constant 0 : i32
    %dma_start3A_27 = tpu.memref_slice %arg5[%add3A_23, %dma_start3A_26] : memref<10240x128xf32, #tpu.memory_space<vmem_shared>> -> memref<128x128xf32, #tpu.memory_space<vmem_shared>>
    tpu.enqueue_dma source(%arg14 : memref<128x128xf32, #tpu.memory_space<vmem>>) target(%dma_start3A_27 : memref<128x128xf32, #tpu.memory_space<vmem_shared>>) target_semaphore(%arg18 : memref<!tpu.dma_semaphore, #tpu.memory_space<semaphore_mem>>)
    %add3A_28 = arith.constant 512 : i32
    %add3A_29 = arith.addi %mul3A_5, %add3A_28 : i32
    %dma_start3A_30 = arith.constant 0 : i32
    %dma_start3A_31 = tpu.memref_slice %arg5[%add3A_29, %dma_start3A_30] : memref<10240x128xf32, #tpu.memory_space<vmem_shared>> -> memref<128x128xf32, #tpu.memory_space<vmem_shared>>
    %dma_start3A_32 = arith.constant 0 : i32
    %dma_start3A_33 = tpu.memref_slice %arg5[%add3A_29, %dma_start3A_32] : memref<10240x128xf32, #tpu.memory_space<vmem_shared>> -> memref<128x128xf32, #tpu.memory_space<vmem_shared>>
    tpu.enqueue_dma source(%arg14 : memref<128x128xf32, #tpu.memory_space<vmem>>) target(%dma_start3A_33 : memref<128x128xf32, #tpu.memory_space<vmem_shared>>) target_semaphore(%arg18 : memref<!tpu.dma_semaphore, #tpu.memory_space<semaphore_mem>>)
    %dma_wait3A = arith.constant 0 : i32
    %dma_wait3A_34 = tpu.memref_slice %arg5[%mul3A_5, %dma_wait3A] : memref<10240x128xf32, #tpu.memory_space<vmem_shared>> -> memref<128x128xf32, #tpu.memory_space<vmem_shared>>
    %dma_wait3A_35 = arith.constant 0 : i32
    %dma_wait3A_36 = tpu.memref_slice %arg5[%mul3A_5, %dma_wait3A_35] : memref<10240x128xf32, #tpu.memory_space<vmem_shared>> -> memref<128x128xf32, #tpu.memory_space<vmem_shared>>
    tpu.wait_dma2 semaphore(%arg18 : memref<!tpu.dma_semaphore, #tpu.memory_space<semaphore_mem>>) src(%arg14 : memref<128x128xf32, #tpu.memory_space<vmem>>) dst(%dma_wait3A_36 : memref<128x128xf32, #tpu.memory_space<vmem_shared>>)
    %dma_wait3A_37 = arith.constant 0 : i32
    %dma_wait3A_38 = tpu.memref_slice %arg5[%mul3A_5, %dma_wait3A_37] : memref<10240x128xf32, #tpu.memory_space<vmem_shared>> -> memref<128x128xf32, #tpu.memory_space<vmem_shared>>
    %dma_wait3A_39 = arith.constant 0 : i32
    %dma_wait3A_40 = tpu.memref_slice %arg5[%mul3A_5, %dma_wait3A_39] : memref<10240x128xf32, #tpu.memory_space<vmem_shared>> -> memref<128x128xf32, #tpu.memory_space<vmem_shared>>
    tpu.wait_dma2 semaphore(%arg18 : memref<!tpu.dma_semaphore, #tpu.memory_space<semaphore_mem>>) src(%arg14 : memref<128x128xf32, #tpu.memory_space<vmem>>) dst(%dma_wait3A_40 : memref<128x128xf32, #tpu.memory_space<vmem_shared>>)
    %dma_wait3A_41 = arith.constant 0 : i32
    %dma_wait3A_42 = tpu.memref_slice %arg5[%mul3A_5, %dma_wait3A_41] : memref<10240x128xf32, #tpu.memory_space<vmem_shared>> -> memref<128x128xf32, #tpu.memory_space<vmem_shared>>
    %dma_wait3A_43 = arith.constant 0 : i32
    %dma_wait3A_44 = tpu.memref_slice %arg5[%mul3A_5, %dma_wait3A_43] : memref<10240x128xf32, #tpu.memory_space<vmem_shared>> -> memref<128x128xf32, #tpu.memory_space<vmem_shared>>
    tpu.wait_dma2 semaphore(%arg18 : memref<!tpu.dma_semaphore, #tpu.memory_space<semaphore_mem>>) src(%arg14 : memref<128x128xf32, #tpu.memory_space<vmem>>) dst(%dma_wait3A_44 : memref<128x128xf32, #tpu.memory_space<vmem_shared>>)
    %dma_wait3A_45 = arith.constant 0 : i32
    %dma_wait3A_46 = tpu.memref_slice %arg5[%mul3A_5, %dma_wait3A_45] : memref<10240x128xf32, #tpu.memory_space<vmem_shared>> -> memref<128x128xf32, #tpu.memory_space<vmem_shared>>
    %dma_wait3A_47 = arith.constant 0 : i32
    %dma_wait3A_48 = tpu.memref_slice %arg5[%mul3A_5, %dma_wait3A_47] : memref<10240x128xf32, #tpu.memory_space<vmem_shared>> -> memref<128x128xf32, #tpu.memory_space<vmem_shared>>
    tpu.wait_dma2 semaphore(%arg18 : memref<!tpu.dma_semaphore, #tpu.memory_space<semaphore_mem>>) src(%arg14 : memref<128x128xf32, #tpu.memory_space<vmem>>) dst(%dma_wait3A_48 : memref<128x128xf32, #tpu.memory_space<vmem_shared>>)
    %dma_wait3A_49 = arith.constant 0 : i32
    %dma_wait3A_50 = tpu.memref_slice %arg5[%mul3A_5, %dma_wait3A_49] : memref<10240x128xf32, #tpu.memory_space<vmem_shared>> -> memref<128x128xf32, #tpu.memory_space<vmem_shared>>
    %dma_wait3A_51 = arith.constant 0 : i32
    %dma_wait3A_52 = tpu.memref_slice %arg5[%mul3A_5, %dma_wait3A_51] : memref<10240x128xf32, #tpu.memory_space<vmem_shared>> -> memref<128x128xf32, #tpu.memory_space<vmem_shared>>
    tpu.wait_dma2 semaphore(%arg18 : memref<!tpu.dma_semaphore, #tpu.memory_space<semaphore_mem>>) src(%arg14 : memref<128x128xf32, #tpu.memory_space<vmem>>) dst(%dma_wait3A_52 : memref<128x128xf32, #tpu.memory_space<vmem_shared>>)
    %barrier3A = arith.constant 0 : index
    tpu.barrier barrier_id(%barrier3A)
    %mul3A_53 = arith.constant 1280 : i32
    %mul3A_54 = arith.muli %arg0, %mul3A_53 : i32
    %mul3A_55 = arith.constant 80 : i32
    %mul3A_56 = arith.muli %arg1, %mul3A_55 : i32
    %add3A_57 = arith.addi %mul3A_54, %mul3A_56 : i32
    %mul3A_58 = arith.constant 128 : i32
    %mul3A_59 = arith.muli %add3A_57, %mul3A_58 : i32
    %add3A_60 = arith.constant 0 : i32
    %add3A_61 = arith.addi %mul3A_59, %add3A_60 : i32
    %run_scoped3A = arith.constant 0 : i32
    "tpu.region"() ({
      %run_scoped3A_96 = tpu.sem_alloc : memref<!tpu.dma_semaphore, #tpu.memory_space<semaphore_mem>>
      %dma_start3A_97 = tpu.memref_slice %arg3[%run_scoped3A, %add3A_61] : memref<2x327680xi32, #tpu.memory_space<hbm>> -> memref<1x128xi32, #tpu.memory_space<hbm>>
      %dma_start3A_98 = tpu.memref_squeeze %dma_start3A_97 : memref<1x128xi32, #tpu.memory_space<hbm>> -> memref<128xi32, #tpu.memory_space<hbm>>
      %dma_start3A_99 = tpu.memref_slice %arg3[%run_scoped3A, %add3A_61] : memref<2x327680xi32, #tpu.memory_space<hbm>> -> memref<1x128xi32, #tpu.memory_space<hbm>>
      %dma_start3A_100 = tpu.memref_squeeze %dma_start3A_99 : memref<1x128xi32, #tpu.memory_space<hbm>> -> memref<128xi32, #tpu.memory_space<hbm>>
      tpu.enqueue_dma source(%dma_start3A_100 : memref<128xi32, #tpu.memory_space<hbm>>) target(%arg6 : memref<128xi32, #tpu.memory_space<vmem>>) target_semaphore(%run_scoped3A_96 : memref<!tpu.dma_semaphore, #tpu.memory_space<semaphore_mem>>)
      %dma_wait3A_101 = tpu.memref_slice %arg3[%run_scoped3A, %add3A_61] : memref<2x327680xi32, #tpu.memory_space<hbm>> -> memref<1x128xi32, #tpu.memory_space<hbm>>
      %dma_wait3A_102 = tpu.memref_squeeze %dma_wait3A_101 : memref<1x128xi32, #tpu.memory_space<hbm>> -> memref<128xi32, #tpu.memory_space<hbm>>
      %dma_wait3A_103 = tpu.memref_slice %arg3[%run_scoped3A, %add3A_61] : memref<2x327680xi32, #tpu.memory_space<hbm>> -> memref<1x128xi32, #tpu.memory_space<hbm>>
      %dma_wait3A_104 = tpu.memref_squeeze %dma_wait3A_103 : memref<1x128xi32, #tpu.memory_space<hbm>> -> memref<128xi32, #tpu.memory_space<hbm>>
      tpu.wait_dma2 semaphore(%run_scoped3A_96 : memref<!tpu.dma_semaphore, #tpu.memory_space<semaphore_mem>>) src(%dma_wait3A_104 : memref<128xi32, #tpu.memory_space<hbm>>) dst(%arg6 : memref<128xi32, #tpu.memory_space<vmem>>)
      tpu.yield
    }) : () -> ()
    %add3A_62 = arith.constant 0 : i32
    %add3A_63 = arith.addi %mul3A_59, %add3A_62 : i32
    %run_scoped3A_64 = arith.constant 1 : i32
    "tpu.region"() ({
      %run_scoped3A_96 = tpu.sem_alloc : memref<!tpu.dma_semaphore, #tpu.memory_space<semaphore_mem>>
      %dma_start3A_97 = tpu.memref_slice %arg3[%run_scoped3A_64, %add3A_63] : memref<2x327680xi32, #tpu.memory_space<hbm>> -> memref<1x128xi32, #tpu.memory_space<hbm>>
      %dma_start3A_98 = tpu.memref_squeeze %dma_start3A_97 : memref<1x128xi32, #tpu.memory_space<hbm>> -> memref<128xi32, #tpu.memory_space<hbm>>
      %dma_start3A_99 = tpu.memref_slice %arg3[%run_scoped3A_64, %add3A_63] : memref<2x327680xi32, #tpu.memory_space<hbm>> -> memref<1x128xi32, #tpu.memory_space<hbm>>
      %dma_start3A_100 = tpu.memref_squeeze %dma_start3A_99 : memref<1x128xi32, #tpu.memory_space<hbm>> -> memref<128xi32, #tpu.memory_space<hbm>>
      tpu.enqueue_dma source(%dma_start3A_100 : memref<128xi32, #tpu.memory_space<hbm>>) target(%arg7 : memref<128xi32, #tpu.memory_space<vmem>>) target_semaphore(%run_scoped3A_96 : memref<!tpu.dma_semaphore, #tpu.memory_space<semaphore_mem>>)
      %dma_wait3A_101 = tpu.memref_slice %arg3[%run_scoped3A_64, %add3A_63] : memref<2x327680xi32, #tpu.memory_space<hbm>> -> memref<1x128xi32, #tpu.memory_space<hbm>>
      %dma_wait3A_102 = tpu.memref_squeeze %dma_wait3A_101 : memref<1x128xi32, #tpu.memory_space<hbm>> -> memref<128xi32, #tpu.memory_space<hbm>>
      %dma_wait3A_103 = tpu.memref_slice %arg3[%run_scoped3A_64, %add3A_63] : memref<2x327680xi32, #tpu.memory_space<hbm>> -> memref<1x128xi32, #tpu.memory_space<hbm>>
      %dma_wait3A_104 = tpu.memref_squeeze %dma_wait3A_103 : memref<1x128xi32, #tpu.memory_space<hbm>> -> memref<128xi32, #tpu.memory_space<hbm>>
      tpu.wait_dma2 semaphore(%run_scoped3A_96 : memref<!tpu.dma_semaphore, #tpu.memory_space<semaphore_mem>>) src(%dma_wait3A_104 : memref<128xi32, #tpu.memory_space<hbm>>) dst(%arg7 : memref<128xi32, #tpu.memory_space<vmem>>)
      tpu.yield
    }) : () -> ()
    %add3A_65 = arith.constant 128 : i32
    %add3A_66 = arith.addi %mul3A_59, %add3A_65 : i32
    %run_scoped3A_67 = arith.constant 0 : i32
    "tpu.region"() ({
      %run_scoped3A_96 = tpu.sem_alloc : memref<!tpu.dma_semaphore, #tpu.memory_space<semaphore_mem>>
      %dma_start3A_97 = tpu.memref_slice %arg3[%run_scoped3A_67, %add3A_66] : memref<2x327680xi32, #tpu.memory_space<hbm>> -> memref<1x128xi32, #tpu.memory_space<hbm>>
      %dma_start3A_98 = tpu.memref_squeeze %dma_start3A_97 : memref<1x128xi32, #tpu.memory_space<hbm>> -> memref<128xi32, #tpu.memory_space<hbm>>
      %dma_start3A_99 = tpu.memref_slice %arg3[%run_scoped3A_67, %add3A_66] : memref<2x327680xi32, #tpu.memory_space<hbm>> -> memref<1x128xi32, #tpu.memory_space<hbm>>
      %dma_start3A_100 = tpu.memref_squeeze %dma_start3A_99 : memref<1x128xi32, #tpu.memory_space<hbm>> -> memref<128xi32, #tpu.memory_space<hbm>>
      tpu.enqueue_dma source(%dma_start3A_100 : memref<128xi32, #tpu.memory_space<hbm>>) target(%arg8 : memref<128xi32, #tpu.memory_space<vmem>>) target_semaphore(%run_scoped3A_96 : memref<!tpu.dma_semaphore, #tpu.memory_space<semaphore_mem>>)
      %dma_wait3A_101 = tpu.memref_slice %arg3[%run_scoped3A_67, %add3A_66] : memref<2x327680xi32, #tpu.memory_space<hbm>> -> memref<1x128xi32, #tpu.memory_space<hbm>>
      %dma_wait3A_102 = tpu.memref_squeeze %dma_wait3A_101 : memref<1x128xi32, #tpu.memory_space<hbm>> -> memref<128xi32, #tpu.memory_space<hbm>>
      %dma_wait3A_103 = tpu.memref_slice %arg3[%run_scoped3A_67, %add3A_66] : memref<2x327680xi32, #tpu.memory_space<hbm>> -> memref<1x128xi32, #tpu.memory_space<hbm>>
      %dma_wait3A_104 = tpu.memref_squeeze %dma_wait3A_103 : memref<1x128xi32, #tpu.memory_space<hbm>> -> memref<128xi32, #tpu.memory_space<hbm>>
      tpu.wait_dma2 semaphore(%run_scoped3A_96 : memref<!tpu.dma_semaphore, #tpu.memory_space<semaphore_mem>>) src(%dma_wait3A_104 : memref<128xi32, #tpu.memory_space<hbm>>) dst(%arg8 : memref<128xi32, #tpu.memory_space<vmem>>)
      tpu.yield
    }) : () -> ()
    %add3A_68 = arith.constant 128 : i32
    %add3A_69 = arith.addi %mul3A_59, %add3A_68 : i32
    %run_scoped3A_70 = arith.constant 1 : i32
    "tpu.region"() ({
      %run_scoped3A_96 = tpu.sem_alloc : memref<!tpu.dma_semaphore, #tpu.memory_space<semaphore_mem>>
      %dma_start3A_97 = tpu.memref_slice %arg3[%run_scoped3A_70, %add3A_69] : memref<2x327680xi32, #tpu.memory_space<hbm>> -> memref<1x128xi32, #tpu.memory_space<hbm>>
      %dma_start3A_98 = tpu.memref_squeeze %dma_start3A_97 : memref<1x128xi32, #tpu.memory_space<hbm>> -> memref<128xi32, #tpu.memory_space<hbm>>
      %dma_start3A_99 = tpu.memref_slice %arg3[%run_scoped3A_70, %add3A_69] : memref<2x327680xi32, #tpu.memory_space<hbm>> -> memref<1x128xi32, #tpu.memory_space<hbm>>
      %dma_start3A_100 = tpu.memref_squeeze %dma_start3A_99 : memref<1x128xi32, #tpu.memory_space<hbm>> -> memref<128xi32, #tpu.memory_space<hbm>>
      tpu.enqueue_dma source(%dma_start3A_100 : memref<128xi32, #tpu.memory_space<hbm>>) target(%arg9 : memref<128xi32, #tpu.memory_space<vmem>>) target_semaphore(%run_scoped3A_96 : memref<!tpu.dma_semaphore, #tpu.memory_space<semaphore_mem>>)
      %dma_wait3A_101 = tpu.memref_slice %arg3[%run_scoped3A_70, %add3A_69] : memref<2x327680xi32, #tpu.memory_space<hbm>> -> memref<1x128xi32, #tpu.memory_space<hbm>>
      %dma_wait3A_102 = tpu.memref_squeeze %dma_wait3A_101 : memref<1x128xi32, #tpu.memory_space<hbm>> -> memref<128xi32, #tpu.memory_space<hbm>>
      %dma_wait3A_103 = tpu.memref_slice %arg3[%run_scoped3A_70, %add3A_69] : memref<2x327680xi32, #tpu.memory_space<hbm>> -> memref<1x128xi32, #tpu.memory_space<hbm>>
      %dma_wait3A_104 = tpu.memref_squeeze %dma_wait3A_103 : memref<1x128xi32, #tpu.memory_space<hbm>> -> memref<128xi32, #tpu.memory_space<hbm>>
      tpu.wait_dma2 semaphore(%run_scoped3A_96 : memref<!tpu.dma_semaphore, #tpu.memory_space<semaphore_mem>>) src(%dma_wait3A_104 : memref<128xi32, #tpu.memory_space<hbm>>) dst(%arg9 : memref<128xi32, #tpu.memory_space<vmem>>)
      tpu.yield
    }) : () -> ()
    %add3A_71 = arith.constant 256 : i32
    %add3A_72 = arith.addi %mul3A_59, %add3A_71 : i32
    %run_scoped3A_73 = arith.constant 0 : i32
    "tpu.region"() ({
      %run_scoped3A_96 = tpu.sem_alloc : memref<!tpu.dma_semaphore, #tpu.memory_space<semaphore_mem>>
      %dma_start3A_97 = tpu.memref_slice %arg3[%run_scoped3A_73, %add3A_72] : memref<2x327680xi32, #tpu.memory_space<hbm>> -> memref<1x128xi32, #tpu.memory_space<hbm>>
      %dma_start3A_98 = tpu.memref_squeeze %dma_start3A_97 : memref<1x128xi32, #tpu.memory_space<hbm>> -> memref<128xi32, #tpu.memory_space<hbm>>
      %dma_start3A_99 = tpu.memref_slice %arg3[%run_scoped3A_73, %add3A_72] : memref<2x327680xi32, #tpu.memory_space<hbm>> -> memref<1x128xi32, #tpu.memory_space<hbm>>
      %dma_start3A_100 = tpu.memref_squeeze %dma_start3A_99 : memref<1x128xi32, #tpu.memory_space<hbm>> -> memref<128xi32, #tpu.memory_space<hbm>>
      tpu.enqueue_dma source(%dma_start3A_100 : memref<128xi32, #tpu.memory_space<hbm>>) target(%arg10 : memref<128xi32, #tpu.memory_space<vmem>>) target_semaphore(%run_scoped3A_96 : memref<!tpu.dma_semaphore, #tpu.memory_space<semaphore_mem>>)
      %dma_wait3A_101 = tpu.memref_slice %arg3[%run_scoped3A_73, %add3A_72] : memref<2x327680xi32, #tpu.memory_space<hbm>> -> memref<1x128xi32, #tpu.memory_space<hbm>>
      %dma_wait3A_102 = tpu.memref_squeeze %dma_wait3A_101 : memref<1x128xi32, #tpu.memory_space<hbm>> -> memref<128xi32, #tpu.memory_space<hbm>>
      %dma_wait3A_103 = tpu.memref_slice %arg3[%run_scoped3A_73, %add3A_72] : memref<2x327680xi32, #tpu.memory_space<hbm>> -> memref<1x128xi32, #tpu.memory_space<hbm>>
      %dma_wait3A_104 = tpu.memref_squeeze %dma_wait3A_103 : memref<1x128xi32, #tpu.memory_space<hbm>> -> memref<128xi32, #tpu.memory_space<hbm>>
      tpu.wait_dma2 semaphore(%run_scoped3A_96 : memref<!tpu.dma_semaphore, #tpu.memory_space<semaphore_mem>>) src(%dma_wait3A_104 : memref<128xi32, #tpu.memory_space<hbm>>) dst(%arg10 : memref<128xi32, #tpu.memory_space<vmem>>)
      tpu.yield
    }) : () -> ()
    %add3A_74 = arith.constant 256 : i32
    %add3A_75 = arith.addi %mul3A_59, %add3A_74 : i32
    %run_scoped3A_76 = arith.constant 1 : i32
    "tpu.region"() ({
      %run_scoped3A_96 = tpu.sem_alloc : memref<!tpu.dma_semaphore, #tpu.memory_space<semaphore_mem>>
      %dma_start3A_97 = tpu.memref_slice %arg3[%run_scoped3A_76, %add3A_75] : memref<2x327680xi32, #tpu.memory_space<hbm>> -> memref<1x128xi32, #tpu.memory_space<hbm>>
      %dma_start3A_98 = tpu.memref_squeeze %dma_start3A_97 : memref<1x128xi32, #tpu.memory_space<hbm>> -> memref<128xi32, #tpu.memory_space<hbm>>
      %dma_start3A_99 = tpu.memref_slice %arg3[%run_scoped3A_76, %add3A_75] : memref<2x327680xi32, #tpu.memory_space<hbm>> -> memref<1x128xi32, #tpu.memory_space<hbm>>
      %dma_start3A_100 = tpu.memref_squeeze %dma_start3A_99 : memref<1x128xi32, #tpu.memory_space<hbm>> -> memref<128xi32, #tpu.memory_space<hbm>>
      tpu.enqueue_dma source(%dma_start3A_100 : memref<128xi32, #tpu.memory_space<hbm>>) target(%arg11 : memref<128xi32, #tpu.memory_space<vmem>>) target_semaphore(%run_scoped3A_96 : memref<!tpu.dma_semaphore, #tpu.memory_space<semaphore_mem>>)
      %dma_wait3A_101 = tpu.memref_slice %arg3[%run_scoped3A_76, %add3A_75] : memref<2x327680xi32, #tpu.memory_space<hbm>> -> memref<1x128xi32, #tpu.memory_space<hbm>>
      %dma_wait3A_102 = tpu.memref_squeeze %dma_wait3A_101 : memref<1x128xi32, #tpu.memory_space<hbm>> -> memref<128xi32, #tpu.memory_space<hbm>>
      %dma_wait3A_103 = tpu.memref_slice %arg3[%run_scoped3A_76, %add3A_75] : memref<2x327680xi32, #tpu.memory_space<hbm>> -> memref<1x128xi32, #tpu.memory_space<hbm>>
      %dma_wait3A_104 = tpu.memref_squeeze %dma_wait3A_103 : memref<1x128xi32, #tpu.memory_space<hbm>> -> memref<128xi32, #tpu.memory_space<hbm>>
      tpu.wait_dma2 semaphore(%run_scoped3A_96 : memref<!tpu.dma_semaphore, #tpu.memory_space<semaphore_mem>>) src(%dma_wait3A_104 : memref<128xi32, #tpu.memory_space<hbm>>) dst(%arg11 : memref<128xi32, #tpu.memory_space<vmem>>)
      tpu.yield
    }) : () -> ()
    %add3A_77 = arith.constant 384 : i32
    %add3A_78 = arith.addi %mul3A_59, %add3A_77 : i32
    %run_scoped3A_79 = arith.constant 0 : i32
    "tpu.region"() ({
      %run_scoped3A_96 = tpu.sem_alloc : memref<!tpu.dma_semaphore, #tpu.memory_space<semaphore_mem>>
      %dma_start3A_97 = tpu.memref_slice %arg3[%run_scoped3A_79, %add3A_78] : memref<2x327680xi32, #tpu.memory_space<hbm>> -> memref<1x128xi32, #tpu.memory_space<hbm>>
      %dma_start3A_98 = tpu.memref_squeeze %dma_start3A_97 : memref<1x128xi32, #tpu.memory_space<hbm>> -> memref<128xi32, #tpu.memory_space<hbm>>
      %dma_start3A_99 = tpu.memref_slice %arg3[%run_scoped3A_79, %add3A_78] : memref<2x327680xi32, #tpu.memory_space<hbm>> -> memref<1x128xi32, #tpu.memory_space<hbm>>
      %dma_start3A_100 = tpu.memref_squeeze %dma_start3A_99 : memref<1x128xi32, #tpu.memory_space<hbm>> -> memref<128xi32, #tpu.memory_space<hbm>>
      tpu.enqueue_dma source(%dma_start3A_100 : memref<128xi32, #tpu.memory_space<hbm>>) target(%arg12 : memref<128xi32, #tpu.memory_space<vmem>>) target_semaphore(%run_scoped3A_96 : memref<!tpu.dma_semaphore, #tpu.memory_space<semaphore_mem>>)
      %dma_wait3A_101 = tpu.memref_slice %arg3[%run_scoped3A_79, %add3A_78] : memref<2x327680xi32, #tpu.memory_space<hbm>> -> memref<1x128xi32, #tpu.memory_space<hbm>>
      %dma_wait3A_102 = tpu.memref_squeeze %dma_wait3A_101 : memref<1x128xi32, #tpu.memory_space<hbm>> -> memref<128xi32, #tpu.memory_space<hbm>>
      %dma_wait3A_103 = tpu.memref_slice %arg3[%run_scoped3A_79, %add3A_78] : memref<2x327680xi32, #tpu.memory_space<hbm>> -> memref<1x128xi32, #tpu.memory_space<hbm>>
      %dma_wait3A_104 = tpu.memref_squeeze %dma_wait3A_103 : memref<1x128xi32, #tpu.memory_space<hbm>> -> memref<128xi32, #tpu.memory_space<hbm>>
      tpu.wait_dma2 semaphore(%run_scoped3A_96 : memref<!tpu.dma_semaphore, #tpu.memory_space<semaphore_mem>>) src(%dma_wait3A_104 : memref<128xi32, #tpu.memory_space<hbm>>) dst(%arg12 : memref<128xi32, #tpu.memory_space<vmem>>)
      tpu.yield
    }) : () -> ()
    %add3A_80 = arith.constant 384 : i32
    %add3A_81 = arith.addi %mul3A_59, %add3A_80 : i32
    %run_scoped3A_82 = arith.constant 1 : i32
    "tpu.region"() ({
      %run_scoped3A_96 = tpu.sem_alloc : memref<!tpu.dma_semaphore, #tpu.memory_space<semaphore_mem>>
      %dma_start3A_97 = tpu.memref_slice %arg3[%run_scoped3A_82, %add3A_81] : memref<2x327680xi32, #tpu.memory_space<hbm>> -> memref<1x128xi32, #tpu.memory_space<hbm>>
      %dma_start3A_98 = tpu.memref_squeeze %dma_start3A_97 : memref<1x128xi32, #tpu.memory_space<hbm>> -> memref<128xi32, #tpu.memory_space<hbm>>
      %dma_start3A_99 = tpu.memref_slice %arg3[%run_scoped3A_82, %add3A_81] : memref<2x327680xi32, #tpu.memory_space<hbm>> -> memref<1x128xi32, #tpu.memory_space<hbm>>
      %dma_start3A_100 = tpu.memref_squeeze %dma_start3A_99 : memref<1x128xi32, #tpu.memory_space<hbm>> -> memref<128xi32, #tpu.memory_space<hbm>>
      tpu.enqueue_dma source(%dma_start3A_100 : memref<128xi32, #tpu.memory_space<hbm>>) target(%arg13 : memref<128xi32, #tpu.memory_space<vmem>>) target_semaphore(%run_scoped3A_96 : memref<!tpu.dma_semaphore, #tpu.memory_space<semaphore_mem>>)
      %dma_wait3A_101 = tpu.memref_slice %arg3[%run_scoped3A_82, %add3A_81] : memref<2x327680xi32, #tpu.memory_space<hbm>> -> memref<1x128xi32, #tpu.memory_space<hbm>>
      %dma_wait3A_102 = tpu.memref_squeeze %dma_wait3A_101 : memref<1x128xi32, #tpu.memory_space<hbm>> -> memref<128xi32, #tpu.memory_space<hbm>>
      %dma_wait3A_103 = tpu.memref_slice %arg3[%run_scoped3A_82, %add3A_81] : memref<2x327680xi32, #tpu.memory_space<hbm>> -> memref<1x128xi32, #tpu.memory_space<hbm>>
      %dma_wait3A_104 = tpu.memref_squeeze %dma_wait3A_103 : memref<1x128xi32, #tpu.memory_space<hbm>> -> memref<128xi32, #tpu.memory_space<hbm>>
      tpu.wait_dma2 semaphore(%run_scoped3A_96 : memref<!tpu.dma_semaphore, #tpu.memory_space<semaphore_mem>>) src(%dma_wait3A_104 : memref<128xi32, #tpu.memory_space<hbm>>) dst(%arg13 : memref<128xi32, #tpu.memory_space<vmem>>)
      tpu.yield
    }) : () -> ()
    %dma_start3A_83 = arith.constant 0 : i32
    %dma_start3A_84 = arith.constant 0 : i32
    %dma_start3A_85 = tpu.memref_slice %arg2[%dma_start3A_83, %dma_start3A_84] : memref<10240x128xf32, #tpu.memory_space<hbm>> -> memref<10240x128xf32, #tpu.memory_space<hbm>>
    tpu.enqueue_indirect_dma source(%dma_start3A_85 : memref<10240x128xf32, #tpu.memory_space<hbm>>) target(%arg14 : memref<128x128xf32, #tpu.memory_space<vmem>>) offsets(%arg6 : memref<128xi32, #tpu.memory_space<vmem>>) semaphore(%arg18 : memref<!tpu.dma_semaphore, #tpu.memory_space<semaphore_mem>>)
    %dma_start3A_86 = arith.constant 0 : i32
    %dma_start3A_87 = arith.constant 0 : i32
    %dma_start3A_88 = tpu.memref_slice %arg2[%dma_start3A_86, %dma_start3A_87] : memref<10240x128xf32, #tpu.memory_space<hbm>> -> memref<10240x128xf32, #tpu.memory_space<hbm>>
    tpu.enqueue_indirect_dma source(%dma_start3A_88 : memref<10240x128xf32, #tpu.memory_space<hbm>>) target(%arg15 : memref<128x128xf32, #tpu.memory_space<vmem>>) offsets(%arg8 : memref<128xi32, #tpu.memory_space<vmem>>) semaphore(%arg19 : memref<!tpu.dma_semaphore, #tpu.memory_space<semaphore_mem>>)
    %scan3A_89 = arith.constant 0 : i32
    %scan3A_90 = arith.constant 0 : i32
    %scan3A_91 = arith.constant 10 : i32
    %scan3A_92 = arith.addi %scan3A_90, %scan3A_91 : i32
    %scan3A_93 = arith.constant 1 : i32
    scf.for %scan3A_96 = %scan3A_90 to %scan3A_92 step %scan3A_93  : i32 {
      %mul3A_97 = arith.constant 8 : i32
      %mul3A_98 = arith.muli %mul3A_97, %scan3A_96 : i32
      %add3A_99 = arith.constant 8 : i32
      %add3A_100 = arith.addi %mul3A_98, %add3A_99 : i32
      %lt3A = arith.constant 80 : i32
      %lt3A_101 = arith.cmpi slt, %add3A_100, %lt3A : i32
      %dma_wait3A_102 = arith.constant 0 : i32
      %dma_wait3A_103 = arith.constant 0 : i32
      %dma_wait3A_104 = tpu.memref_slice %arg2[%dma_wait3A_102, %dma_wait3A_103] : memref<10240x128xf32, #tpu.memory_space<hbm>> -> memref<10240x128xf32, #tpu.memory_space<hbm>>
      tpu.wait_indirect_dma semaphore(%arg18 : memref<!tpu.dma_semaphore, #tpu.memory_space<semaphore_mem>>) src(%dma_wait3A_104 : memref<10240x128xf32, #tpu.memory_space<hbm>>) dst(%arg14 : memref<128x128xf32, #tpu.memory_space<vmem>>)
      "tpu.region"() ({
        %run_scoped3A_282 = tpu.sem_alloc : memref<!tpu.dma_semaphore, #tpu.memory_space<semaphore_mem>>
        %dma_start3A_283 = arith.constant 0 : i32
        %dma_start3A_284 = arith.constant 0 : i32
        %dma_start3A_285 = tpu.memref_slice %arg5[%dma_start3A_283, %dma_start3A_284] : memref<10240x128xf32, #tpu.memory_space<vmem_shared>> -> memref<10240x128xf32, #tpu.memory_space<vmem_shared>>
        tpu.enqueue_indirect_dma source(%arg14 : memref<128x128xf32, #tpu.memory_space<vmem>>) target(%dma_start3A_285 : memref<10240x128xf32, #tpu.memory_space<vmem_shared>>) offsets(%arg7 : memref<128xi32, #tpu.memory_space<vmem>>) semaphore(%run_scoped3A_282 : memref<!tpu.dma_semaphore, #tpu.memory_space<semaphore_mem>>) {add = true}
        %dma_wait3A_286 = arith.constant 0 : i32
        %dma_wait3A_287 = arith.constant 0 : i32
        %dma_wait3A_288 = tpu.memref_slice %arg5[%dma_wait3A_286, %dma_wait3A_287] : memref<10240x128xf32, #tpu.memory_space<vmem_shared>> -> memref<10240x128xf32, #tpu.memory_space<vmem_shared>>
        tpu.wait_indirect_dma semaphore(%run_scoped3A_282 : memref<!tpu.dma_semaphore, #tpu.memory_space<semaphore_mem>>) src(%arg14 : memref<128x128xf32, #tpu.memory_space<vmem>>) dst(%dma_wait3A_288 : memref<10240x128xf32, #tpu.memory_space<vmem_shared>>)
        tpu.yield
      }) : () -> ()
      %dma_start3A_105 = arith.constant 0 : i32
      %dma_start3A_106 = arith.constant 0 : i32
      %dma_start3A_107 = tpu.memref_slice %arg2[%dma_start3A_105, %dma_start3A_106] : memref<10240x128xf32, #tpu.memory_space<hbm>> -> memref<10240x128xf32, #tpu.memory_space<hbm>>
      tpu.enqueue_indirect_dma source(%dma_start3A_107 : memref<10240x128xf32, #tpu.memory_space<hbm>>) target(%arg14 : memref<128x128xf32, #tpu.memory_space<vmem>>) offsets(%arg10 : memref<128xi32, #tpu.memory_space<vmem>>) semaphore(%arg18 : memref<!tpu.dma_semaphore, #tpu.memory_space<semaphore_mem>>)
      %add3A_108 = arith.constant 4 : i32
      %add3A_109 = arith.addi %mul3A_98, %add3A_108 : i32
      %mul3A_110 = arith.constant 128 : i32
      %mul3A_111 = arith.muli %add3A_109, %mul3A_110 : i32
      %add3A_112 = arith.addi %mul3A_59, %mul3A_111 : i32
      %dma_start3A_113 = arith.constant 0 : i32
      %dma_start3A_114 = tpu.memref_slice %arg3[%dma_start3A_113, %add3A_112] : memref<2x327680xi32, #tpu.memory_space<hbm>> -> memref<1x128xi32, #tpu.memory_space<hbm>>
      %dma_start3A_115 = tpu.memref_squeeze %dma_start3A_114 : memref<1x128xi32, #tpu.memory_space<hbm>> -> memref<128xi32, #tpu.memory_space<hbm>>
      %dma_start3A_116 = tpu.memref_slice %arg3[%dma_start3A_113, %add3A_112] : memref<2x327680xi32, #tpu.memory_space<hbm>> -> memref<1x128xi32, #tpu.memory_space<hbm>>
      %dma_start3A_117 = tpu.memref_squeeze %dma_start3A_116 : memref<1x128xi32, #tpu.memory_space<hbm>> -> memref<128xi32, #tpu.memory_space<hbm>>
      tpu.enqueue_dma source(%dma_start3A_117 : memref<128xi32, #tpu.memory_space<hbm>>) target(%arg6 : memref<128xi32, #tpu.memory_space<vmem>>) target_semaphore(%arg16 : memref<!tpu.dma_semaphore, #tpu.memory_space<semaphore_mem>>)
      %mul3A_118 = arith.constant 128 : i32
      %mul3A_119 = arith.muli %add3A_109, %mul3A_118 : i32
      %add3A_120 = arith.addi %mul3A_59, %mul3A_119 : i32
      %dma_start3A_121 = arith.constant 1 : i32
      %dma_start3A_122 = tpu.memref_slice %arg3[%dma_start3A_121, %add3A_120] : memref<2x327680xi32, #tpu.memory_space<hbm>> -> memref<1x128xi32, #tpu.memory_space<hbm>>
      %dma_start3A_123 = tpu.memref_squeeze %dma_start3A_122 : memref<1x128xi32, #tpu.memory_space<hbm>> -> memref<128xi32, #tpu.memory_space<hbm>>
      %dma_start3A_124 = tpu.memref_slice %arg3[%dma_start3A_121, %add3A_120] : memref<2x327680xi32, #tpu.memory_space<hbm>> -> memref<1x128xi32, #tpu.memory_space<hbm>>
      %dma_start3A_125 = tpu.memref_squeeze %dma_start3A_124 : memref<1x128xi32, #tpu.memory_space<hbm>> -> memref<128xi32, #tpu.memory_space<hbm>>
      tpu.enqueue_dma source(%dma_start3A_125 : memref<128xi32, #tpu.memory_space<hbm>>) target(%arg7 : memref<128xi32, #tpu.memory_space<vmem>>) target_semaphore(%arg16 : memref<!tpu.dma_semaphore, #tpu.memory_space<semaphore_mem>>)
      %dma_wait3A_126 = arith.constant 0 : i32
      %dma_wait3A_127 = arith.constant 0 : i32
      %dma_wait3A_128 = tpu.memref_slice %arg2[%dma_wait3A_126, %dma_wait3A_127] : memref<10240x128xf32, #tpu.memory_space<hbm>> -> memref<10240x128xf32, #tpu.memory_space<hbm>>
      tpu.wait_indirect_dma semaphore(%arg19 : memref<!tpu.dma_semaphore, #tpu.memory_space<semaphore_mem>>) src(%dma_wait3A_128 : memref<10240x128xf32, #tpu.memory_space<hbm>>) dst(%arg15 : memref<128x128xf32, #tpu.memory_space<vmem>>)
      "tpu.region"() ({
        %run_scoped3A_282 = tpu.sem_alloc : memref<!tpu.dma_semaphore, #tpu.memory_space<semaphore_mem>>
        %dma_start3A_283 = arith.constant 0 : i32
        %dma_start3A_284 = arith.constant 0 : i32
        %dma_start3A_285 = tpu.memref_slice %arg5[%dma_start3A_283, %dma_start3A_284] : memref<10240x128xf32, #tpu.memory_space<vmem_shared>> -> memref<10240x128xf32, #tpu.memory_space<vmem_shared>>
        tpu.enqueue_indirect_dma source(%arg15 : memref<128x128xf32, #tpu.memory_space<vmem>>) target(%dma_start3A_285 : memref<10240x128xf32, #tpu.memory_space<vmem_shared>>) offsets(%arg9 : memref<128xi32, #tpu.memory_space<vmem>>) semaphore(%run_scoped3A_282 : memref<!tpu.dma_semaphore, #tpu.memory_space<semaphore_mem>>) {add = true}
        %dma_wait3A_286 = arith.constant 0 : i32
        %dma_wait3A_287 = arith.constant 0 : i32
        %dma_wait3A_288 = tpu.memref_slice %arg5[%dma_wait3A_286, %dma_wait3A_287] : memref<10240x128xf32, #tpu.memory_space<vmem_shared>> -> memref<10240x128xf32, #tpu.memory_space<vmem_shared>>
        tpu.wait_indirect_dma semaphore(%run_scoped3A_282 : memref<!tpu.dma_semaphore, #tpu.memory_space<semaphore_mem>>) src(%arg15 : memref<128x128xf32, #tpu.memory_space<vmem>>) dst(%dma_wait3A_288 : memref<10240x128xf32, #tpu.memory_space<vmem_shared>>)
        tpu.yield
      }) : () -> ()
      %dma_start3A_129 = arith.constant 0 : i32
      %dma_start3A_130 = arith.constant 0 : i32
      %dma_start3A_131 = tpu.memref_slice %arg2[%dma_start3A_129, %dma_start3A_130] : memref<10240x128xf32, #tpu.memory_space<hbm>> -> memref<10240x128xf32, #tpu.memory_space<hbm>>
      tpu.enqueue_indirect_dma source(%dma_start3A_131 : memref<10240x128xf32, #tpu.memory_space<hbm>>) target(%arg15 : memref<128x128xf32, #tpu.memory_space<vmem>>) offsets(%arg12 : memref<128xi32, #tpu.memory_space<vmem>>) semaphore(%arg19 : memref<!tpu.dma_semaphore, #tpu.memory_space<semaphore_mem>>)
      %add3A_132 = arith.constant 5 : i32
      %add3A_133 = arith.addi %mul3A_98, %add3A_132 : i32
      %mul3A_134 = arith.constant 128 : i32
      %mul3A_135 = arith.muli %add3A_133, %mul3A_134 : i32
      %add3A_136 = arith.addi %mul3A_59, %mul3A_135 : i32
      %dma_start3A_137 = arith.constant 0 : i32
      %dma_start3A_138 = tpu.memref_slice %arg3[%dma_start3A_137, %add3A_136] : memref<2x327680xi32, #tpu.memory_space<hbm>> -> memref<1x128xi32, #tpu.memory_space<hbm>>
      %dma_start3A_139 = tpu.memref_squeeze %dma_start3A_138 : memref<1x128xi32, #tpu.memory_space<hbm>> -> memref<128xi32, #tpu.memory_space<hbm>>
      %dma_start3A_140 = tpu.memref_slice %arg3[%dma_start3A_137, %add3A_136] : memref<2x327680xi32, #tpu.memory_space<hbm>> -> memref<1x128xi32, #tpu.memory_space<hbm>>
      %dma_start3A_141 = tpu.memref_squeeze %dma_start3A_140 : memref<1x128xi32, #tpu.memory_space<hbm>> -> memref<128xi32, #tpu.memory_space<hbm>>
      tpu.enqueue_dma source(%dma_start3A_141 : memref<128xi32, #tpu.memory_space<hbm>>) target(%arg8 : memref<128xi32, #tpu.memory_space<vmem>>) target_semaphore(%arg16 : memref<!tpu.dma_semaphore, #tpu.memory_space<semaphore_mem>>)
      %mul3A_142 = arith.constant 128 : i32
      %mul3A_143 = arith.muli %add3A_133, %mul3A_142 : i32
      %add3A_144 = arith.addi %mul3A_59, %mul3A_143 : i32
      %dma_start3A_145 = arith.constant 1 : i32
      %dma_start3A_146 = tpu.memref_slice %arg3[%dma_start3A_145, %add3A_144] : memref<2x327680xi32, #tpu.memory_space<hbm>> -> memref<1x128xi32, #tpu.memory_space<hbm>>
      %dma_start3A_147 = tpu.memref_squeeze %dma_start3A_146 : memref<1x128xi32, #tpu.memory_space<hbm>> -> memref<128xi32, #tpu.memory_space<hbm>>
      %dma_start3A_148 = tpu.memref_slice %arg3[%dma_start3A_145, %add3A_144] : memref<2x327680xi32, #tpu.memory_space<hbm>> -> memref<1x128xi32, #tpu.memory_space<hbm>>
      %dma_start3A_149 = tpu.memref_squeeze %dma_start3A_148 : memref<1x128xi32, #tpu.memory_space<hbm>> -> memref<128xi32, #tpu.memory_space<hbm>>
      tpu.enqueue_dma source(%dma_start3A_149 : memref<128xi32, #tpu.memory_space<hbm>>) target(%arg9 : memref<128xi32, #tpu.memory_space<vmem>>) target_semaphore(%arg16 : memref<!tpu.dma_semaphore, #tpu.memory_space<semaphore_mem>>)
      %dma_wait3A_150 = arith.constant 0 : i32
      %dma_wait3A_151 = arith.constant 0 : i32
      %dma_wait3A_152 = tpu.memref_slice %arg2[%dma_wait3A_150, %dma_wait3A_151] : memref<10240x128xf32, #tpu.memory_space<hbm>> -> memref<10240x128xf32, #tpu.memory_space<hbm>>
      tpu.wait_indirect_dma semaphore(%arg18 : memref<!tpu.dma_semaphore, #tpu.memory_space<semaphore_mem>>) src(%dma_wait3A_152 : memref<10240x128xf32, #tpu.memory_space<hbm>>) dst(%arg14 : memref<128x128xf32, #tpu.memory_space<vmem>>)
      "tpu.region"() ({
        %run_scoped3A_282 = tpu.sem_alloc : memref<!tpu.dma_semaphore, #tpu.memory_space<semaphore_mem>>
        %dma_start3A_283 = arith.constant 0 : i32
        %dma_start3A_284 = arith.constant 0 : i32
        %dma_start3A_285 = tpu.memref_slice %arg5[%dma_start3A_283, %dma_start3A_284] : memref<10240x128xf32, #tpu.memory_space<vmem_shared>> -> memref<10240x128xf32, #tpu.memory_space<vmem_shared>>
        tpu.enqueue_indirect_dma source(%arg14 : memref<128x128xf32, #tpu.memory_space<vmem>>) target(%dma_start3A_285 : memref<10240x128xf32, #tpu.memory_space<vmem_shared>>) offsets(%arg11 : memref<128xi32, #tpu.memory_space<vmem>>) semaphore(%run_scoped3A_282 : memref<!tpu.dma_semaphore, #tpu.memory_space<semaphore_mem>>) {add = true}
        %dma_wait3A_286 = arith.constant 0 : i32
        %dma_wait3A_287 = arith.constant 0 : i32
        %dma_wait3A_288 = tpu.memref_slice %arg5[%dma_wait3A_286, %dma_wait3A_287] : memref<10240x128xf32, #tpu.memory_space<vmem_shared>> -> memref<10240x128xf32, #tpu.memory_space<vmem_shared>>
        tpu.wait_indirect_dma semaphore(%run_scoped3A_282 : memref<!tpu.dma_semaphore, #tpu.memory_space<semaphore_mem>>) src(%arg14 : memref<128x128xf32, #tpu.memory_space<vmem>>) dst(%dma_wait3A_288 : memref<10240x128xf32, #tpu.memory_space<vmem_shared>>)
        tpu.yield
      }) : () -> ()
      %add3A_153 = arith.constant 0 : i32
      %add3A_154 = arith.addi %mul3A_59, %add3A_153 : i32
      %dma_wait3A_155 = arith.constant 0 : i32
      %dma_wait3A_156 = tpu.memref_slice %arg3[%dma_wait3A_155, %add3A_154] : memref<2x327680xi32, #tpu.memory_space<hbm>> -> memref<1x128xi32, #tpu.memory_space<hbm>>
      %dma_wait3A_157 = tpu.memref_squeeze %dma_wait3A_156 : memref<1x128xi32, #tpu.memory_space<hbm>> -> memref<128xi32, #tpu.memory_space<hbm>>
      %dma_wait3A_158 = tpu.memref_slice %arg3[%dma_wait3A_155, %add3A_154] : memref<2x327680xi32, #tpu.memory_space<hbm>> -> memref<1x128xi32, #tpu.memory_space<hbm>>
      %dma_wait3A_159 = tpu.memref_squeeze %dma_wait3A_158 : memref<1x128xi32, #tpu.memory_space<hbm>> -> memref<128xi32, #tpu.memory_space<hbm>>
      tpu.wait_dma2 semaphore(%arg16 : memref<!tpu.dma_semaphore, #tpu.memory_space<semaphore_mem>>) src(%dma_wait3A_159 : memref<128xi32, #tpu.memory_space<hbm>>) dst(%arg6 : memref<128xi32, #tpu.memory_space<vmem>>)
      %add3A_160 = arith.constant 0 : i32
      %add3A_161 = arith.addi %mul3A_59, %add3A_160 : i32
      %dma_wait3A_162 = arith.constant 0 : i32
      %dma_wait3A_163 = tpu.memref_slice %arg3[%dma_wait3A_162, %add3A_161] : memref<2x327680xi32, #tpu.memory_space<hbm>> -> memref<1x128xi32, #tpu.memory_space<hbm>>
      %dma_wait3A_164 = tpu.memref_squeeze %dma_wait3A_163 : memref<1x128xi32, #tpu.memory_space<hbm>> -> memref<128xi32, #tpu.memory_space<hbm>>
      %dma_wait3A_165 = tpu.memref_slice %arg3[%dma_wait3A_162, %add3A_161] : memref<2x327680xi32, #tpu.memory_space<hbm>> -> memref<1x128xi32, #tpu.memory_space<hbm>>
      %dma_wait3A_166 = tpu.memref_squeeze %dma_wait3A_165 : memref<1x128xi32, #tpu.memory_space<hbm>> -> memref<128xi32, #tpu.memory_space<hbm>>
      tpu.wait_dma2 semaphore(%arg16 : memref<!tpu.dma_semaphore, #tpu.memory_space<semaphore_mem>>) src(%dma_wait3A_166 : memref<128xi32, #tpu.memory_space<hbm>>) dst(%arg6 : memref<128xi32, #tpu.memory_space<vmem>>)
      %add3A_167 = arith.constant 0 : i32
      %add3A_168 = arith.addi %mul3A_59, %add3A_167 : i32
      %dma_wait3A_169 = arith.constant 0 : i32
      %dma_wait3A_170 = tpu.memref_slice %arg3[%dma_wait3A_169, %add3A_168] : memref<2x327680xi32, #tpu.memory_space<hbm>> -> memref<1x128xi32, #tpu.memory_space<hbm>>
      %dma_wait3A_171 = tpu.memref_squeeze %dma_wait3A_170 : memref<1x128xi32, #tpu.memory_space<hbm>> -> memref<128xi32, #tpu.memory_space<hbm>>
      %dma_wait3A_172 = tpu.memref_slice %arg3[%dma_wait3A_169, %add3A_168] : memref<2x327680xi32, #tpu.memory_space<hbm>> -> memref<1x128xi32, #tpu.memory_space<hbm>>
      %dma_wait3A_173 = tpu.memref_squeeze %dma_wait3A_172 : memref<1x128xi32, #tpu.memory_space<hbm>> -> memref<128xi32, #tpu.memory_space<hbm>>
      tpu.wait_dma2 semaphore(%arg16 : memref<!tpu.dma_semaphore, #tpu.memory_space<semaphore_mem>>) src(%dma_wait3A_173 : memref<128xi32, #tpu.memory_space<hbm>>) dst(%arg6 : memref<128xi32, #tpu.memory_space<vmem>>)
      %add3A_174 = arith.constant 0 : i32
      %add3A_175 = arith.addi %mul3A_59, %add3A_174 : i32
      %dma_wait3A_176 = arith.constant 0 : i32
      %dma_wait3A_177 = tpu.memref_slice %arg3[%dma_wait3A_176, %add3A_175] : memref<2x327680xi32, #tpu.memory_space<hbm>> -> memref<1x128xi32, #tpu.memory_space<hbm>>
      %dma_wait3A_178 = tpu.memref_squeeze %dma_wait3A_177 : memref<1x128xi32, #tpu.memory_space<hbm>> -> memref<128xi32, #tpu.memory_space<hbm>>
      %dma_wait3A_179 = tpu.memref_slice %arg3[%dma_wait3A_176, %add3A_175] : memref<2x327680xi32, #tpu.memory_space<hbm>> -> memref<1x128xi32, #tpu.memory_space<hbm>>
      %dma_wait3A_180 = tpu.memref_squeeze %dma_wait3A_179 : memref<1x128xi32, #tpu.memory_space<hbm>> -> memref<128xi32, #tpu.memory_space<hbm>>
      tpu.wait_dma2 semaphore(%arg16 : memref<!tpu.dma_semaphore, #tpu.memory_space<semaphore_mem>>) src(%dma_wait3A_180 : memref<128xi32, #tpu.memory_space<hbm>>) dst(%arg6 : memref<128xi32, #tpu.memory_space<vmem>>)
      %dma_start3A_181 = arith.constant 0 : i32
      %dma_start3A_182 = arith.constant 0 : i32
      %dma_start3A_183 = tpu.memref_slice %arg2[%dma_start3A_181, %dma_start3A_182] : memref<10240x128xf32, #tpu.memory_space<hbm>> -> memref<10240x128xf32, #tpu.memory_space<hbm>>
      tpu.enqueue_indirect_dma source(%dma_start3A_183 : memref<10240x128xf32, #tpu.memory_space<hbm>>) target(%arg14 : memref<128x128xf32, #tpu.memory_space<vmem>>) offsets(%arg6 : memref<128xi32, #tpu.memory_space<vmem>>) semaphore(%arg18 : memref<!tpu.dma_semaphore, #tpu.memory_space<semaphore_mem>>)
      %add3A_184 = arith.constant 6 : i32
      %add3A_185 = arith.addi %mul3A_98, %add3A_184 : i32
      %mul3A_186 = arith.constant 128 : i32
      %mul3A_187 = arith.muli %add3A_185, %mul3A_186 : i32
      %add3A_188 = arith.addi %mul3A_59, %mul3A_187 : i32
      %dma_start3A_189 = arith.constant 0 : i32
      %dma_start3A_190 = tpu.memref_slice %arg3[%dma_start3A_189, %add3A_188] : memref<2x327680xi32, #tpu.memory_space<hbm>> -> memref<1x128xi32, #tpu.memory_space<hbm>>
      %dma_start3A_191 = tpu.memref_squeeze %dma_start3A_190 : memref<1x128xi32, #tpu.memory_space<hbm>> -> memref<128xi32, #tpu.memory_space<hbm>>
      %dma_start3A_192 = tpu.memref_slice %arg3[%dma_start3A_189, %add3A_188] : memref<2x327680xi32, #tpu.memory_space<hbm>> -> memref<1x128xi32, #tpu.memory_space<hbm>>
      %dma_start3A_193 = tpu.memref_squeeze %dma_start3A_192 : memref<1x128xi32, #tpu.memory_space<hbm>> -> memref<128xi32, #tpu.memory_space<hbm>>
      tpu.enqueue_dma source(%dma_start3A_193 : memref<128xi32, #tpu.memory_space<hbm>>) target(%arg10 : memref<128xi32, #tpu.memory_space<vmem>>) target_semaphore(%arg17 : memref<!tpu.dma_semaphore, #tpu.memory_space<semaphore_mem>>)
      %mul3A_194 = arith.constant 128 : i32
      %mul3A_195 = arith.muli %add3A_185, %mul3A_194 : i32
      %add3A_196 = arith.addi %mul3A_59, %mul3A_195 : i32
      %dma_start3A_197 = arith.constant 1 : i32
      %dma_start3A_198 = tpu.memref_slice %arg3[%dma_start3A_197, %add3A_196] : memref<2x327680xi32, #tpu.memory_space<hbm>> -> memref<1x128xi32, #tpu.memory_space<hbm>>
      %dma_start3A_199 = tpu.memref_squeeze %dma_start3A_198 : memref<1x128xi32, #tpu.memory_space<hbm>> -> memref<128xi32, #tpu.memory_space<hbm>>
      %dma_start3A_200 = tpu.memref_slice %arg3[%dma_start3A_197, %add3A_196] : memref<2x327680xi32, #tpu.memory_space<hbm>> -> memref<1x128xi32, #tpu.memory_space<hbm>>
      %dma_start3A_201 = tpu.memref_squeeze %dma_start3A_200 : memref<1x128xi32, #tpu.memory_space<hbm>> -> memref<128xi32, #tpu.memory_space<hbm>>
      tpu.enqueue_dma source(%dma_start3A_201 : memref<128xi32, #tpu.memory_space<hbm>>) target(%arg11 : memref<128xi32, #tpu.memory_space<vmem>>) target_semaphore(%arg17 : memref<!tpu.dma_semaphore, #tpu.memory_space<semaphore_mem>>)
      %dma_wait3A_202 = arith.constant 0 : i32
      %dma_wait3A_203 = arith.constant 0 : i32
      %dma_wait3A_204 = tpu.memref_slice %arg2[%dma_wait3A_202, %dma_wait3A_203] : memref<10240x128xf32, #tpu.memory_space<hbm>> -> memref<10240x128xf32, #tpu.memory_space<hbm>>
      tpu.wait_indirect_dma semaphore(%arg19 : memref<!tpu.dma_semaphore, #tpu.memory_space<semaphore_mem>>) src(%dma_wait3A_204 : memref<10240x128xf32, #tpu.memory_space<hbm>>) dst(%arg15 : memref<128x128xf32, #tpu.memory_space<vmem>>)
      "tpu.region"() ({
        %run_scoped3A_282 = tpu.sem_alloc : memref<!tpu.dma_semaphore, #tpu.memory_space<semaphore_mem>>
        %dma_start3A_283 = arith.constant 0 : i32
        %dma_start3A_284 = arith.constant 0 : i32
        %dma_start3A_285 = tpu.memref_slice %arg5[%dma_start3A_283, %dma_start3A_284] : memref<10240x128xf32, #tpu.memory_space<vmem_shared>> -> memref<10240x128xf32, #tpu.memory_space<vmem_shared>>
        tpu.enqueue_indirect_dma source(%arg15 : memref<128x128xf32, #tpu.memory_space<vmem>>) target(%dma_start3A_285 : memref<10240x128xf32, #tpu.memory_space<vmem_shared>>) offsets(%arg13 : memref<128xi32, #tpu.memory_space<vmem>>) semaphore(%run_scoped3A_282 : memref<!tpu.dma_semaphore, #tpu.memory_space<semaphore_mem>>) {add = true}
        %dma_wait3A_286 = arith.constant 0 : i32
        %dma_wait3A_287 = arith.constant 0 : i32
        %dma_wait3A_288 = tpu.memref_slice %arg5[%dma_wait3A_286, %dma_wait3A_287] : memref<10240x128xf32, #tpu.memory_space<vmem_shared>> -> memref<10240x128xf32, #tpu.memory_space<vmem_shared>>
        tpu.wait_indirect_dma semaphore(%run_scoped3A_282 : memref<!tpu.dma_semaphore, #tpu.memory_space<semaphore_mem>>) src(%arg15 : memref<128x128xf32, #tpu.memory_space<vmem>>) dst(%dma_wait3A_288 : memref<10240x128xf32, #tpu.memory_space<vmem_shared>>)
        tpu.yield
      }) : () -> ()
      %dma_start3A_205 = arith.constant 0 : i32
      %dma_start3A_206 = arith.constant 0 : i32
      %dma_start3A_207 = tpu.memref_slice %arg2[%dma_start3A_205, %dma_start3A_206] : memref<10240x128xf32, #tpu.memory_space<hbm>> -> memref<10240x128xf32, #tpu.memory_space<hbm>>
      tpu.enqueue_indirect_dma source(%dma_start3A_207 : memref<10240x128xf32, #tpu.memory_space<hbm>>) target(%arg15 : memref<128x128xf32, #tpu.memory_space<vmem>>) offsets(%arg8 : memref<128xi32, #tpu.memory_space<vmem>>) semaphore(%arg19 : memref<!tpu.dma_semaphore, #tpu.memory_space<semaphore_mem>>)
      %add3A_208 = arith.constant 7 : i32
      %add3A_209 = arith.addi %mul3A_98, %add3A_208 : i32
      %mul3A_210 = arith.constant 128 : i32
      %mul3A_211 = arith.muli %add3A_209, %mul3A_210 : i32
      %add3A_212 = arith.addi %mul3A_59, %mul3A_211 : i32
      %dma_start3A_213 = arith.constant 0 : i32
      %dma_start3A_214 = tpu.memref_slice %arg3[%dma_start3A_213, %add3A_212] : memref<2x327680xi32, #tpu.memory_space<hbm>> -> memref<1x128xi32, #tpu.memory_space<hbm>>
      %dma_start3A_215 = tpu.memref_squeeze %dma_start3A_214 : memref<1x128xi32, #tpu.memory_space<hbm>> -> memref<128xi32, #tpu.memory_space<hbm>>
      %dma_start3A_216 = tpu.memref_slice %arg3[%dma_start3A_213, %add3A_212] : memref<2x327680xi32, #tpu.memory_space<hbm>> -> memref<1x128xi32, #tpu.memory_space<hbm>>
      %dma_start3A_217 = tpu.memref_squeeze %dma_start3A_216 : memref<1x128xi32, #tpu.memory_space<hbm>> -> memref<128xi32, #tpu.memory_space<hbm>>
      tpu.enqueue_dma source(%dma_start3A_217 : memref<128xi32, #tpu.memory_space<hbm>>) target(%arg12 : memref<128xi32, #tpu.memory_space<vmem>>) target_semaphore(%arg17 : memref<!tpu.dma_semaphore, #tpu.memory_space<semaphore_mem>>)
      %mul3A_218 = arith.constant 128 : i32
      %mul3A_219 = arith.muli %add3A_209, %mul3A_218 : i32
      %add3A_220 = arith.addi %mul3A_59, %mul3A_219 : i32
      %dma_start3A_221 = arith.constant 1 : i32
      %dma_start3A_222 = tpu.memref_slice %arg3[%dma_start3A_221, %add3A_220] : memref<2x327680xi32, #tpu.memory_space<hbm>> -> memref<1x128xi32, #tpu.memory_space<hbm>>
      %dma_start3A_223 = tpu.memref_squeeze %dma_start3A_222 : memref<1x128xi32, #tpu.memory_space<hbm>> -> memref<128xi32, #tpu.memory_space<hbm>>
      %dma_start3A_224 = tpu.memref_slice %arg3[%dma_start3A_221, %add3A_220] : memref<2x327680xi32, #tpu.memory_space<hbm>> -> memref<1x128xi32, #tpu.memory_space<hbm>>
      %dma_start3A_225 = tpu.memref_squeeze %dma_start3A_224 : memref<1x128xi32, #tpu.memory_space<hbm>> -> memref<128xi32, #tpu.memory_space<hbm>>
      tpu.enqueue_dma source(%dma_start3A_225 : memref<128xi32, #tpu.memory_space<hbm>>) target(%arg13 : memref<128xi32, #tpu.memory_space<vmem>>) target_semaphore(%arg17 : memref<!tpu.dma_semaphore, #tpu.memory_space<semaphore_mem>>)
      %dma_wait3A_226 = arith.constant 0 : i32
      %dma_wait3A_227 = arith.constant 0 : i32
      %dma_wait3A_228 = tpu.memref_slice %arg2[%dma_wait3A_226, %dma_wait3A_227] : memref<10240x128xf32, #tpu.memory_space<hbm>> -> memref<10240x128xf32, #tpu.memory_space<hbm>>
      tpu.wait_indirect_dma semaphore(%arg18 : memref<!tpu.dma_semaphore, #tpu.memory_space<semaphore_mem>>) src(%dma_wait3A_228 : memref<10240x128xf32, #tpu.memory_space<hbm>>) dst(%arg14 : memref<128x128xf32, #tpu.memory_space<vmem>>)
      "tpu.region"() ({
        %run_scoped3A_282 = tpu.sem_alloc : memref<!tpu.dma_semaphore, #tpu.memory_space<semaphore_mem>>
        %dma_start3A_283 = arith.constant 0 : i32
        %dma_start3A_284 = arith.constant 0 : i32
        %dma_start3A_285 = tpu.memref_slice %arg5[%dma_start3A_283, %dma_start3A_284] : memref<10240x128xf32, #tpu.memory_space<vmem_shared>> -> memref<10240x128xf32, #tpu.memory_space<vmem_shared>>
        tpu.enqueue_indirect_dma source(%arg14 : memref<128x128xf32, #tpu.memory_space<vmem>>) target(%dma_start3A_285 : memref<10240x128xf32, #tpu.memory_space<vmem_shared>>) offsets(%arg7 : memref<128xi32, #tpu.memory_space<vmem>>) semaphore(%run_scoped3A_282 : memref<!tpu.dma_semaphore, #tpu.memory_space<semaphore_mem>>) {add = true}
        %dma_wait3A_286 = arith.constant 0 : i32
        %dma_wait3A_287 = arith.constant 0 : i32
        %dma_wait3A_288 = tpu.memref_slice %arg5[%dma_wait3A_286, %dma_wait3A_287] : memref<10240x128xf32, #tpu.memory_space<vmem_shared>> -> memref<10240x128xf32, #tpu.memory_space<vmem_shared>>
        tpu.wait_indirect_dma semaphore(%run_scoped3A_282 : memref<!tpu.dma_semaphore, #tpu.memory_space<semaphore_mem>>) src(%arg14 : memref<128x128xf32, #tpu.memory_space<vmem>>) dst(%dma_wait3A_288 : memref<10240x128xf32, #tpu.memory_space<vmem_shared>>)
        tpu.yield
      }) : () -> ()
      %convert_element_type3A = arith.extui %lt3A_101 : i1 to i32
      %cond3A = arith.constant 0 : i32
      %cond3A_229 = arith.cmpi ne, %convert_element_type3A, %cond3A : i32
      scf.if %cond3A_229 {
        %add3A_282 = arith.constant 8 : i32
        %add3A_283 = arith.addi %mul3A_98, %add3A_282 : i32
        %mul3A_284 = arith.constant 128 : i32
        %mul3A_285 = arith.muli %add3A_283, %mul3A_284 : i32
        %add3A_286 = arith.addi %mul3A_59, %mul3A_285 : i32
        %dma_start3A_287 = arith.constant 0 : i32
        %dma_start3A_288 = tpu.memref_slice %arg3[%dma_start3A_287, %add3A_286] : memref<2x327680xi32, #tpu.memory_space<hbm>> -> memref<1x128xi32, #tpu.memory_space<hbm>>
        %dma_start3A_289 = tpu.memref_squeeze %dma_start3A_288 : memref<1x128xi32, #tpu.memory_space<hbm>> -> memref<128xi32, #tpu.memory_space<hbm>>
        %dma_start3A_290 = tpu.memref_slice %arg3[%dma_start3A_287, %add3A_286] : memref<2x327680xi32, #tpu.memory_space<hbm>> -> memref<1x128xi32, #tpu.memory_space<hbm>>
        %dma_start3A_291 = tpu.memref_squeeze %dma_start3A_290 : memref<1x128xi32, #tpu.memory_space<hbm>> -> memref<128xi32, #tpu.memory_space<hbm>>
        tpu.enqueue_dma source(%dma_start3A_291 : memref<128xi32, #tpu.memory_space<hbm>>) target(%arg6 : memref<128xi32, #tpu.memory_space<vmem>>) target_semaphore(%arg16 : memref<!tpu.dma_semaphore, #tpu.memory_space<semaphore_mem>>)
        %mul3A_292 = arith.constant 128 : i32
        %mul3A_293 = arith.muli %add3A_283, %mul3A_292 : i32
        %add3A_294 = arith.addi %mul3A_59, %mul3A_293 : i32
        %dma_start3A_295 = arith.constant 1 : i32
        %dma_start3A_296 = tpu.memref_slice %arg3[%dma_start3A_295, %add3A_294] : memref<2x327680xi32, #tpu.memory_space<hbm>> -> memref<1x128xi32, #tpu.memory_space<hbm>>
        %dma_start3A_297 = tpu.memref_squeeze %dma_start3A_296 : memref<1x128xi32, #tpu.memory_space<hbm>> -> memref<128xi32, #tpu.memory_space<hbm>>
        %dma_start3A_298 = tpu.memref_slice %arg3[%dma_start3A_295, %add3A_294] : memref<2x327680xi32, #tpu.memory_space<hbm>> -> memref<1x128xi32, #tpu.memory_space<hbm>>
        %dma_start3A_299 = tpu.memref_squeeze %dma_start3A_298 : memref<1x128xi32, #tpu.memory_space<hbm>> -> memref<128xi32, #tpu.memory_space<hbm>>
        tpu.enqueue_dma source(%dma_start3A_299 : memref<128xi32, #tpu.memory_space<hbm>>) target(%arg7 : memref<128xi32, #tpu.memory_space<vmem>>) target_semaphore(%arg16 : memref<!tpu.dma_semaphore, #tpu.memory_space<semaphore_mem>>)
      } else {
      }
      %add3A_230 = arith.constant 0 : i32
      %add3A_231 = arith.addi %mul3A_59, %add3A_230 : i32
      %dma_wait3A_232 = arith.constant 0 : i32
      %dma_wait3A_233 = tpu.memref_slice %arg3[%dma_wait3A_232, %add3A_231] : memref<2x327680xi32, #tpu.memory_space<hbm>> -> memref<1x128xi32, #tpu.memory_space<hbm>>
      %dma_wait3A_234 = tpu.memref_squeeze %dma_wait3A_233 : memref<1x128xi32, #tpu.memory_space<hbm>> -> memref<128xi32, #tpu.memory_space<hbm>>
      %dma_wait3A_235 = tpu.memref_slice %arg3[%dma_wait3A_232, %add3A_231] : memref<2x327680xi32, #tpu.memory_space<hbm>> -> memref<1x128xi32, #tpu.memory_space<hbm>>
      %dma_wait3A_236 = tpu.memref_squeeze %dma_wait3A_235 : memref<1x128xi32, #tpu.memory_space<hbm>> -> memref<128xi32, #tpu.memory_space<hbm>>
      tpu.wait_dma2 semaphore(%arg17 : memref<!tpu.dma_semaphore, #tpu.memory_space<semaphore_mem>>) src(%dma_wait3A_236 : memref<128xi32, #tpu.memory_space<hbm>>) dst(%arg6 : memref<128xi32, #tpu.memory_space<vmem>>)
      %add3A_237 = arith.constant 0 : i32
      %add3A_238 = arith.addi %mul3A_59, %add3A_237 : i32
      %dma_wait3A_239 = arith.constant 0 : i32
      %dma_wait3A_240 = tpu.memref_slice %arg3[%dma_wait3A_239, %add3A_238] : memref<2x327680xi32, #tpu.memory_space<hbm>> -> memref<1x128xi32, #tpu.memory_space<hbm>>
      %dma_wait3A_241 = tpu.memref_squeeze %dma_wait3A_240 : memref<1x128xi32, #tpu.memory_space<hbm>> -> memref<128xi32, #tpu.memory_space<hbm>>
      %dma_wait3A_242 = tpu.memref_slice %arg3[%dma_wait3A_239, %add3A_238] : memref<2x327680xi32, #tpu.memory_space<hbm>> -> memref<1x128xi32, #tpu.memory_space<hbm>>
      %dma_wait3A_243 = tpu.memref_squeeze %dma_wait3A_242 : memref<1x128xi32, #tpu.memory_space<hbm>> -> memref<128xi32, #tpu.memory_space<hbm>>
      tpu.wait_dma2 semaphore(%arg17 : memref<!tpu.dma_semaphore, #tpu.memory_space<semaphore_mem>>) src(%dma_wait3A_243 : memref<128xi32, #tpu.memory_space<hbm>>) dst(%arg6 : memref<128xi32, #tpu.memory_space<vmem>>)
      %add3A_244 = arith.constant 0 : i32
      %add3A_245 = arith.addi %mul3A_59, %add3A_244 : i32
      %dma_wait3A_246 = arith.constant 0 : i32
      %dma_wait3A_247 = tpu.memref_slice %arg3[%dma_wait3A_246, %add3A_245] : memref<2x327680xi32, #tpu.memory_space<hbm>> -> memref<1x128xi32, #tpu.memory_space<hbm>>
      %dma_wait3A_248 = tpu.memref_squeeze %dma_wait3A_247 : memref<1x128xi32, #tpu.memory_space<hbm>> -> memref<128xi32, #tpu.memory_space<hbm>>
      %dma_wait3A_249 = tpu.memref_slice %arg3[%dma_wait3A_246, %add3A_245] : memref<2x327680xi32, #tpu.memory_space<hbm>> -> memref<1x128xi32, #tpu.memory_space<hbm>>
      %dma_wait3A_250 = tpu.memref_squeeze %dma_wait3A_249 : memref<1x128xi32, #tpu.memory_space<hbm>> -> memref<128xi32, #tpu.memory_space<hbm>>
      tpu.wait_dma2 semaphore(%arg17 : memref<!tpu.dma_semaphore, #tpu.memory_space<semaphore_mem>>) src(%dma_wait3A_250 : memref<128xi32, #tpu.memory_space<hbm>>) dst(%arg6 : memref<128xi32, #tpu.memory_space<vmem>>)
      %add3A_251 = arith.constant 0 : i32
      %add3A_252 = arith.addi %mul3A_59, %add3A_251 : i32
      %dma_wait3A_253 = arith.constant 0 : i32
      %dma_wait3A_254 = tpu.memref_slice %arg3[%dma_wait3A_253, %add3A_252] : memref<2x327680xi32, #tpu.memory_space<hbm>> -> memref<1x128xi32, #tpu.memory_space<hbm>>
      %dma_wait3A_255 = tpu.memref_squeeze %dma_wait3A_254 : memref<1x128xi32, #tpu.memory_space<hbm>> -> memref<128xi32, #tpu.memory_space<hbm>>
      %dma_wait3A_256 = tpu.memref_slice %arg3[%dma_wait3A_253, %add3A_252] : memref<2x327680xi32, #tpu.memory_space<hbm>> -> memref<1x128xi32, #tpu.memory_space<hbm>>
      %dma_wait3A_257 = tpu.memref_squeeze %dma_wait3A_256 : memref<1x128xi32, #tpu.memory_space<hbm>> -> memref<128xi32, #tpu.memory_space<hbm>>
      tpu.wait_dma2 semaphore(%arg17 : memref<!tpu.dma_semaphore, #tpu.memory_space<semaphore_mem>>) src(%dma_wait3A_257 : memref<128xi32, #tpu.memory_space<hbm>>) dst(%arg6 : memref<128xi32, #tpu.memory_space<vmem>>)
      %dma_start3A_258 = arith.constant 0 : i32
      %dma_start3A_259 = arith.constant 0 : i32
      %dma_start3A_260 = tpu.memref_slice %arg2[%dma_start3A_258, %dma_start3A_259] : memref<10240x128xf32, #tpu.memory_space<hbm>> -> memref<10240x128xf32, #tpu.memory_space<hbm>>
      tpu.enqueue_indirect_dma source(%dma_start3A_260 : memref<10240x128xf32, #tpu.memory_space<hbm>>) target(%arg14 : memref<128x128xf32, #tpu.memory_space<vmem>>) offsets(%arg10 : memref<128xi32, #tpu.memory_space<vmem>>) semaphore(%arg18 : memref<!tpu.dma_semaphore, #tpu.memory_space<semaphore_mem>>)
      %dma_wait3A_261 = arith.constant 0 : i32
      %dma_wait3A_262 = arith.constant 0 : i32
      %dma_wait3A_263 = tpu.memref_slice %arg2[%dma_wait3A_261, %dma_wait3A_262] : memref<10240x128xf32, #tpu.memory_space<hbm>> -> memref<10240x128xf32, #tpu.memory_space<hbm>>
      tpu.wait_indirect_dma semaphore(%arg19 : memref<!tpu.dma_semaphore, #tpu.memory_space<semaphore_mem>>) src(%dma_wait3A_263 : memref<10240x128xf32, #tpu.memory_space<hbm>>) dst(%arg15 : memref<128x128xf32, #tpu.memory_space<vmem>>)
      "tpu.region"() ({
        %run_scoped3A_282 = tpu.sem_alloc : memref<!tpu.dma_semaphore, #tpu.memory_space<semaphore_mem>>
        %dma_start3A_283 = arith.constant 0 : i32
        %dma_start3A_284 = arith.constant 0 : i32
        %dma_start3A_285 = tpu.memref_slice %arg5[%dma_start3A_283, %dma_start3A_284] : memref<10240x128xf32, #tpu.memory_space<vmem_shared>> -> memref<10240x128xf32, #tpu.memory_space<vmem_shared>>
        tpu.enqueue_indirect_dma source(%arg15 : memref<128x128xf32, #tpu.memory_space<vmem>>) target(%dma_start3A_285 : memref<10240x128xf32, #tpu.memory_space<vmem_shared>>) offsets(%arg9 : memref<128xi32, #tpu.memory_space<vmem>>) semaphore(%run_scoped3A_282 : memref<!tpu.dma_semaphore, #tpu.memory_space<semaphore_mem>>) {add = true}
        %dma_wait3A_286 = arith.constant 0 : i32
        %dma_wait3A_287 = arith.constant 0 : i32
        %dma_wait3A_288 = tpu.memref_slice %arg5[%dma_wait3A_286, %dma_wait3A_287] : memref<10240x128xf32, #tpu.memory_space<vmem_shared>> -> memref<10240x128xf32, #tpu.memory_space<vmem_shared>>
        tpu.wait_indirect_dma semaphore(%run_scoped3A_282 : memref<!tpu.dma_semaphore, #tpu.memory_space<semaphore_mem>>) src(%arg15 : memref<128x128xf32, #tpu.memory_space<vmem>>) dst(%dma_wait3A_288 : memref<10240x128xf32, #tpu.memory_space<vmem_shared>>)
        tpu.yield
      }) : () -> ()
      %convert_element_type3A_264 = arith.extui %lt3A_101 : i1 to i32
      %cond3A_265 = arith.constant 0 : i32
      %cond3A_266 = arith.cmpi ne, %convert_element_type3A_264, %cond3A_265 : i32
      scf.if %cond3A_266 {
        %add3A_282 = arith.constant 9 : i32
        %add3A_283 = arith.addi %mul3A_98, %add3A_282 : i32
        %mul3A_284 = arith.constant 128 : i32
        %mul3A_285 = arith.muli %add3A_283, %mul3A_284 : i32
        %add3A_286 = arith.addi %mul3A_59, %mul3A_285 : i32
        %dma_start3A_287 = arith.constant 0 : i32
        %dma_start3A_288 = tpu.memref_slice %arg3[%dma_start3A_287, %add3A_286] : memref<2x327680xi32, #tpu.memory_space<hbm>> -> memref<1x128xi32, #tpu.memory_space<hbm>>
        %dma_start3A_289 = tpu.memref_squeeze %dma_start3A_288 : memref<1x128xi32, #tpu.memory_space<hbm>> -> memref<128xi32, #tpu.memory_space<hbm>>
        %dma_start3A_290 = tpu.memref_slice %arg3[%dma_start3A_287, %add3A_286] : memref<2x327680xi32, #tpu.memory_space<hbm>> -> memref<1x128xi32, #tpu.memory_space<hbm>>
        %dma_start3A_291 = tpu.memref_squeeze %dma_start3A_290 : memref<1x128xi32, #tpu.memory_space<hbm>> -> memref<128xi32, #tpu.memory_space<hbm>>
        tpu.enqueue_dma source(%dma_start3A_291 : memref<128xi32, #tpu.memory_space<hbm>>) target(%arg8 : memref<128xi32, #tpu.memory_space<vmem>>) target_semaphore(%arg16 : memref<!tpu.dma_semaphore, #tpu.memory_space<semaphore_mem>>)
        %mul3A_292 = arith.constant 128 : i32
        %mul3A_293 = arith.muli %add3A_283, %mul3A_292 : i32
        %add3A_294 = arith.addi %mul3A_59, %mul3A_293 : i32
        %dma_start3A_295 = arith.constant 1 : i32
        %dma_start3A_296 = tpu.memref_slice %arg3[%dma_start3A_295, %add3A_294] : memref<2x327680xi32, #tpu.memory_space<hbm>> -> memref<1x128xi32, #tpu.memory_space<hbm>>
        %dma_start3A_297 = tpu.memref_squeeze %dma_start3A_296 : memref<1x128xi32, #tpu.memory_space<hbm>> -> memref<128xi32, #tpu.memory_space<hbm>>
        %dma_start3A_298 = tpu.memref_slice %arg3[%dma_start3A_295, %add3A_294] : memref<2x327680xi32, #tpu.memory_space<hbm>> -> memref<1x128xi32, #tpu.memory_space<hbm>>
        %dma_start3A_299 = tpu.memref_squeeze %dma_start3A_298 : memref<1x128xi32, #tpu.memory_space<hbm>> -> memref<128xi32, #tpu.memory_space<hbm>>
        tpu.enqueue_dma source(%dma_start3A_299 : memref<128xi32, #tpu.memory_space<hbm>>) target(%arg9 : memref<128xi32, #tpu.memory_space<vmem>>) target_semaphore(%arg16 : memref<!tpu.dma_semaphore, #tpu.memory_space<semaphore_mem>>)
      } else {
      }
      %dma_start3A_267 = arith.constant 0 : i32
      %dma_start3A_268 = arith.constant 0 : i32
      %dma_start3A_269 = tpu.memref_slice %arg2[%dma_start3A_267, %dma_start3A_268] : memref<10240x128xf32, #tpu.memory_space<hbm>> -> memref<10240x128xf32, #tpu.memory_space<hbm>>
      tpu.enqueue_indirect_dma source(%dma_start3A_269 : memref<10240x128xf32, #tpu.memory_space<hbm>>) target(%arg15 : memref<128x128xf32, #tpu.memory_space<vmem>>) offsets(%arg12 : memref<128xi32, #tpu.memory_space<vmem>>) semaphore(%arg19 : memref<!tpu.dma_semaphore, #tpu.memory_space<semaphore_mem>>)
      %dma_wait3A_270 = arith.constant 0 : i32
      %dma_wait3A_271 = arith.constant 0 : i32
      %dma_wait3A_272 = tpu.memref_slice %arg2[%dma_wait3A_270, %dma_wait3A_271] : memref<10240x128xf32, #tpu.memory_space<hbm>> -> memref<10240x128xf32, #tpu.memory_space<hbm>>
      tpu.wait_indirect_dma semaphore(%arg18 : memref<!tpu.dma_semaphore, #tpu.memory_space<semaphore_mem>>) src(%dma_wait3A_272 : memref<10240x128xf32, #tpu.memory_space<hbm>>) dst(%arg14 : memref<128x128xf32, #tpu.memory_space<vmem>>)
      "tpu.region"() ({
        %run_scoped3A_282 = tpu.sem_alloc : memref<!tpu.dma_semaphore, #tpu.memory_space<semaphore_mem>>
        %dma_start3A_283 = arith.constant 0 : i32
        %dma_start3A_284 = arith.constant 0 : i32
        %dma_start3A_285 = tpu.memref_slice %arg5[%dma_start3A_283, %dma_start3A_284] : memref<10240x128xf32, #tpu.memory_space<vmem_shared>> -> memref<10240x128xf32, #tpu.memory_space<vmem_shared>>
        tpu.enqueue_indirect_dma source(%arg14 : memref<128x128xf32, #tpu.memory_space<vmem>>) target(%dma_start3A_285 : memref<10240x128xf32, #tpu.memory_space<vmem_shared>>) offsets(%arg11 : memref<128xi32, #tpu.memory_space<vmem>>) semaphore(%run_scoped3A_282 : memref<!tpu.dma_semaphore, #tpu.memory_space<semaphore_mem>>) {add = true}
        %dma_wait3A_286 = arith.constant 0 : i32
        %dma_wait3A_287 = arith.constant 0 : i32
        %dma_wait3A_288 = tpu.memref_slice %arg5[%dma_wait3A_286, %dma_wait3A_287] : memref<10240x128xf32, #tpu.memory_space<vmem_shared>> -> memref<10240x128xf32, #tpu.memory_space<vmem_shared>>
        tpu.wait_indirect_dma semaphore(%run_scoped3A_282 : memref<!tpu.dma_semaphore, #tpu.memory_space<semaphore_mem>>) src(%arg14 : memref<128x128xf32, #tpu.memory_space<vmem>>) dst(%dma_wait3A_288 : memref<10240x128xf32, #tpu.memory_space<vmem_shared>>)
        tpu.yield
      }) : () -> ()
      %convert_element_type3A_273 = arith.extui %lt3A_101 : i1 to i32
      %cond3A_274 = arith.constant 0 : i32
      %cond3A_275 = arith.cmpi ne, %convert_element_type3A_273, %cond3A_274 : i32
      scf.if %cond3A_275 {
        %add3A_282 = arith.constant 10 : i32
        %add3A_283 = arith.addi %mul3A_98, %add3A_282 : i32
        %mul3A_284 = arith.constant 128 : i32
        %mul3A_285 = arith.muli %add3A_283, %mul3A_284 : i32
        %add3A_286 = arith.addi %mul3A_59, %mul3A_285 : i32
        %dma_start3A_287 = arith.constant 0 : i32
        %dma_start3A_288 = tpu.memref_slice %arg3[%dma_start3A_287, %add3A_286] : memref<2x327680xi32, #tpu.memory_space<hbm>> -> memref<1x128xi32, #tpu.memory_space<hbm>>
        %dma_start3A_289 = tpu.memref_squeeze %dma_start3A_288 : memref<1x128xi32, #tpu.memory_space<hbm>> -> memref<128xi32, #tpu.memory_space<hbm>>
        %dma_start3A_290 = tpu.memref_slice %arg3[%dma_start3A_287, %add3A_286] : memref<2x327680xi32, #tpu.memory_space<hbm>> -> memref<1x128xi32, #tpu.memory_space<hbm>>
        %dma_start3A_291 = tpu.memref_squeeze %dma_start3A_290 : memref<1x128xi32, #tpu.memory_space<hbm>> -> memref<128xi32, #tpu.memory_space<hbm>>
        tpu.enqueue_dma source(%dma_start3A_291 : memref<128xi32, #tpu.memory_space<hbm>>) target(%arg10 : memref<128xi32, #tpu.memory_space<vmem>>) target_semaphore(%arg17 : memref<!tpu.dma_semaphore, #tpu.memory_space<semaphore_mem>>)
        %mul3A_292 = arith.constant 128 : i32
        %mul3A_293 = arith.muli %add3A_283, %mul3A_292 : i32
        %add3A_294 = arith.addi %mul3A_59, %mul3A_293 : i32
        %dma_start3A_295 = arith.constant 1 : i32
        %dma_start3A_296 = tpu.memref_slice %arg3[%dma_start3A_295, %add3A_294] : memref<2x327680xi32, #tpu.memory_space<hbm>> -> memref<1x128xi32, #tpu.memory_space<hbm>>
        %dma_start3A_297 = tpu.memref_squeeze %dma_start3A_296 : memref<1x128xi32, #tpu.memory_space<hbm>> -> memref<128xi32, #tpu.memory_space<hbm>>
        %dma_start3A_298 = tpu.memref_slice %arg3[%dma_start3A_295, %add3A_294] : memref<2x327680xi32, #tpu.memory_space<hbm>> -> memref<1x128xi32, #tpu.memory_space<hbm>>
        %dma_start3A_299 = tpu.memref_squeeze %dma_start3A_298 : memref<1x128xi32, #tpu.memory_space<hbm>> -> memref<128xi32, #tpu.memory_space<hbm>>
        tpu.enqueue_dma source(%dma_start3A_299 : memref<128xi32, #tpu.memory_space<hbm>>) target(%arg11 : memref<128xi32, #tpu.memory_space<vmem>>) target_semaphore(%arg17 : memref<!tpu.dma_semaphore, #tpu.memory_space<semaphore_mem>>)
      } else {
      }
      %dma_wait3A_276 = arith.constant 0 : i32
      %dma_wait3A_277 = arith.constant 0 : i32
      %dma_wait3A_278 = tpu.memref_slice %arg2[%dma_wait3A_276, %dma_wait3A_277] : memref<10240x128xf32, #tpu.memory_space<hbm>> -> memref<10240x128xf32, #tpu.memory_space<hbm>>
      tpu.wait_indirect_dma semaphore(%arg19 : memref<!tpu.dma_semaphore, #tpu.memory_space<semaphore_mem>>) src(%dma_wait3A_278 : memref<10240x128xf32, #tpu.memory_space<hbm>>) dst(%arg15 : memref<128x128xf32, #tpu.memory_space<vmem>>)
      "tpu.region"() ({
        %run_scoped3A_282 = tpu.sem_alloc : memref<!tpu.dma_semaphore, #tpu.memory_space<semaphore_mem>>
        %dma_start3A_283 = arith.constant 0 : i32
        %dma_start3A_284 = arith.constant 0 : i32
        %dma_start3A_285 = tpu.memref_slice %arg5[%dma_start3A_283, %dma_start3A_284] : memref<10240x128xf32, #tpu.memory_space<vmem_shared>> -> memref<10240x128xf32, #tpu.memory_space<vmem_shared>>
        tpu.enqueue_indirect_dma source(%arg15 : memref<128x128xf32, #tpu.memory_space<vmem>>) target(%dma_start3A_285 : memref<10240x128xf32, #tpu.memory_space<vmem_shared>>) offsets(%arg13 : memref<128xi32, #tpu.memory_space<vmem>>) semaphore(%run_scoped3A_282 : memref<!tpu.dma_semaphore, #tpu.memory_space<semaphore_mem>>) {add = true}
        %dma_wait3A_286 = arith.constant 0 : i32
        %dma_wait3A_287 = arith.constant 0 : i32
        %dma_wait3A_288 = tpu.memref_slice %arg5[%dma_wait3A_286, %dma_wait3A_287] : memref<10240x128xf32, #tpu.memory_space<vmem_shared>> -> memref<10240x128xf32, #tpu.memory_space<vmem_shared>>
        tpu.wait_indirect_dma semaphore(%run_scoped3A_282 : memref<!tpu.dma_semaphore, #tpu.memory_space<semaphore_mem>>) src(%arg15 : memref<128x128xf32, #tpu.memory_space<vmem>>) dst(%dma_wait3A_288 : memref<10240x128xf32, #tpu.memory_space<vmem_shared>>)
        tpu.yield
      }) : () -> ()
      %convert_element_type3A_279 = arith.extui %lt3A_101 : i1 to i32
      %cond3A_280 = arith.constant 0 : i32
      %cond3A_281 = arith.cmpi ne, %convert_element_type3A_279, %cond3A_280 : i32
      scf.if %cond3A_281 {
        %add3A_282 = arith.constant 11 : i32
        %add3A_283 = arith.addi %mul3A_98, %add3A_282 : i32
        %mul3A_284 = arith.constant 128 : i32
        %mul3A_285 = arith.muli %add3A_283, %mul3A_284 : i32
        %add3A_286 = arith.addi %mul3A_59, %mul3A_285 : i32
        %dma_start3A_287 = arith.constant 0 : i32
        %dma_start3A_288 = tpu.memref_slice %arg3[%dma_start3A_287, %add3A_286] : memref<2x327680xi32, #tpu.memory_space<hbm>> -> memref<1x128xi32, #tpu.memory_space<hbm>>
        %dma_start3A_289 = tpu.memref_squeeze %dma_start3A_288 : memref<1x128xi32, #tpu.memory_space<hbm>> -> memref<128xi32, #tpu.memory_space<hbm>>
        %dma_start3A_290 = tpu.memref_slice %arg3[%dma_start3A_287, %add3A_286] : memref<2x327680xi32, #tpu.memory_space<hbm>> -> memref<1x128xi32, #tpu.memory_space<hbm>>
        %dma_start3A_291 = tpu.memref_squeeze %dma_start3A_290 : memref<1x128xi32, #tpu.memory_space<hbm>> -> memref<128xi32, #tpu.memory_space<hbm>>
        tpu.enqueue_dma source(%dma_start3A_291 : memref<128xi32, #tpu.memory_space<hbm>>) target(%arg12 : memref<128xi32, #tpu.memory_space<vmem>>) target_semaphore(%arg17 : memref<!tpu.dma_semaphore, #tpu.memory_space<semaphore_mem>>)
        %mul3A_292 = arith.constant 128 : i32
        %mul3A_293 = arith.muli %add3A_283, %mul3A_292 : i32
        %add3A_294 = arith.addi %mul3A_59, %mul3A_293 : i32
        %dma_start3A_295 = arith.constant 1 : i32
        %dma_start3A_296 = tpu.memref_slice %arg3[%dma_start3A_295, %add3A_294] : memref<2x327680xi32, #tpu.memory_space<hbm>> -> memref<1x128xi32, #tpu.memory_space<hbm>>
        %dma_start3A_297 = tpu.memref_squeeze %dma_start3A_296 : memref<1x128xi32, #tpu.memory_space<hbm>> -> memref<128xi32, #tpu.memory_space<hbm>>
        %dma_start3A_298 = tpu.memref_slice %arg3[%dma_start3A_295, %add3A_294] : memref<2x327680xi32, #tpu.memory_space<hbm>> -> memref<1x128xi32, #tpu.memory_space<hbm>>
        %dma_start3A_299 = tpu.memref_squeeze %dma_start3A_298 : memref<1x128xi32, #tpu.memory_space<hbm>> -> memref<128xi32, #tpu.memory_space<hbm>>
        tpu.enqueue_dma source(%dma_start3A_299 : memref<128xi32, #tpu.memory_space<hbm>>) target(%arg13 : memref<128xi32, #tpu.memory_space<vmem>>) target_semaphore(%arg17 : memref<!tpu.dma_semaphore, #tpu.memory_space<semaphore_mem>>)
        %add3A_300 = arith.constant 0 : i32
        %add3A_301 = arith.addi %mul3A_59, %add3A_300 : i32
        %dma_wait3A_302 = arith.constant 0 : i32
        %dma_wait3A_303 = tpu.memref_slice %arg3[%dma_wait3A_302, %add3A_301] : memref<2x327680xi32, #tpu.memory_space<hbm>> -> memref<1x128xi32, #tpu.memory_space<hbm>>
        %dma_wait3A_304 = tpu.memref_squeeze %dma_wait3A_303 : memref<1x128xi32, #tpu.memory_space<hbm>> -> memref<128xi32, #tpu.memory_space<hbm>>
        %dma_wait3A_305 = tpu.memref_slice %arg3[%dma_wait3A_302, %add3A_301] : memref<2x327680xi32, #tpu.memory_space<hbm>> -> memref<1x128xi32, #tpu.memory_space<hbm>>
        %dma_wait3A_306 = tpu.memref_squeeze %dma_wait3A_305 : memref<1x128xi32, #tpu.memory_space<hbm>> -> memref<128xi32, #tpu.memory_space<hbm>>
        tpu.wait_dma2 semaphore(%arg16 : memref<!tpu.dma_semaphore, #tpu.memory_space<semaphore_mem>>) src(%dma_wait3A_306 : memref<128xi32, #tpu.memory_space<hbm>>) dst(%arg6 : memref<128xi32, #tpu.memory_space<vmem>>)
        %add3A_307 = arith.constant 0 : i32
        %add3A_308 = arith.addi %mul3A_59, %add3A_307 : i32
        %dma_wait3A_309 = arith.constant 0 : i32
        %dma_wait3A_310 = tpu.memref_slice %arg3[%dma_wait3A_309, %add3A_308] : memref<2x327680xi32, #tpu.memory_space<hbm>> -> memref<1x128xi32, #tpu.memory_space<hbm>>
        %dma_wait3A_311 = tpu.memref_squeeze %dma_wait3A_310 : memref<1x128xi32, #tpu.memory_space<hbm>> -> memref<128xi32, #tpu.memory_space<hbm>>
        %dma_wait3A_312 = tpu.memref_slice %arg3[%dma_wait3A_309, %add3A_308] : memref<2x327680xi32, #tpu.memory_space<hbm>> -> memref<1x128xi32, #tpu.memory_space<hbm>>
        %dma_wait3A_313 = tpu.memref_squeeze %dma_wait3A_312 : memref<1x128xi32, #tpu.memory_space<hbm>> -> memref<128xi32, #tpu.memory_space<hbm>>
        tpu.wait_dma2 semaphore(%arg16 : memref<!tpu.dma_semaphore, #tpu.memory_space<semaphore_mem>>) src(%dma_wait3A_313 : memref<128xi32, #tpu.memory_space<hbm>>) dst(%arg6 : memref<128xi32, #tpu.memory_space<vmem>>)
        %add3A_314 = arith.constant 0 : i32
        %add3A_315 = arith.addi %mul3A_59, %add3A_314 : i32
        %dma_wait3A_316 = arith.constant 0 : i32
        %dma_wait3A_317 = tpu.memref_slice %arg3[%dma_wait3A_316, %add3A_315] : memref<2x327680xi32, #tpu.memory_space<hbm>> -> memref<1x128xi32, #tpu.memory_space<hbm>>
        %dma_wait3A_318 = tpu.memref_squeeze %dma_wait3A_317 : memref<1x128xi32, #tpu.memory_space<hbm>> -> memref<128xi32, #tpu.memory_space<hbm>>
        %dma_wait3A_319 = tpu.memref_slice %arg3[%dma_wait3A_316, %add3A_315] : memref<2x327680xi32, #tpu.memory_space<hbm>> -> memref<1x128xi32, #tpu.memory_space<hbm>>
        %dma_wait3A_320 = tpu.memref_squeeze %dma_wait3A_319 : memref<1x128xi32, #tpu.memory_space<hbm>> -> memref<128xi32, #tpu.memory_space<hbm>>
        tpu.wait_dma2 semaphore(%arg16 : memref<!tpu.dma_semaphore, #tpu.memory_space<semaphore_mem>>) src(%dma_wait3A_320 : memref<128xi32, #tpu.memory_space<hbm>>) dst(%arg6 : memref<128xi32, #tpu.memory_space<vmem>>)
        %add3A_321 = arith.constant 0 : i32
        %add3A_322 = arith.addi %mul3A_59, %add3A_321 : i32
        %dma_wait3A_323 = arith.constant 0 : i32
        %dma_wait3A_324 = tpu.memref_slice %arg3[%dma_wait3A_323, %add3A_322] : memref<2x327680xi32, #tpu.memory_space<hbm>> -> memref<1x128xi32, #tpu.memory_space<hbm>>
        %dma_wait3A_325 = tpu.memref_squeeze %dma_wait3A_324 : memref<1x128xi32, #tpu.memory_space<hbm>> -> memref<128xi32, #tpu.memory_space<hbm>>
        %dma_wait3A_326 = tpu.memref_slice %arg3[%dma_wait3A_323, %add3A_322] : memref<2x327680xi32, #tpu.memory_space<hbm>> -> memref<1x128xi32, #tpu.memory_space<hbm>>
        %dma_wait3A_327 = tpu.memref_squeeze %dma_wait3A_326 : memref<1x128xi32, #tpu.memory_space<hbm>> -> memref<128xi32, #tpu.memory_space<hbm>>
        tpu.wait_dma2 semaphore(%arg16 : memref<!tpu.dma_semaphore, #tpu.memory_space<semaphore_mem>>) src(%dma_wait3A_327 : memref<128xi32, #tpu.memory_space<hbm>>) dst(%arg6 : memref<128xi32, #tpu.memory_space<vmem>>)
        %dma_start3A_328 = arith.constant 0 : i32
        %dma_start3A_329 = arith.constant 0 : i32
        %dma_start3A_330 = tpu.memref_slice %arg2[%dma_start3A_328, %dma_start3A_329] : memref<10240x128xf32, #tpu.memory_space<hbm>> -> memref<10240x128xf32, #tpu.memory_space<hbm>>
        tpu.enqueue_indirect_dma source(%dma_start3A_330 : memref<10240x128xf32, #tpu.memory_space<hbm>>) target(%arg14 : memref<128x128xf32, #tpu.memory_space<vmem>>) offsets(%arg6 : memref<128xi32, #tpu.memory_space<vmem>>) semaphore(%arg18 : memref<!tpu.dma_semaphore, #tpu.memory_space<semaphore_mem>>)
        %dma_start3A_331 = arith.constant 0 : i32
        %dma_start3A_332 = arith.constant 0 : i32
        %dma_start3A_333 = tpu.memref_slice %arg2[%dma_start3A_331, %dma_start3A_332] : memref<10240x128xf32, #tpu.memory_space<hbm>> -> memref<10240x128xf32, #tpu.memory_space<hbm>>
        tpu.enqueue_indirect_dma source(%dma_start3A_333 : memref<10240x128xf32, #tpu.memory_space<hbm>>) target(%arg15 : memref<128x128xf32, #tpu.memory_space<vmem>>) offsets(%arg8 : memref<128xi32, #tpu.memory_space<vmem>>) semaphore(%arg19 : memref<!tpu.dma_semaphore, #tpu.memory_space<semaphore_mem>>)
        %add3A_334 = arith.constant 0 : i32
        %add3A_335 = arith.addi %mul3A_59, %add3A_334 : i32
        %dma_wait3A_336 = arith.constant 0 : i32
        %dma_wait3A_337 = tpu.memref_slice %arg3[%dma_wait3A_336, %add3A_335] : memref<2x327680xi32, #tpu.memory_space<hbm>> -> memref<1x128xi32, #tpu.memory_space<hbm>>
        %dma_wait3A_338 = tpu.memref_squeeze %dma_wait3A_337 : memref<1x128xi32, #tpu.memory_space<hbm>> -> memref<128xi32, #tpu.memory_space<hbm>>
        %dma_wait3A_339 = tpu.memref_slice %arg3[%dma_wait3A_336, %add3A_335] : memref<2x327680xi32, #tpu.memory_space<hbm>> -> memref<1x128xi32, #tpu.memory_space<hbm>>
        %dma_wait3A_340 = tpu.memref_squeeze %dma_wait3A_339 : memref<1x128xi32, #tpu.memory_space<hbm>> -> memref<128xi32, #tpu.memory_space<hbm>>
        tpu.wait_dma2 semaphore(%arg17 : memref<!tpu.dma_semaphore, #tpu.memory_space<semaphore_mem>>) src(%dma_wait3A_340 : memref<128xi32, #tpu.memory_space<hbm>>) dst(%arg6 : memref<128xi32, #tpu.memory_space<vmem>>)
        %add3A_341 = arith.constant 0 : i32
        %add3A_342 = arith.addi %mul3A_59, %add3A_341 : i32
        %dma_wait3A_343 = arith.constant 0 : i32
        %dma_wait3A_344 = tpu.memref_slice %arg3[%dma_wait3A_343, %add3A_342] : memref<2x327680xi32, #tpu.memory_space<hbm>> -> memref<1x128xi32, #tpu.memory_space<hbm>>
        %dma_wait3A_345 = tpu.memref_squeeze %dma_wait3A_344 : memref<1x128xi32, #tpu.memory_space<hbm>> -> memref<128xi32, #tpu.memory_space<hbm>>
        %dma_wait3A_346 = tpu.memref_slice %arg3[%dma_wait3A_343, %add3A_342] : memref<2x327680xi32, #tpu.memory_space<hbm>> -> memref<1x128xi32, #tpu.memory_space<hbm>>
        %dma_wait3A_347 = tpu.memref_squeeze %dma_wait3A_346 : memref<1x128xi32, #tpu.memory_space<hbm>> -> memref<128xi32, #tpu.memory_space<hbm>>
        tpu.wait_dma2 semaphore(%arg17 : memref<!tpu.dma_semaphore, #tpu.memory_space<semaphore_mem>>) src(%dma_wait3A_347 : memref<128xi32, #tpu.memory_space<hbm>>) dst(%arg6 : memref<128xi32, #tpu.memory_space<vmem>>)
        %add3A_348 = arith.constant 0 : i32
        %add3A_349 = arith.addi %mul3A_59, %add3A_348 : i32
        %dma_wait3A_350 = arith.constant 0 : i32
        %dma_wait3A_351 = tpu.memref_slice %arg3[%dma_wait3A_350, %add3A_349] : memref<2x327680xi32, #tpu.memory_space<hbm>> -> memref<1x128xi32, #tpu.memory_space<hbm>>
        %dma_wait3A_352 = tpu.memref_squeeze %dma_wait3A_351 : memref<1x128xi32, #tpu.memory_space<hbm>> -> memref<128xi32, #tpu.memory_space<hbm>>
        %dma_wait3A_353 = tpu.memref_slice %arg3[%dma_wait3A_350, %add3A_349] : memref<2x327680xi32, #tpu.memory_space<hbm>> -> memref<1x128xi32, #tpu.memory_space<hbm>>
        %dma_wait3A_354 = tpu.memref_squeeze %dma_wait3A_353 : memref<1x128xi32, #tpu.memory_space<hbm>> -> memref<128xi32, #tpu.memory_space<hbm>>
        tpu.wait_dma2 semaphore(%arg17 : memref<!tpu.dma_semaphore, #tpu.memory_space<semaphore_mem>>) src(%dma_wait3A_354 : memref<128xi32, #tpu.memory_space<hbm>>) dst(%arg6 : memref<128xi32, #tpu.memory_space<vmem>>)
        %add3A_355 = arith.constant 0 : i32
        %add3A_356 = arith.addi %mul3A_59, %add3A_355 : i32
        %dma_wait3A_357 = arith.constant 0 : i32
        %dma_wait3A_358 = tpu.memref_slice %arg3[%dma_wait3A_357, %add3A_356] : memref<2x327680xi32, #tpu.memory_space<hbm>> -> memref<1x128xi32, #tpu.memory_space<hbm>>
        %dma_wait3A_359 = tpu.memref_squeeze %dma_wait3A_358 : memref<1x128xi32, #tpu.memory_space<hbm>> -> memref<128xi32, #tpu.memory_space<hbm>>
        %dma_wait3A_360 = tpu.memref_slice %arg3[%dma_wait3A_357, %add3A_356] : memref<2x327680xi32, #tpu.memory_space<hbm>> -> memref<1x128xi32, #tpu.memory_space<hbm>>
        %dma_wait3A_361 = tpu.memref_squeeze %dma_wait3A_360 : memref<1x128xi32, #tpu.memory_space<hbm>> -> memref<128xi32, #tpu.memory_space<hbm>>
        tpu.wait_dma2 semaphore(%arg17 : memref<!tpu.dma_semaphore, #tpu.memory_space<semaphore_mem>>) src(%dma_wait3A_361 : memref<128xi32, #tpu.memory_space<hbm>>) dst(%arg6 : memref<128xi32, #tpu.memory_space<vmem>>)
      } else {
      }
    }
    %scan3A_94 = arith.constant 10 : i32
    %barrier3A_95 = arith.constant 0 : index
    tpu.barrier barrier_id(%barrier3A_95)
    "tpu.region"() ({
      %run_scoped3A_96 = tpu.sem_alloc : memref<!tpu.dma_semaphore, #tpu.memory_space<semaphore_mem>>
      %dma_start3A_97 = arith.constant 0 : i32
      %dma_start3A_98 = tpu.memref_slice %arg4[%arg0, %mul3A_5, %dma_start3A_97] : memref<2x10240x128xf32, #tpu.memory_space<hbm>> -> memref<1x640x128xf32, #tpu.memory_space<hbm>>
      %dma_start3A_99 = tpu.memref_squeeze %dma_start3A_98 : memref<1x640x128xf32, #tpu.memory_space<hbm>> -> memref<640x128xf32, #tpu.memory_space<hbm>>
      %dma_start3A_100 = arith.constant 0 : i32
      %dma_start3A_101 = tpu.memref_slice %arg5[%mul3A_5, %dma_start3A_100] : memref<10240x128xf32, #tpu.memory_space<vmem_shared>> -> memref<640x128xf32, #tpu.memory_space<vmem_shared>>
      tpu.enqueue_dma source(%dma_start3A_101 : memref<640x128xf32, #tpu.memory_space<vmem_shared>>) target(%dma_start3A_99 : memref<640x128xf32, #tpu.memory_space<hbm>>) target_semaphore(%run_scoped3A_96 : memref<!tpu.dma_semaphore, #tpu.memory_space<semaphore_mem>>)
      %dma_wait3A_102 = arith.constant 0 : i32
      %dma_wait3A_103 = tpu.memref_slice %arg4[%arg0, %mul3A_5, %dma_wait3A_102] : memref<2x10240x128xf32, #tpu.memory_space<hbm>> -> memref<1x640x128xf32, #tpu.memory_space<hbm>>
      %dma_wait3A_104 = tpu.memref_squeeze %dma_wait3A_103 : memref<1x640x128xf32, #tpu.memory_space<hbm>> -> memref<640x128xf32, #tpu.memory_space<hbm>>
      %dma_wait3A_105 = arith.constant 0 : i32
      %dma_wait3A_106 = tpu.memref_slice %arg5[%mul3A_5, %dma_wait3A_105] : memref<10240x128xf32, #tpu.memory_space<vmem_shared>> -> memref<640x128xf32, #tpu.memory_space<vmem_shared>>
      tpu.wait_dma2 semaphore(%run_scoped3A_96 : memref<!tpu.dma_semaphore, #tpu.memory_space<semaphore_mem>>) src(%dma_wait3A_106 : memref<640x128xf32, #tpu.memory_space<vmem_shared>>) dst(%dma_wait3A_104 : memref<640x128xf32, #tpu.memory_space<hbm>>)
      tpu.yield
    }) : () -> ()
    return
  }
}

module attributes {stable_mosaic.version = 14 : i64} {
  func.func @_scale_body(%arg0: i32, %arg1: memref<1024x128xf32, #tpu.memory_space<vmem>>, %arg2: memref<1024x1xf32, #tpu.memory_space<vmem>>, %arg3: memref<1024x128xf32, #tpu.memory_space<vmem>>) attributes {dimension_semantics = [#tpu.dimension_semantics<arbitrary>], iteration_bounds = array<i64: 10>, scalar_prefetch = 0 : i64, scratch_operands = 0 : i64, tpu.core_type = #tpu.core_type<tc>, window_params = [{transform_indices = @transform_0, window_bounds = array<i64: 1024, 128>}, {transform_indices = @transform_1, window_bounds = array<i64: 1024, 1>}, {transform_indices = @transform_2, window_bounds = array<i64: 1024, 128>}]} {
    %get3A = arith.constant 0 : index
    %get3A_0 = arith.constant 0 : index
    %get3A_1 = vector.load %arg2[%get3A, %get3A_0] : memref<1024x1xf32, #tpu.memory_space<vmem>>, vector<1024x1xf32>
    %max3A = arith.constant 1.000000e+00 : f32
    %max3A_2 = vector.broadcast %max3A : f32 to vector<1024x1xf32>
    %max3A_3 = arith.maximumf %get3A_1, %max3A_2 : vector<1024x1xf32>
    %rsqrt3A = math.rsqrt %max3A_3 : vector<1024x1xf32>
    %get3A_4 = arith.constant 0 : index
    %get3A_5 = arith.constant 0 : index
    %get3A_6 = vector.load %arg1[%get3A_4, %get3A_5] : memref<1024x128xf32, #tpu.memory_space<vmem>>, vector<1024x128xf32>
    %mul3A = vector.broadcast %rsqrt3A : vector<1024x1xf32> to vector<1024x128xf32>
    %mul3A_7 = arith.mulf %get3A_6, %mul3A : vector<1024x128xf32>
    %swap3A = arith.constant 0 : index
    %swap3A_8 = arith.constant 0 : index
    %swap3A_9 = vector.load %arg3[%swap3A, %swap3A_8] : memref<1024x128xf32, #tpu.memory_space<vmem>>, vector<1024x128xf32>
    tpu.vector_store %arg3[%swap3A, %swap3A_8], %mul3A_7 {strides = array<i32>} : memref<1024x128xf32, #tpu.memory_space<vmem>>, vector<1024x128xf32>,
    return
  }
  func.func @transform_0(%arg0: i32) -> (i32, i32) {
    %c0_i32 = arith.constant 0 : i32
    %c0_i32_0 = arith.constant 0 : i32
    return %arg0, %c0_i32 : i32, i32
  }
  func.func @transform_1(%arg0: i32) -> (i32, i32) {
    %c0_i32 = arith.constant 0 : i32
    %c0_i32_0 = arith.constant 0 : i32
    return %arg0, %c0_i32 : i32, i32
  }
  func.func @transform_2(%arg0: i32) -> (i32, i32) {
    %c0_i32 = arith.constant 0 : i32
    %c0_i32_0 = arith.constant 0 : i32
    return %arg0, %c0_i32 : i32, i32
  }
}

module attributes {stable_mosaic.version = 14 : i64} {
  func.func @_layer_body(%arg0: i32, %arg1: memref<2x1024x128xf32, #tpu.memory_space<vmem>>, %arg2: memref<1024x1xf32, #tpu.memory_space<vmem>>, %arg3: memref<1024x1xf32, #tpu.memory_space<vmem>>, %arg4: memref<128x128xf32, #tpu.memory_space<vmem>>, %arg5: memref<1x128xf32, #tpu.memory_space<vmem>>, %arg6: memref<1024x128xf32, #tpu.memory_space<vmem>>) attributes {dimension_semantics = [#tpu.dimension_semantics<arbitrary>], iteration_bounds = array<i64: 10>, scalar_prefetch = 0 : i64, scratch_operands = 0 : i64, tpu.core_type = #tpu.core_type<tc>, window_params = [{transform_indices = @transform_0, window_bounds = array<i64: 2, 1024, 128>}, {transform_indices = @transform_1, window_bounds = array<i64: 1024, 1>}, {transform_indices = @transform_2, window_bounds = array<i64: 1024, 1>}, {pipeline_mode = #tpu.pipeline_mode<synchronous>, transform_indices = @transform_3, window_bounds = array<i64: 128, 128>}, {pipeline_mode = #tpu.pipeline_mode<synchronous>, transform_indices = @transform_4, window_bounds = array<i64: 1, 128>}, {transform_indices = @transform_5, window_bounds = array<i64: 1024, 128>}]} {
    %get3A = arith.constant 0 : index
    %get3A_0 = arith.constant 0 : index
    %get3A_1 = arith.constant 0 : index
    %get3A_2 = vector.load %arg1[%get3A, %get3A_0, %get3A_1] : memref<2x1024x128xf32, #tpu.memory_space<vmem>>, vector<2x1024x128xf32>
    %slice3A = vector.extract_strided_slice %get3A_2 {offsets = [0, 0, 0], sizes = [1, 1024, 128], strides = [1, 1, 1]} : vector<2x1024x128xf32> to vector<1x1024x128xf32>
    %squeeze3A = vector.shape_cast %slice3A : vector<1x1024x128xf32> to vector<1024x128xf32>
    %slice3A_3 = vector.extract_strided_slice %get3A_2 {offsets = [1, 0, 0], sizes = [1, 1024, 128], strides = [1, 1, 1]} : vector<2x1024x128xf32> to vector<1x1024x128xf32>
    %squeeze3A_4 = vector.shape_cast %slice3A_3 : vector<1x1024x128xf32> to vector<1024x128xf32>
    %add3A = arith.addf %squeeze3A, %squeeze3A_4 : vector<1024x128xf32>
    %get3A_5 = arith.constant 0 : index
    %get3A_6 = arith.constant 0 : index
    %get3A_7 = vector.load %arg2[%get3A_5, %get3A_6] : memref<1024x1xf32, #tpu.memory_space<vmem>>, vector<1024x1xf32>
    %max3A = arith.constant 1.000000e+00 : f32
    %max3A_8 = vector.broadcast %max3A : f32 to vector<1024x1xf32>
    %max3A_9 = arith.maximumf %get3A_7, %max3A_8 : vector<1024x1xf32>
    %rsqrt3A = math.rsqrt %max3A_9 : vector<1024x1xf32>
    %mul3A = vector.broadcast %rsqrt3A : vector<1024x1xf32> to vector<1024x128xf32>
    %mul3A_10 = arith.mulf %add3A, %mul3A : vector<1024x128xf32>
    %get3A_11 = arith.constant 0 : index
    %get3A_12 = arith.constant 0 : index
    %get3A_13 = vector.load %arg4[%get3A_11, %get3A_12] : memref<128x128xf32, #tpu.memory_space<vmem>>, vector<128x128xf32>
    %dot_general3A = arith.constant dense<0.000000e+00> : vector<1024x128xf32>
    %dot_general3A_14 = tpu.matmul %mul3A_10, %get3A_13, %dot_general3A {dimension_numbers = #tpu.dot_dimension_numbers<[1], [0], [0], [1], [0, 0, 1, 1], [], []>, transpose_lhs_hint = false} : vector<1024x128xf32>, vector<128x128xf32>, vector<1024x128xf32> -> vector<1024x128xf32>
    %get3A_15 = arith.constant 0 : index
    %get3A_16 = arith.constant 0 : index
    %get3A_17 = vector.load %arg5[%get3A_15, %get3A_16] : memref<1x128xf32, #tpu.memory_space<vmem>>, vector<1x128xf32>
    %add3A_18 = vector.broadcast %get3A_17 : vector<1x128xf32> to vector<1024x128xf32>
    %add3A_19 = arith.addf %dot_general3A_14, %add3A_18 : vector<1024x128xf32>
    %max3A_20 = arith.constant 0.000000e+00 : f32
    %max3A_21 = vector.broadcast %max3A_20 : f32 to vector<1024x128xf32>
    %max3A_22 = arith.maximumf %add3A_19, %max3A_21 : vector<1024x128xf32>
    %get3A_23 = arith.constant 0 : index
    %get3A_24 = arith.constant 0 : index
    %get3A_25 = vector.load %arg3[%get3A_23, %get3A_24] : memref<1024x1xf32, #tpu.memory_space<vmem>>, vector<1024x1xf32>
    %max3A_26 = arith.constant 1.000000e+00 : f32
    %max3A_27 = vector.broadcast %max3A_26 : f32 to vector<1024x1xf32>
    %max3A_28 = arith.maximumf %get3A_25, %max3A_27 : vector<1024x1xf32>
    %rsqrt3A_29 = math.rsqrt %max3A_28 : vector<1024x1xf32>
    %mul3A_30 = vector.broadcast %rsqrt3A_29 : vector<1024x1xf32> to vector<1024x128xf32>
    %mul3A_31 = arith.mulf %max3A_22, %mul3A_30 : vector<1024x128xf32>
    %swap3A = arith.constant 0 : index
    %swap3A_32 = arith.constant 0 : index
    %swap3A_33 = vector.load %arg6[%swap3A, %swap3A_32] : memref<1024x128xf32, #tpu.memory_space<vmem>>, vector<1024x128xf32>
    tpu.vector_store %arg6[%swap3A, %swap3A_32], %mul3A_31 {strides = array<i32>} : memref<1024x128xf32, #tpu.memory_space<vmem>>, vector<1024x128xf32>,
    return
  }
  func.func @transform_0(%arg0: i32) -> (i32, i32, i32) {
    %c0_i32 = arith.constant 0 : i32
    %c0_i32_0 = arith.constant 0 : i32
    %c0_i32_1 = arith.constant 0 : i32
    return %c0_i32, %arg0, %c0_i32_0 : i32, i32, i32
  }
  func.func @transform_1(%arg0: i32) -> (i32, i32) {
    %c0_i32 = arith.constant 0 : i32
    %c0_i32_0 = arith.constant 0 : i32
    return %arg0, %c0_i32 : i32, i32
  }
  func.func @transform_2(%arg0: i32) -> (i32, i32) {
    %c0_i32 = arith.constant 0 : i32
    %c0_i32_0 = arith.constant 0 : i32
    return %arg0, %c0_i32 : i32, i32
  }
  func.func @transform_3(%arg0: i32) -> (i32, i32) {
    %c0_i32 = arith.constant 0 : i32
    %c0_i32_0 = arith.constant 0 : i32
    %c0_i32_1 = arith.constant 0 : i32
    return %c0_i32, %c0_i32_0 : i32, i32
  }
  func.func @transform_4(%arg0: i32) -> (i32, i32) {
    %c0_i32 = arith.constant 0 : i32
    %c0_i32_0 = arith.constant 0 : i32
    %c0_i32_1 = arith.constant 0 : i32
    return %c0_i32, %c0_i32_0 : i32, i32
  }
  func.func @transform_5(%arg0: i32) -> (i32, i32) {
    %c0_i32 = arith.constant 0 : i32
    %c0_i32_0 = arith.constant 0 : i32
    return %arg0, %c0_i32 : i32, i32
  }
}

module attributes {stable_mosaic.version = 14 : i64} {
  func.func @_layer_body(%arg0: i32, %arg1: memref<2x1024x128xf32, #tpu.memory_space<vmem>>, %arg2: memref<1024x1xf32, #tpu.memory_space<vmem>>, %arg3: memref<1024x1xf32, #tpu.memory_space<vmem>>, %arg4: memref<128x128xf32, #tpu.memory_space<vmem>>, %arg5: memref<1x128xf32, #tpu.memory_space<vmem>>, %arg6: memref<1024x128xf32, #tpu.memory_space<vmem>>) attributes {dimension_semantics = [#tpu.dimension_semantics<arbitrary>], iteration_bounds = array<i64: 10>, scalar_prefetch = 0 : i64, scratch_operands = 0 : i64, tpu.core_type = #tpu.core_type<tc>, window_params = [{transform_indices = @transform_0, window_bounds = array<i64: 2, 1024, 128>}, {transform_indices = @transform_1, window_bounds = array<i64: 1024, 1>}, {transform_indices = @transform_2, window_bounds = array<i64: 1024, 1>}, {pipeline_mode = #tpu.pipeline_mode<synchronous>, transform_indices = @transform_3, window_bounds = array<i64: 128, 128>}, {pipeline_mode = #tpu.pipeline_mode<synchronous>, transform_indices = @transform_4, window_bounds = array<i64: 1, 128>}, {transform_indices = @transform_5, window_bounds = array<i64: 1024, 128>}]} {
    %get3A = arith.constant 0 : index
    %get3A_0 = arith.constant 0 : index
    %get3A_1 = arith.constant 0 : index
    %get3A_2 = vector.load %arg1[%get3A, %get3A_0, %get3A_1] : memref<2x1024x128xf32, #tpu.memory_space<vmem>>, vector<2x1024x128xf32>
    %slice3A = vector.extract_strided_slice %get3A_2 {offsets = [0, 0, 0], sizes = [1, 1024, 128], strides = [1, 1, 1]} : vector<2x1024x128xf32> to vector<1x1024x128xf32>
    %squeeze3A = vector.shape_cast %slice3A : vector<1x1024x128xf32> to vector<1024x128xf32>
    %slice3A_3 = vector.extract_strided_slice %get3A_2 {offsets = [1, 0, 0], sizes = [1, 1024, 128], strides = [1, 1, 1]} : vector<2x1024x128xf32> to vector<1x1024x128xf32>
    %squeeze3A_4 = vector.shape_cast %slice3A_3 : vector<1x1024x128xf32> to vector<1024x128xf32>
    %add3A = arith.addf %squeeze3A, %squeeze3A_4 : vector<1024x128xf32>
    %get3A_5 = arith.constant 0 : index
    %get3A_6 = arith.constant 0 : index
    %get3A_7 = vector.load %arg2[%get3A_5, %get3A_6] : memref<1024x1xf32, #tpu.memory_space<vmem>>, vector<1024x1xf32>
    %max3A = arith.constant 1.000000e+00 : f32
    %max3A_8 = vector.broadcast %max3A : f32 to vector<1024x1xf32>
    %max3A_9 = arith.maximumf %get3A_7, %max3A_8 : vector<1024x1xf32>
    %rsqrt3A = math.rsqrt %max3A_9 : vector<1024x1xf32>
    %mul3A = vector.broadcast %rsqrt3A : vector<1024x1xf32> to vector<1024x128xf32>
    %mul3A_10 = arith.mulf %add3A, %mul3A : vector<1024x128xf32>
    %get3A_11 = arith.constant 0 : index
    %get3A_12 = arith.constant 0 : index
    %get3A_13 = vector.load %arg4[%get3A_11, %get3A_12] : memref<128x128xf32, #tpu.memory_space<vmem>>, vector<128x128xf32>
    %dot_general3A = arith.constant dense<0.000000e+00> : vector<1024x128xf32>
    %dot_general3A_14 = tpu.matmul %mul3A_10, %get3A_13, %dot_general3A {dimension_numbers = #tpu.dot_dimension_numbers<[1], [0], [0], [1], [0, 0, 1, 1], [], []>, transpose_lhs_hint = false} : vector<1024x128xf32>, vector<128x128xf32>, vector<1024x128xf32> -> vector<1024x128xf32>
    %get3A_15 = arith.constant 0 : index
    %get3A_16 = arith.constant 0 : index
    %get3A_17 = vector.load %arg5[%get3A_15, %get3A_16] : memref<1x128xf32, #tpu.memory_space<vmem>>, vector<1x128xf32>
    %add3A_18 = vector.broadcast %get3A_17 : vector<1x128xf32> to vector<1024x128xf32>
    %add3A_19 = arith.addf %dot_general3A_14, %add3A_18 : vector<1024x128xf32>
    %max3A_20 = arith.constant 0.000000e+00 : f32
    %max3A_21 = vector.broadcast %max3A_20 : f32 to vector<1024x128xf32>
    %max3A_22 = arith.maximumf %add3A_19, %max3A_21 : vector<1024x128xf32>
    %swap3A = arith.constant 0 : index
    %swap3A_23 = arith.constant 0 : index
    %swap3A_24 = vector.load %arg6[%swap3A, %swap3A_23] : memref<1024x128xf32, #tpu.memory_space<vmem>>, vector<1024x128xf32>
    tpu.vector_store %arg6[%swap3A, %swap3A_23], %max3A_22 {strides = array<i32>} : memref<1024x128xf32, #tpu.memory_space<vmem>>, vector<1024x128xf32>,
    return
  }
  func.func @transform_0(%arg0: i32) -> (i32, i32, i32) {
    %c0_i32 = arith.constant 0 : i32
    %c0_i32_0 = arith.constant 0 : i32
    %c0_i32_1 = arith.constant 0 : i32
    return %c0_i32, %arg0, %c0_i32_0 : i32, i32, i32
  }
  func.func @transform_1(%arg0: i32) -> (i32, i32) {
    %c0_i32 = arith.constant 0 : i32
    %c0_i32_0 = arith.constant 0 : i32
    return %arg0, %c0_i32 : i32, i32
  }
  func.func @transform_2(%arg0: i32) -> (i32, i32) {
    %c0_i32 = arith.constant 0 : i32
    %c0_i32_0 = arith.constant 0 : i32
    return %arg0, %c0_i32 : i32, i32
  }
  func.func @transform_3(%arg0: i32) -> (i32, i32) {
    %c0_i32 = arith.constant 0 : i32
    %c0_i32_0 = arith.constant 0 : i32
    %c0_i32_1 = arith.constant 0 : i32
    return %c0_i32, %c0_i32_0 : i32, i32
  }
  func.func @transform_4(%arg0: i32) -> (i32, i32) {
    %c0_i32 = arith.constant 0 : i32
    %c0_i32_0 = arith.constant 0 : i32
    %c0_i32_1 = arith.constant 0 : i32
    return %c0_i32, %c0_i32_0 : i32, i32
  }
  func.func @transform_5(%arg0: i32) -> (i32, i32) {
    %c0_i32 = arith.constant 0 : i32
    %c0_i32_0 = arith.constant 0 : i32
    return %arg0, %c0_i32 : i32, i32
  }
}

</mosaic_0001>

<sc_bundles>
// kernel: kernel.11.cloned.1.call-start
scs
__scs_entry_jumppad:
0x0: {  	(pc) =	sbr.rel $0x88, $3  }
0x1: {  	(tag) =	ssettag $0x0;
	lr =	simm.s32 $0x1  }
0x2: {  	[smem:$0x3F9B] =	sst lr;
	_ =	strace $0xD0000000  }
0x3: {  	_ = 	snop  }
0x4: {  	_ = 	snop  }
0x5: {  	_ = 	snop  }
0x6: {  	_ = 	snop  }
0x7: {  	_ = 	snop  }
__scs_overlays_trampoline_lowered:
0x8: {  	[smem:$0x3FAA] =	sst s0  }
0x9: {  	[smem:$0x3FAB] =	sst s1  }
0xa: {  	[smem:$0x3FAC] =	sst s2  }
0xb: {  	[smem:$0x3FAD] =	sst s3  }
0xc: {  	[smem:$0x3FAE] =	sst s4  }
0xd: {  	[smem:$0x3FAF] =	sst s5  }
0xe: {  	[smem:$0x3FB0] =	sst s6  }
0xf: {  	[smem:$0x3FB1] =	sst s7  }
0x10: {  	[smem:$0x3FB2] =	sst s8  }
0x11: {  	[smem:$0x3FB3] =	sst s9;
	s0 =	simm.s32 @!p0 $0x0  }
0x12: {  	s1 =	sld [smem:$0x3F99];
	s0 =	simm.s32 @p0 $0x1  }
0x13: {  	[smem:$0x3FB4] =	sst s0;
	s0 =	simm.s32 @!p1 $0x0  }
0x14: {  	s2 =	sld [smem:$0x3F98];
	s0 =	simm.s32 @p1 $0x1  }
0x15: {  	[smem:$0x3FB5] =	sst s0;
	s0 =	simm.s32 @!p2 $0x0  }
0x16: {  	s3 =	sld [smem:$0x3FDB];
	s0 =	simm.s32 @p2 $0x1  }
0x17: {  	s4 =	simm.s32 $0x1BF5;
	[smem:$0x3FB7] =	sst s0  }
0x18: {  	s0 =	sld [smem:$0x3F9A];
	_ =	swait.ge [sflag:s4], $0x0  }
0x19: {  	s7 =	sld [smem:$0x3F9B]  }
0x1a: {  	s8 =	sadd.s32 $0xFFFFE003, lr  }
0x1b: {  	s9 =	sadd.s32 $0xFFFFFEF7, lr;
	s5 =	simm.s32 $0xFFFFFFFF;
	p2 =	slt.u32 s8, $0xFFFFF086  }
0x1c: {  	p1 =	slt.u32 s9, $0xF7A;
	s5 =	simm.s32 @!p2 $0x0  }
0x1d: {  	s5 =	simm.s32 @p1 $0x1;
	p0 =	seq.s32 s7, s2  }
0x1e: {  	s7 =	smul.u32 @!p0 $0xF7A, s2;
	p2 =	seq.s32 @!p0 s5, $0x0  }
0x1f: {  	s9 =	smul.u32 $0xF7A, s1;
	s8 =	simm.s32 @!p0 $0x1BF5;
	p2 =	por !p2, p0  }
0x20: {  	[sflag:s8] =	ssyncset.s32 @!p0 $0xFFFFF086;
	s6 =	sadd.s32 @!p0 s3, s7;
	s7 =	simm.s32 @!p0 $0x108  }
0x21: {  	s3 =	sadd.s32 s3, s9;
	s6 =	sadd.s32 @!p0 $0x88, s6;
	s7 =	simm.s32 @p2 $0x1082  }
0x22: {  	[simem:s7], [sflag:s8] =	dma.local @!p0 [hbm:s6], $0xF7A  }
0x23: {  	s9 =	sor.u32 $0xD0000000, s2;
	s6 =	simm.s32 $0x108;
	_ =	swait.ge @!p0 [sflag:s8], $0x0  }
0x24: {  	s3 =	sadd.s32 $0x88, s3;
	s6 =	simm.s32 @!p1 $0x1082;
	[sflag:s4] =	ssyncset.s32 $0xFFFFF086  }
0x25: {  	[simem:s6], [sflag:s4] =	dma.local [hbm:s3], $0xF7A  }
0x26: {  	[smem:$0x3F9B] =	sst s1;
	(tag) =	ssettag s2;
	_ =	strace s9  }
0x27: {  	s1 =	sld [smem:$0x3FAB]  }
0x28: {  	s2 =	sld [smem:$0x3FAC]  }
0x29: {  	s4 =	sld [smem:$0x3FAE]  }
0x2a: {  	p0 =	seq.s32 s5, $0x0;
	s5 =	sld [smem:$0x3FAF]  }
0x2b: {  	s6 =	sld [smem:$0x3FB0]  }
0x2c: {  	s7 =	sld [smem:$0x3FB1]  }
0x2d: {  	s3 =	simm.s32 $0x108;
	s8 =	sld [smem:$0x3FB2]  }
0x2e: {  	s3 =	simm.s32 @!p0 $0x1082;
	s9 =	sld [smem:$0x3FB3]  }
0x2f: {  	lr =	sadd.s32 s0, s3;
	s0 =	sld [smem:$0x3FAA]  }
0x30: {  	s3 =	sld [smem:$0x3FAD]  }
0x31: {  	[smem:$0x3FB6] =	sst s10  }
0x32: {  	s10 =	sld [smem:$0x3FB4];
	_ =	sdelay $0x3  }
0x33: {  	p0 =	seq.s32 s10, $0x1;
	s10 =	sld [smem:$0x3FB6];
	_ =	sdelay $0x3  }
0x34: {  	[smem:$0x3FB6] =	sst s10  }
0x35: {  	s10 =	sld [smem:$0x3FB5];
	_ =	sdelay $0x3  }
0x36: {  	p1 =	seq.s32 s10, $0x1;
	s10 =	sld [smem:$0x3FB6];
	_ =	sdelay $0x3  }
0x37: {  	[smem:$0x3FB6] =	sst s10  }
0x38: {  	s10 =	sld [smem:$0x3FB7]  }
0x39: {  	_ = 	snop;
	(pc) =	sbr.ind lr, $3  }
0x3a: {  	_ = 	snop  }
0x3b: {  	_ = 	snop  }
0x3c: {  	p2 =	seq.s32 s10, $0x1;
	s10 =	sld [smem:$0x3FB6]  }
0x3d: {  	_ =	shalt  }
0x3e: {  	_ =	shalt  }
0x3f: {  	_ =	shalt  }
0x40: {  	_ =	shalt  }
0x41: {  	_ =	shalt  }
0x42: {  	_ =	shalt  }
0x43: {  	_ =	shalt  }
0x44: {  	_ =	shalt  }
0x45: {  	_ =	shalt  }
0x46: {  	_ =	shalt  }
0x47: {  	_ =	shalt  }
0x48: {  	_ =	shalt  }
0x49: {  	_ =	shalt  }
0x4a: {  	_ =	shalt  }
0x4b: {  	_ =	shalt  }
0x4c: {  	_ =	shalt  }
0x4d: {  	_ =	shalt  }
0x4e: {  	_ =	shalt  }
0x4f: {  	_ =	shalt  }
0x50: {  	_ =	shalt  }
0x51: {  	_ =	shalt  }
0x52: {  	_ =	shalt  }
0x53: {  	_ =	shalt  }
0x54: {  	_ =	shalt  }
0x55: {  	_ =	shalt  }
0x56: {  	_ =	shalt  }
0x57: {  	_ =	shalt  }
0x58: {  	_ =	shalt  }
0x59: {  	_ =	shalt  }
0x5a: {  	_ =	shalt  }
0x5b: {  	_ =	shalt  }
0x5c: {  	_ =	shalt  }
0x5d: {  	_ =	shalt  }
0x5e: {  	_ =	shalt  }
0x5f: {  	_ =	shalt  }
0x60: {  	_ =	shalt  }
0x61: {  	_ =	shalt  }
0x62: {  	_ =	shalt  }
0x63: {  	_ =	shalt  }
0x64: {  	_ =	shalt  }
0x65: {  	_ =	shalt  }
0x66: {  	_ =	shalt  }
0x67: {  	_ =	shalt  }
0x68: {  	_ =	shalt  }
0x69: {  	_ =	shalt  }
0x6a: {  	_ =	shalt  }
0x6b: {  	_ =	shalt  }
0x6c: {  	_ =	shalt  }
0x6d: {  	_ =	shalt  }
0x6e: {  	_ =	shalt  }
0x6f: {  	_ =	shalt  }
0x70: {  	_ =	shalt  }
0x71: {  	_ =	shalt  }
0x72: {  	_ =	shalt  }
0x73: {  	_ =	shalt  }
0x74: {  	_ =	shalt  }
0x75: {  	_ =	shalt  }
0x76: {  	_ =	shalt  }
0x77: {  	_ =	shalt  }
0x78: {  	_ =	shalt  }
0x79: {  	_ =	shalt  }
0x7a: {  	_ =	shalt  }
0x7b: {  	_ =	shalt  }
0x7c: {  	_ =	shalt  }
0x7d: {  	_ =	shalt  }
0x7e: {  	_ =	shalt  }
0x7f: {  	_ =	shalt  }
0x80: {  	_ =	shalt  }
0x81: {  	_ =	shalt  }
0x82: {  	_ =	shalt  }
0x83: {  	_ =	shalt  }
0x84: {  	_ =	shalt  }
0x85: {  	_ =	shalt  }
0x86: {  	_ =	shalt  }
0x87: {  	_ =	shalt  }
.Lfunc_end0:
.L_simem_size_0:
called_computation.1_lowered:
.L_overlay_start_0:
0x88: {  	s2 =	sld [smem:$0x3FD9]  }
0x89: {  	s3 =	sld [smem:$0x3FFE];
	_ =	sdelay $0x1  }
0x8a: {  	s1 =	srdreg.scid  }
0x8b: {  	s0 =	sand.u32 $0x1, s1  }
0x8c: {  	s17 =	sshll.u32 s0, $0xA;
	s2 =	sadd.s32 s3, s2  }
0x8d: {  	s2 =	sadd.s32 s2, s17  }
0x8e: {  	[smem:$0x3FC2] =	sst s2  }
0x8f: {  	_ = 	snop  }
0x90: {  	s2 =	sld [smem:$0x3FD0];
	(tm) =	ssettm $0x1  }
0x91: {  	s18 =	sld [smem:$0x3FFB];
	_ =	sdelay $0x3  }
0x92: {  	_ =	strace s18  }
0x93: {  	s3 =	sld [smem:$0x3FFC];
	_ =	sdelay $0x3  }
0x94: {  	_ =	strace s3  }
0x95: {  	s3 =	sld [smem:$0x3FFD];
	_ =	sdelay $0x3  }
0x96: {  	_ =	strace s3  }
0x97: {  	_ =	strace $0x8FFFFFFF  }
0x98: {  	s19 =	sld [smem:$0x3FDB];
	_ =	sdelay $0x1  }
0x99: {  	s4 =	simm.s32 $_scs_section_size  }
0x9a: {  	s5 =	simm.s32 $_size__tile_overlayer_lowered;
	s6 =	simm.s32 $_tile_overlayer_lowered  }
0x9b: {  	s22 =	simm.s32 $0x1BFF;
	s21 =	sshll.u32 s6, $0x1;
	s3 =	sadd.s32 s4, s19  }
0x9c: {  	s7 =	simm.s32 $0x0;
	s20 =	sshll.u32 s5, $0x1;
	s5 =	sadd.s32 s21, s3  }
0x9d: {  	[timem:s7], [sflag:s22] =	dma.local [hbm:s5], s20  }
0x9e: {  	_ =	swait.ge [sflag:s22], s20  }
0x9f: {  	s4 =	ssub.s32 $0x0, s20;
	[sflag:s22] =	ssyncset.done $0x0  }
0xa0: {  	[sflag:s22] =	ssyncadd.s32 s4;
	_ =	sdelay $0x1  }
0xa1: {  	s23 =	simm.s32 $0x1B8B  }
0xa2: {  	_ =	swait.ge [sflag:s23], $0x1  }
0xa3: {  	[sflag:s23] =	ssyncset.done $0x0  }
0xa4: {  	s25 =	simm.s32 $0x1B8E;
	s24 =	sld [smem:$0x3FFE];
	[sflag:s23] =	ssyncadd.s32 $0xFFFFFFFF  }
0xa5: {  	s26 =	simm.s32 $execute0_lowered;
	[smem:$0x3FD2] =	sst s25  }
0xa6: {  	s5 =	sshll.u32 s26, $0x1;
	_ =	strace $0x80000049;
	[dreg:$0x1] =	wrdreg $0xFFFFFFFF  }
0xa7: {  	s28 =	simm.s32 $_size_execute0_lowered;
	s3 =	sadd.s32 s3, s5;
	[dreg:$0x0] =	wrdreg $0x0  }
0xa8: {  	s5 =	sshll.u32 s28, $0x1;
	[dreg:$0x2] =	wrdreg s3  }
0xa9: {  	[dreg:$0x3] =	wrdreg s5  }
0xaa: {  	[dreg:$0x4] =	wrdreg $0xC0  }
0xab: {  	_ =	task [dreg:s7], $0x5FFFF  }
0xac: {  	[dreg:$0x1] =	wrdreg $0xFFFFFFFF  }
0xad: {  	[dreg:$0x0] =	wrdreg $0x60  }
0xae: {  	[dreg:$0x2] =	wrdreg s24  }
0xaf: {  	[dreg:$0x3] =	wrdreg s2  }
0xb0: {  	[dreg:$0x4] =	wrdreg $0x0  }
0xb1: {  	[dreg:$0x5] =	wrdreg $0x9  }
0xb2: {  	_ =	task.clear_ibuf [dreg:s7], $0x6FFFF;
	_ =	strace $0x90000049  }
0xb3: {  	s29 =	simm.s32 $0x9;
	_ =	strace $0x8000004B  }
0xb4: {  	_ =	swait.ge [sflag:s29], $0x1  }
0xb5: {  	[sflag:s29] =	ssyncadd.s32 $0xFFFFFFFF  }
0xb6: {  	_ =	strace $0x9000004B  }
0xb7: {  	_ =	sfence  }
0xb8: {  	s30 =	sld [smem:$0x0];
	_ =	sdelay $0x2  }
0xb9: {  	s31 =	sshll.u32 s1, $0xD;
	s1 =	sshrl.u32 s1, $0x2  }
0xba: {  	s3 =	sand.u32 $0x4000, s31;
	s1 =	sadd.s32 s1, s30  }
0xbb: {  	s0 =	sor.u32 s3, s0;
	s1 =	sshll.u32 s1, $0x11  }
0xbc: {  	s0 =	sor.u32 s1, s0  }
0xbd: {  	s0 =	sadd.s32 $0x8F2B, s0  }
0xbe: {  	[sflag:s0] =	ssyncadd.remote.s32 $0x1  }
0xbf: {  	_ =	sfence.sel $0xFFFF  }
0xc0: {  	[dreg:$0x0] =	wrdreg $0xFFFFFFFF;
	(pc) =	sbr.abs _section_cstart, $3  }
0xc1: {  	[dreg:$0x1] =	wrdreg $0xFFFFFFFF  }
0xc2: {  	_ =	task.clear_ibuf [dreg:s7], $0x2FFFF;
	_ =	strace $0x9FFFFFFF  }
0xc3: {  	(tm) =	ssettm $0x7FFFFFFF  }
tec
execute0_lowered:
.L_overlay_start_1:
0x0: {  	(tag) =	ssettag $0x1  }
0x1: {  	s11 =	stileid.u32  }
0x2: {  	s7 =	smul.u32 $0x14000, s11  }
0x3: {  	s0 =	rddreg [dreg:$0x0];
	s8 =	smul.u32 $0x50000, s11  }
0x4: {  	s2 =	rddreg [dreg:$0x1];
	s10 =	smul.u32 $0x50, s11  }
0x5: {  	s3 =	srdreg.scid;
	s19 =	smul.u32 $0x2800, s11  }
0x6: {  	s1 =	rddreg [dreg:$0x2];
	s5 =	sand.u32 $0x1, s3;
	s25 =	smul.u32 $0xA00, s11  }
0x7: {  	s29 =	simm.s32 $0x14400;
	s30 =	simm.s32 $0x3;
	s6 =	smul.u32 $0x140000, s5  }
0x8: {  	s31 =	simm.s32 $0x14000;
	s3 =	simm.s32 $0x0;
	s15 =	smul.u32 $0x500, s5  }
0x9: {  	s4 =	sadd.s32 $0x2200, s0;
	s11 =	simm.s32 $0x14300;
	s17 =	smul.u32 $0x28000, s5  }
0xa: {  	[smem:$0x7FF] =	sst s3;
	s9 =	ssub.s32 $0x2, s5;
	s5 =	smul.u32 $0xA000, s5  }
0xb: {  	_ =	strace $0x8000004A;
	s6 =	sadd.s32 s7, s6;
	s7 =	sadd.s32 s10, s15  }
0xc: {  	s16 =	sshrl.u32 s9, $0x1;
	s6 =	sshrl.u32 s6, $0x3;
	s7 =	sshll.u32 s7, $0x5  }
0xd: {  	s8 =	sshrl.u32 s8, $0x2;
	s0 =	sadd.s32 s6, s0;
	s10 =	sadd.s32 s2, s7  }
0xe: {  	s6 =	ssub.s32 s9, s16;
	s16 =	sadd.s32 s8, s1;
	[dreg:$0x7] =	wrdreg s10  }
0xf: {  	s5 =	sadd.s32 s5, s2;
	s8 =	sadd.s32 $0x4000, s16;
	[dreg:$0x4] =	wrdreg s16  }
0x10: {  	s15 =	sadd.s32 s25, s5;
	s18 =	sadd.s32 $0x8000, s16;
	[dreg:$0x5] =	wrdreg s8  }
0x11: {  	s7 =	sadd.s32 s19, s17;
	s20 =	sadd.s32 $0xC000, s16;
	[dreg:$0x6] =	wrdreg s18  }
0x12: {  	s21 =	sadd.s32 $0x10000, s16;
	s22 =	sadd.s32 $0x10, s10;
	[dreg:$0x8] =	wrdreg s20  }
0x13: {  	s23 =	sadd.s32 $0x20, s10;
	s24 =	sadd.s32 $0x30, s10;
	[dreg:$0x9] =	wrdreg s21  }
0x14: {  	s26 =	sor.u32 $0x580, s7;
	s28 =	sadd.s32 $0x40, s10;
	[dreg:$0xa] =	wrdreg s22  }
0x15: {  	s13 =	sor.u32 $0x500, s7;
	s14 =	sor.u32 $0x480, s7;
	[dreg:$0xb] =	wrdreg s23  }
0x16: {  	s0 =	sadd.s32 $0x2A200, s0;
	s25 =	smax.u32 s6, $0x1;
	[dreg:$0xc] =	wrdreg s24  }
0x17: {  	s6 =	simm.s32 $0x14100;
	[dreg:$0xd] =	wrdreg s28;
	s9 =	sshrl.u32 s26, $0x2  }
0x18: {  	s5 =	sshrl.u32 s13, $0x2;
	s18 =	sor.u32 $0x380, s7;
	s19 =	sshrl.u32 s14, $0x2  }
0x19: {  	s21 =	sor.u32 $0x300, s7;
	s22 =	sor.u32 $0x280, s7;
	[dreg:$0x10] =	wrdreg s0  }
0x1a: {  	s7 =	sor.u32 $0x200, s7;
	s24 =	sadd.s32 $0x50, s10;
	[dreg:$0x11] =	wrdreg s25  }
0x1b: {  	s26 =	sadd.s32 $0x60, s10;
	s28 =	sadd.s32 $0x70, s10;
	s0 =	simm.s32 $0x5  }
0x1c: {  	s10 =	simm.s32 $0x14280;
	s13 =	simm.s32 $0x80;
	s14 =	simm.s32 $0x18400  }
0x1d: {  	s25 =	simm.s32 $0x2;
	s8 =	simm.s32 $0x0;
	s12 =	sadd.s32 s9, s2  }
0x1e: {  	s17 =	sadd.s32 s5, s2;
	s20 =	sshrl.u32 s18, $0x2;
	s18 =	sadd.s32 s19, s2  }
0x1f: {  	s5 =	sshrl.u32 s21, $0x2;
	s23 =	sshrl.u32 s22, $0x2;
	[dreg:$0xf] =	wrdreg s24  }
.Ltmp0:
0x20: {  	s7 =	sshrl.u32 s7, $0x2;
	[dreg:$0x12] =	wrdreg s26;
	(pc) =	sbr.rel .LBB2_1-.Ltmp0, $4  }
0x21: {  	[dreg:$0x13] =	wrdreg s28;
	s9 =	simm.s32 $0x14200;
	s24 =	simm.s32 $0x1  }
0x22: {  	[dreg:$0xe] =	wrdreg s12;
	s19 =	sadd.s32 s20, s2;
	s20 =	sadd.s32 s5, s2  }
0x23: {  	s21 =	sadd.s32 s23, s2;
	s22 =	sadd.s32 s7, s2;
	s2 =	simm.s32 $0x14080  }
0x24: {  	v0 =	vimm.f32 $0.0e+00;
	s7 =	simm.s32 $0x14180;
	s12 =	simm.s32 $0x14380;
	s23 =	simm.s32 $0x4  }
.LBB2_6:
0x25: {  	s5 =	stileid.u32;
	[bflag:$0x0] =	sbarrier.arrive $0xFFFF  }
0x26: {  	s5 =	sshll.u32 s5, $0x6;
	s16 =	rddreg [dreg:$0x4]  }
0x27: {  	s26 =	rddreg [dreg:$0x10];
	s5 =	sor.u32 $0x1C05, s5;
	s8 =	sshrl.u32 s16, $0x3  }
0x28: {  	[hbm:s26], [sflag:s5] =	dma.local [spmem:s8], $0x2800  }
0x29: {  	_ =	swait.ge [sflag:s0], $0x2800  }
0x2a: {  	s26 =	rddreg [dreg:$0x14]  }
0x2b: {  	s28 =	rddreg [dreg:$0x11];
	s8 =	sadd.s32 $0x1, s26  }
0x2c: {  	p0 =	sne.s32 s8, s28  }
.Ltmp1:
0x2d: {  	_ = 	snop;
	(pc) =	sbr.rel @!p0 .LBB2_7-.Ltmp1, $3  }
0x2e: {  	_ =	sdelay $0x1  }
0x2f: {  	[sflag:s0] =	ssyncset.done $0x0  }
0x30: {  	[sflag:s0] =	ssyncadd.s32 $0xFFFFD800  }
.LBB2_1:
0x31: {  	s5 =	sand.u32 $0xFE00, s3  }
0x32: {  	[dreg:$0x14] =	wrdreg s8;
	s28 =	sand.u32 $0x70, s3;
	s5 =	sshrl.u32 s5, $0x2  }
0x33: {  	s8 =	simm.s32 $0x40;
	s5 =	sor.u32 s28, s5;
	s28 =	simm.s32 $0x0  }
.LBB2_2:
0x34: {  	p0 =	sne.s32 s8, $0xFFC0  }
0x35: {  	[tilespmem:s5+$0x14400] =	vst v0;
	s28 =	sadd.s32 $0x10, s28;
	s5 =	smov.u32 s8;
	s8 =	sadd.s32 $0x40, s8  }
.Ltmp2:
0x36: {  	(pc) =	sbr.rel @p0 .LBB2_2-.Ltmp2, $4  }
0x37: {  	_ = 	snop  }
0x38: {  	s5 =	sand.u32 $0xFE00, s5  }
0x39: {  	s26 =	sand.u32 $0x70, s28;
	s5 =	sshrl.u32 s5, $0x2  }
0x3a: {  	s5 =	sor.u32 s26, s5  }
0x3b: {  	[tilespmem:s5+$0x14400] =	vst v0  }
0x3c: {  	[spmem:s16] =	stream.linear.scatter [tilespmem:s29], [sflag:$0x3], $0x4000, $0x38;
	[tilespmem:$0x1C400] =	vst v63  }
0x3d: {  	s8 =	rddreg [dreg:$0x5]  }
0x3e: {  	[spmem:s8] =	stream.linear.scatter [tilespmem:s29], [sflag:$0x3], $0x4000, $0x38;
	[tilespmem:$0x1C400] =	vst v63  }
0x3f: {  	s16 =	rddreg [dreg:$0x6]  }
0x40: {  	[spmem:s16] =	stream.linear.scatter [tilespmem:s29], [sflag:$0x3], $0x4000, $0x38;
	[tilespmem:$0x1C400] =	vst v63  }
0x41: {  	s26 =	rddreg [dreg:$0x8]  }
0x42: {  	[spmem:s26] =	stream.linear.scatter [tilespmem:s29], [sflag:$0x3], $0x4000, $0x38;
	[tilespmem:$0x1C400] =	vst v63  }
0x43: {  	s8 =	rddreg [dreg:$0x9]  }
0x44: {  	[spmem:s8] =	stream.linear.scatter [tilespmem:s29], [sflag:$0x3], $0x4000, $0x38;
	[tilespmem:$0x1C400] =	vst v63  }
0x45: {  	_ =	swait.ge [sflag:s30], $0x4000  }
0x46: {  	[sflag:s30] =	ssyncset.done $0x0  }
0x47: {  	[sflag:s30] =	ssyncadd.s32 $0xFFFFC000  }
0x48: {  	_ =	swait.ge [sflag:s30], $0x4000  }
0x49: {  	[sflag:s30] =	ssyncset.done $0x0  }
0x4a: {  	[sflag:s30] =	ssyncadd.s32 $0xFFFFC000  }
0x4b: {  	_ =	swait.ge [sflag:s30], $0x4000  }
0x4c: {  	[sflag:s30] =	ssyncset.done $0x0  }
0x4d: {  	[sflag:s30] =	ssyncadd.s32 $0xFFFFC000  }
0x4e: {  	_ =	swait.ge [sflag:s30], $0x4000  }
0x4f: {  	[sflag:s30] =	ssyncset.done $0x0  }
0x50: {  	[sflag:s30] =	ssyncadd.s32 $0xFFFFC000  }
0x51: {  	_ =	swait.ge [sflag:s30], $0x4000  }
0x52: {  	[sflag:s30] =	ssyncset.done $0x0  }
0x53: {  	[sflag:s30] =	ssyncadd.s32 $0xFFFFC000  }
0x54: {  	[bflag:$0x0] =	sbarrier.arrive $0xFFFF  }
0x55: {  	s28 =	simm.s32 $0x0;
	s16 =	rddreg [dreg:$0x7]  }
0x56: {  	[tilespmem:s31], [sflag:$0x5] =	stream.linear.gather [hbm4b:s16+s28], $0x80, $0x38;
	[tilespmem:$0x1C400] =	vst v63  }
0x57: {  	_ =	swait.ge [sflag:s0], $0x80  }
0x58: {  	[sflag:s0] =	ssyncset.done $0x0  }
0x59: {  	s26 =	rddreg [dreg:$0xa];
	[sflag:s0] =	ssyncadd.s32 $0xFFFFFF80  }
0x5a: {  	[tilespmem:s2], [sflag:$0x5] =	stream.linear.gather [hbm4b:s26+s28], $0x80, $0x38;
	[tilespmem:$0x1C400] =	vst v63  }
0x5b: {  	_ =	swait.ge [sflag:s0], $0x80  }
0x5c: {  	[sflag:s0] =	ssyncset.done $0x0  }
0x5d: {  	s8 =	rddreg [dreg:$0xb];
	[sflag:s0] =	ssyncadd.s32 $0xFFFFFF80  }
0x5e: {  	[tilespmem:s6], [sflag:$0x5] =	stream.linear.gather [hbm4b:s8+s28], $0x80, $0x38;
	[tilespmem:$0x1C400] =	vst v63  }
0x5f: {  	_ =	swait.ge [sflag:s0], $0x80  }
0x60: {  	[sflag:s0] =	ssyncset.done $0x0  }
0x61: {  	s16 =	rddreg [dreg:$0xc];
	[sflag:s0] =	ssyncadd.s32 $0xFFFFFF80  }
0x62: {  	[tilespmem:s7], [sflag:$0x5] =	stream.linear.gather [hbm4b:s16+s28], $0x80, $0x38;
	[tilespmem:$0x1C400] =	vst v63  }
0x63: {  	_ =	swait.ge [sflag:s0], $0x80  }
0x64: {  	[sflag:s0] =	ssyncset.done $0x0  }
0x65: {  	s26 =	rddreg [dreg:$0xd];
	[sflag:s0] =	ssyncadd.s32 $0xFFFFFF80  }
0x66: {  	[tilespmem:s9], [sflag:$0x5] =	stream.linear.gather [hbm4b:s26+s28], $0x80, $0x38;
	[tilespmem:$0x1C400] =	vst v63  }
0x67: {  	_ =	swait.ge [sflag:s0], $0x80  }
0x68: {  	[sflag:s0] =	ssyncset.done $0x0  }
0x69: {  	s8 =	rddreg [dreg:$0xf];
	[sflag:s0] =	ssyncadd.s32 $0xFFFFFF80  }
0x6a: {  	[tilespmem:s10], [sflag:$0x5] =	stream.linear.gather [hbm4b:s8+s28], $0x80, $0x38;
	[tilespmem:$0x1C400] =	vst v63  }
0x6b: {  	_ =	swait.ge [sflag:s0], $0x80  }
0x6c: {  	[sflag:s0] =	ssyncset.done $0x0  }
0x6d: {  	s16 =	rddreg [dreg:$0x12];
	[sflag:s0] =	ssyncadd.s32 $0xFFFFFF80  }
0x6e: {  	[tilespmem:s11], [sflag:$0x5] =	stream.linear.gather [hbm4b:s16+s28], $0x80, $0x38;
	[tilespmem:$0x1C400] =	vst v63  }
0x6f: {  	_ =	swait.ge [sflag:s0], $0x80  }
0x70: {  	[sflag:s0] =	ssyncset.done $0x0  }
0x71: {  	s26 =	rddreg [dreg:$0x13];
	[sflag:s0] =	ssyncadd.s32 $0xFFFFFF80  }
0x72: {  	[tilespmem:s12], [sflag:$0x5] =	stream.linear.gather [hbm4b:s26+s28], $0x80, $0x38;
	[tilespmem:$0x1C400] =	vst v63  }
0x73: {  	_ =	swait.ge [sflag:s0], $0x80  }
0x74: {  	[sflag:s0] =	ssyncset.done $0x0  }
0x75: {  	[sflag:s0] =	ssyncadd.s32 $0xFFFFFF80  }
0x76: {  	[tilespmem:s29], [sflag:$0x3] =	stream.indirect.gather [hbm4b:s4+s13], $0x80, s31, s13, $0xb8;
	[tilespmem:$0x1C400] =	vst v63  }
0x77: {  	_ = 	snop  }
0x78: {  	[tilespmem:s14], [sflag:$0x4] =	stream.indirect.gather [hbm4b:s4+s13], $0x80, s6, s13, $0xb8;
	[tilespmem:$0x1C400] =	vst v63  }
.LBB2_4:
0x79: {  	_ =	swait.ge [sflag:s30], $0x4000  }
0x7a: {  	[sflag:s30] =	ssyncset.done $0x0  }
0x7b: {  	[sflag:s30] =	ssyncadd.s32 $0xFFFFC000  }
0x7c: {  	[spmem:s1] =	stream.indirect.scatter.add.f32 [tilespmem:s29], [sflag:$0x5], $0x80, s2, s13, $0xb8;
	[tilespmem:$0x1C400] =	vst v63  }
0x7d: {  	_ =	swait.ge [sflag:s0], $0x4000  }
0x7e: {  	[sflag:s0] =	ssyncset.done $0x0  }
0x7f: {  	[sflag:s0] =	ssyncadd.s32 $0xFFFFC000  }
0x80: {  	[tilespmem:s29], [sflag:$0x3] =	stream.indirect.gather [hbm4b:s4+s13], $0x80, s9, s13, $0xb8;
	[tilespmem:$0x1C400] =	vst v63  }
0x81: {  	s5 =	sadd.s32 s28, s22  }
0x82: {  	[tilespmem:s31], [sflag:$0x1] =	stream.linear.gather [hbm4b:s5+s3], $0x80, $0x38;
	[tilespmem:$0x1C400] =	vst v63  }
0x83: {  	s5 =	sadd.s32 $0x10, s5  }
0x84: {  	[tilespmem:s2], [sflag:$0x1] =	stream.linear.gather [hbm4b:s5+s3], $0x80, $0x38;
	[tilespmem:$0x1C400] =	vst v63  }
0x85: {  	_ =	swait.ge [sflag:s23], $0x4000  }
0x86: {  	[sflag:s23] =	ssyncset.done $0x0  }
0x87: {  	[sflag:s23] =	ssyncadd.s32 $0xFFFFC000  }
0x88: {  	[spmem:s1] =	stream.indirect.scatter.add.f32 [tilespmem:s14], [sflag:$0x5], $0x80, s7, s13, $0xb8;
	[tilespmem:$0x1C400] =	vst v63  }
0x89: {  	_ =	swait.ge [sflag:s0], $0x4000  }
0x8a: {  	[sflag:s0] =	ssyncset.done $0x0  }
0x8b: {  	[sflag:s0] =	ssyncadd.s32 $0xFFFFC000  }
0x8c: {  	[tilespmem:s14], [sflag:$0x4] =	stream.indirect.gather [hbm4b:s4+s13], $0x80, s11, s13, $0xb8;
	[tilespmem:$0x1C400] =	vst v63  }
0x8d: {  	s8 =	sadd.s32 s28, s21  }
0x8e: {  	[tilespmem:s6], [sflag:$0x1] =	stream.linear.gather [hbm4b:s8+s3], $0x80, $0x38;
	[tilespmem:$0x1C400] =	vst v63  }
0x8f: {  	s5 =	sadd.s32 $0x10, s8  }
0x90: {  	[tilespmem:s7], [sflag:$0x1] =	stream.linear.gather [hbm4b:s5+s3], $0x80, $0x38;
	[tilespmem:$0x1C400] =	vst v63  }
0x91: {  	_ =	swait.ge [sflag:s30], $0x4000  }
0x92: {  	[sflag:s30] =	ssyncset.done $0x0  }
0x93: {  	[sflag:s30] =	ssyncadd.s32 $0xFFFFC000  }
0x94: {  	[spmem:s1] =	stream.indirect.scatter.add.f32 [tilespmem:s29], [sflag:$0x5], $0x80, s10, s13, $0xb8;
	[tilespmem:$0x1C400] =	vst v63  }
0x95: {  	_ =	swait.ge [sflag:s0], $0x4000  }
0x96: {  	[sflag:s0] =	ssyncset.done $0x0  }
0x97: {  	[sflag:s0] =	ssyncadd.s32 $0xFFFFC000  }
0x98: {  	_ =	swait.ge [sflag:s24], $0x80  }
0x99: {  	[sflag:s24] =	ssyncset.done $0x0  }
0x9a: {  	[sflag:s24] =	ssyncadd.s32 $0xFFFFFF80  }
0x9b: {  	_ =	swait.ge [sflag:s24], $0x80  }
0x9c: {  	[sflag:s24] =	ssyncset.done $0x0  }
0x9d: {  	[sflag:s24] =	ssyncadd.s32 $0xFFFFFF80  }
0x9e: {  	_ =	swait.ge [sflag:s24], $0x80  }
0x9f: {  	[sflag:s24] =	ssyncset.done $0x0  }
0xa0: {  	[sflag:s24] =	ssyncadd.s32 $0xFFFFFF80  }
0xa1: {  	_ =	swait.ge [sflag:s24], $0x80  }
0xa2: {  	[sflag:s24] =	ssyncset.done $0x0  }
0xa3: {  	[sflag:s24] =	ssyncadd.s32 $0xFFFFFF80  }
0xa4: {  	[tilespmem:s29], [sflag:$0x3] =	stream.indirect.gather [hbm4b:s4+s13], $0x80, s31, s13, $0xb8;
	[tilespmem:$0x1C400] =	vst v63  }
0xa5: {  	s16 =	sadd.s32 s28, s20  }
0xa6: {  	[tilespmem:s9], [sflag:$0x2] =	stream.linear.gather [hbm4b:s16+s3], $0x80, $0x38;
	[tilespmem:$0x1C400] =	vst v63  }
0xa7: {  	s5 =	sadd.s32 $0x10, s16  }
0xa8: {  	[tilespmem:s10], [sflag:$0x2] =	stream.linear.gather [hbm4b:s5+s3], $0x80, $0x38;
	[tilespmem:$0x1C400] =	vst v63  }
0xa9: {  	_ =	swait.ge [sflag:s23], $0x4000  }
0xaa: {  	[sflag:s23] =	ssyncset.done $0x0  }
0xab: {  	[sflag:s23] =	ssyncadd.s32 $0xFFFFC000  }
0xac: {  	[spmem:s1] =	stream.indirect.scatter.add.f32 [tilespmem:s14], [sflag:$0x5], $0x80, s12, s13, $0xb8;
	[tilespmem:$0x1C400] =	vst v63  }
0xad: {  	_ =	swait.ge [sflag:s0], $0x4000  }
0xae: {  	[sflag:s0] =	ssyncset.done $0x0  }
0xaf: {  	[sflag:s0] =	ssyncadd.s32 $0xFFFFC000  }
0xb0: {  	[tilespmem:s14], [sflag:$0x4] =	stream.indirect.gather [hbm4b:s4+s13], $0x80, s6, s13, $0xb8;
	[tilespmem:$0x1C400] =	vst v63  }
0xb1: {  	s26 =	sadd.s32 s28, s19  }
0xb2: {  	[tilespmem:s11], [sflag:$0x2] =	stream.linear.gather [hbm4b:s26+s3], $0x80, $0x38;
	[tilespmem:$0x1C400] =	vst v63  }
0xb3: {  	s5 =	sadd.s32 $0x10, s26  }
0xb4: {  	[tilespmem:s12], [sflag:$0x2] =	stream.linear.gather [hbm4b:s5+s3], $0x80, $0x38;
	[tilespmem:$0x1C400] =	vst v63  }
0xb5: {  	_ =	swait.ge [sflag:s30], $0x4000  }
0xb6: {  	[sflag:s30] =	ssyncset.done $0x0  }
0xb7: {  	[sflag:s30] =	ssyncadd.s32 $0xFFFFC000  }
0xb8: {  	[spmem:s1] =	stream.indirect.scatter.add.f32 [tilespmem:s29], [sflag:$0x5], $0x80, s2, s13, $0xb8;
	[tilespmem:$0x1C400] =	vst v63  }
0xb9: {  	p0 =	seq.s32 s28, $0x900;
	_ =	swait.ge [sflag:s0], $0x4000  }
0xba: {  	s8 =	simm.s32 @!p0 $0x0;
	s5 =	sadd.s32 @!p0 s28, s15;
	[sflag:s0] =	ssyncset.done $0x0  }
0xbb: {  	s16 =	simm.s32 @!p0 $0x14000;
	s26 =	sadd.s32 @!p0 $0x100, s5;
	[sflag:s0] =	ssyncadd.s32 $0xFFFFC000  }
0xbc: {  	[tilespmem:s16], [sflag:$0x1] =	stream.linear.gather @!p0 [hbm4b:s26+s8], $0x80, $0x38;
	[tilespmem:$0x1C400] =	vst v63  }
0xbd: {  	s5 =	sadd.s32 @!p0 $0x110, s5;
	s16 =	simm.s32 @!p0 $0x14080  }
0xbe: {  	[tilespmem:s16], [sflag:$0x1] =	stream.linear.gather @!p0 [hbm4b:s5+s8], $0x80, $0x38;
	[tilespmem:$0x1C400] =	vst v63  }
0xbf: {  	_ =	swait.ge [sflag:s25], $0x80  }
0xc0: {  	[sflag:s25] =	ssyncset.done $0x0  }
0xc1: {  	[sflag:s25] =	ssyncadd.s32 $0xFFFFFF80  }
0xc2: {  	_ =	swait.ge [sflag:s25], $0x80  }
0xc3: {  	[sflag:s25] =	ssyncset.done $0x0  }
0xc4: {  	[sflag:s25] =	ssyncadd.s32 $0xFFFFFF80  }
0xc5: {  	_ =	swait.ge [sflag:s25], $0x80  }
0xc6: {  	[sflag:s25] =	ssyncset.done $0x0  }
0xc7: {  	[sflag:s25] =	ssyncadd.s32 $0xFFFFFF80  }
0xc8: {  	_ =	swait.ge [sflag:s25], $0x80  }
0xc9: {  	[sflag:s25] =	ssyncset.done $0x0  }
0xca: {  	[sflag:s25] =	ssyncadd.s32 $0xFFFFFF80  }
0xcb: {  	[tilespmem:s29], [sflag:$0x3] =	stream.indirect.gather [hbm4b:s4+s13], $0x80, s9, s13, $0xb8;
	[tilespmem:$0x1C400] =	vst v63  }
0xcc: {  	_ =	swait.ge [sflag:s23], $0x4000  }
0xcd: {  	[sflag:s23] =	ssyncset.done $0x0  }
0xce: {  	[sflag:s23] =	ssyncadd.s32 $0xFFFFC000  }
0xcf: {  	[spmem:s1] =	stream.indirect.scatter.add.f32 [tilespmem:s14], [sflag:$0x5], $0x80, s7, s13, $0xb8;
	[tilespmem:$0x1C400] =	vst v63  }
0xd0: {  	_ =	swait.ge [sflag:s0], $0x4000  }
0xd1: {  	s26 =	simm.s32 @p0 $0x18400;
	[sflag:s0] =	ssyncset.done $0x0  }
0xd2: {  	s5 =	simm.s32 @p0 $0x80;
	s16 =	simm.s32 @p0 $0x14300;
	[sflag:s0] =	ssyncadd.s32 $0xFFFFC000  }
0xd3: {  	[tilespmem:s26], [sflag:$0x4] =	stream.indirect.gather @p0 [hbm4b:s4+s5], $0x80, s16, s5, $0xb8;
	[tilespmem:$0x1C400] =	vst v63  }
0xd4: {  	s16 =	simm.s32 @p0 $0x3  }
0xd5: {  	_ =	swait.ge @p0 [sflag:s16], $0x4000  }
0xd6: {  	[sflag:s16] =	ssyncset.done @p0 $0x0  }
0xd7: {  	s26 =	simm.s32 @p0 $0x14400;
	[sflag:s16] =	ssyncadd.s32 @p0 $0xFFFFC000;
	s16 =	simm.s32 @p0 $0x14280  }
0xd8: {  	[spmem:s1] =	stream.indirect.scatter.add.f32 @p0 [tilespmem:s26], [sflag:$0x5], $0x80, s16, s5, $0xb8;
	[tilespmem:$0x1C400] =	vst v63  }
0xd9: {  	s5 =	simm.s32 @p0 $0x5  }
0xda: {  	_ =	swait.ge @p0 [sflag:s5], $0x4000  }
0xdb: {  	[sflag:s5] =	ssyncset.done @p0 $0x0  }
0xdc: {  	s16 =	simm.s32 @!p0 $0x14100;
	[sflag:s5] =	ssyncadd.s32 @p0 $0xFFFFC000;
	s5 =	sadd.s32 @!p0 s28, s18  }
0xdd: {  	[tilespmem:s16], [sflag:$0x1] =	stream.linear.gather @!p0 [hbm4b:s5+s8], $0x80, $0x38;
	[tilespmem:$0x1C400] =	vst v63  }
0xde: {  	s5 =	sadd.s32 @!p0 $0x10, s5;
	s16 =	simm.s32 @!p0 $0x14180  }
0xdf: {  	[tilespmem:s16], [sflag:$0x1] =	stream.linear.gather @!p0 [hbm4b:s5+s8], $0x80, $0x38;
	[tilespmem:$0x1C400] =	vst v63  }
0xe0: {  	s26 =	simm.s32 @!p0 $0x18400;
	s5 =	simm.s32 @!p0 $0x80;
	s16 =	simm.s32 @!p0 $0x14300  }
0xe1: {  	[tilespmem:s26], [sflag:$0x4] =	stream.indirect.gather @!p0 [hbm4b:s4+s5], $0x80, s16, s5, $0xb8;
	[tilespmem:$0x1C400] =	vst v63  }
0xe2: {  	s16 =	simm.s32 @!p0 $0x3  }
0xe3: {  	_ =	swait.ge @!p0 [sflag:s16], $0x4000  }
0xe4: {  	[sflag:s16] =	ssyncset.done @!p0 $0x0  }
0xe5: {  	s26 =	simm.s32 @!p0 $0x14400;
	[sflag:s16] =	ssyncadd.s32 @!p0 $0xFFFFC000;
	s16 =	simm.s32 @!p0 $0x14280  }
0xe6: {  	[spmem:s1] =	stream.indirect.scatter.add.f32 @!p0 [tilespmem:s26], [sflag:$0x5], $0x80, s16, s5, $0xb8;
	[tilespmem:$0x1C400] =	vst v63  }
0xe7: {  	s5 =	simm.s32 @!p0 $0x5  }
0xe8: {  	_ =	swait.ge @!p0 [sflag:s5], $0x4000  }
0xe9: {  	[sflag:s5] =	ssyncset.done @!p0 $0x0  }
0xea: {  	s26 =	simm.s32 @!p0 $0x14200;
	[sflag:s5] =	ssyncadd.s32 @!p0 $0xFFFFC000;
	s5 =	sadd.s32 @!p0 s28, s17  }
0xeb: {  	[tilespmem:s26], [sflag:$0x2] =	stream.linear.gather @!p0 [hbm4b:s5+s8], $0x80, $0x38;
	[tilespmem:$0x1C400] =	vst v63  }
0xec: {  	s5 =	sadd.s32 @!p0 $0x10, s5  }
0xed: {  	[tilespmem:s16], [sflag:$0x2] =	stream.linear.gather @!p0 [hbm4b:s5+s8], $0x80, $0x38;
	[tilespmem:$0x1C400] =	vst v63  }
0xee: {  	_ =	swait.ge [sflag:s23], $0x4000  }
0xef: {  	[sflag:s23] =	ssyncset.done $0x0  }
.Ltmp3:
0xf0: {  	[sflag:s23] =	ssyncadd.s32 $0xFFFFC000;
	(pc) =	sbr.rel @p0 .LBB2_6-.Ltmp3, $4  }
0xf1: {  	[spmem:s1] =	stream.indirect.scatter.add.f32 [tilespmem:s14], [sflag:$0x5], $0x80, s12, s13, $0xb8;
	[tilespmem:$0x1C400] =	vst v63  }
0xf2: {  	_ =	swait.ge [sflag:s0], $0x4000  }
0xf3: {  	[sflag:s0] =	ssyncset.done $0x0  }
0xf4: {  	[sflag:s0] =	ssyncadd.s32 $0xFFFFC000  }
0xf5: {  	s5 =	rddreg [dreg:$0xe]  }
0xf6: {  	s5 =	sadd.s32 s28, s5  }
0xf7: {  	[tilespmem:s11], [sflag:$0x2] =	stream.linear.gather [hbm4b:s5+s3], $0x80, $0x38;
	[tilespmem:$0x1C400] =	vst v63  }
0xf8: {  	s5 =	sadd.s32 $0x10, s5  }
0xf9: {  	[tilespmem:s12], [sflag:$0x2] =	stream.linear.gather [hbm4b:s5+s3], $0x80, $0x38;
	[tilespmem:$0x1C400] =	vst v63  }
0xfa: {  	_ =	swait.ge [sflag:s24], $0x80  }
0xfb: {  	[sflag:s24] =	ssyncset.done $0x0  }
0xfc: {  	[sflag:s24] =	ssyncadd.s32 $0xFFFFFF80  }
0xfd: {  	_ =	swait.ge [sflag:s24], $0x80  }
0xfe: {  	[sflag:s24] =	ssyncset.done $0x0  }
0xff: {  	[sflag:s24] =	ssyncadd.s32 $0xFFFFFF80  }
0x100: {  	_ =	swait.ge [sflag:s24], $0x80  }
0x101: {  	[sflag:s24] =	ssyncset.done $0x0  }
0x102: {  	[sflag:s24] =	ssyncadd.s32 $0xFFFFFF80  }
0x103: {  	_ =	swait.ge [sflag:s24], $0x80  }
0x104: {  	[sflag:s24] =	ssyncset.done $0x0  }
0x105: {  	[sflag:s24] =	ssyncadd.s32 $0xFFFFFF80  }
0x106: {  	[tilespmem:s29], [sflag:$0x3] =	stream.indirect.gather [hbm4b:s4+s13], $0x80, s31, s13, $0xb8;
	[tilespmem:$0x1C400] =	vst v63  }
0x107: {  	_ = 	snop  }
0x108: {  	[tilespmem:s14], [sflag:$0x4] =	stream.indirect.gather [hbm4b:s4+s13], $0x80, s6, s13, $0xb8;
	[tilespmem:$0x1C400] =	vst v63  }
0x109: {  	_ =	swait.ge [sflag:s25], $0x80  }
0x10a: {  	[sflag:s25] =	ssyncset.done $0x0  }
0x10b: {  	[sflag:s25] =	ssyncadd.s32 $0xFFFFFF80  }
0x10c: {  	_ =	swait.ge [sflag:s25], $0x80  }
0x10d: {  	[sflag:s25] =	ssyncset.done $0x0  }
0x10e: {  	[sflag:s25] =	ssyncadd.s32 $0xFFFFFF80  }
0x10f: {  	_ =	swait.ge [sflag:s25], $0x80  }
.Ltmp4:
0x110: {  	[sflag:s25] =	ssyncset.done $0x0;
	(pc) =	sbr.rel .LBB2_4-.Ltmp4, $4  }
0x111: {  	[sflag:s25] =	ssyncadd.s32 $0xFFFFFF80  }
0x112: {  	_ =	swait.ge [sflag:s25], $0x80  }
0x113: {  	[sflag:s25] =	ssyncset.done $0x0  }
0x114: {  	s28 =	sadd.s32 $0x100, s28;
	[sflag:s25] =	ssyncadd.s32 $0xFFFFFF80  }
.LBB2_7:
0x115: {  	_ =	sfence.sel $0x180000  }
0x116: {  	[bflag:$0x0] =	sbarrier.arrive $0xFFFF  }
0x117: {  	_ =	strace $0x9000004A  }
0x118: {  	s0 =	stileid.u32;
	[bflag:$0x2] =	sbarrier.arrive $0xFFFF  }
0x119: {  	p0 =	sne.s32 s0, $0x0;
	s0 =	rddreg [dreg:$0x3]  }
0x11a: {  	s0 =	sadd.s32 @!p0 $0x100000, s0  }
0x11b: {  	[sflag:s0] =	ssyncadd.tile.s32 @!p0 $0x1;
	_ =	shalt  }
.Lfunc_end2:
_tile_overlayer_lowered:
.L_overlay_start_2:
0x11c: {  	(tag) =	ssettag $0x2  }
0x11d: {  	s0 =	rddreg [dreg:$0x0];
	s2 =	stileid.u32  }
0x11e: {  	s1 =	rddreg [dreg:$0x1];
	p0 =	sne.s32 s2, $0x0  }
0x11f: {  	s3 =	rddreg [dreg:$0x2];
	[bflag:$0x3] =	sbarrier.arrive $0xFFFF;
	s2 =	simm.s32 @!p0 $0x1C05  }
0x120: {  	[timem:s3], [sflag:s2] =	dma.local @!p0 [hbm:s0], s1  }
0x121: {  	s0 =	simm.s32 @!p0 $0x5  }
0x122: {  	_ =	swait.ge @!p0 [sflag:s0], s1  }
0x123: {  	s1 =	ssub.s32 @!p0 $0x0, s1;
	[sflag:s0] =	ssyncset.done @!p0 $0x0  }
0x124: {  	[sflag:s0] =	ssyncadd.s32 @!p0 s1  }
0x125: {  	[bflag:$0x3] =	sbarrier.arrive $0xFFFF  }
0x126: {  	_ =	shalt  }

// kernel: kernel.14.cloned.1.call-start
scs
__scs_entry_jumppad:
0x0: {  	(pc) =	sbr.rel $0x88, $3  }
0x1: {  	(tag) =	ssettag $0x0;
	lr =	simm.s32 $0x1  }
0x2: {  	[smem:$0x3F9B] =	sst lr;
	_ =	strace $0xD0000000  }
0x3: {  	_ = 	snop  }
0x4: {  	_ = 	snop  }
0x5: {  	_ = 	snop  }
0x6: {  	_ = 	snop  }
0x7: {  	_ = 	snop  }
__scs_overlays_trampoline_lowered:
0x8: {  	[smem:$0x3FAA] =	sst s0  }
0x9: {  	[smem:$0x3FAB] =	sst s1  }
0xa: {  	[smem:$0x3FAC] =	sst s2  }
0xb: {  	[smem:$0x3FAD] =	sst s3  }
0xc: {  	[smem:$0x3FAE] =	sst s4  }
0xd: {  	[smem:$0x3FAF] =	sst s5  }
0xe: {  	[smem:$0x3FB0] =	sst s6  }
0xf: {  	[smem:$0x3FB1] =	sst s7  }
0x10: {  	[smem:$0x3FB2] =	sst s8  }
0x11: {  	[smem:$0x3FB3] =	sst s9;
	s0 =	simm.s32 @!p0 $0x0  }
0x12: {  	s1 =	sld [smem:$0x3F99];
	s0 =	simm.s32 @p0 $0x1  }
0x13: {  	[smem:$0x3FB4] =	sst s0;
	s0 =	simm.s32 @!p1 $0x0  }
0x14: {  	s2 =	sld [smem:$0x3F98];
	s0 =	simm.s32 @p1 $0x1  }
0x15: {  	[smem:$0x3FB5] =	sst s0;
	s0 =	simm.s32 @!p2 $0x0  }
0x16: {  	s3 =	sld [smem:$0x3FDB];
	s0 =	simm.s32 @p2 $0x1  }
0x17: {  	s4 =	simm.s32 $0x1BF5;
	[smem:$0x3FB7] =	sst s0  }
0x18: {  	s0 =	sld [smem:$0x3F9A];
	_ =	swait.ge [sflag:s4], $0x0  }
0x19: {  	s7 =	sld [smem:$0x3F9B]  }
0x1a: {  	s8 =	sadd.s32 $0xFFFFE003, lr  }
0x1b: {  	s9 =	sadd.s32 $0xFFFFFEF7, lr;
	s5 =	simm.s32 $0xFFFFFFFF;
	p2 =	slt.u32 s8, $0xFFFFF086  }
0x1c: {  	p1 =	slt.u32 s9, $0xF7A;
	s5 =	simm.s32 @!p2 $0x0  }
0x1d: {  	s5 =	simm.s32 @p1 $0x1;
	p0 =	seq.s32 s7, s2  }
0x1e: {  	s7 =	smul.u32 @!p0 $0xF7A, s2;
	p2 =	seq.s32 @!p0 s5, $0x0  }
0x1f: {  	s9 =	smul.u32 $0xF7A, s1;
	s8 =	simm.s32 @!p0 $0x1BF5;
	p2 =	por !p2, p0  }
0x20: {  	[sflag:s8] =	ssyncset.s32 @!p0 $0xFFFFF086;
	s6 =	sadd.s32 @!p0 s3, s7;
	s7 =	simm.s32 @!p0 $0x108  }
0x21: {  	s3 =	sadd.s32 s3, s9;
	s6 =	sadd.s32 @!p0 $0x88, s6;
	s7 =	simm.s32 @p2 $0x1082  }
0x22: {  	[simem:s7], [sflag:s8] =	dma.local @!p0 [hbm:s6], $0xF7A  }
0x23: {  	s9 =	sor.u32 $0xD0000000, s2;
	s6 =	simm.s32 $0x108;
	_ =	swait.ge @!p0 [sflag:s8], $0x0  }
0x24: {  	s3 =	sadd.s32 $0x88, s3;
	s6 =	simm.s32 @!p1 $0x1082;
	[sflag:s4] =	ssyncset.s32 $0xFFFFF086  }
0x25: {  	[simem:s6], [sflag:s4] =	dma.local [hbm:s3], $0xF7A  }
0x26: {  	[smem:$0x3F9B] =	sst s1;
	(tag) =	ssettag s2;
	_ =	strace s9  }
0x27: {  	s1 =	sld [smem:$0x3FAB]  }
0x28: {  	s2 =	sld [smem:$0x3FAC]  }
0x29: {  	s4 =	sld [smem:$0x3FAE]  }
0x2a: {  	p0 =	seq.s32 s5, $0x0;
	s5 =	sld [smem:$0x3FAF]  }
0x2b: {  	s6 =	sld [smem:$0x3FB0]  }
0x2c: {  	s7 =	sld [smem:$0x3FB1]  }
0x2d: {  	s3 =	simm.s32 $0x108;
	s8 =	sld [smem:$0x3FB2]  }
0x2e: {  	s3 =	simm.s32 @!p0 $0x1082;
	s9 =	sld [smem:$0x3FB3]  }
0x2f: {  	lr =	sadd.s32 s0, s3;
	s0 =	sld [smem:$0x3FAA]  }
0x30: {  	s3 =	sld [smem:$0x3FAD]  }
0x31: {  	[smem:$0x3FB6] =	sst s10  }
0x32: {  	s10 =	sld [smem:$0x3FB4];
	_ =	sdelay $0x3  }
0x33: {  	p0 =	seq.s32 s10, $0x1;
	s10 =	sld [smem:$0x3FB6];
	_ =	sdelay $0x3  }
0x34: {  	[smem:$0x3FB6] =	sst s10  }
0x35: {  	s10 =	sld [smem:$0x3FB5];
	_ =	sdelay $0x3  }
0x36: {  	p1 =	seq.s32 s10, $0x1;
	s10 =	sld [smem:$0x3FB6];
	_ =	sdelay $0x3  }
0x37: {  	[smem:$0x3FB6] =	sst s10  }
0x38: {  	s10 =	sld [smem:$0x3FB7]  }
0x39: {  	_ = 	snop;
	(pc) =	sbr.ind lr, $3  }
0x3a: {  	_ = 	snop  }
0x3b: {  	_ = 	snop  }
0x3c: {  	p2 =	seq.s32 s10, $0x1;
	s10 =	sld [smem:$0x3FB6]  }
0x3d: {  	_ =	shalt  }
0x3e: {  	_ =	shalt  }
0x3f: {  	_ =	shalt  }
0x40: {  	_ =	shalt  }
0x41: {  	_ =	shalt  }
0x42: {  	_ =	shalt  }
0x43: {  	_ =	shalt  }
0x44: {  	_ =	shalt  }
0x45: {  	_ =	shalt  }
0x46: {  	_ =	shalt  }
0x47: {  	_ =	shalt  }
0x48: {  	_ =	shalt  }
0x49: {  	_ =	shalt  }
0x4a: {  	_ =	shalt  }
0x4b: {  	_ =	shalt  }
0x4c: {  	_ =	shalt  }
0x4d: {  	_ =	shalt  }
0x4e: {  	_ =	shalt  }
0x4f: {  	_ =	shalt  }
0x50: {  	_ =	shalt  }
0x51: {  	_ =	shalt  }
0x52: {  	_ =	shalt  }
0x53: {  	_ =	shalt  }
0x54: {  	_ =	shalt  }
0x55: {  	_ =	shalt  }
0x56: {  	_ =	shalt  }
0x57: {  	_ =	shalt  }
0x58: {  	_ =	shalt  }
0x59: {  	_ =	shalt  }
0x5a: {  	_ =	shalt  }
0x5b: {  	_ =	shalt  }
0x5c: {  	_ =	shalt  }
0x5d: {  	_ =	shalt  }
0x5e: {  	_ =	shalt  }
0x5f: {  	_ =	shalt  }
0x60: {  	_ =	shalt  }
0x61: {  	_ =	shalt  }
0x62: {  	_ =	shalt  }
0x63: {  	_ =	shalt  }
0x64: {  	_ =	shalt  }
0x65: {  	_ =	shalt  }
0x66: {  	_ =	shalt  }
0x67: {  	_ =	shalt  }
0x68: {  	_ =	shalt  }
0x69: {  	_ =	shalt  }
0x6a: {  	_ =	shalt  }
0x6b: {  	_ =	shalt  }
0x6c: {  	_ =	shalt  }
0x6d: {  	_ =	shalt  }
0x6e: {  	_ =	shalt  }
0x6f: {  	_ =	shalt  }
0x70: {  	_ =	shalt  }
0x71: {  	_ =	shalt  }
0x72: {  	_ =	shalt  }
0x73: {  	_ =	shalt  }
0x74: {  	_ =	shalt  }
0x75: {  	_ =	shalt  }
0x76: {  	_ =	shalt  }
0x77: {  	_ =	shalt  }
0x78: {  	_ =	shalt  }
0x79: {  	_ =	shalt  }
0x7a: {  	_ =	shalt  }
0x7b: {  	_ =	shalt  }
0x7c: {  	_ =	shalt  }
0x7d: {  	_ =	shalt  }
0x7e: {  	_ =	shalt  }
0x7f: {  	_ =	shalt  }
0x80: {  	_ =	shalt  }
0x81: {  	_ =	shalt  }
0x82: {  	_ =	shalt  }
0x83: {  	_ =	shalt  }
0x84: {  	_ =	shalt  }
0x85: {  	_ =	shalt  }
0x86: {  	_ =	shalt  }
0x87: {  	_ =	shalt  }
.Lfunc_end0:
.L_simem_size_0:
called_computation.2_lowered:
.L_overlay_start_0:
0x88: {  	s2 =	sld [smem:$0x3FD9]  }
0x89: {  	s3 =	sld [smem:$0x3FFE];
	_ =	sdelay $0x1  }
0x8a: {  	s1 =	srdreg.scid  }
0x8b: {  	s0 =	sand.u32 $0x1, s1  }
0x8c: {  	s17 =	sshll.u32 s0, $0xA;
	s2 =	sadd.s32 s3, s2  }
0x8d: {  	s2 =	sadd.s32 s2, s17  }
0x8e: {  	[smem:$0x3FC2] =	sst s2  }
0x8f: {  	_ = 	snop  }
0x90: {  	s2 =	sld [smem:$0x3FD0];
	(tm) =	ssettm $0x1  }
0x91: {  	s18 =	sld [smem:$0x3FFB];
	_ =	sdelay $0x3  }
0x92: {  	_ =	strace s18  }
0x93: {  	s3 =	sld [smem:$0x3FFC];
	_ =	sdelay $0x3  }
0x94: {  	_ =	strace s3  }
0x95: {  	s3 =	sld [smem:$0x3FFD];
	_ =	sdelay $0x3  }
0x96: {  	_ =	strace s3  }
0x97: {  	_ =	strace $0x8FFFFFFF  }
0x98: {  	s19 =	sld [smem:$0x3FDB];
	_ =	sdelay $0x1  }
0x99: {  	s4 =	simm.s32 $_scs_section_size  }
0x9a: {  	s5 =	simm.s32 $_size__tile_overlayer_lowered;
	s6 =	simm.s32 $_tile_overlayer_lowered  }
0x9b: {  	s22 =	simm.s32 $0x1BFF;
	s21 =	sshll.u32 s6, $0x1;
	s3 =	sadd.s32 s4, s19  }
0x9c: {  	s7 =	simm.s32 $0x0;
	s20 =	sshll.u32 s5, $0x1;
	s5 =	sadd.s32 s21, s3  }
0x9d: {  	[timem:s7], [sflag:s22] =	dma.local [hbm:s5], s20  }
0x9e: {  	_ =	swait.ge [sflag:s22], s20  }
0x9f: {  	s4 =	ssub.s32 $0x0, s20;
	[sflag:s22] =	ssyncset.done $0x0  }
0xa0: {  	[sflag:s22] =	ssyncadd.s32 s4;
	_ =	sdelay $0x1  }
0xa1: {  	s23 =	simm.s32 $0x1B8B  }
0xa2: {  	_ =	swait.ge [sflag:s23], $0x1  }
0xa3: {  	[sflag:s23] =	ssyncset.done $0x0  }
0xa4: {  	s25 =	simm.s32 $0x1B8E;
	s24 =	sld [smem:$0x3FFE];
	[sflag:s23] =	ssyncadd.s32 $0xFFFFFFFF  }
0xa5: {  	s26 =	simm.s32 $execute0_lowered;
	[smem:$0x3FD2] =	sst s25  }
0xa6: {  	s5 =	sshll.u32 s26, $0x1;
	_ =	strace $0x8000004C;
	[dreg:$0x1] =	wrdreg $0xFFFFFFFF  }
0xa7: {  	s28 =	simm.s32 $_size_execute0_lowered;
	s3 =	sadd.s32 s3, s5;
	[dreg:$0x0] =	wrdreg $0x0  }
0xa8: {  	s5 =	sshll.u32 s28, $0x1;
	[dreg:$0x2] =	wrdreg s3  }
0xa9: {  	[dreg:$0x3] =	wrdreg s5  }
0xaa: {  	[dreg:$0x4] =	wrdreg $0xC0  }
0xab: {  	_ =	task [dreg:s7], $0x5FFFF  }
0xac: {  	[dreg:$0x1] =	wrdreg $0xFFFFFFFF  }
0xad: {  	[dreg:$0x0] =	wrdreg $0x60  }
0xae: {  	[dreg:$0x2] =	wrdreg s24  }
0xaf: {  	[dreg:$0x3] =	wrdreg s2  }
0xb0: {  	[dreg:$0x4] =	wrdreg $0x0  }
0xb1: {  	[dreg:$0x5] =	wrdreg $0x9  }
0xb2: {  	_ =	task.clear_ibuf [dreg:s7], $0x6FFFF;
	_ =	strace $0x9000004C  }
0xb3: {  	s29 =	simm.s32 $0x9;
	_ =	strace $0x8000004E  }
0xb4: {  	_ =	swait.ge [sflag:s29], $0x1  }
0xb5: {  	[sflag:s29] =	ssyncadd.s32 $0xFFFFFFFF  }
0xb6: {  	_ =	strace $0x9000004E  }
0xb7: {  	_ =	sfence  }
0xb8: {  	s30 =	sld [smem:$0x0];
	_ =	sdelay $0x2  }
0xb9: {  	s31 =	sshll.u32 s1, $0xD;
	s1 =	sshrl.u32 s1, $0x2  }
0xba: {  	s3 =	sand.u32 $0x4000, s31;
	s1 =	sadd.s32 s1, s30  }
0xbb: {  	s0 =	sor.u32 s3, s0;
	s1 =	sshll.u32 s1, $0x11  }
0xbc: {  	s0 =	sor.u32 s1, s0  }
0xbd: {  	s0 =	sadd.s32 $0x8F2B, s0  }
0xbe: {  	[sflag:s0] =	ssyncadd.remote.s32 $0x1  }
0xbf: {  	_ =	sfence.sel $0xFFFF  }
0xc0: {  	[dreg:$0x0] =	wrdreg $0xFFFFFFFF;
	(pc) =	sbr.abs _section_cstart, $3  }
0xc1: {  	[dreg:$0x1] =	wrdreg $0xFFFFFFFF  }
0xc2: {  	_ =	task.clear_ibuf [dreg:s7], $0x2FFFF;
	_ =	strace $0x9FFFFFFF  }
0xc3: {  	(tm) =	ssettm $0x7FFFFFFF  }
tec
execute0_lowered:
.L_overlay_start_1:
0x0: {  	(tag) =	ssettag $0x1  }
0x1: {  	s11 =	stileid.u32  }
0x2: {  	s7 =	smul.u32 $0x14000, s11  }
0x3: {  	s0 =	rddreg [dreg:$0x0];
	s8 =	smul.u32 $0x50000, s11  }
0x4: {  	s2 =	rddreg [dreg:$0x1];
	s10 =	smul.u32 $0x50, s11  }
0x5: {  	s3 =	srdreg.scid;
	s19 =	smul.u32 $0x2800, s11  }
0x6: {  	s1 =	rddreg [dreg:$0x2];
	s5 =	sand.u32 $0x1, s3;
	s25 =	smul.u32 $0xA00, s11  }
0x7: {  	s29 =	simm.s32 $0x14400;
	s30 =	simm.s32 $0x3;
	s6 =	smul.u32 $0x140000, s5  }
0x8: {  	s31 =	simm.s32 $0x14000;
	s3 =	simm.s32 $0x0;
	s15 =	smul.u32 $0x500, s5  }
0x9: {  	s4 =	sadd.s32 $0x2200, s0;
	s11 =	simm.s32 $0x14300;
	s17 =	smul.u32 $0x28000, s5  }
0xa: {  	[smem:$0x7FF] =	sst s3;
	s9 =	ssub.s32 $0x2, s5;
	s5 =	smul.u32 $0xA000, s5  }
0xb: {  	_ =	strace $0x8000004D;
	s6 =	sadd.s32 s7, s6;
	s7 =	sadd.s32 s10, s15  }
0xc: {  	s16 =	sshrl.u32 s9, $0x1;
	s6 =	sshrl.u32 s6, $0x3;
	s7 =	sshll.u32 s7, $0x5  }
0xd: {  	s8 =	sshrl.u32 s8, $0x2;
	s0 =	sadd.s32 s6, s0;
	s10 =	sadd.s32 s2, s7  }
0xe: {  	s6 =	ssub.s32 s9, s16;
	s16 =	sadd.s32 s8, s1;
	[dreg:$0x7] =	wrdreg s10  }
0xf: {  	s5 =	sadd.s32 s5, s2;
	s8 =	sadd.s32 $0x4000, s16;
	[dreg:$0x4] =	wrdreg s16  }
0x10: {  	s15 =	sadd.s32 s25, s5;
	s18 =	sadd.s32 $0x8000, s16;
	[dreg:$0x5] =	wrdreg s8  }
0x11: {  	s7 =	sadd.s32 s19, s17;
	s20 =	sadd.s32 $0xC000, s16;
	[dreg:$0x6] =	wrdreg s18  }
0x12: {  	s21 =	sadd.s32 $0x10000, s16;
	s22 =	sadd.s32 $0x10, s10;
	[dreg:$0x8] =	wrdreg s20  }
0x13: {  	s23 =	sadd.s32 $0x20, s10;
	s24 =	sadd.s32 $0x30, s10;
	[dreg:$0x9] =	wrdreg s21  }
0x14: {  	s26 =	sor.u32 $0x580, s7;
	s28 =	sadd.s32 $0x40, s10;
	[dreg:$0xa] =	wrdreg s22  }
0x15: {  	s13 =	sor.u32 $0x500, s7;
	s14 =	sor.u32 $0x480, s7;
	[dreg:$0xb] =	wrdreg s23  }
0x16: {  	s0 =	sadd.s32 $0x2A200, s0;
	s25 =	smax.u32 s6, $0x1;
	[dreg:$0xc] =	wrdreg s24  }
0x17: {  	s6 =	simm.s32 $0x14100;
	[dreg:$0xd] =	wrdreg s28;
	s9 =	sshrl.u32 s26, $0x2  }
0x18: {  	s5 =	sshrl.u32 s13, $0x2;
	s18 =	sor.u32 $0x380, s7;
	s19 =	sshrl.u32 s14, $0x2  }
0x19: {  	s21 =	sor.u32 $0x300, s7;
	s22 =	sor.u32 $0x280, s7;
	[dreg:$0x10] =	wrdreg s0  }
0x1a: {  	s7 =	sor.u32 $0x200, s7;
	s24 =	sadd.s32 $0x50, s10;
	[dreg:$0x11] =	wrdreg s25  }
0x1b: {  	s26 =	sadd.s32 $0x60, s10;
	s28 =	sadd.s32 $0x70, s10;
	s0 =	simm.s32 $0x5  }
0x1c: {  	s10 =	simm.s32 $0x14280;
	s13 =	simm.s32 $0x80;
	s14 =	simm.s32 $0x18400  }
0x1d: {  	s25 =	simm.s32 $0x2;
	s8 =	simm.s32 $0x0;
	s12 =	sadd.s32 s9, s2  }
0x1e: {  	s17 =	sadd.s32 s5, s2;
	s20 =	sshrl.u32 s18, $0x2;
	s18 =	sadd.s32 s19, s2  }
0x1f: {  	s5 =	sshrl.u32 s21, $0x2;
	s23 =	sshrl.u32 s22, $0x2;
	[dreg:$0xf] =	wrdreg s24  }
.Ltmp0:
0x20: {  	s7 =	sshrl.u32 s7, $0x2;
	[dreg:$0x12] =	wrdreg s26;
	(pc) =	sbr.rel .LBB2_1-.Ltmp0, $4  }
0x21: {  	[dreg:$0x13] =	wrdreg s28;
	s9 =	simm.s32 $0x14200;
	s24 =	simm.s32 $0x1  }
0x22: {  	[dreg:$0xe] =	wrdreg s12;
	s19 =	sadd.s32 s20, s2;
	s20 =	sadd.s32 s5, s2  }
0x23: {  	s21 =	sadd.s32 s23, s2;
	s22 =	sadd.s32 s7, s2;
	s2 =	simm.s32 $0x14080  }
0x24: {  	v0 =	vimm.f32 $0.0e+00;
	s7 =	simm.s32 $0x14180;
	s12 =	simm.s32 $0x14380;
	s23 =	simm.s32 $0x4  }
.LBB2_6:
0x25: {  	s5 =	stileid.u32;
	[bflag:$0x0] =	sbarrier.arrive $0xFFFF  }
0x26: {  	s5 =	sshll.u32 s5, $0x6;
	s16 =	rddreg [dreg:$0x4]  }
0x27: {  	s26 =	rddreg [dreg:$0x10];
	s5 =	sor.u32 $0x1C05, s5;
	s8 =	sshrl.u32 s16, $0x3  }
0x28: {  	[hbm:s26], [sflag:s5] =	dma.local [spmem:s8], $0x2800  }
0x29: {  	_ =	swait.ge [sflag:s0], $0x2800  }
0x2a: {  	s26 =	rddreg [dreg:$0x14]  }
0x2b: {  	s28 =	rddreg [dreg:$0x11];
	s8 =	sadd.s32 $0x1, s26  }
0x2c: {  	p0 =	sne.s32 s8, s28  }
.Ltmp1:
0x2d: {  	_ = 	snop;
	(pc) =	sbr.rel @!p0 .LBB2_7-.Ltmp1, $3  }
0x2e: {  	_ =	sdelay $0x1  }
0x2f: {  	[sflag:s0] =	ssyncset.done $0x0  }
0x30: {  	[sflag:s0] =	ssyncadd.s32 $0xFFFFD800  }
.LBB2_1:
0x31: {  	s5 =	sand.u32 $0xFE00, s3  }
0x32: {  	[dreg:$0x14] =	wrdreg s8;
	s28 =	sand.u32 $0x70, s3;
	s5 =	sshrl.u32 s5, $0x2  }
0x33: {  	s8 =	simm.s32 $0x40;
	s5 =	sor.u32 s28, s5;
	s28 =	simm.s32 $0x0  }
.LBB2_2:
0x34: {  	p0 =	sne.s32 s8, $0xFFC0  }
0x35: {  	[tilespmem:s5+$0x14400] =	vst v0;
	s28 =	sadd.s32 $0x10, s28;
	s5 =	smov.u32 s8;
	s8 =	sadd.s32 $0x40, s8  }
.Ltmp2:
0x36: {  	(pc) =	sbr.rel @p0 .LBB2_2-.Ltmp2, $4  }
0x37: {  	_ = 	snop  }
0x38: {  	s5 =	sand.u32 $0xFE00, s5  }
0x39: {  	s26 =	sand.u32 $0x70, s28;
	s5 =	sshrl.u32 s5, $0x2  }
0x3a: {  	s5 =	sor.u32 s26, s5  }
0x3b: {  	[tilespmem:s5+$0x14400] =	vst v0  }
0x3c: {  	[spmem:s16] =	stream.linear.scatter [tilespmem:s29], [sflag:$0x3], $0x4000, $0x38;
	[tilespmem:$0x1C400] =	vst v63  }
0x3d: {  	s8 =	rddreg [dreg:$0x5]  }
0x3e: {  	[spmem:s8] =	stream.linear.scatter [tilespmem:s29], [sflag:$0x3], $0x4000, $0x38;
	[tilespmem:$0x1C400] =	vst v63  }
0x3f: {  	s16 =	rddreg [dreg:$0x6]  }
0x40: {  	[spmem:s16] =	stream.linear.scatter [tilespmem:s29], [sflag:$0x3], $0x4000, $0x38;
	[tilespmem:$0x1C400] =	vst v63  }
0x41: {  	s26 =	rddreg [dreg:$0x8]  }
0x42: {  	[spmem:s26] =	stream.linear.scatter [tilespmem:s29], [sflag:$0x3], $0x4000, $0x38;
	[tilespmem:$0x1C400] =	vst v63  }
0x43: {  	s8 =	rddreg [dreg:$0x9]  }
0x44: {  	[spmem:s8] =	stream.linear.scatter [tilespmem:s29], [sflag:$0x3], $0x4000, $0x38;
	[tilespmem:$0x1C400] =	vst v63  }
0x45: {  	_ =	swait.ge [sflag:s30], $0x4000  }
0x46: {  	[sflag:s30] =	ssyncset.done $0x0  }
0x47: {  	[sflag:s30] =	ssyncadd.s32 $0xFFFFC000  }
0x48: {  	_ =	swait.ge [sflag:s30], $0x4000  }
0x49: {  	[sflag:s30] =	ssyncset.done $0x0  }
0x4a: {  	[sflag:s30] =	ssyncadd.s32 $0xFFFFC000  }
0x4b: {  	_ =	swait.ge [sflag:s30], $0x4000  }
0x4c: {  	[sflag:s30] =	ssyncset.done $0x0  }
0x4d: {  	[sflag:s30] =	ssyncadd.s32 $0xFFFFC000  }
0x4e: {  	_ =	swait.ge [sflag:s30], $0x4000  }
0x4f: {  	[sflag:s30] =	ssyncset.done $0x0  }
0x50: {  	[sflag:s30] =	ssyncadd.s32 $0xFFFFC000  }
0x51: {  	_ =	swait.ge [sflag:s30], $0x4000  }
0x52: {  	[sflag:s30] =	ssyncset.done $0x0  }
0x53: {  	[sflag:s30] =	ssyncadd.s32 $0xFFFFC000  }
0x54: {  	[bflag:$0x0] =	sbarrier.arrive $0xFFFF  }
0x55: {  	s28 =	simm.s32 $0x0;
	s16 =	rddreg [dreg:$0x7]  }
0x56: {  	[tilespmem:s31], [sflag:$0x5] =	stream.linear.gather [hbm4b:s16+s28], $0x80, $0x38;
	[tilespmem:$0x1C400] =	vst v63  }
0x57: {  	_ =	swait.ge [sflag:s0], $0x80  }
0x58: {  	[sflag:s0] =	ssyncset.done $0x0  }
0x59: {  	s26 =	rddreg [dreg:$0xa];
	[sflag:s0] =	ssyncadd.s32 $0xFFFFFF80  }
0x5a: {  	[tilespmem:s2], [sflag:$0x5] =	stream.linear.gather [hbm4b:s26+s28], $0x80, $0x38;
	[tilespmem:$0x1C400] =	vst v63  }
0x5b: {  	_ =	swait.ge [sflag:s0], $0x80  }
0x5c: {  	[sflag:s0] =	ssyncset.done $0x0  }
0x5d: {  	s8 =	rddreg [dreg:$0xb];
	[sflag:s0] =	ssyncadd.s32 $0xFFFFFF80  }
0x5e: {  	[tilespmem:s6], [sflag:$0x5] =	stream.linear.gather [hbm4b:s8+s28], $0x80, $0x38;
	[tilespmem:$0x1C400] =	vst v63  }
0x5f: {  	_ =	swait.ge [sflag:s0], $0x80  }
0x60: {  	[sflag:s0] =	ssyncset.done $0x0  }
0x61: {  	s16 =	rddreg [dreg:$0xc];
	[sflag:s0] =	ssyncadd.s32 $0xFFFFFF80  }
0x62: {  	[tilespmem:s7], [sflag:$0x5] =	stream.linear.gather [hbm4b:s16+s28], $0x80, $0x38;
	[tilespmem:$0x1C400] =	vst v63  }
0x63: {  	_ =	swait.ge [sflag:s0], $0x80  }
0x64: {  	[sflag:s0] =	ssyncset.done $0x0  }
0x65: {  	s26 =	rddreg [dreg:$0xd];
	[sflag:s0] =	ssyncadd.s32 $0xFFFFFF80  }
0x66: {  	[tilespmem:s9], [sflag:$0x5] =	stream.linear.gather [hbm4b:s26+s28], $0x80, $0x38;
	[tilespmem:$0x1C400] =	vst v63  }
0x67: {  	_ =	swait.ge [sflag:s0], $0x80  }
0x68: {  	[sflag:s0] =	ssyncset.done $0x0  }
0x69: {  	s8 =	rddreg [dreg:$0xf];
	[sflag:s0] =	ssyncadd.s32 $0xFFFFFF80  }
0x6a: {  	[tilespmem:s10], [sflag:$0x5] =	stream.linear.gather [hbm4b:s8+s28], $0x80, $0x38;
	[tilespmem:$0x1C400] =	vst v63  }
0x6b: {  	_ =	swait.ge [sflag:s0], $0x80  }
0x6c: {  	[sflag:s0] =	ssyncset.done $0x0  }
0x6d: {  	s16 =	rddreg [dreg:$0x12];
	[sflag:s0] =	ssyncadd.s32 $0xFFFFFF80  }
0x6e: {  	[tilespmem:s11], [sflag:$0x5] =	stream.linear.gather [hbm4b:s16+s28], $0x80, $0x38;
	[tilespmem:$0x1C400] =	vst v63  }
0x6f: {  	_ =	swait.ge [sflag:s0], $0x80  }
0x70: {  	[sflag:s0] =	ssyncset.done $0x0  }
0x71: {  	s26 =	rddreg [dreg:$0x13];
	[sflag:s0] =	ssyncadd.s32 $0xFFFFFF80  }
0x72: {  	[tilespmem:s12], [sflag:$0x5] =	stream.linear.gather [hbm4b:s26+s28], $0x80, $0x38;
	[tilespmem:$0x1C400] =	vst v63  }
0x73: {  	_ =	swait.ge [sflag:s0], $0x80  }
0x74: {  	[sflag:s0] =	ssyncset.done $0x0  }
0x75: {  	[sflag:s0] =	ssyncadd.s32 $0xFFFFFF80  }
0x76: {  	[tilespmem:s29], [sflag:$0x3] =	stream.indirect.gather [hbm4b:s4+s13], $0x80, s31, s13, $0xb8;
	[tilespmem:$0x1C400] =	vst v63  }
0x77: {  	_ = 	snop  }
0x78: {  	[tilespmem:s14], [sflag:$0x4] =	stream.indirect.gather [hbm4b:s4+s13], $0x80, s6, s13, $0xb8;
	[tilespmem:$0x1C400] =	vst v63  }
.LBB2_4:
0x79: {  	_ =	swait.ge [sflag:s30], $0x4000  }
0x7a: {  	[sflag:s30] =	ssyncset.done $0x0  }
0x7b: {  	[sflag:s30] =	ssyncadd.s32 $0xFFFFC000  }
0x7c: {  	[spmem:s1] =	stream.indirect.scatter.add.f32 [tilespmem:s29], [sflag:$0x5], $0x80, s2, s13, $0xb8;
	[tilespmem:$0x1C400] =	vst v63  }
0x7d: {  	_ =	swait.ge [sflag:s0], $0x4000  }
0x7e: {  	[sflag:s0] =	ssyncset.done $0x0  }
0x7f: {  	[sflag:s0] =	ssyncadd.s32 $0xFFFFC000  }
0x80: {  	[tilespmem:s29], [sflag:$0x3] =	stream.indirect.gather [hbm4b:s4+s13], $0x80, s9, s13, $0xb8;
	[tilespmem:$0x1C400] =	vst v63  }
0x81: {  	s5 =	sadd.s32 s28, s22  }
0x82: {  	[tilespmem:s31], [sflag:$0x1] =	stream.linear.gather [hbm4b:s5+s3], $0x80, $0x38;
	[tilespmem:$0x1C400] =	vst v63  }
0x83: {  	s5 =	sadd.s32 $0x10, s5  }
0x84: {  	[tilespmem:s2], [sflag:$0x1] =	stream.linear.gather [hbm4b:s5+s3], $0x80, $0x38;
	[tilespmem:$0x1C400] =	vst v63  }
0x85: {  	_ =	swait.ge [sflag:s23], $0x4000  }
0x86: {  	[sflag:s23] =	ssyncset.done $0x0  }
0x87: {  	[sflag:s23] =	ssyncadd.s32 $0xFFFFC000  }
0x88: {  	[spmem:s1] =	stream.indirect.scatter.add.f32 [tilespmem:s14], [sflag:$0x5], $0x80, s7, s13, $0xb8;
	[tilespmem:$0x1C400] =	vst v63  }
0x89: {  	_ =	swait.ge [sflag:s0], $0x4000  }
0x8a: {  	[sflag:s0] =	ssyncset.done $0x0  }
0x8b: {  	[sflag:s0] =	ssyncadd.s32 $0xFFFFC000  }
0x8c: {  	[tilespmem:s14], [sflag:$0x4] =	stream.indirect.gather [hbm4b:s4+s13], $0x80, s11, s13, $0xb8;
	[tilespmem:$0x1C400] =	vst v63  }
0x8d: {  	s8 =	sadd.s32 s28, s21  }
0x8e: {  	[tilespmem:s6], [sflag:$0x1] =	stream.linear.gather [hbm4b:s8+s3], $0x80, $0x38;
	[tilespmem:$0x1C400] =	vst v63  }
0x8f: {  	s5 =	sadd.s32 $0x10, s8  }
0x90: {  	[tilespmem:s7], [sflag:$0x1] =	stream.linear.gather [hbm4b:s5+s3], $0x80, $0x38;
	[tilespmem:$0x1C400] =	vst v63  }
0x91: {  	_ =	swait.ge [sflag:s30], $0x4000  }
0x92: {  	[sflag:s30] =	ssyncset.done $0x0  }
0x93: {  	[sflag:s30] =	ssyncadd.s32 $0xFFFFC000  }
0x94: {  	[spmem:s1] =	stream.indirect.scatter.add.f32 [tilespmem:s29], [sflag:$0x5], $0x80, s10, s13, $0xb8;
	[tilespmem:$0x1C400] =	vst v63  }
0x95: {  	_ =	swait.ge [sflag:s0], $0x4000  }
0x96: {  	[sflag:s0] =	ssyncset.done $0x0  }
0x97: {  	[sflag:s0] =	ssyncadd.s32 $0xFFFFC000  }
0x98: {  	_ =	swait.ge [sflag:s24], $0x80  }
0x99: {  	[sflag:s24] =	ssyncset.done $0x0  }
0x9a: {  	[sflag:s24] =	ssyncadd.s32 $0xFFFFFF80  }
0x9b: {  	_ =	swait.ge [sflag:s24], $0x80  }
0x9c: {  	[sflag:s24] =	ssyncset.done $0x0  }
0x9d: {  	[sflag:s24] =	ssyncadd.s32 $0xFFFFFF80  }
0x9e: {  	_ =	swait.ge [sflag:s24], $0x80  }
0x9f: {  	[sflag:s24] =	ssyncset.done $0x0  }
0xa0: {  	[sflag:s24] =	ssyncadd.s32 $0xFFFFFF80  }
0xa1: {  	_ =	swait.ge [sflag:s24], $0x80  }
0xa2: {  	[sflag:s24] =	ssyncset.done $0x0  }
0xa3: {  	[sflag:s24] =	ssyncadd.s32 $0xFFFFFF80  }
0xa4: {  	[tilespmem:s29], [sflag:$0x3] =	stream.indirect.gather [hbm4b:s4+s13], $0x80, s31, s13, $0xb8;
	[tilespmem:$0x1C400] =	vst v63  }
0xa5: {  	s16 =	sadd.s32 s28, s20  }
0xa6: {  	[tilespmem:s9], [sflag:$0x2] =	stream.linear.gather [hbm4b:s16+s3], $0x80, $0x38;
	[tilespmem:$0x1C400] =	vst v63  }
0xa7: {  	s5 =	sadd.s32 $0x10, s16  }
0xa8: {  	[tilespmem:s10], [sflag:$0x2] =	stream.linear.gather [hbm4b:s5+s3], $0x80, $0x38;
	[tilespmem:$0x1C400] =	vst v63  }
0xa9: {  	_ =	swait.ge [sflag:s23], $0x4000  }
0xaa: {  	[sflag:s23] =	ssyncset.done $0x0  }
0xab: {  	[sflag:s23] =	ssyncadd.s32 $0xFFFFC000  }
0xac: {  	[spmem:s1] =	stream.indirect.scatter.add.f32 [tilespmem:s14], [sflag:$0x5], $0x80, s12, s13, $0xb8;
	[tilespmem:$0x1C400] =	vst v63  }
0xad: {  	_ =	swait.ge [sflag:s0], $0x4000  }
0xae: {  	[sflag:s0] =	ssyncset.done $0x0  }
0xaf: {  	[sflag:s0] =	ssyncadd.s32 $0xFFFFC000  }
0xb0: {  	[tilespmem:s14], [sflag:$0x4] =	stream.indirect.gather [hbm4b:s4+s13], $0x80, s6, s13, $0xb8;
	[tilespmem:$0x1C400] =	vst v63  }
0xb1: {  	s26 =	sadd.s32 s28, s19  }
0xb2: {  	[tilespmem:s11], [sflag:$0x2] =	stream.linear.gather [hbm4b:s26+s3], $0x80, $0x38;
	[tilespmem:$0x1C400] =	vst v63  }
0xb3: {  	s5 =	sadd.s32 $0x10, s26  }
0xb4: {  	[tilespmem:s12], [sflag:$0x2] =	stream.linear.gather [hbm4b:s5+s3], $0x80, $0x38;
	[tilespmem:$0x1C400] =	vst v63  }
0xb5: {  	_ =	swait.ge [sflag:s30], $0x4000  }
0xb6: {  	[sflag:s30] =	ssyncset.done $0x0  }
0xb7: {  	[sflag:s30] =	ssyncadd.s32 $0xFFFFC000  }
0xb8: {  	[spmem:s1] =	stream.indirect.scatter.add.f32 [tilespmem:s29], [sflag:$0x5], $0x80, s2, s13, $0xb8;
	[tilespmem:$0x1C400] =	vst v63  }
0xb9: {  	p0 =	seq.s32 s28, $0x900;
	_ =	swait.ge [sflag:s0], $0x4000  }
0xba: {  	s8 =	simm.s32 @!p0 $0x0;
	s5 =	sadd.s32 @!p0 s28, s15;
	[sflag:s0] =	ssyncset.done $0x0  }
0xbb: {  	s16 =	simm.s32 @!p0 $0x14000;
	s26 =	sadd.s32 @!p0 $0x100, s5;
	[sflag:s0] =	ssyncadd.s32 $0xFFFFC000  }
0xbc: {  	[tilespmem:s16], [sflag:$0x1] =	stream.linear.gather @!p0 [hbm4b:s26+s8], $0x80, $0x38;
	[tilespmem:$0x1C400] =	vst v63  }
0xbd: {  	s5 =	sadd.s32 @!p0 $0x110, s5;
	s16 =	simm.s32 @!p0 $0x14080  }
0xbe: {  	[tilespmem:s16], [sflag:$0x1] =	stream.linear.gather @!p0 [hbm4b:s5+s8], $0x80, $0x38;
	[tilespmem:$0x1C400] =	vst v63  }
0xbf: {  	_ =	swait.ge [sflag:s25], $0x80  }
0xc0: {  	[sflag:s25] =	ssyncset.done $0x0  }
0xc1: {  	[sflag:s25] =	ssyncadd.s32 $0xFFFFFF80  }
0xc2: {  	_ =	swait.ge [sflag:s25], $0x80  }
0xc3: {  	[sflag:s25] =	ssyncset.done $0x0  }
0xc4: {  	[sflag:s25] =	ssyncadd.s32 $0xFFFFFF80  }
0xc5: {  	_ =	swait.ge [sflag:s25], $0x80  }
0xc6: {  	[sflag:s25] =	ssyncset.done $0x0  }
0xc7: {  	[sflag:s25] =	ssyncadd.s32 $0xFFFFFF80  }
0xc8: {  	_ =	swait.ge [sflag:s25], $0x80  }
0xc9: {  	[sflag:s25] =	ssyncset.done $0x0  }
0xca: {  	[sflag:s25] =	ssyncadd.s32 $0xFFFFFF80  }
0xcb: {  	[tilespmem:s29], [sflag:$0x3] =	stream.indirect.gather [hbm4b:s4+s13], $0x80, s9, s13, $0xb8;
	[tilespmem:$0x1C400] =	vst v63  }
0xcc: {  	_ =	swait.ge [sflag:s23], $0x4000  }
0xcd: {  	[sflag:s23] =	ssyncset.done $0x0  }
0xce: {  	[sflag:s23] =	ssyncadd.s32 $0xFFFFC000  }
0xcf: {  	[spmem:s1] =	stream.indirect.scatter.add.f32 [tilespmem:s14], [sflag:$0x5], $0x80, s7, s13, $0xb8;
	[tilespmem:$0x1C400] =	vst v63  }
0xd0: {  	_ =	swait.ge [sflag:s0], $0x4000  }
0xd1: {  	s26 =	simm.s32 @p0 $0x18400;
	[sflag:s0] =	ssyncset.done $0x0  }
0xd2: {  	s5 =	simm.s32 @p0 $0x80;
	s16 =	simm.s32 @p0 $0x14300;
	[sflag:s0] =	ssyncadd.s32 $0xFFFFC000  }
0xd3: {  	[tilespmem:s26], [sflag:$0x4] =	stream.indirect.gather @p0 [hbm4b:s4+s5], $0x80, s16, s5, $0xb8;
	[tilespmem:$0x1C400] =	vst v63  }
0xd4: {  	s16 =	simm.s32 @p0 $0x3  }
0xd5: {  	_ =	swait.ge @p0 [sflag:s16], $0x4000  }
0xd6: {  	[sflag:s16] =	ssyncset.done @p0 $0x0  }
0xd7: {  	s26 =	simm.s32 @p0 $0x14400;
	[sflag:s16] =	ssyncadd.s32 @p0 $0xFFFFC000;
	s16 =	simm.s32 @p0 $0x14280  }
0xd8: {  	[spmem:s1] =	stream.indirect.scatter.add.f32 @p0 [tilespmem:s26], [sflag:$0x5], $0x80, s16, s5, $0xb8;
	[tilespmem:$0x1C400] =	vst v63  }
0xd9: {  	s5 =	simm.s32 @p0 $0x5  }
0xda: {  	_ =	swait.ge @p0 [sflag:s5], $0x4000  }
0xdb: {  	[sflag:s5] =	ssyncset.done @p0 $0x0  }
0xdc: {  	s16 =	simm.s32 @!p0 $0x14100;
	[sflag:s5] =	ssyncadd.s32 @p0 $0xFFFFC000;
	s5 =	sadd.s32 @!p0 s28, s18  }
0xdd: {  	[tilespmem:s16], [sflag:$0x1] =	stream.linear.gather @!p0 [hbm4b:s5+s8], $0x80, $0x38;
	[tilespmem:$0x1C400] =	vst v63  }
0xde: {  	s5 =	sadd.s32 @!p0 $0x10, s5;
	s16 =	simm.s32 @!p0 $0x14180  }
0xdf: {  	[tilespmem:s16], [sflag:$0x1] =	stream.linear.gather @!p0 [hbm4b:s5+s8], $0x80, $0x38;
	[tilespmem:$0x1C400] =	vst v63  }
0xe0: {  	s26 =	simm.s32 @!p0 $0x18400;
	s5 =	simm.s32 @!p0 $0x80;
	s16 =	simm.s32 @!p0 $0x14300  }
0xe1: {  	[tilespmem:s26], [sflag:$0x4] =	stream.indirect.gather @!p0 [hbm4b:s4+s5], $0x80, s16, s5, $0xb8;
	[tilespmem:$0x1C400] =	vst v63  }
0xe2: {  	s16 =	simm.s32 @!p0 $0x3  }
0xe3: {  	_ =	swait.ge @!p0 [sflag:s16], $0x4000  }
0xe4: {  	[sflag:s16] =	ssyncset.done @!p0 $0x0  }
0xe5: {  	s26 =	simm.s32 @!p0 $0x14400;
	[sflag:s16] =	ssyncadd.s32 @!p0 $0xFFFFC000;
	s16 =	simm.s32 @!p0 $0x14280  }
0xe6: {  	[spmem:s1] =	stream.indirect.scatter.add.f32 @!p0 [tilespmem:s26], [sflag:$0x5], $0x80, s16, s5, $0xb8;
	[tilespmem:$0x1C400] =	vst v63  }
0xe7: {  	s5 =	simm.s32 @!p0 $0x5  }
0xe8: {  	_ =	swait.ge @!p0 [sflag:s5], $0x4000  }
0xe9: {  	[sflag:s5] =	ssyncset.done @!p0 $0x0  }
0xea: {  	s26 =	simm.s32 @!p0 $0x14200;
	[sflag:s5] =	ssyncadd.s32 @!p0 $0xFFFFC000;
	s5 =	sadd.s32 @!p0 s28, s17  }
0xeb: {  	[tilespmem:s26], [sflag:$0x2] =	stream.linear.gather @!p0 [hbm4b:s5+s8], $0x80, $0x38;
	[tilespmem:$0x1C400] =	vst v63  }
0xec: {  	s5 =	sadd.s32 @!p0 $0x10, s5  }
0xed: {  	[tilespmem:s16], [sflag:$0x2] =	stream.linear.gather @!p0 [hbm4b:s5+s8], $0x80, $0x38;
	[tilespmem:$0x1C400] =	vst v63  }
0xee: {  	_ =	swait.ge [sflag:s23], $0x4000  }
0xef: {  	[sflag:s23] =	ssyncset.done $0x0  }
.Ltmp3:
0xf0: {  	[sflag:s23] =	ssyncadd.s32 $0xFFFFC000;
	(pc) =	sbr.rel @p0 .LBB2_6-.Ltmp3, $4  }
0xf1: {  	[spmem:s1] =	stream.indirect.scatter.add.f32 [tilespmem:s14], [sflag:$0x5], $0x80, s12, s13, $0xb8;
	[tilespmem:$0x1C400] =	vst v63  }
0xf2: {  	_ =	swait.ge [sflag:s0], $0x4000  }
0xf3: {  	[sflag:s0] =	ssyncset.done $0x0  }
0xf4: {  	[sflag:s0] =	ssyncadd.s32 $0xFFFFC000  }
0xf5: {  	s5 =	rddreg [dreg:$0xe]  }
0xf6: {  	s5 =	sadd.s32 s28, s5  }
0xf7: {  	[tilespmem:s11], [sflag:$0x2] =	stream.linear.gather [hbm4b:s5+s3], $0x80, $0x38;
	[tilespmem:$0x1C400] =	vst v63  }
0xf8: {  	s5 =	sadd.s32 $0x10, s5  }
0xf9: {  	[tilespmem:s12], [sflag:$0x2] =	stream.linear.gather [hbm4b:s5+s3], $0x80, $0x38;
	[tilespmem:$0x1C400] =	vst v63  }
0xfa: {  	_ =	swait.ge [sflag:s24], $0x80  }
0xfb: {  	[sflag:s24] =	ssyncset.done $0x0  }
0xfc: {  	[sflag:s24] =	ssyncadd.s32 $0xFFFFFF80  }
0xfd: {  	_ =	swait.ge [sflag:s24], $0x80  }
0xfe: {  	[sflag:s24] =	ssyncset.done $0x0  }
0xff: {  	[sflag:s24] =	ssyncadd.s32 $0xFFFFFF80  }
0x100: {  	_ =	swait.ge [sflag:s24], $0x80  }
0x101: {  	[sflag:s24] =	ssyncset.done $0x0  }
0x102: {  	[sflag:s24] =	ssyncadd.s32 $0xFFFFFF80  }
0x103: {  	_ =	swait.ge [sflag:s24], $0x80  }
0x104: {  	[sflag:s24] =	ssyncset.done $0x0  }
0x105: {  	[sflag:s24] =	ssyncadd.s32 $0xFFFFFF80  }
0x106: {  	[tilespmem:s29], [sflag:$0x3] =	stream.indirect.gather [hbm4b:s4+s13], $0x80, s31, s13, $0xb8;
	[tilespmem:$0x1C400] =	vst v63  }
0x107: {  	_ = 	snop  }
0x108: {  	[tilespmem:s14], [sflag:$0x4] =	stream.indirect.gather [hbm4b:s4+s13], $0x80, s6, s13, $0xb8;
	[tilespmem:$0x1C400] =	vst v63  }
0x109: {  	_ =	swait.ge [sflag:s25], $0x80  }
0x10a: {  	[sflag:s25] =	ssyncset.done $0x0  }
0x10b: {  	[sflag:s25] =	ssyncadd.s32 $0xFFFFFF80  }
0x10c: {  	_ =	swait.ge [sflag:s25], $0x80  }
0x10d: {  	[sflag:s25] =	ssyncset.done $0x0  }
0x10e: {  	[sflag:s25] =	ssyncadd.s32 $0xFFFFFF80  }
0x10f: {  	_ =	swait.ge [sflag:s25], $0x80  }
.Ltmp4:
0x110: {  	[sflag:s25] =	ssyncset.done $0x0;
	(pc) =	sbr.rel .LBB2_4-.Ltmp4, $4  }
0x111: {  	[sflag:s25] =	ssyncadd.s32 $0xFFFFFF80  }
0x112: {  	_ =	swait.ge [sflag:s25], $0x80  }
0x113: {  	[sflag:s25] =	ssyncset.done $0x0  }
0x114: {  	s28 =	sadd.s32 $0x100, s28;
	[sflag:s25] =	ssyncadd.s32 $0xFFFFFF80  }
.LBB2_7:
0x115: {  	_ =	sfence.sel $0x180000  }
0x116: {  	[bflag:$0x0] =	sbarrier.arrive $0xFFFF  }
0x117: {  	_ =	strace $0x9000004D  }
0x118: {  	s0 =	stileid.u32;
	[bflag:$0x2] =	sbarrier.arrive $0xFFFF  }
0x119: {  	p0 =	sne.s32 s0, $0x0;
	s0 =	rddreg [dreg:$0x3]  }
0x11a: {  	s0 =	sadd.s32 @!p0 $0x100000, s0  }
0x11b: {  	[sflag:s0] =	ssyncadd.tile.s32 @!p0 $0x1;
	_ =	shalt  }
.Lfunc_end2:
_tile_overlayer_lowered:
.L_overlay_start_2:
0x11c: {  	(tag) =	ssettag $0x2  }
0x11d: {  	s0 =	rddreg [dreg:$0x0];
	s2 =	stileid.u32  }
0x11e: {  	s1 =	rddreg [dreg:$0x1];
	p0 =	sne.s32 s2, $0x0  }
0x11f: {  	s3 =	rddreg [dreg:$0x2];
	[bflag:$0x3] =	sbarrier.arrive $0xFFFF;
	s2 =	simm.s32 @!p0 $0x1C05  }
0x120: {  	[timem:s3], [sflag:s2] =	dma.local @!p0 [hbm:s0], s1  }
0x121: {  	s0 =	simm.s32 @!p0 $0x5  }
0x122: {  	_ =	swait.ge @!p0 [sflag:s0], s1  }
0x123: {  	s1 =	ssub.s32 @!p0 $0x0, s1;
	[sflag:s0] =	ssyncset.done @!p0 $0x0  }
0x124: {  	[sflag:s0] =	ssyncadd.s32 @!p0 s1  }
0x125: {  	[bflag:$0x3] =	sbarrier.arrive $0xFFFF  }
0x126: {  	_ =	shalt  }

// kernel: kernel.8.cloned.1.call-start
scs
__scs_entry_jumppad:
0x0: {  	(pc) =	sbr.rel $0x88, $3  }
0x1: {  	(tag) =	ssettag $0x0;
	lr =	simm.s32 $0x1  }
0x2: {  	[smem:$0x3F9B] =	sst lr;
	_ =	strace $0xD0000000  }
0x3: {  	_ = 	snop  }
0x4: {  	_ = 	snop  }
0x5: {  	_ = 	snop  }
0x6: {  	_ = 	snop  }
0x7: {  	_ = 	snop  }
__scs_overlays_trampoline_lowered:
0x8: {  	[smem:$0x3FAA] =	sst s0  }
0x9: {  	[smem:$0x3FAB] =	sst s1  }
0xa: {  	[smem:$0x3FAC] =	sst s2  }
0xb: {  	[smem:$0x3FAD] =	sst s3  }
0xc: {  	[smem:$0x3FAE] =	sst s4  }
0xd: {  	[smem:$0x3FAF] =	sst s5  }
0xe: {  	[smem:$0x3FB0] =	sst s6  }
0xf: {  	[smem:$0x3FB1] =	sst s7  }
0x10: {  	[smem:$0x3FB2] =	sst s8  }
0x11: {  	[smem:$0x3FB3] =	sst s9;
	s0 =	simm.s32 @!p0 $0x0  }
0x12: {  	s1 =	sld [smem:$0x3F99];
	s0 =	simm.s32 @p0 $0x1  }
0x13: {  	[smem:$0x3FB4] =	sst s0;
	s0 =	simm.s32 @!p1 $0x0  }
0x14: {  	s2 =	sld [smem:$0x3F98];
	s0 =	simm.s32 @p1 $0x1  }
0x15: {  	[smem:$0x3FB5] =	sst s0;
	s0 =	simm.s32 @!p2 $0x0  }
0x16: {  	s3 =	sld [smem:$0x3FDB];
	s0 =	simm.s32 @p2 $0x1  }
0x17: {  	s4 =	simm.s32 $0x1BF5;
	[smem:$0x3FB7] =	sst s0  }
0x18: {  	s0 =	sld [smem:$0x3F9A];
	_ =	swait.ge [sflag:s4], $0x0  }
0x19: {  	s7 =	sld [smem:$0x3F9B]  }
0x1a: {  	s8 =	sadd.s32 $0xFFFFE003, lr  }
0x1b: {  	s9 =	sadd.s32 $0xFFFFFEF7, lr;
	s5 =	simm.s32 $0xFFFFFFFF;
	p2 =	slt.u32 s8, $0xFFFFF086  }
0x1c: {  	p1 =	slt.u32 s9, $0xF7A;
	s5 =	simm.s32 @!p2 $0x0  }
0x1d: {  	s5 =	simm.s32 @p1 $0x1;
	p0 =	seq.s32 s7, s2  }
0x1e: {  	s7 =	smul.u32 @!p0 $0xF7A, s2;
	p2 =	seq.s32 @!p0 s5, $0x0  }
0x1f: {  	s9 =	smul.u32 $0xF7A, s1;
	s8 =	simm.s32 @!p0 $0x1BF5;
	p2 =	por !p2, p0  }
0x20: {  	[sflag:s8] =	ssyncset.s32 @!p0 $0xFFFFF086;
	s6 =	sadd.s32 @!p0 s3, s7;
	s7 =	simm.s32 @!p0 $0x108  }
0x21: {  	s3 =	sadd.s32 s3, s9;
	s6 =	sadd.s32 @!p0 $0x88, s6;
	s7 =	simm.s32 @p2 $0x1082  }
0x22: {  	[simem:s7], [sflag:s8] =	dma.local @!p0 [hbm:s6], $0xF7A  }
0x23: {  	s9 =	sor.u32 $0xD0000000, s2;
	s6 =	simm.s32 $0x108;
	_ =	swait.ge @!p0 [sflag:s8], $0x0  }
0x24: {  	s3 =	sadd.s32 $0x88, s3;
	s6 =	simm.s32 @!p1 $0x1082;
	[sflag:s4] =	ssyncset.s32 $0xFFFFF086  }
0x25: {  	[simem:s6], [sflag:s4] =	dma.local [hbm:s3], $0xF7A  }
0x26: {  	[smem:$0x3F9B] =	sst s1;
	(tag) =	ssettag s2;
	_ =	strace s9  }
0x27: {  	s1 =	sld [smem:$0x3FAB]  }
0x28: {  	s2 =	sld [smem:$0x3FAC]  }
0x29: {  	s4 =	sld [smem:$0x3FAE]  }
0x2a: {  	p0 =	seq.s32 s5, $0x0;
	s5 =	sld [smem:$0x3FAF]  }
0x2b: {  	s6 =	sld [smem:$0x3FB0]  }
0x2c: {  	s7 =	sld [smem:$0x3FB1]  }
0x2d: {  	s3 =	simm.s32 $0x108;
	s8 =	sld [smem:$0x3FB2]  }
0x2e: {  	s3 =	simm.s32 @!p0 $0x1082;
	s9 =	sld [smem:$0x3FB3]  }
0x2f: {  	lr =	sadd.s32 s0, s3;
	s0 =	sld [smem:$0x3FAA]  }
0x30: {  	s3 =	sld [smem:$0x3FAD]  }
0x31: {  	[smem:$0x3FB6] =	sst s10  }
0x32: {  	s10 =	sld [smem:$0x3FB4];
	_ =	sdelay $0x3  }
0x33: {  	p0 =	seq.s32 s10, $0x1;
	s10 =	sld [smem:$0x3FB6];
	_ =	sdelay $0x3  }
0x34: {  	[smem:$0x3FB6] =	sst s10  }
0x35: {  	s10 =	sld [smem:$0x3FB5];
	_ =	sdelay $0x3  }
0x36: {  	p1 =	seq.s32 s10, $0x1;
	s10 =	sld [smem:$0x3FB6];
	_ =	sdelay $0x3  }
0x37: {  	[smem:$0x3FB6] =	sst s10  }
0x38: {  	s10 =	sld [smem:$0x3FB7]  }
0x39: {  	_ = 	snop;
	(pc) =	sbr.ind lr, $3  }
0x3a: {  	_ = 	snop  }
0x3b: {  	_ = 	snop  }
0x3c: {  	p2 =	seq.s32 s10, $0x1;
	s10 =	sld [smem:$0x3FB6]  }
0x3d: {  	_ =	shalt  }
0x3e: {  	_ =	shalt  }
0x3f: {  	_ =	shalt  }
0x40: {  	_ =	shalt  }
0x41: {  	_ =	shalt  }
0x42: {  	_ =	shalt  }
0x43: {  	_ =	shalt  }
0x44: {  	_ =	shalt  }
0x45: {  	_ =	shalt  }
0x46: {  	_ =	shalt  }
0x47: {  	_ =	shalt  }
0x48: {  	_ =	shalt  }
0x49: {  	_ =	shalt  }
0x4a: {  	_ =	shalt  }
0x4b: {  	_ =	shalt  }
0x4c: {  	_ =	shalt  }
0x4d: {  	_ =	shalt  }
0x4e: {  	_ =	shalt  }
0x4f: {  	_ =	shalt  }
0x50: {  	_ =	shalt  }
0x51: {  	_ =	shalt  }
0x52: {  	_ =	shalt  }
0x53: {  	_ =	shalt  }
0x54: {  	_ =	shalt  }
0x55: {  	_ =	shalt  }
0x56: {  	_ =	shalt  }
0x57: {  	_ =	shalt  }
0x58: {  	_ =	shalt  }
0x59: {  	_ =	shalt  }
0x5a: {  	_ =	shalt  }
0x5b: {  	_ =	shalt  }
0x5c: {  	_ =	shalt  }
0x5d: {  	_ =	shalt  }
0x5e: {  	_ =	shalt  }
0x5f: {  	_ =	shalt  }
0x60: {  	_ =	shalt  }
0x61: {  	_ =	shalt  }
0x62: {  	_ =	shalt  }
0x63: {  	_ =	shalt  }
0x64: {  	_ =	shalt  }
0x65: {  	_ =	shalt  }
0x66: {  	_ =	shalt  }
0x67: {  	_ =	shalt  }
0x68: {  	_ =	shalt  }
0x69: {  	_ =	shalt  }
0x6a: {  	_ =	shalt  }
0x6b: {  	_ =	shalt  }
0x6c: {  	_ =	shalt  }
0x6d: {  	_ =	shalt  }
0x6e: {  	_ =	shalt  }
0x6f: {  	_ =	shalt  }
0x70: {  	_ =	shalt  }
0x71: {  	_ =	shalt  }
0x72: {  	_ =	shalt  }
0x73: {  	_ =	shalt  }
0x74: {  	_ =	shalt  }
0x75: {  	_ =	shalt  }
0x76: {  	_ =	shalt  }
0x77: {  	_ =	shalt  }
0x78: {  	_ =	shalt  }
0x79: {  	_ =	shalt  }
0x7a: {  	_ =	shalt  }
0x7b: {  	_ =	shalt  }
0x7c: {  	_ =	shalt  }
0x7d: {  	_ =	shalt  }
0x7e: {  	_ =	shalt  }
0x7f: {  	_ =	shalt  }
0x80: {  	_ =	shalt  }
0x81: {  	_ =	shalt  }
0x82: {  	_ =	shalt  }
0x83: {  	_ =	shalt  }
0x84: {  	_ =	shalt  }
0x85: {  	_ =	shalt  }
0x86: {  	_ =	shalt  }
0x87: {  	_ =	shalt  }
.Lfunc_end0:
.L_simem_size_0:
called_computation_lowered:
.L_overlay_start_0:
0x88: {  	s2 =	sld [smem:$0x3FD9]  }
0x89: {  	s3 =	sld [smem:$0x3FFE];
	_ =	sdelay $0x1  }
0x8a: {  	s1 =	srdreg.scid  }
0x8b: {  	s0 =	sand.u32 $0x1, s1  }
0x8c: {  	s17 =	sshll.u32 s0, $0xA;
	s2 =	sadd.s32 s3, s2  }
0x8d: {  	s2 =	sadd.s32 s2, s17  }
0x8e: {  	[smem:$0x3FC2] =	sst s2  }
0x8f: {  	_ = 	snop  }
0x90: {  	s2 =	sld [smem:$0x3FD0];
	(tm) =	ssettm $0x1  }
0x91: {  	s18 =	sld [smem:$0x3FFB];
	_ =	sdelay $0x3  }
0x92: {  	_ =	strace s18  }
0x93: {  	s3 =	sld [smem:$0x3FFC];
	_ =	sdelay $0x3  }
0x94: {  	_ =	strace s3  }
0x95: {  	s3 =	sld [smem:$0x3FFD];
	_ =	sdelay $0x3  }
0x96: {  	_ =	strace s3  }
0x97: {  	_ =	strace $0x8FFFFFFF  }
0x98: {  	s19 =	sld [smem:$0x3FDB];
	_ =	sdelay $0x1  }
0x99: {  	s4 =	simm.s32 $_scs_section_size  }
0x9a: {  	s5 =	simm.s32 $_size__tile_overlayer_lowered;
	s6 =	simm.s32 $_tile_overlayer_lowered  }
0x9b: {  	s22 =	simm.s32 $0x1BFF;
	s21 =	sshll.u32 s6, $0x1;
	s3 =	sadd.s32 s4, s19  }
0x9c: {  	s7 =	simm.s32 $0x0;
	s20 =	sshll.u32 s5, $0x1;
	s5 =	sadd.s32 s21, s3  }
0x9d: {  	[timem:s7], [sflag:s22] =	dma.local [hbm:s5], s20  }
0x9e: {  	_ =	swait.ge [sflag:s22], s20  }
0x9f: {  	s4 =	ssub.s32 $0x0, s20;
	[sflag:s22] =	ssyncset.done $0x0  }
0xa0: {  	[sflag:s22] =	ssyncadd.s32 s4;
	_ =	sdelay $0x1  }
0xa1: {  	s23 =	simm.s32 $0x1B8B  }
0xa2: {  	_ =	swait.ge [sflag:s23], $0x1  }
0xa3: {  	[sflag:s23] =	ssyncset.done $0x0  }
0xa4: {  	s25 =	simm.s32 $0x1B8E;
	s24 =	sld [smem:$0x3FFE];
	[sflag:s23] =	ssyncadd.s32 $0xFFFFFFFF  }
0xa5: {  	s26 =	simm.s32 $execute0_lowered;
	[smem:$0x3FD2] =	sst s25  }
0xa6: {  	s5 =	sshll.u32 s26, $0x1;
	_ =	strace $0x80000046;
	[dreg:$0x1] =	wrdreg $0xFFFFFFFF  }
0xa7: {  	s28 =	simm.s32 $_size_execute0_lowered;
	s3 =	sadd.s32 s3, s5;
	[dreg:$0x0] =	wrdreg $0x0  }
0xa8: {  	s5 =	sshll.u32 s28, $0x1;
	[dreg:$0x2] =	wrdreg s3  }
0xa9: {  	[dreg:$0x3] =	wrdreg s5  }
0xaa: {  	[dreg:$0x4] =	wrdreg $0xC0  }
0xab: {  	_ =	task [dreg:s7], $0x5FFFF  }
0xac: {  	[dreg:$0x1] =	wrdreg $0xFFFFFFFF  }
0xad: {  	[dreg:$0x0] =	wrdreg $0x60  }
0xae: {  	[dreg:$0x2] =	wrdreg s2  }
0xaf: {  	[dreg:$0x3] =	wrdreg s24  }
0xb0: {  	[dreg:$0x4] =	wrdreg $0x0  }
0xb1: {  	[dreg:$0x5] =	wrdreg $0x9  }
0xb2: {  	_ =	task.clear_ibuf [dreg:s7], $0x6FFFF;
	_ =	strace $0x90000046  }
0xb3: {  	s29 =	simm.s32 $0x9;
	_ =	strace $0x80000048  }
0xb4: {  	_ =	swait.ge [sflag:s29], $0x1  }
0xb5: {  	[sflag:s29] =	ssyncadd.s32 $0xFFFFFFFF  }
0xb6: {  	_ =	strace $0x90000048  }
0xb7: {  	_ =	sfence  }
0xb8: {  	s30 =	sld [smem:$0x0];
	_ =	sdelay $0x2  }
0xb9: {  	s31 =	sshll.u32 s1, $0xD;
	s1 =	sshrl.u32 s1, $0x2  }
0xba: {  	s3 =	sand.u32 $0x4000, s31;
	s1 =	sadd.s32 s1, s30  }
0xbb: {  	s0 =	sor.u32 s3, s0;
	s1 =	sshll.u32 s1, $0x11  }
0xbc: {  	s0 =	sor.u32 s1, s0  }
0xbd: {  	s0 =	sadd.s32 $0x8F2B, s0  }
0xbe: {  	[sflag:s0] =	ssyncadd.remote.s32 $0x1  }
0xbf: {  	_ =	sfence.sel $0xFFFF  }
0xc0: {  	[dreg:$0x0] =	wrdreg $0xFFFFFFFF;
	(pc) =	sbr.abs _section_cstart, $3  }
0xc1: {  	[dreg:$0x1] =	wrdreg $0xFFFFFFFF  }
0xc2: {  	_ =	task.clear_ibuf [dreg:s7], $0x2FFFF;
	_ =	strace $0x9FFFFFFF  }
0xc3: {  	(tm) =	ssettm $0x7FFFFFFF  }
tec
execute0_lowered:
.L_overlay_start_1:
0x0: {  	(tag) =	ssettag $0x1  }
0x1: {  	s1 =	rddreg [dreg:$0x0]  }
0x2: {  	s0 =	rddreg [dreg:$0x1];
	s2 =	srdreg.scid  }
0x3: {  	s10 =	stileid.u32;
	s4 =	rddreg [dreg:$0x2]  }
0x4: {  	s3 =	simm.s32 $0x0;
	s2 =	sand.u32 $0x1, s2;
	s5 =	smul.u32 $0x500, s10  }
0x5: {  	[smem:$0x7FF] =	sst s3;
	s7 =	smul.u32 $0xA000, s10;
	s8 =	sshrl.u32 s10, $0x3  }
0x6: {  	s9 =	smul.u32 $0x5000, s10;
	s16 =	sshll.u32 s10, $0x7;
	s6 =	sshll.u32 s2, $0x7  }
0x7: {  	_ =	strace $0x80000047;
	s2 =	ssub.s32 $0x2, s2;
	s8 =	smul.u32 $0x50000, s8  }
0x8: {  	s5 =	sor.u32 s6, s5;
	s13 =	sor.u32 s6, s7;
	s14 =	sshrl.u32 s2, $0x1  }
0x9: {  	s9 =	sshrl.u32 s9, $0x2;
	s5 =	sshrl.u32 s5, $0x3;
	s8 =	sshrl.u32 s8, $0x2  }
0xa: {  	s2 =	ssub.s32 s2, s14;
	s8 =	sadd.s32 s8, s4;
	s4 =	sadd.s32 s9, s4  }
0xb: {  	s7 =	sshrl.u32 s13, $0x3;
	s17 =	smax.u32 s2, $0x1;
	[dreg:$0x7] =	wrdreg s4  }
0xc: {  	s0 =	sadd.s32 s5, s0;
	s11 =	sadd.s32 s1, s7;
	[dreg:$0x9] =	wrdreg s17  }
0xd: {  	s5 =	sand.u32 $0x380, s16;
	s15 =	sadd.s32 $0x200, s11;
	[dreg:$0x4] =	wrdreg s11  }
0xe: {  	s5 =	sadd.s32 s5, s8;
	[dreg:$0x5] =	wrdreg s15  }
0xf: {  	s0 =	sadd.s32 $0x2200, s0;
	[dreg:$0x6] =	wrdreg s5  }
0x10: {  	s18 =	sadd.s32 $0x20, s11;
	[dreg:$0x8] =	wrdreg s0  }
0x11: {  	s19 =	sadd.s32 $0x40, s11;
	[dreg:$0xa] =	wrdreg s18  }
0x12: {  	s20 =	sadd.s32 $0x60, s11;
	[dreg:$0xb] =	wrdreg s19  }
0x13: {  	s21 =	sadd.s32 $0x80, s11;
	[dreg:$0xc] =	wrdreg s20  }
0x14: {  	s22 =	sadd.s32 $0xA0, s11;
	[dreg:$0xd] =	wrdreg s21  }
0x15: {  	s23 =	sadd.s32 $0xC0, s11;
	[dreg:$0xe] =	wrdreg s22  }
0x16: {  	s24 =	sadd.s32 $0xE0, s11;
	[dreg:$0xf] =	wrdreg s23  }
0x17: {  	s25 =	sadd.s32 $0x100, s11;
	[dreg:$0x10] =	wrdreg s24  }
0x18: {  	s26 =	sadd.s32 $0x120, s11;
	[dreg:$0x11] =	wrdreg s25  }
0x19: {  	s2 =	sadd.s32 $0x140, s11;
	[dreg:$0x12] =	wrdreg s26  }
0x1a: {  	s4 =	sadd.s32 $0x160, s11;
	[dreg:$0x13] =	wrdreg s2  }
0x1b: {  	s8 =	sadd.s32 $0x1A0, s11;
	[dreg:$0x14] =	wrdreg s4  }
0x1c: {  	s9 =	sadd.s32 $0x1C0, s11;
	[dreg:$0x16] =	wrdreg s8  }
0x1d: {  	s10 =	sadd.s32 $0x1E0, s11;
	[dreg:$0x17] =	wrdreg s9  }
0x1e: {  	s6 =	sadd.s32 $0x2000, s13;
	s12 =	sadd.s32 $0x220, s11;
	[dreg:$0x18] =	wrdreg s10  }
0x1f: {  	s7 =	sadd.s32 $0x3000, s13;
	s13 =	sadd.s32 $0x240, s11;
	[dreg:$0x19] =	wrdreg s12  }
0x20: {  	s14 =	sadd.s32 $0x260, s11;
	[dreg:$0x1a] =	wrdreg s13  }
0x21: {  	s16 =	sadd.s32 $0x2A0, s11;
	[dreg:$0x1b] =	wrdreg s14  }
0x22: {  	s17 =	sadd.s32 $0x2C0, s11;
	[dreg:$0x1d] =	wrdreg s16  }
0x23: {  	s5 =	sadd.s32 $0x180, s11;
	[dreg:$0x1e] =	wrdreg s17  }
0x24: {  	s15 =	sadd.s32 $0x280, s11;
	[dreg:$0x15] =	wrdreg s5  }
0x25: {  	s28 =	simm.s32 $0x5B80;
	s18 =	sadd.s32 $0x2E0, s11;
	[dreg:$0x1c] =	wrdreg s15  }
0x26: {  	s29 =	simm.s32 $0x5C80;
	s19 =	sadd.s32 $0x300, s11;
	[dreg:$0x1f] =	wrdreg s18  }
0x27: {  	s30 =	simm.s32 $0x5D80;
	s20 =	sadd.s32 $0x320, s11;
	[smem:$0x7F6] =	sst s19  }
0x28: {  	s31 =	simm.s32 $0x5E80;
	s21 =	sadd.s32 $0x340, s11;
	[smem:$0x7F7] =	sst s20  }
0x29: {  	s22 =	sadd.s32 $0x360, s11;
	s23 =	sadd.s32 $0x380, s11;
	[smem:$0x7F8] =	sst s21  }
0x2a: {  	s24 =	sadd.s32 $0x3A0, s11;
	s25 =	sadd.s32 $0x3C0, s11;
	[smem:$0x7F9] =	sst s22  }
0x2b: {  	s26 =	sadd.s32 $0x3E0, s11;
	s16 =	simm.s32 $0x5080;
	[smem:$0x7FA] =	sst s23  }
0x2c: {  	s17 =	simm.s32 $0x5180;
	s2 =	simm.s32 $0x5F80;
	[smem:$0x7FB] =	sst s24  }
0x2d: {  	s0 =	simm.s32 $0x1;
	s8 =	simm.s32 $0x2;
	[smem:$0x7FC] =	sst s25  }
0x2e: {  	s11 =	simm.s32 $0x0;
	[smem:$0x7FD] =	sst s26;
	s18 =	simm.s32 $0x5280  }
0x2f: {  	s19 =	simm.s32 $0x5380;
	s20 =	simm.s32 $0x5480;
	s21 =	simm.s32 $0x5580  }
0x30: {  	s22 =	simm.s32 $0x5680;
	s23 =	simm.s32 $0x5780;
	s24 =	simm.s32 $0x5880  }
0x31: {  	v0 =	vimm.f32 $0.0e+00;
	v1 =	vimm.f32 $1.000000000e+00;
	s25 =	simm.s32 $0x5980;
	s26 =	simm.s32 $0x5A80;
	s5 =	simm.s32 $0x2800  }
.LBB2_1:
0x32: {  	s9 =	simm.s32 $0x40;
	s4 =	simm.s32 $0x0  }
.LBB2_2:
0x33: {  	p0 =	sne.s32 s9, $0x9FC0;
	[tilespmem:s4+$0x2800] =	vst v0;
	s4 =	smov.u32 s9;
	s9 =	sadd.s32 $0x40, s9  }
.Ltmp0:
0x34: {  	(pc) =	sbr.rel @p0 .LBB2_2-.Ltmp0, $2  }
0x35: {  	_ =	sdelay $0x2  }
0x36: {  	s4 =	sshra.s32 s4, $0x2  }
0x37: {  	s13 =	rddreg [dreg:$0x4]  }
0x38: {  	[tilespmem:s4+$0x2800] =	vst v0;
	s12 =	simm.s32 $0x0;
	s9 =	simm.s32 $0x5000;
	s14 =	rddreg [dreg:$0xa]  }
0x39: {  	[tilespmem:s9], [sflag:$0x1] =	stream.linear.gather [hbm4b:s13+s12], $0x80, $0x38;
	[tilespmem:$0x8A80] =	vst v63  }
0x3a: {  	s15 =	simm.s32 $0x5100;
	s10 =	rddreg [dreg:$0xb]  }
0x3b: {  	[tilespmem:s15], [sflag:$0x1] =	stream.linear.gather [hbm4b:s14+s12], $0x80, $0x38;
	[tilespmem:$0x8A80] =	vst v63  }
0x3c: {  	s13 =	simm.s32 $0x5200;
	s9 =	rddreg [dreg:$0x17]  }
0x3d: {  	[tilespmem:s13], [sflag:$0x1] =	stream.linear.gather [hbm4b:s10+s12], $0x80, $0x38;
	[tilespmem:$0x8A80] =	vst v63  }
0x3e: {  	s14 =	rddreg [dreg:$0xc];
	s15 =	simm.s32 $0x5300  }
0x3f: {  	[tilespmem:s15], [sflag:$0x1] =	stream.linear.gather [hbm4b:s14+s12], $0x80, $0x38;
	[tilespmem:$0x8A80] =	vst v63  }
0x40: {  	s10 =	rddreg [dreg:$0xd];
	s13 =	simm.s32 $0x5400  }
0x41: {  	[tilespmem:s13], [sflag:$0x1] =	stream.linear.gather [hbm4b:s10+s12], $0x80, $0x38;
	[tilespmem:$0x8A80] =	vst v63  }
0x42: {  	s14 =	rddreg [dreg:$0xe];
	s15 =	simm.s32 $0x5500  }
0x43: {  	[tilespmem:s15], [sflag:$0x1] =	stream.linear.gather [hbm4b:s14+s12], $0x80, $0x38;
	[tilespmem:$0x8A80] =	vst v63  }
0x44: {  	s10 =	rddreg [dreg:$0xf];
	s13 =	simm.s32 $0x5600  }
0x45: {  	[tilespmem:s13], [sflag:$0x1] =	stream.linear.gather [hbm4b:s10+s12], $0x80, $0x38;
	[tilespmem:$0x8A80] =	vst v63  }
0x46: {  	s14 =	rddreg [dreg:$0x10];
	s15 =	simm.s32 $0x5700  }
0x47: {  	[tilespmem:s15], [sflag:$0x1] =	stream.linear.gather [hbm4b:s14+s12], $0x80, $0x38;
	[tilespmem:$0x8A80] =	vst v63  }
0x48: {  	s10 =	rddreg [dreg:$0x11];
	s13 =	simm.s32 $0x5800  }
0x49: {  	[tilespmem:s13], [sflag:$0x1] =	stream.linear.gather [hbm4b:s10+s12], $0x80, $0x38;
	[tilespmem:$0x8A80] =	vst v63  }
0x4a: {  	s14 =	rddreg [dreg:$0x12];
	s15 =	simm.s32 $0x5900  }
0x4b: {  	[tilespmem:s15], [sflag:$0x1] =	stream.linear.gather [hbm4b:s14+s12], $0x80, $0x38;
	[tilespmem:$0x8A80] =	vst v63  }
0x4c: {  	s10 =	rddreg [dreg:$0x13];
	s13 =	simm.s32 $0x5A00  }
0x4d: {  	[tilespmem:s13], [sflag:$0x1] =	stream.linear.gather [hbm4b:s10+s12], $0x80, $0x38;
	[tilespmem:$0x8A80] =	vst v63  }
0x4e: {  	s14 =	rddreg [dreg:$0x14];
	s15 =	simm.s32 $0x5B00  }
0x4f: {  	[tilespmem:s15], [sflag:$0x1] =	stream.linear.gather [hbm4b:s14+s12], $0x80, $0x38;
	[tilespmem:$0x8A80] =	vst v63  }
0x50: {  	s10 =	rddreg [dreg:$0x15];
	s13 =	simm.s32 $0x5C00  }
0x51: {  	[tilespmem:s13], [sflag:$0x1] =	stream.linear.gather [hbm4b:s10+s12], $0x80, $0x38;
	[tilespmem:$0x8A80] =	vst v63  }
0x52: {  	s14 =	rddreg [dreg:$0x16];
	s15 =	simm.s32 $0x5D00  }
0x53: {  	[tilespmem:s15], [sflag:$0x1] =	stream.linear.gather [hbm4b:s14+s12], $0x80, $0x38;
	[tilespmem:$0x8A80] =	vst v63  }
0x54: {  	s10 =	simm.s32 $0x5E00;
	s13 =	rddreg [dreg:$0x18]  }
0x55: {  	[tilespmem:s10], [sflag:$0x1] =	stream.linear.gather [hbm4b:s9+s12], $0x80, $0x38;
	[tilespmem:$0x8A80] =	vst v63  }
0x56: {  	s14 =	simm.s32 $0x5F00;
	s15 =	rddreg [dreg:$0x5]  }
0x57: {  	[tilespmem:s14], [sflag:$0x1] =	stream.linear.gather [hbm4b:s13+s12], $0x80, $0x38;
	[tilespmem:$0x8A80] =	vst v63  }
0x58: {  	s9 =	rddreg [dreg:$0x19]  }
0x59: {  	[tilespmem:s16], [sflag:$0x2] =	stream.linear.gather [hbm4b:s15+s12], $0x80, $0x38;
	[tilespmem:$0x8A80] =	vst v63  }
0x5a: {  	s10 =	rddreg [dreg:$0x1a]  }
0x5b: {  	[tilespmem:s17], [sflag:$0x2] =	stream.linear.gather [hbm4b:s9+s12], $0x80, $0x38;
	[tilespmem:$0x8A80] =	vst v63  }
0x5c: {  	s13 =	rddreg [dreg:$0x1b]  }
0x5d: {  	[tilespmem:s18], [sflag:$0x2] =	stream.linear.gather [hbm4b:s10+s12], $0x80, $0x38;
	[tilespmem:$0x8A80] =	vst v63  }
0x5e: {  	s14 =	rddreg [dreg:$0x1c]  }
0x5f: {  	[tilespmem:s19], [sflag:$0x2] =	stream.linear.gather [hbm4b:s13+s12], $0x80, $0x38;
	[tilespmem:$0x8A80] =	vst v63  }
0x60: {  	s15 =	rddreg [dreg:$0x1d]  }
0x61: {  	[tilespmem:s20], [sflag:$0x2] =	stream.linear.gather [hbm4b:s14+s12], $0x80, $0x38;
	[tilespmem:$0x8A80] =	vst v63  }
0x62: {  	s9 =	rddreg [dreg:$0x1e]  }
0x63: {  	[tilespmem:s21], [sflag:$0x2] =	stream.linear.gather [hbm4b:s15+s12], $0x80, $0x38;
	[tilespmem:$0x8A80] =	vst v63  }
0x64: {  	s10 =	rddreg [dreg:$0x1f]  }
0x65: {  	[tilespmem:s22], [sflag:$0x2] =	stream.linear.gather [hbm4b:s9+s12], $0x80, $0x38;
	[tilespmem:$0x8A80] =	vst v63  }
0x66: {  	s13 =	sld [smem:$0x7F6]  }
0x67: {  	[tilespmem:s23], [sflag:$0x2] =	stream.linear.gather [hbm4b:s10+s12], $0x80, $0x38;
	[tilespmem:$0x8A80] =	vst v63  }
0x68: {  	s14 =	sld [smem:$0x7F7]  }
0x69: {  	[tilespmem:s24], [sflag:$0x2] =	stream.linear.gather [hbm4b:s13+s12], $0x80, $0x38;
	[tilespmem:$0x8A80] =	vst v63  }
0x6a: {  	s15 =	sld [smem:$0x7F8]  }
0x6b: {  	[tilespmem:s25], [sflag:$0x2] =	stream.linear.gather [hbm4b:s14+s12], $0x80, $0x38;
	[tilespmem:$0x8A80] =	vst v63  }
0x6c: {  	s9 =	sld [smem:$0x7F9]  }
0x6d: {  	[tilespmem:s26], [sflag:$0x2] =	stream.linear.gather [hbm4b:s15+s12], $0x80, $0x38;
	[tilespmem:$0x8A80] =	vst v63  }
0x6e: {  	s10 =	sld [smem:$0x7FA]  }
0x6f: {  	[tilespmem:s28], [sflag:$0x2] =	stream.linear.gather [hbm4b:s9+s12], $0x80, $0x38;
	[tilespmem:$0x8A80] =	vst v63  }
0x70: {  	s13 =	sld [smem:$0x7FB]  }
0x71: {  	[tilespmem:s29], [sflag:$0x2] =	stream.linear.gather [hbm4b:s10+s12], $0x80, $0x38;
	[tilespmem:$0x8A80] =	vst v63  }
0x72: {  	s14 =	sld [smem:$0x7FC]  }
0x73: {  	[tilespmem:s30], [sflag:$0x2] =	stream.linear.gather [hbm4b:s13+s12], $0x80, $0x38;
	[tilespmem:$0x8A80] =	vst v63  }
0x74: {  	s15 =	sld [smem:$0x7FD]  }
0x75: {  	[tilespmem:s31], [sflag:$0x2] =	stream.linear.gather [hbm4b:s14+s12], $0x80, $0x38;
	[tilespmem:$0x8A80] =	vst v63  }
0x76: {  	s13 =	simm.s32 $0x0  }
0x77: {  	[tilespmem:s2], [sflag:$0x2] =	stream.linear.gather [hbm4b:s15+s12], $0x80, $0x38;
	[tilespmem:$0x8A80] =	vst v63  }
.LBB2_4:
0x78: {  	_ =	swait.ge [sflag:s0], $0x800  }
0x79: {  	s4 =	sand.u32 $0x70, s12;
	s9 =	sand.u32 $0xF00, s12;
	[sflag:s0] =	ssyncset.done $0x0  }
0x7a: {  	s4 =	sor.u32 s4, s9;
	[sflag:s0] =	ssyncadd.s32 $0xFFFFF800  }
0x7b: {  	v2 =	vld [tilespmem:s4+$0x5000];
	_ =	sdelay $0x5  }
0x7c: {  	s10 =	simm.s32 $0x10;
	s14 =	simm.s32 $0x20  }
0x7d: {  	s15 =	simm.s32 $0x20;
	s9 =	sand.u32 $0x70, s10;
	s4 =	sand.u32 $0xF00, s14  }
.LBB2_5:
0x7e: {  	p0 =	sne.s32 s15, $0x7F0;
	s4 =	sor.u32 s9, s4;
	[tilespmem:v2+s5+$0x0] =	vst.idx.add.f32.msk $0xffff, v1  }
0x7f: {  	v2 =	vld [tilespmem:s4+$0x5000];
	_ =	sdelay $0x2  }
.Ltmp1:
0x80: {  	(pc) =	sbr.rel @p0 .LBB2_5-.Ltmp1, $3  }
0x81: {  	_ =	sdelay $0x1  }
0x82: {  	s14 =	sadd.s32 $0x20, s14  }
0x83: {  	s9 =	sand.u32 $0x70, s15;
	s15 =	sadd.s32 $0x10, s15;
	s4 =	sand.u32 $0xF00, s14  }
0x84: {  	_ =	sdelay $0x3  }
0x85: {  	s4 =	sor.u32 s9, s4;
	[tilespmem:v2+s5+$0x0] =	vst.idx.add.f32.msk $0xffff, v1  }
0x86: {  	v2 =	vld [tilespmem:s4+$0x5000];
	_ =	sdelay $0x4  }
0x87: {  	s14 =	sshll.u32 s13, $0xD;
	p0 =	seq.s32 s13, $0x4  }
0x88: {  	s4 =	sadd.s32 @!p0 s14, s6  }
0x89: {  	s4 =	sshrl.u32 @!p0 s4, $0x3  }
0x8a: {  	s9 =	simm.s32 @!p0 $0x0;
	s10 =	simm.s32 @!p0 $0x5000;
	s4 =	sadd.s32 @!p0 s1, s4;
	[tilespmem:v2+s5+$0x0] =	vst.idx.add.f32.msk $0xffff, v1  }
0x8b: {  	[tilespmem:s10], [sflag:$0x1] =	stream.linear.gather @!p0 [hbm4b:s4+s9], $0x80, $0x38;
	[tilespmem:$0x8A80] =	vst v63  }
0x8c: {  	s15 =	simm.s32 @!p0 $0x5100;
	s10 =	sadd.s32 @!p0 $0x20, s4  }
0x8d: {  	[tilespmem:s15], [sflag:$0x1] =	stream.linear.gather @!p0 [hbm4b:s10+s9], $0x80, $0x38;
	[tilespmem:$0x8A80] =	vst v63  }
0x8e: {  	s10 =	sadd.s32 @!p0 $0x40, s4;
	s15 =	simm.s32 @!p0 $0x5200  }
0x8f: {  	[tilespmem:s15], [sflag:$0x1] =	stream.linear.gather @!p0 [hbm4b:s10+s9], $0x80, $0x38;
	[tilespmem:$0x8A80] =	vst v63  }
0x90: {  	s10 =	sadd.s32 @!p0 $0x60, s4;
	s15 =	simm.s32 @!p0 $0x5300  }
0x91: {  	[tilespmem:s15], [sflag:$0x1] =	stream.linear.gather @!p0 [hbm4b:s10+s9], $0x80, $0x38;
	[tilespmem:$0x8A80] =	vst v63  }
0x92: {  	s10 =	sadd.s32 @!p0 $0x80, s4;
	s15 =	simm.s32 @!p0 $0x5400  }
0x93: {  	[tilespmem:s15], [sflag:$0x1] =	stream.linear.gather @!p0 [hbm4b:s10+s9], $0x80, $0x38;
	[tilespmem:$0x8A80] =	vst v63  }
0x94: {  	s10 =	sadd.s32 @!p0 $0xA0, s4;
	s15 =	simm.s32 @!p0 $0x5500  }
0x95: {  	[tilespmem:s15], [sflag:$0x1] =	stream.linear.gather @!p0 [hbm4b:s10+s9], $0x80, $0x38;
	[tilespmem:$0x8A80] =	vst v63  }
0x96: {  	s10 =	sadd.s32 @!p0 $0xC0, s4;
	s15 =	simm.s32 @!p0 $0x5600  }
0x97: {  	[tilespmem:s15], [sflag:$0x1] =	stream.linear.gather @!p0 [hbm4b:s10+s9], $0x80, $0x38;
	[tilespmem:$0x8A80] =	vst v63  }
0x98: {  	s10 =	sadd.s32 @!p0 $0xE0, s4;
	s15 =	simm.s32 @!p0 $0x5700  }
0x99: {  	[tilespmem:s15], [sflag:$0x1] =	stream.linear.gather @!p0 [hbm4b:s10+s9], $0x80, $0x38;
	[tilespmem:$0x8A80] =	vst v63  }
0x9a: {  	s10 =	sadd.s32 @!p0 $0x100, s4;
	s15 =	simm.s32 @!p0 $0x5800  }
0x9b: {  	[tilespmem:s15], [sflag:$0x1] =	stream.linear.gather @!p0 [hbm4b:s10+s9], $0x80, $0x38;
	[tilespmem:$0x8A80] =	vst v63  }
0x9c: {  	s10 =	sadd.s32 @!p0 $0x120, s4;
	s15 =	simm.s32 @!p0 $0x5900  }
0x9d: {  	[tilespmem:s15], [sflag:$0x1] =	stream.linear.gather @!p0 [hbm4b:s10+s9], $0x80, $0x38;
	[tilespmem:$0x8A80] =	vst v63  }
0x9e: {  	s10 =	sadd.s32 @!p0 $0x140, s4;
	s15 =	simm.s32 @!p0 $0x5A00  }
0x9f: {  	[tilespmem:s15], [sflag:$0x1] =	stream.linear.gather @!p0 [hbm4b:s10+s9], $0x80, $0x38;
	[tilespmem:$0x8A80] =	vst v63  }
0xa0: {  	s10 =	sadd.s32 @!p0 $0x160, s4;
	s15 =	simm.s32 @!p0 $0x5B00  }
0xa1: {  	[tilespmem:s15], [sflag:$0x1] =	stream.linear.gather @!p0 [hbm4b:s10+s9], $0x80, $0x38;
	[tilespmem:$0x8A80] =	vst v63  }
0xa2: {  	s10 =	sadd.s32 @!p0 $0x180, s4;
	s15 =	simm.s32 @!p0 $0x5C00  }
0xa3: {  	[tilespmem:s15], [sflag:$0x1] =	stream.linear.gather @!p0 [hbm4b:s10+s9], $0x80, $0x38;
	[tilespmem:$0x8A80] =	vst v63  }
0xa4: {  	s10 =	sadd.s32 @!p0 $0x1A0, s4;
	s15 =	simm.s32 @!p0 $0x5D00  }
0xa5: {  	[tilespmem:s15], [sflag:$0x1] =	stream.linear.gather @!p0 [hbm4b:s10+s9], $0x80, $0x38;
	[tilespmem:$0x8A80] =	vst v63  }
0xa6: {  	s10 =	sadd.s32 @!p0 $0x1C0, s4;
	s15 =	simm.s32 @!p0 $0x5E00  }
0xa7: {  	[tilespmem:s15], [sflag:$0x1] =	stream.linear.gather @!p0 [hbm4b:s10+s9], $0x80, $0x38;
	[tilespmem:$0x8A80] =	vst v63  }
0xa8: {  	s4 =	sadd.s32 @!p0 $0x1E0, s4;
	s10 =	simm.s32 @!p0 $0x5F00  }
0xa9: {  	[tilespmem:s10], [sflag:$0x1] =	stream.linear.gather @!p0 [hbm4b:s4+s9], $0x80, $0x38;
	[tilespmem:$0x8A80] =	vst v63  }
0xaa: {  	s10 =	simm.s32 $0x0;
	_ =	swait.ge [sflag:s8], $0x800  }
0xab: {  	s15 =	sand.u32 $0x70, s10;
	s4 =	sand.u32 $0xF00, s10;
	[sflag:s8] =	ssyncset.done $0x0  }
0xac: {  	s4 =	sor.u32 s15, s4;
	[sflag:s8] =	ssyncadd.s32 $0xFFFFF800  }
0xad: {  	v2 =	vld [tilespmem:s4+$0x5080];
	_ =	sdelay $0x5  }
0xae: {  	s10 =	simm.s32 $0x10;
	s15 =	simm.s32 $0x20  }
0xaf: {  	s9 =	simm.s32 $0x20;
	s4 =	sand.u32 $0x70, s10;
	s10 =	sand.u32 $0xF00, s15  }
.LBB2_7:
0xb0: {  	p1 =	sne.s32 s9, $0x7F0;
	s4 =	sor.u32 s4, s10;
	[tilespmem:v2+s5+$0x0] =	vst.idx.add.f32.msk $0xffff, v1  }
0xb1: {  	v2 =	vld [tilespmem:s4+$0x5080];
	_ =	sdelay $0x2  }
.Ltmp2:
0xb2: {  	(pc) =	sbr.rel @p1 .LBB2_7-.Ltmp2, $3  }
0xb3: {  	_ =	sdelay $0x1  }
0xb4: {  	s15 =	sadd.s32 $0x20, s15  }
0xb5: {  	s4 =	sand.u32 $0x70, s9;
	s10 =	sand.u32 $0xF00, s15;
	s9 =	sadd.s32 $0x10, s9  }
0xb6: {  	_ =	sdelay $0x3  }
0xb7: {  	s4 =	sor.u32 s4, s10;
	[tilespmem:v2+s5+$0x0] =	vst.idx.add.f32.msk $0xffff, v1  }
0xb8: {  	v2 =	vld [tilespmem:s4+$0x5080];
	_ =	sdelay $0x3  }
.Ltmp3:
0xb9: {  	_ = 	snop;
	(pc) =	sbr.rel @p0 .LBB2_10-.Ltmp3, $2  }
0xba: {  	_ =	sdelay $0x2  }
0xbb: {  	[tilespmem:v2+s5+$0x0] =	vst.idx.add.f32.msk $0xffff, v1  }
0xbc: {  	s4 =	sadd.s32 s14, s7  }
0xbd: {  	s4 =	sshrl.u32 s4, $0x3  }
0xbe: {  	s4 =	sadd.s32 s1, s4  }
0xbf: {  	[tilespmem:s16], [sflag:$0x2] =	stream.linear.gather [hbm4b:s4+s3], $0x80, $0x38;
	[tilespmem:$0x8A80] =	vst v63  }
0xc0: {  	s9 =	sadd.s32 $0x20, s4  }
0xc1: {  	[tilespmem:s17], [sflag:$0x2] =	stream.linear.gather [hbm4b:s9+s3], $0x80, $0x38;
	[tilespmem:$0x8A80] =	vst v63  }
0xc2: {  	s15 =	sadd.s32 $0x40, s4  }
0xc3: {  	[tilespmem:s18], [sflag:$0x2] =	stream.linear.gather [hbm4b:s15+s3], $0x80, $0x38;
	[tilespmem:$0x8A80] =	vst v63  }
0xc4: {  	s10 =	sadd.s32 $0x60, s4  }
0xc5: {  	[tilespmem:s19], [sflag:$0x2] =	stream.linear.gather [hbm4b:s10+s3], $0x80, $0x38;
	[tilespmem:$0x8A80] =	vst v63  }
0xc6: {  	s14 =	sadd.s32 $0x80, s4  }
0xc7: {  	[tilespmem:s20], [sflag:$0x2] =	stream.linear.gather [hbm4b:s14+s3], $0x80, $0x38;
	[tilespmem:$0x8A80] =	vst v63  }
0xc8: {  	s15 =	sadd.s32 $0xA0, s4  }
0xc9: {  	[tilespmem:s21], [sflag:$0x2] =	stream.linear.gather [hbm4b:s15+s3], $0x80, $0x38;
	[tilespmem:$0x8A80] =	vst v63  }
0xca: {  	s10 =	sadd.s32 $0xC0, s4  }
0xcb: {  	[tilespmem:s22], [sflag:$0x2] =	stream.linear.gather [hbm4b:s10+s3], $0x80, $0x38;
	[tilespmem:$0x8A80] =	vst v63  }
0xcc: {  	s14 =	sadd.s32 $0xE0, s4  }
0xcd: {  	[tilespmem:s23], [sflag:$0x2] =	stream.linear.gather [hbm4b:s14+s3], $0x80, $0x38;
	[tilespmem:$0x8A80] =	vst v63  }
0xce: {  	s15 =	sadd.s32 $0x100, s4  }
0xcf: {  	[tilespmem:s24], [sflag:$0x2] =	stream.linear.gather [hbm4b:s15+s3], $0x80, $0x38;
	[tilespmem:$0x8A80] =	vst v63  }
0xd0: {  	s10 =	sadd.s32 $0x120, s4  }
0xd1: {  	[tilespmem:s25], [sflag:$0x2] =	stream.linear.gather [hbm4b:s10+s3], $0x80, $0x38;
	[tilespmem:$0x8A80] =	vst v63  }
0xd2: {  	s14 =	sadd.s32 $0x140, s4  }
0xd3: {  	[tilespmem:s26], [sflag:$0x2] =	stream.linear.gather [hbm4b:s14+s3], $0x80, $0x38;
	[tilespmem:$0x8A80] =	vst v63  }
0xd4: {  	s15 =	sadd.s32 $0x160, s4  }
0xd5: {  	[tilespmem:s28], [sflag:$0x2] =	stream.linear.gather [hbm4b:s15+s3], $0x80, $0x38;
	[tilespmem:$0x8A80] =	vst v63  }
0xd6: {  	s10 =	sadd.s32 $0x180, s4  }
0xd7: {  	[tilespmem:s29], [sflag:$0x2] =	stream.linear.gather [hbm4b:s10+s3], $0x80, $0x38;
	[tilespmem:$0x8A80] =	vst v63  }
0xd8: {  	s14 =	sadd.s32 $0x1A0, s4  }
0xd9: {  	[tilespmem:s30], [sflag:$0x2] =	stream.linear.gather [hbm4b:s14+s3], $0x80, $0x38;
	[tilespmem:$0x8A80] =	vst v63  }
.Ltmp4:
0xda: {  	_ = 	snop;
	(pc) =	sbr.rel .LBB2_4-.Ltmp4, $4  }
0xdb: {  	s15 =	sadd.s32 $0x1C0, s4  }
0xdc: {  	[tilespmem:s31], [sflag:$0x2] =	stream.linear.gather [hbm4b:s15+s3], $0x80, $0x38;
	[tilespmem:$0x8A80] =	vst v63  }
0xdd: {  	s13 =	sadd.s32 $0x1, s13;
	s4 =	sadd.s32 $0x1E0, s4  }
0xde: {  	[tilespmem:s2], [sflag:$0x2] =	stream.linear.gather [hbm4b:s4+s3], $0x80, $0x38;
	[tilespmem:$0x8A80] =	vst v63  }
.LBB2_10:
0xdf: {  	s4 =	rddreg [dreg:$0x6]  }
0xe0: {  	s10 =	simm.s32 $0x80;
	s9 =	simm.s32 $0x400;
	s15 =	simm.s32 $0x3  }
0xe1: {  	[spmem:s4] =	stream.strided.scatter [tilespmem:s5], [sflag:$0x3], $0x2800, s9, s10, $0x38;
	[tilespmem:$0x8A80] =	vst v63  }
0xe2: {  	_ =	swait.ge [sflag:s15], $0x2800  }
0xe3: {  	[sflag:s15] =	ssyncset.done $0x0  }
0xe4: {  	[sflag:s15] =	ssyncadd.s32 $0xFFFFD800  }
0xe5: {  	s14 =	simm.s32 $0x1400;
	[bflag:$0x0] =	sbarrier.arrive $0xFFFF  }
0xe6: {  	s12 =	simm.s32 $0x14000;
	s13 =	simm.s32 $0x6000;
	s9 =	rddreg [dreg:$0x7]  }
0xe7: {  	[tilespmem:s13], [sflag:$0x3] =	stream.strided.gather [spmem:s9], $0x2800, s12, s14, $0x38;
	[tilespmem:$0x8A80] =	vst v63  }
0xe8: {  	s12 =	simm.s32 $0x0;
	_ =	swait.ge [sflag:s15], $0x2800  }
0xe9: {  	s13 =	sand.u32 $0x70, s12;
	s4 =	sand.u32 $0x1C00, s12;
	[sflag:s15] =	ssyncset.done $0x0  }
0xea: {  	s4 =	sor.u32 s13, s4;
	[sflag:s15] =	ssyncadd.s32 $0xFFFFD800  }
0xeb: {  	v2 =	vld [tilespmem:s4+$0x6000];
	_ =	sdelay $0x1  }
0xec: {  	v3 =	vld [tilespmem:s4+$0x6080];
	_ =	sdelay $0x1  }
0xed: {  	v4 =	vld [tilespmem:s4+$0x6100]  }
0xee: {  	v2 =	vadd.f32 $0.0e+00, v2  }
0xef: {  	v5 =	vld [tilespmem:s4+$0x6180]  }
0xf0: {  	v2 =	vadd.f32 v3, v2  }
0xf1: {  	v3 =	vld [tilespmem:s4+$0x6200]  }
0xf2: {  	v2 =	vadd.f32 v4, v2  }
0xf3: {  	v56 =	vld [tilespmem:s4+$0x6280]  }
0xf4: {  	v2 =	vadd.f32 v5, v2  }
0xf5: {  	v57 =	vld [tilespmem:s4+$0x6300]  }
0xf6: {  	v2 =	vadd.f32 v3, v2  }
0xf7: {  	v3 =	vld [tilespmem:s4+$0x6380]  }
0xf8: {  	v2 =	vadd.f32 v56, v2  }
0xf9: {  	v58 =	vld [tilespmem:s4+$0x7400]  }
0xfa: {  	v2 =	vadd.f32 v57, v2  }
0xfb: {  	v59 =	vld [tilespmem:s4+$0x7480]  }
0xfc: {  	v2 =	vadd.f32 v3, v2  }
0xfd: {  	v3 =	vld [tilespmem:s4+$0x7500]  }
0xfe: {  	v2 =	vadd.f32 v58, v2  }
0xff: {  	v60 =	vld [tilespmem:s4+$0x7580]  }
0x100: {  	v2 =	vadd.f32 v59, v2  }
0x101: {  	v61 =	vld [tilespmem:s4+$0x7600]  }
0x102: {  	v2 =	vadd.f32 v3, v2  }
0x103: {  	v3 =	vld [tilespmem:s4+$0x7680]  }
0x104: {  	v2 =	vadd.f32 v60, v2  }
0x105: {  	v62 =	vld [tilespmem:s4+$0x7700]  }
0x106: {  	v2 =	vadd.f32 v61, v2  }
0x107: {  	v63 =	vld [tilespmem:s4+$0x7780]  }
0x108: {  	v2 =	vadd.f32 v3, v2;
	_ =	sdelay $0x1  }
0x109: {  	v2 =	vadd.f32 v62, v2;
	_ =	sdelay $0x1  }
0x10a: {  	s14 =	simm.s32 $0x10;
	s12 =	simm.s32 $0x8800;
	s13 =	simm.s32 $0x80;
	v2 =	vadd.f32 v63, v2  }
0x10b: {  	s9 =	sand.u32 $0x1C00, s13;
	s4 =	sand.u32 $0x70, s14;
	s14 =	simm.s32 $0x20  }
.LBB2_11:
0x10c: {  	p0 =	sne.s32 s14, $0x270;
	s4 =	sor.u32 s4, s9;
	[tilespmem:s12+$0x0] =	vst v2  }
0x10d: {  	v2 =	vld [tilespmem:s4+$0x6000];
	_ =	sdelay $0x1  }
0x10e: {  	v3 =	vld [tilespmem:s4+$0x6080];
	_ =	sdelay $0x1  }
0x10f: {  	v4 =	vld [tilespmem:s4+$0x6100]  }
0x110: {  	v2 =	vadd.f32 $0.0e+00, v2  }
0x111: {  	v5 =	vld [tilespmem:s4+$0x6180]  }
0x112: {  	v2 =	vadd.f32 v3, v2  }
0x113: {  	v3 =	vld [tilespmem:s4+$0x6200]  }
0x114: {  	v2 =	vadd.f32 v4, v2  }
0x115: {  	v4 =	vld [tilespmem:s4+$0x6280]  }
0x116: {  	v2 =	vadd.f32 v5, v2  }
0x117: {  	v5 =	vld [tilespmem:s4+$0x6300]  }
0x118: {  	v2 =	vadd.f32 v3, v2  }
0x119: {  	v3 =	vld [tilespmem:s4+$0x6380]  }
0x11a: {  	v2 =	vadd.f32 v4, v2  }
0x11b: {  	v4 =	vld [tilespmem:s4+$0x7400]  }
0x11c: {  	v2 =	vadd.f32 v5, v2  }
0x11d: {  	v5 =	vld [tilespmem:s4+$0x7480]  }
0x11e: {  	v2 =	vadd.f32 v3, v2  }
0x11f: {  	v3 =	vld [tilespmem:s4+$0x7500]  }
0x120: {  	v2 =	vadd.f32 v4, v2  }
0x121: {  	v4 =	vld [tilespmem:s4+$0x7580]  }
0x122: {  	v2 =	vadd.f32 v5, v2  }
0x123: {  	v5 =	vld [tilespmem:s4+$0x7600]  }
0x124: {  	v2 =	vadd.f32 v3, v2  }
0x125: {  	v3 =	vld [tilespmem:s4+$0x7680]  }
0x126: {  	v2 =	vadd.f32 v4, v2  }
0x127: {  	v4 =	vld [tilespmem:s4+$0x7700]  }
0x128: {  	v2 =	vadd.f32 v5, v2  }
0x129: {  	v5 =	vld [tilespmem:s4+$0x7780]  }
0x12a: {  	v2 =	vadd.f32 v3, v2  }
.Ltmp5:
0x12b: {  	(pc) =	sbr.rel @p0 .LBB2_11-.Ltmp5, $3  }
0x12c: {  	v2 =	vadd.f32 v4, v2;
	_ =	sdelay $0x1  }
0x12d: {  	s13 =	sadd.s32 $0x80, s13;
	s12 =	sadd.s32 $0x10, s12;
	v2 =	vadd.f32 v5, v2  }
0x12e: {  	s9 =	sand.u32 $0x1C00, s13;
	s4 =	sand.u32 $0x70, s14;
	s14 =	sadd.s32 $0x10, s14  }
0x12f: {  	s4 =	sor.u32 s4, s9;
	[tilespmem:s12+$0x0] =	vst v2  }
0x130: {  	v2 =	vld [tilespmem:s4+$0x6000];
	_ =	sdelay $0x1  }
0x131: {  	v3 =	vld [tilespmem:s4+$0x6080];
	_ =	sdelay $0x1  }
0x132: {  	v4 =	vld [tilespmem:s4+$0x6100]  }
0x133: {  	v2 =	vadd.f32 $0.0e+00, v2  }
0x134: {  	v5 =	vld [tilespmem:s4+$0x6180]  }
0x135: {  	v2 =	vadd.f32 v3, v2  }
0x136: {  	v3 =	vld [tilespmem:s4+$0x6200]  }
0x137: {  	v2 =	vadd.f32 v4, v2  }
0x138: {  	v56 =	vld [tilespmem:s4+$0x6280]  }
0x139: {  	v2 =	vadd.f32 v5, v2  }
0x13a: {  	v57 =	vld [tilespmem:s4+$0x6300]  }
0x13b: {  	v2 =	vadd.f32 v3, v2  }
0x13c: {  	v3 =	vld [tilespmem:s4+$0x6380]  }
0x13d: {  	v2 =	vadd.f32 v56, v2  }
0x13e: {  	v58 =	vld [tilespmem:s4+$0x7400]  }
0x13f: {  	v2 =	vadd.f32 v57, v2  }
0x140: {  	v59 =	vld [tilespmem:s4+$0x7480]  }
0x141: {  	v2 =	vadd.f32 v3, v2  }
0x142: {  	v3 =	vld [tilespmem:s4+$0x7500]  }
0x143: {  	v2 =	vadd.f32 v58, v2  }
0x144: {  	v60 =	vld [tilespmem:s4+$0x7580]  }
0x145: {  	v2 =	vadd.f32 v59, v2  }
0x146: {  	v61 =	vld [tilespmem:s4+$0x7600]  }
0x147: {  	v2 =	vadd.f32 v3, v2  }
0x148: {  	v3 =	vld [tilespmem:s4+$0x7680]  }
0x149: {  	v2 =	vadd.f32 v60, v2  }
0x14a: {  	v62 =	vld [tilespmem:s4+$0x7700]  }
0x14b: {  	v2 =	vadd.f32 v61, v2  }
0x14c: {  	v63 =	vld [tilespmem:s4+$0x7780]  }
0x14d: {  	v2 =	vadd.f32 v3, v2;
	_ =	sdelay $0x1  }
0x14e: {  	v2 =	vadd.f32 v62, v2;
	_ =	sdelay $0x1  }
0x14f: {  	v2 =	vadd.f32 v63, v2  }
0x150: {  	s14 =	sadd.s32 $0x10, s12  }
0x151: {  	s9 =	rddreg [dreg:$0x8];
	s12 =	simm.s32 $0x100;
	s13 =	simm.s32 $0x8800;
	[tilespmem:s14+$0x0] =	vst v2  }
0x152: {  	[hbm4b:s9+s10] =	stream.strided.scatter [tilespmem:s13], [sflag:$0x3], $0x280, s12, s10, $0x38;
	[tilespmem:$0x8A80] =	vst v63  }
0x153: {  	_ =	swait.ge [sflag:s15], $0x280  }
0x154: {  	s11 =	sadd.s32 $0x1, s11;
	s14 =	rddreg [dreg:$0x9]  }
0x155: {  	p0 =	sne.s32 s11, s14  }
.Ltmp6:
0x156: {  	_ = 	snop;
	(pc) =	sbr.rel @p0 .LBB2_1-.Ltmp6, $3  }
0x157: {  	_ =	sdelay $0x1  }
0x158: {  	[sflag:s15] =	ssyncset.done $0x0  }
0x159: {  	[sflag:s15] =	ssyncadd.s32 $0xFFFFFD80  }
0x15a: {  	_ =	sfence.sel $0x180000  }
0x15b: {  	[bflag:$0x0] =	sbarrier.arrive $0xFFFF  }
0x15c: {  	_ =	strace $0x90000047  }
0x15d: {  	s0 =	stileid.u32;
	[bflag:$0x2] =	sbarrier.arrive $0xFFFF  }
0x15e: {  	p0 =	sne.s32 s0, $0x0;
	s0 =	rddreg [dreg:$0x3]  }
0x15f: {  	s0 =	sadd.s32 @!p0 $0x100000, s0  }
0x160: {  	[sflag:s0] =	ssyncadd.tile.s32 @!p0 $0x1;
	_ =	shalt  }
.Lfunc_end2:
_tile_overlayer_lowered:
.L_overlay_start_2:
0x161: {  	(tag) =	ssettag $0x2  }
0x162: {  	s0 =	rddreg [dreg:$0x0];
	s2 =	stileid.u32  }
0x163: {  	s1 =	rddreg [dreg:$0x1];
	p0 =	sne.s32 s2, $0x0  }
0x164: {  	s3 =	rddreg [dreg:$0x2];
	[bflag:$0x3] =	sbarrier.arrive $0xFFFF;
	s2 =	simm.s32 @!p0 $0x1C03  }
0x165: {  	[timem:s3], [sflag:s2] =	dma.local @!p0 [hbm:s0], s1  }
0x166: {  	s0 =	simm.s32 @!p0 $0x3  }
0x167: {  	_ =	swait.ge @!p0 [sflag:s0], s1  }
0x168: {  	s1 =	ssub.s32 @!p0 $0x0, s1;
	[sflag:s0] =	ssyncset.done @!p0 $0x0  }
0x169: {  	[sflag:s0] =	ssyncadd.s32 @!p0 s1  }
0x16a: {  	[bflag:$0x3] =	sbarrier.arrive $0xFFFF  }
0x16b: {  	_ =	shalt  }

</sc_bundles>
